<compile_context>
chip_gen: v7x
topology: tpu7x:2x2x1
jax: 0.10.2.dev20260603
libtpu: 0.0.44.dev20260713+nightly
codegen_flags: <defaults>
</compile_context>

<pallas_src>
import functools

import jax
import jax.numpy as jnp
from jax import lax
from jax.experimental import pallas as pl
from jax.experimental.pallas import tpu as pltpu
from jax.experimental.pallas import tpu_sc as plsc

B = 4096
L = 200
EMBED = 64
OUT = 192
GROUP = 4
GIDX = GROUP * L


def _mesh():
    return plsc.VectorSubcoreMesh(core_axis_name="c", subcore_axis_name="s")


VOCAB = 1000000
CH = 256
NFULL = VOCAB // CH
TAIL = VOCAB - NFULL * CH


def _convert_body(tabT_hbm, out_hbm, slabs, outs, tail_slab, insems,
                  outsems,
                  *, num_workers, num_cores):
    wid = lax.axis_index("s") * num_cores + lax.axis_index("c")
    start = wid * (NFULL // num_workers) + jnp.minimum(
        wid, NFULL % num_workers)
    count = NFULL // num_workers + (wid < NFULL % num_workers).astype(
        jnp.int32)

    iota = lax.iota(jnp.int32, 16)
    perms = [jnp.bitwise_and(iota + d, 15) for d in range(16)]
    dvecs = [iota * EMBED + perms[d] for d in range(16)]

    def transpose_blocks(slab, out, n_rows):
        def eb_body(eb, _):
            e0 = eb * 16

            def rb_body(rb, _):
                r0 = rb * 16
                dstbase = r0 * EMBED + e0
                for d in range(16):
                    val = plsc.load_gather(slab, [e0 + perms[d], r0 + iota])
                    plsc.store_scatter(out, [dstbase + dvecs[d]], val)
                return 0

            lax.fori_loop(0, n_rows // 16, rb_body, 0)
            return 0

        lax.fori_loop(0, EMBED // 16, eb_body, 0)

    def start_in(i, j):
        pltpu.make_async_copy(
            tabT_hbm.at[:, pl.ds((start + i) * CH, CH)],
            slabs[j], insems[j]).start()

    def wait_in(j):
        pltpu.make_async_copy(
            tabT_hbm.at[:, pl.ds(0, CH)], slabs[j], insems[j]).wait()

    def start_out(i, j):
        pltpu.make_async_copy(
            outs[j], out_hbm.at[pl.ds((start + i) * CH * EMBED, CH * EMBED)],
            outsems[j]).start()

    def wait_out(j):
        pltpu.make_async_copy(
            outs[j], out_hbm.at[pl.ds(0, CH * EMBED)], outsems[j]).wait()

    def scatter(j):
        transpose_blocks(slabs[j], outs[j], CH)

    for j in range(2):
        @pl.when(j < count)
        def _(j=j):
            start_in(j, j)

    def pair_body(p, _):
        for j in range(2):
            i = p * 2 + j

            @pl.when(jnp.logical_and(i >= 2, i - 2 < count))
            def _(j=j):
                wait_out(j)

            @pl.when(i < count)
            def _(i=i, j=j):
                wait_in(j)
                scatter(j)
                start_out(i, j)

                @pl.when(i + 2 < count)
                def _(i=i, j=j):
                    start_in(i + 2, j)
        return 0

    lax.fori_loop(0, NFULL // num_workers // 2 + 2, pair_body, 0)

    @pl.when(wid == num_workers - 1)
    def _():
        cp_in = pltpu.make_async_copy(
            tabT_hbm.at[:, pl.ds(NFULL * CH, TAIL)],
            tail_slab, insems[0])
        cp_in.start()
        cp_in.wait()

        transpose_blocks(tail_slab, outs[0], TAIL)
        cp_out = pltpu.make_async_copy(
            outs[0].at[pl.ds(0, TAIL * EMBED)],
            out_hbm.at[pl.ds(NFULL * CH * EMBED, TAIL * EMBED)],
            outsems[0])
        cp_out.start()
        cp_out.wait()


def _make_convert():
    mesh = _mesh()
    nw = mesh.num_cores * mesh.num_subcores
    body = functools.partial(_convert_body, num_workers=nw,
                             num_cores=mesh.num_cores)
    return pl.kernel(
        body,
        out_type=jax.ShapeDtypeStruct((VOCAB * EMBED,), jnp.float32),
        mesh=mesh,
        scratch_types=[
            [pltpu.VMEM((EMBED, CH), jnp.float32) for _ in range(2)],
            [pltpu.VMEM((CH * EMBED,), jnp.float32) for _ in range(2)],
            pltpu.VMEM((EMBED, TAIL), jnp.float32),
            [pltpu.SemaphoreType.DMA for _ in range(2)],
            [pltpu.SemaphoreType.DMA for _ in range(2)],
        ],
        compiler_params=pltpu.CompilerParams(use_tc_tiling_on_sc=True,
                                             needs_layout_passes=False),
    )


def _count_row(xg, k):
    cnt = jnp.zeros((16,), jnp.int32)
    lane = lax.iota(jnp.int32, 16)
    for i in range(12):
        v = xg[pl.ds(k * L + 16 * i, 16)]
        cnt = cnt + plsc.all_reduce_population_count(v != 0)
    v = xg[pl.ds(k * L + L - 16, 16)]
    tail = jnp.logical_and(v != 0, lane >= 8)
    cnt = cnt + plsc.all_reduce_population_count(tail)
    return cnt.astype(jnp.float32)


def _sc_body(table_hbm, x_hbm, out_hbm, xgs, bufs, outgs, xsems, gsems, osems,
             *, rows_per_worker, num_cores):
    wid = lax.axis_index("s") * num_cores + lax.axis_index("c")
    base = wid * rows_per_worker
    ngroups = rows_per_worker // GROUP

    def stage_x(g, j):
        pltpu.make_async_copy(
            x_hbm.at[pl.ds(base * L + g * GIDX, GIDX)],
            xgs[j], xsems[j]).start()

    def wait_x(j):
        pltpu.make_async_copy(
            x_hbm.at[pl.ds(0, GIDX)], xgs[j], xsems[j]).wait()

    def start_gather(j):
        pltpu.make_async_copy(
            table_hbm.at[xgs[j]], bufs[j], gsems[j]).start()

    def wait_gather(j):
        pltpu.make_async_copy(
            table_hbm.at[xgs[j]], bufs[j], gsems[j]).wait()

    for j in range(2):
        stage_x(j, j)
    for j in range(2):
        wait_x(j)
        start_gather(j)

    def flush_out(g, j):
        pltpu.make_async_copy(
            outgs[j], out_hbm.at[pl.ds(base + g * GROUP, GROUP)],
            osems[j]).start()

    def wait_out(j):
        pltpu.make_async_copy(
            outgs[j], out_hbm.at[pl.ds(0, GROUP)], osems[j]).wait()

    def pair_body(p, _):
        for j in range(2):
            g = p * 2 + j
            wait_gather(j)

            @pl.when(g >= 2)
            def _(j=j):
                wait_out(j)

            for k in range(GROUP):
                outgs[j][k, pl.ds(EMBED, 16)] = _count_row(xgs[j], k)

            @pl.when(g + 2 < ngroups)
            def _(g=g, j=j):
                stage_x(g + 2, j)

            for k in range(GROUP):
                accs = tuple(jnp.zeros((16,), jnp.float32) for _ in range(4))

                def tok_body(t, accs, j=j, k=k):
                    for u in range(4):
                        accs = tuple(
                            accs[q] + bufs[j][k * L + t * 4 + u,
                                              pl.ds(q * 16, 16)]
                            for q in range(4))
                    return accs

                accs = lax.fori_loop(0, L // 4, tok_body, accs)
                for q in range(4):
                    outgs[j][k, pl.ds(q * 16, 16)] = accs[q]
            flush_out(g, j)

            @pl.when(g + 2 < ngroups)
            def _(j=j):
                wait_x(j)
                start_gather(j)
        return 0

    lax.fori_loop(0, ngroups // 2, pair_body, 0)
    for j in range(2):
        wait_out(j)


def _make_sc_gather_sum():
    mesh = _mesh()
    nw = mesh.num_cores * mesh.num_subcores
    rows_per_worker = B // nw
    body = functools.partial(_sc_body, rows_per_worker=rows_per_worker,
                             num_cores=mesh.num_cores)
    return pl.kernel(
        body,
        out_type=jax.ShapeDtypeStruct((B, 128), jnp.float32),
        mesh=mesh,
        scratch_types=[
            [pltpu.VMEM((GIDX,), jnp.int32) for _ in range(2)],
            [pltpu.VMEM((GIDX, EMBED), jnp.float32) for _ in range(2)],
            [pltpu.VMEM((GROUP, 128), jnp.float32) for _ in range(2)],
            [pltpu.SemaphoreType.DMA for _ in range(2)],
            [pltpu.SemaphoreType.DMA for _ in range(2)],
            [pltpu.SemaphoreType.DMA for _ in range(2)],
        ],
        compiler_params=pltpu.CompilerParams(use_tc_tiling_on_sc=False,
                                             needs_layout_passes=False),
    )


def _tc_finalize_body(sums_ref, w_ref, b_ref, o_ref):
    data = sums_ref[...]
    cnt = data[:, EMBED:EMBED + 1]
    pooled = data[:, :EMBED] / jnp.maximum(cnt, 1.0)
    o_ref[...] = (
        jnp.dot(pooled, w_ref[...], preferred_element_type=jnp.float32)
        + b_ref[...])


def _tc_finalize(sums, W, b2d):
    blk = 512
    return pl.pallas_call(
        _tc_finalize_body,
        grid=(B // blk,),
        in_specs=[
            pl.BlockSpec((blk, 128), lambda i: (i, 0)),
            pl.BlockSpec((EMBED, OUT), lambda i: (0, 0)),
            pl.BlockSpec((1, OUT), lambda i: (0, 0)),
        ],
        out_specs=pl.BlockSpec((blk, OUT), lambda i: (i, 0)),
        out_shape=jax.ShapeDtypeStruct((B, OUT), jnp.float32),
    )(sums, W, b2d)


def kernel(x, emb_table, W, b):
    x1d = x.reshape(B * L)
    tab_lin = _make_convert()(emb_table.T)
    sums = _make_sc_gather_sum()(tab_lin.reshape(VOCAB, EMBED), x1d)
    return _tc_finalize(sums, W, b.reshape(1, OUT))

# --- scband reference (transcript-rebuilt; emitter-appended) ---
"""Pipeline reference for scband-mean-pool-encoder-61134564491623 (READ-ONLY COPY).

The authoritative reference and input builder live on the scoring server;
editing this copy changes nothing except your own understanding.
"""

import jax, jax.numpy as jnp
import numpy as np

VOCAB = 1000000
EMBED_DIM = 64
OUTPUT_DIM = 192
PAD_IDX = 0
B = 4096
L = 200


def setup_inputs(seed: int = 0) -> dict:
    key = jax.random.key(seed)
    k1, k2, k3 = jax.random.split(key, 3)
    x = jax.random.randint(k1, (B, L), 0, VOCAB, dtype=jnp.int64) if jax.config.jax_enable_x64 else jax.random.randint(k1, (B, L), 0, VOCAB, dtype=jnp.int32)
    emb_table = jax.random.normal(k2, (VOCAB, EMBED_DIM), dtype=jnp.float32) * 0.05
    emb_table = emb_table.at[PAD_IDX].set(0.0)  # padding_idx row is zero in nn.Embedding
    W = jax.random.normal(k3, (EMBED_DIM, OUTPUT_DIM), dtype=jnp.float32) * (1.0 / np.sqrt(EMBED_DIM))
    b = jnp.zeros((OUTPUT_DIM,), dtype=jnp.float32)
    return {"x": x, "emb_table": emb_table, "W": W, "b": b}


def reference(x, emb_table, W, b):
    # mask: (B, L, 1) float, 1 where token != padding_idx
    mask = (x != PAD_IDX).astype(jnp.float32)[..., None]
    # embedding lookup (gather): (B, L, embed_dim)
    emb = jnp.take(emb_table, x, axis=0)
    # masked mean pool over seq dim
    pooled = (emb * mask).sum(axis=1) / jnp.clip(mask.sum(axis=1), 1.0, None)
    # linear projection
    return pooled @ W + b

if __name__ == "__main__":
    import jax
    _d = setup_inputs()
    print(jax.jit(kernel)(*tuple(_d.values())))

</pallas_src>

<mosaic_0001>
#map = affine_map<(d0, d1) -> (0, 0)>
#map1 = affine_map<(d0, d1) -> (0)>
module attributes {stable_mosaic.version = 14 : i64} {
  func.func @_convert_body(%arg0: i32, %arg1: i32, %arg2: memref<64x1000000xf32, #tpu.memory_space<hbm>>, %arg3: memref<64000000xf32, #tpu.memory_space<hbm>>, %arg4: memref<64x256xf32, #tpu.memory_space<vmem>>, %arg5: memref<64x256xf32, #tpu.memory_space<vmem>>, %arg6: memref<16384xf32, #tpu.memory_space<vmem>>, %arg7: memref<16384xf32, #tpu.memory_space<vmem>>, %arg8: memref<64x64xf32, #tpu.memory_space<vmem>>, %arg9: memref<!tpu.dma_semaphore, #tpu.memory_space<semaphore_mem>>, %arg10: memref<!tpu.dma_semaphore, #tpu.memory_space<semaphore_mem>>, %arg11: memref<!tpu.dma_semaphore, #tpu.memory_space<semaphore_mem>>, %arg12: memref<!tpu.dma_semaphore, #tpu.memory_space<semaphore_mem>>) attributes {dimension_semantics = [#tpu.dimension_semantics<core_parallel>, #tpu.dimension_semantics<subcore_parallel>], iteration_bounds = array<i64: 2, 16>, scalar_prefetch = 0 : i64, scratch_operands = 9 : i64, tpu.core_type = #tpu.core_type<sc_vector_subcore>, window_params = [{transform_indices = #map}, {transform_indices = #map1}]} {
    %mul3A = arith.constant 2 : i32
    %mul3A_0 = arith.muli %arg1, %mul3A : i32
    %add3A = arith.addi %mul3A_0, %arg0 : i32
    %mul3A_1 = arith.constant 122 : i32
    %mul3A_2 = arith.muli %add3A, %mul3A_1 : i32
    %min3A = arith.constant 2 : i32
    %min3A_3 = arith.minsi %add3A, %min3A : i32
    %add3A_4 = arith.addi %mul3A_2, %min3A_3 : i32
    %lt3A = arith.constant 2 : i32
    %lt3A_5 = arith.cmpi slt, %add3A, %lt3A : i32
    %convert_element_type3A = arith.extui %lt3A_5 : i1 to i32
    %add3A_6 = arith.constant 122 : i32
    %add3A_7 = arith.addi %add3A_6, %convert_element_type3A : i32
    %iota3A = tpu.iota {dimensions = array<i32: 0>} : vector<16xi32>
    %add3A_8 = arith.constant 0 : i32
    %add3A_9 = vector.broadcast %add3A_8 : i32 to vector<16xi32>
    %add3A_10 = arith.addi %iota3A, %add3A_9 : vector<16xi32>
    %and3A = arith.constant 15 : i32
    %and3A_11 = vector.broadcast %and3A : i32 to vector<16xi32>
    %and3A_12 = arith.andi %add3A_10, %and3A_11 : vector<16xi32>
    %add3A_13 = arith.constant 1 : i32
    %add3A_14 = vector.broadcast %add3A_13 : i32 to vector<16xi32>
    %add3A_15 = arith.addi %iota3A, %add3A_14 : vector<16xi32>
    %and3A_16 = arith.constant 15 : i32
    %and3A_17 = vector.broadcast %and3A_16 : i32 to vector<16xi32>
    %and3A_18 = arith.andi %add3A_15, %and3A_17 : vector<16xi32>
    %add3A_19 = arith.constant 2 : i32
    %add3A_20 = vector.broadcast %add3A_19 : i32 to vector<16xi32>
    %add3A_21 = arith.addi %iota3A, %add3A_20 : vector<16xi32>
    %and3A_22 = arith.constant 15 : i32
    %and3A_23 = vector.broadcast %and3A_22 : i32 to vector<16xi32>
    %and3A_24 = arith.andi %add3A_21, %and3A_23 : vector<16xi32>
    %add3A_25 = arith.constant 3 : i32
    %add3A_26 = vector.broadcast %add3A_25 : i32 to vector<16xi32>
    %add3A_27 = arith.addi %iota3A, %add3A_26 : vector<16xi32>
    %and3A_28 = arith.constant 15 : i32
    %and3A_29 = vector.broadcast %and3A_28 : i32 to vector<16xi32>
    %and3A_30 = arith.andi %add3A_27, %and3A_29 : vector<16xi32>
    %add3A_31 = arith.constant 4 : i32
    %add3A_32 = vector.broadcast %add3A_31 : i32 to vector<16xi32>
    %add3A_33 = arith.addi %iota3A, %add3A_32 : vector<16xi32>
    %and3A_34 = arith.constant 15 : i32
    %and3A_35 = vector.broadcast %and3A_34 : i32 to vector<16xi32>
    %and3A_36 = arith.andi %add3A_33, %and3A_35 : vector<16xi32>
    %add3A_37 = arith.constant 5 : i32
    %add3A_38 = vector.broadcast %add3A_37 : i32 to vector<16xi32>
    %add3A_39 = arith.addi %iota3A, %add3A_38 : vector<16xi32>
    %and3A_40 = arith.constant 15 : i32
    %and3A_41 = vector.broadcast %and3A_40 : i32 to vector<16xi32>
    %and3A_42 = arith.andi %add3A_39, %and3A_41 : vector<16xi32>
    %add3A_43 = arith.constant 6 : i32
    %add3A_44 = vector.broadcast %add3A_43 : i32 to vector<16xi32>
    %add3A_45 = arith.addi %iota3A, %add3A_44 : vector<16xi32>
    %and3A_46 = arith.constant 15 : i32
    %and3A_47 = vector.broadcast %and3A_46 : i32 to vector<16xi32>
    %and3A_48 = arith.andi %add3A_45, %and3A_47 : vector<16xi32>
    %add3A_49 = arith.constant 7 : i32
    %add3A_50 = vector.broadcast %add3A_49 : i32 to vector<16xi32>
    %add3A_51 = arith.addi %iota3A, %add3A_50 : vector<16xi32>
    %and3A_52 = arith.constant 15 : i32
    %and3A_53 = vector.broadcast %and3A_52 : i32 to vector<16xi32>
    %and3A_54 = arith.andi %add3A_51, %and3A_53 : vector<16xi32>
    %add3A_55 = arith.constant 8 : i32
    %add3A_56 = vector.broadcast %add3A_55 : i32 to vector<16xi32>
    %add3A_57 = arith.addi %iota3A, %add3A_56 : vector<16xi32>
    %and3A_58 = arith.constant 15 : i32
    %and3A_59 = vector.broadcast %and3A_58 : i32 to vector<16xi32>
    %and3A_60 = arith.andi %add3A_57, %and3A_59 : vector<16xi32>
    %add3A_61 = arith.constant 9 : i32
    %add3A_62 = vector.broadcast %add3A_61 : i32 to vector<16xi32>
    %add3A_63 = arith.addi %iota3A, %add3A_62 : vector<16xi32>
    %and3A_64 = arith.constant 15 : i32
    %and3A_65 = vector.broadcast %and3A_64 : i32 to vector<16xi32>
    %and3A_66 = arith.andi %add3A_63, %and3A_65 : vector<16xi32>
    %add3A_67 = arith.constant 10 : i32
    %add3A_68 = vector.broadcast %add3A_67 : i32 to vector<16xi32>
    %add3A_69 = arith.addi %iota3A, %add3A_68 : vector<16xi32>
    %and3A_70 = arith.constant 15 : i32
    %and3A_71 = vector.broadcast %and3A_70 : i32 to vector<16xi32>
    %and3A_72 = arith.andi %add3A_69, %and3A_71 : vector<16xi32>
    %add3A_73 = arith.constant 11 : i32
    %add3A_74 = vector.broadcast %add3A_73 : i32 to vector<16xi32>
    %add3A_75 = arith.addi %iota3A, %add3A_74 : vector<16xi32>
    %and3A_76 = arith.constant 15 : i32
    %and3A_77 = vector.broadcast %and3A_76 : i32 to vector<16xi32>
    %and3A_78 = arith.andi %add3A_75, %and3A_77 : vector<16xi32>
    %add3A_79 = arith.constant 12 : i32
    %add3A_80 = vector.broadcast %add3A_79 : i32 to vector<16xi32>
    %add3A_81 = arith.addi %iota3A, %add3A_80 : vector<16xi32>
    %and3A_82 = arith.constant 15 : i32
    %and3A_83 = vector.broadcast %and3A_82 : i32 to vector<16xi32>
    %and3A_84 = arith.andi %add3A_81, %and3A_83 : vector<16xi32>
    %add3A_85 = arith.constant 13 : i32
    %add3A_86 = vector.broadcast %add3A_85 : i32 to vector<16xi32>
    %add3A_87 = arith.addi %iota3A, %add3A_86 : vector<16xi32>
    %and3A_88 = arith.constant 15 : i32
    %and3A_89 = vector.broadcast %and3A_88 : i32 to vector<16xi32>
    %and3A_90 = arith.andi %add3A_87, %and3A_89 : vector<16xi32>
    %add3A_91 = arith.constant 14 : i32
    %add3A_92 = vector.broadcast %add3A_91 : i32 to vector<16xi32>
    %add3A_93 = arith.addi %iota3A, %add3A_92 : vector<16xi32>
    %and3A_94 = arith.constant 15 : i32
    %and3A_95 = vector.broadcast %and3A_94 : i32 to vector<16xi32>
    %and3A_96 = arith.andi %add3A_93, %and3A_95 : vector<16xi32>
    %add3A_97 = arith.constant 15 : i32
    %add3A_98 = vector.broadcast %add3A_97 : i32 to vector<16xi32>
    %add3A_99 = arith.addi %iota3A, %add3A_98 : vector<16xi32>
    %and3A_100 = arith.constant 15 : i32
    %and3A_101 = vector.broadcast %and3A_100 : i32 to vector<16xi32>
    %and3A_102 = arith.andi %add3A_99, %and3A_101 : vector<16xi32>
    %mul3A_103 = arith.constant 64 : i32
    %mul3A_104 = vector.broadcast %mul3A_103 : i32 to vector<16xi32>
    %mul3A_105 = arith.muli %iota3A, %mul3A_104 : vector<16xi32>
    %add3A_106 = arith.addi %mul3A_105, %and3A_12 : vector<16xi32>
    %mul3A_107 = arith.constant 64 : i32
    %mul3A_108 = vector.broadcast %mul3A_107 : i32 to vector<16xi32>
    %mul3A_109 = arith.muli %iota3A, %mul3A_108 : vector<16xi32>
    %add3A_110 = arith.addi %mul3A_109, %and3A_18 : vector<16xi32>
    %mul3A_111 = arith.constant 64 : i32
    %mul3A_112 = vector.broadcast %mul3A_111 : i32 to vector<16xi32>
    %mul3A_113 = arith.muli %iota3A, %mul3A_112 : vector<16xi32>
    %add3A_114 = arith.addi %mul3A_113, %and3A_24 : vector<16xi32>
    %mul3A_115 = arith.constant 64 : i32
    %mul3A_116 = vector.broadcast %mul3A_115 : i32 to vector<16xi32>
    %mul3A_117 = arith.muli %iota3A, %mul3A_116 : vector<16xi32>
    %add3A_118 = arith.addi %mul3A_117, %and3A_30 : vector<16xi32>
    %mul3A_119 = arith.constant 64 : i32
    %mul3A_120 = vector.broadcast %mul3A_119 : i32 to vector<16xi32>
    %mul3A_121 = arith.muli %iota3A, %mul3A_120 : vector<16xi32>
    %add3A_122 = arith.addi %mul3A_121, %and3A_36 : vector<16xi32>
    %mul3A_123 = arith.constant 64 : i32
    %mul3A_124 = vector.broadcast %mul3A_123 : i32 to vector<16xi32>
    %mul3A_125 = arith.muli %iota3A, %mul3A_124 : vector<16xi32>
    %add3A_126 = arith.addi %mul3A_125, %and3A_42 : vector<16xi32>
    %mul3A_127 = arith.constant 64 : i32
    %mul3A_128 = vector.broadcast %mul3A_127 : i32 to vector<16xi32>
    %mul3A_129 = arith.muli %iota3A, %mul3A_128 : vector<16xi32>
    %add3A_130 = arith.addi %mul3A_129, %and3A_48 : vector<16xi32>
    %mul3A_131 = arith.constant 64 : i32
    %mul3A_132 = vector.broadcast %mul3A_131 : i32 to vector<16xi32>
    %mul3A_133 = arith.muli %iota3A, %mul3A_132 : vector<16xi32>
    %add3A_134 = arith.addi %mul3A_133, %and3A_54 : vector<16xi32>
    %mul3A_135 = arith.constant 64 : i32
    %mul3A_136 = vector.broadcast %mul3A_135 : i32 to vector<16xi32>
    %mul3A_137 = arith.muli %iota3A, %mul3A_136 : vector<16xi32>
    %add3A_138 = arith.addi %mul3A_137, %and3A_60 : vector<16xi32>
    %mul3A_139 = arith.constant 64 : i32
    %mul3A_140 = vector.broadcast %mul3A_139 : i32 to vector<16xi32>
    %mul3A_141 = arith.muli %iota3A, %mul3A_140 : vector<16xi32>
    %add3A_142 = arith.addi %mul3A_141, %and3A_66 : vector<16xi32>
    %mul3A_143 = arith.constant 64 : i32
    %mul3A_144 = vector.broadcast %mul3A_143 : i32 to vector<16xi32>
    %mul3A_145 = arith.muli %iota3A, %mul3A_144 : vector<16xi32>
    %add3A_146 = arith.addi %mul3A_145, %and3A_72 : vector<16xi32>
    %mul3A_147 = arith.constant 64 : i32
    %mul3A_148 = vector.broadcast %mul3A_147 : i32 to vector<16xi32>
    %mul3A_149 = arith.muli %iota3A, %mul3A_148 : vector<16xi32>
    %add3A_150 = arith.addi %mul3A_149, %and3A_78 : vector<16xi32>
    %mul3A_151 = arith.constant 64 : i32
    %mul3A_152 = vector.broadcast %mul3A_151 : i32 to vector<16xi32>
    %mul3A_153 = arith.muli %iota3A, %mul3A_152 : vector<16xi32>
    %add3A_154 = arith.addi %mul3A_153, %and3A_84 : vector<16xi32>
    %mul3A_155 = arith.constant 64 : i32
    %mul3A_156 = vector.broadcast %mul3A_155 : i32 to vector<16xi32>
    %mul3A_157 = arith.muli %iota3A, %mul3A_156 : vector<16xi32>
    %add3A_158 = arith.addi %mul3A_157, %and3A_90 : vector<16xi32>
    %mul3A_159 = arith.constant 64 : i32
    %mul3A_160 = vector.broadcast %mul3A_159 : i32 to vector<16xi32>
    %mul3A_161 = arith.muli %iota3A, %mul3A_160 : vector<16xi32>
    %add3A_162 = arith.addi %mul3A_161, %and3A_96 : vector<16xi32>
    %mul3A_163 = arith.constant 64 : i32
    %mul3A_164 = vector.broadcast %mul3A_163 : i32 to vector<16xi32>
    %mul3A_165 = arith.muli %iota3A, %mul3A_164 : vector<16xi32>
    %add3A_166 = arith.addi %mul3A_165, %and3A_102 : vector<16xi32>
    %gt3A = arith.constant 0 : i32
    %gt3A_167 = arith.cmpi sgt, %add3A_7, %gt3A : i32
    %convert_element_type3A_168 = arith.extui %gt3A_167 : i1 to i32
    %cond3A = arith.constant 0 : i32
    %cond3A_169 = arith.cmpi ne, %convert_element_type3A_168, %cond3A : i32
    scf.if %cond3A_169 {
      %add3A_185 = arith.constant 0 : i32
      %add3A_186 = arith.addi %add3A_4, %add3A_185 : i32
      %mul3A_187 = arith.constant 256 : i32
      %mul3A_188 = arith.muli %add3A_186, %mul3A_187 : i32
      %dma_start3A = arith.constant 0 : i32
      %dma_start3A_189 = tpu.memref_slice %arg2[%dma_start3A, %mul3A_188] : memref<64x1000000xf32, #tpu.memory_space<hbm>> -> memref<64x256xf32, #tpu.memory_space<hbm>>
      %dma_start3A_190 = arith.constant 0 : i32
      %dma_start3A_191 = tpu.memref_slice %arg2[%dma_start3A_190, %mul3A_188] : memref<64x1000000xf32, #tpu.memory_space<hbm>> -> memref<64x256xf32, #tpu.memory_space<hbm>>
      tpu.enqueue_dma source(%dma_start3A_191 : memref<64x256xf32, #tpu.memory_space<hbm>>) target(%arg4 : memref<64x256xf32, #tpu.memory_space<vmem>>) target_semaphore(%arg9 : memref<!tpu.dma_semaphore, #tpu.memory_space<semaphore_mem>>)
    } else {
    }
    %gt3A_170 = arith.constant 1 : i32
    %gt3A_171 = arith.cmpi sgt, %add3A_7, %gt3A_170 : i32
    %convert_element_type3A_172 = arith.extui %gt3A_171 : i1 to i32
    %cond3A_173 = arith.constant 0 : i32
    %cond3A_174 = arith.cmpi ne, %convert_element_type3A_172, %cond3A_173 : i32
    scf.if %cond3A_174 {
      %add3A_185 = arith.constant 1 : i32
      %add3A_186 = arith.addi %add3A_4, %add3A_185 : i32
      %mul3A_187 = arith.constant 256 : i32
      %mul3A_188 = arith.muli %add3A_186, %mul3A_187 : i32
      %dma_start3A = arith.constant 0 : i32
      %dma_start3A_189 = tpu.memref_slice %arg2[%dma_start3A, %mul3A_188] : memref<64x1000000xf32, #tpu.memory_space<hbm>> -> memref<64x256xf32, #tpu.memory_space<hbm>>
      %dma_start3A_190 = arith.constant 0 : i32
      %dma_start3A_191 = tpu.memref_slice %arg2[%dma_start3A_190, %mul3A_188] : memref<64x1000000xf32, #tpu.memory_space<hbm>> -> memref<64x256xf32, #tpu.memory_space<hbm>>
      tpu.enqueue_dma source(%dma_start3A_191 : memref<64x256xf32, #tpu.memory_space<hbm>>) target(%arg5 : memref<64x256xf32, #tpu.memory_space<vmem>>) target_semaphore(%arg10 : memref<!tpu.dma_semaphore, #tpu.memory_space<semaphore_mem>>)
    } else {
    }
    %scan3A = arith.constant 0 : i32
    %scan3A_175 = arith.constant 0 : i32
    %scan3A_176 = arith.constant 63 : i32
    %scan3A_177 = arith.addi %scan3A_175, %scan3A_176 : i32
    %scan3A_178 = arith.constant 1 : i32
    %scan3A_179 = scf.for %scan3A_185 = %scan3A_175 to %scan3A_177 step %scan3A_178 iter_args(%scan3A_186 = %scan3A) -> (i32)  : i32 {
      %mul3A_187 = arith.constant 2 : i32
      %mul3A_188 = arith.muli %scan3A_185, %mul3A_187 : i32
      %add3A_189 = arith.constant 0 : i32
      %add3A_190 = arith.addi %mul3A_188, %add3A_189 : i32
      %ge3A = arith.constant 2 : i32
      %ge3A_191 = arith.cmpi sge, %add3A_190, %ge3A : i32
      %sub3A = arith.constant 2 : i32
      %sub3A_192 = arith.subi %add3A_190, %sub3A : i32
      %lt3A_193 = arith.cmpi slt, %sub3A_192, %add3A_7 : i32
      %and3A_194 = arith.andi %ge3A_191, %lt3A_193 : i1
      %convert_element_type3A_195 = arith.extui %and3A_194 : i1 to i32
      %cond3A_196 = arith.constant 0 : i32
      %cond3A_197 = arith.cmpi ne, %convert_element_type3A_195, %cond3A_196 : i32
      scf.if %cond3A_197 {
        %dma_wait3A = arith.constant 0 : i32
        %dma_wait3A_220 = tpu.memref_slice %arg3[%dma_wait3A] : memref<64000000xf32, #tpu.memory_space<hbm>> -> memref<16384xf32, #tpu.memory_space<hbm>>
        %dma_wait3A_221 = arith.constant 0 : i32
        %dma_wait3A_222 = tpu.memref_slice %arg3[%dma_wait3A_221] : memref<64000000xf32, #tpu.memory_space<hbm>> -> memref<16384xf32, #tpu.memory_space<hbm>>
        tpu.wait_dma2 semaphore(%arg11 : memref<!tpu.dma_semaphore, #tpu.memory_space<semaphore_mem>>) src(%arg6 : memref<16384xf32, #tpu.memory_space<vmem>>) dst(%dma_wait3A_222 : memref<16384xf32, #tpu.memory_space<hbm>>)
      } else {
      }
      %lt3A_198 = arith.cmpi slt, %add3A_190, %add3A_7 : i32
      %convert_element_type3A_199 = arith.extui %lt3A_198 : i1 to i32
      %cond3A_200 = arith.constant 0 : i32
      %cond3A_201 = arith.cmpi ne, %convert_element_type3A_199, %cond3A_200 : i32
      scf.if %cond3A_201 {
        %dma_wait3A = arith.constant 0 : i32
        %dma_wait3A_220 = arith.constant 0 : i32
        %dma_wait3A_221 = tpu.memref_slice %arg2[%dma_wait3A, %dma_wait3A_220] : memref<64x1000000xf32, #tpu.memory_space<hbm>> -> memref<64x256xf32, #tpu.memory_space<hbm>>
        %dma_wait3A_222 = arith.constant 0 : i32
        %dma_wait3A_223 = arith.constant 0 : i32
        %dma_wait3A_224 = tpu.memref_slice %arg2[%dma_wait3A_222, %dma_wait3A_223] : memref<64x1000000xf32, #tpu.memory_space<hbm>> -> memref<64x256xf32, #tpu.memory_space<hbm>>
        tpu.wait_dma2 semaphore(%arg9 : memref<!tpu.dma_semaphore, #tpu.memory_space<semaphore_mem>>) src(%dma_wait3A_224 : memref<64x256xf32, #tpu.memory_space<hbm>>) dst(%arg4 : memref<64x256xf32, #tpu.memory_space<vmem>>)
        %scan3A_225 = arith.constant 0 : i32
        %scan3A_226 = arith.constant 0 : i32
        %scan3A_227 = arith.constant 4 : i32
        %scan3A_228 = arith.addi %scan3A_226, %scan3A_227 : i32
        %scan3A_229 = arith.constant 1 : i32
        %scan3A_230 = scf.for %scan3A_244 = %scan3A_226 to %scan3A_228 step %scan3A_229 iter_args(%scan3A_245 = %scan3A_225) -> (i32)  : i32 {
          %mul3A_246 = arith.constant 16 : i32
          %mul3A_247 = arith.muli %scan3A_244, %mul3A_246 : i32
          %scan3A_248 = arith.constant 0 : i32
          %scan3A_249 = arith.constant 0 : i32
          %scan3A_250 = arith.constant 16 : i32
          %scan3A_251 = arith.addi %scan3A_249, %scan3A_250 : i32
          %scan3A_252 = arith.constant 1 : i32
          %scan3A_253 = scf.for %scan3A_256 = %scan3A_249 to %scan3A_251 step %scan3A_252 iter_args(%scan3A_257 = %scan3A_248) -> (i32)  : i32 {
            %mul3A_258 = arith.constant 16 : i32
            %mul3A_259 = arith.muli %scan3A_256, %mul3A_258 : i32
            %mul3A_260 = arith.constant 64 : i32
            %mul3A_261 = arith.muli %mul3A_259, %mul3A_260 : i32
            %add3A_262 = arith.addi %mul3A_261, %mul3A_247 : i32
            %add3A_263 = vector.broadcast %mul3A_247 : i32 to vector<16xi32>
            %add3A_264 = arith.addi %add3A_263, %and3A_12 : vector<16xi32>
            %add3A_265 = vector.broadcast %mul3A_259 : i32 to vector<16xi32>
            %add3A_266 = arith.addi %add3A_265, %iota3A : vector<16xi32>
            %gather3A = tpu.vector_load_idx %arg4[%add3A_264, %add3A_266] : memref<64x256xf32, #tpu.memory_space<vmem>>[vector<16xi32>, vector<16xi32>], vector<16xf32>,
            %add3A_267 = vector.broadcast %add3A_262 : i32 to vector<16xi32>
            %add3A_268 = arith.addi %add3A_267, %add3A_106 : vector<16xi32>
            tpu.vector_store_idx %arg6[%add3A_268], %gather3A : memref<16384xf32, #tpu.memory_space<vmem>>[vector<16xi32>], vector<16xf32>,
            %add3A_269 = vector.broadcast %mul3A_247 : i32 to vector<16xi32>
            %add3A_270 = arith.addi %add3A_269, %and3A_18 : vector<16xi32>
            %add3A_271 = vector.broadcast %mul3A_259 : i32 to vector<16xi32>
            %add3A_272 = arith.addi %add3A_271, %iota3A : vector<16xi32>
            %gather3A_273 = tpu.vector_load_idx %arg4[%add3A_270, %add3A_272] : memref<64x256xf32, #tpu.memory_space<vmem>>[vector<16xi32>, vector<16xi32>], vector<16xf32>,
            %add3A_274 = vector.broadcast %add3A_262 : i32 to vector<16xi32>
            %add3A_275 = arith.addi %add3A_274, %add3A_110 : vector<16xi32>
            tpu.vector_store_idx %arg6[%add3A_275], %gather3A_273 : memref<16384xf32, #tpu.memory_space<vmem>>[vector<16xi32>], vector<16xf32>,
            %add3A_276 = vector.broadcast %mul3A_247 : i32 to vector<16xi32>
            %add3A_277 = arith.addi %add3A_276, %and3A_24 : vector<16xi32>
            %add3A_278 = vector.broadcast %mul3A_259 : i32 to vector<16xi32>
            %add3A_279 = arith.addi %add3A_278, %iota3A : vector<16xi32>
            %gather3A_280 = tpu.vector_load_idx %arg4[%add3A_277, %add3A_279] : memref<64x256xf32, #tpu.memory_space<vmem>>[vector<16xi32>, vector<16xi32>], vector<16xf32>,
            %add3A_281 = vector.broadcast %add3A_262 : i32 to vector<16xi32>
            %add3A_282 = arith.addi %add3A_281, %add3A_114 : vector<16xi32>
            tpu.vector_store_idx %arg6[%add3A_282], %gather3A_280 : memref<16384xf32, #tpu.memory_space<vmem>>[vector<16xi32>], vector<16xf32>,
            %add3A_283 = vector.broadcast %mul3A_247 : i32 to vector<16xi32>
            %add3A_284 = arith.addi %add3A_283, %and3A_30 : vector<16xi32>
            %add3A_285 = vector.broadcast %mul3A_259 : i32 to vector<16xi32>
            %add3A_286 = arith.addi %add3A_285, %iota3A : vector<16xi32>
            %gather3A_287 = tpu.vector_load_idx %arg4[%add3A_284, %add3A_286] : memref<64x256xf32, #tpu.memory_space<vmem>>[vector<16xi32>, vector<16xi32>], vector<16xf32>,
            %add3A_288 = vector.broadcast %add3A_262 : i32 to vector<16xi32>
            %add3A_289 = arith.addi %add3A_288, %add3A_118 : vector<16xi32>
            tpu.vector_store_idx %arg6[%add3A_289], %gather3A_287 : memref<16384xf32, #tpu.memory_space<vmem>>[vector<16xi32>], vector<16xf32>,
            %add3A_290 = vector.broadcast %mul3A_247 : i32 to vector<16xi32>
            %add3A_291 = arith.addi %add3A_290, %and3A_36 : vector<16xi32>
            %add3A_292 = vector.broadcast %mul3A_259 : i32 to vector<16xi32>
            %add3A_293 = arith.addi %add3A_292, %iota3A : vector<16xi32>
            %gather3A_294 = tpu.vector_load_idx %arg4[%add3A_291, %add3A_293] : memref<64x256xf32, #tpu.memory_space<vmem>>[vector<16xi32>, vector<16xi32>], vector<16xf32>,
            %add3A_295 = vector.broadcast %add3A_262 : i32 to vector<16xi32>
            %add3A_296 = arith.addi %add3A_295, %add3A_122 : vector<16xi32>
            tpu.vector_store_idx %arg6[%add3A_296], %gather3A_294 : memref<16384xf32, #tpu.memory_space<vmem>>[vector<16xi32>], vector<16xf32>,
            %add3A_297 = vector.broadcast %mul3A_247 : i32 to vector<16xi32>
            %add3A_298 = arith.addi %add3A_297, %and3A_42 : vector<16xi32>
            %add3A_299 = vector.broadcast %mul3A_259 : i32 to vector<16xi32>
            %add3A_300 = arith.addi %add3A_299, %iota3A : vector<16xi32>
            %gather3A_301 = tpu.vector_load_idx %arg4[%add3A_298, %add3A_300] : memref<64x256xf32, #tpu.memory_space<vmem>>[vector<16xi32>, vector<16xi32>], vector<16xf32>,
            %add3A_302 = vector.broadcast %add3A_262 : i32 to vector<16xi32>
            %add3A_303 = arith.addi %add3A_302, %add3A_126 : vector<16xi32>
            tpu.vector_store_idx %arg6[%add3A_303], %gather3A_301 : memref<16384xf32, #tpu.memory_space<vmem>>[vector<16xi32>], vector<16xf32>,
            %add3A_304 = vector.broadcast %mul3A_247 : i32 to vector<16xi32>
            %add3A_305 = arith.addi %add3A_304, %and3A_48 : vector<16xi32>
            %add3A_306 = vector.broadcast %mul3A_259 : i32 to vector<16xi32>
            %add3A_307 = arith.addi %add3A_306, %iota3A : vector<16xi32>
            %gather3A_308 = tpu.vector_load_idx %arg4[%add3A_305, %add3A_307] : memref<64x256xf32, #tpu.memory_space<vmem>>[vector<16xi32>, vector<16xi32>], vector<16xf32>,
            %add3A_309 = vector.broadcast %add3A_262 : i32 to vector<16xi32>
            %add3A_310 = arith.addi %add3A_309, %add3A_130 : vector<16xi32>
            tpu.vector_store_idx %arg6[%add3A_310], %gather3A_308 : memref<16384xf32, #tpu.memory_space<vmem>>[vector<16xi32>], vector<16xf32>,
            %add3A_311 = vector.broadcast %mul3A_247 : i32 to vector<16xi32>
            %add3A_312 = arith.addi %add3A_311, %and3A_54 : vector<16xi32>
            %add3A_313 = vector.broadcast %mul3A_259 : i32 to vector<16xi32>
            %add3A_314 = arith.addi %add3A_313, %iota3A : vector<16xi32>
            %gather3A_315 = tpu.vector_load_idx %arg4[%add3A_312, %add3A_314] : memref<64x256xf32, #tpu.memory_space<vmem>>[vector<16xi32>, vector<16xi32>], vector<16xf32>,
            %add3A_316 = vector.broadcast %add3A_262 : i32 to vector<16xi32>
            %add3A_317 = arith.addi %add3A_316, %add3A_134 : vector<16xi32>
            tpu.vector_store_idx %arg6[%add3A_317], %gather3A_315 : memref<16384xf32, #tpu.memory_space<vmem>>[vector<16xi32>], vector<16xf32>,
            %add3A_318 = vector.broadcast %mul3A_247 : i32 to vector<16xi32>
            %add3A_319 = arith.addi %add3A_318, %and3A_60 : vector<16xi32>
            %add3A_320 = vector.broadcast %mul3A_259 : i32 to vector<16xi32>
            %add3A_321 = arith.addi %add3A_320, %iota3A : vector<16xi32>
            %gather3A_322 = tpu.vector_load_idx %arg4[%add3A_319, %add3A_321] : memref<64x256xf32, #tpu.memory_space<vmem>>[vector<16xi32>, vector<16xi32>], vector<16xf32>,
            %add3A_323 = vector.broadcast %add3A_262 : i32 to vector<16xi32>
            %add3A_324 = arith.addi %add3A_323, %add3A_138 : vector<16xi32>
            tpu.vector_store_idx %arg6[%add3A_324], %gather3A_322 : memref<16384xf32, #tpu.memory_space<vmem>>[vector<16xi32>], vector<16xf32>,
            %add3A_325 = vector.broadcast %mul3A_247 : i32 to vector<16xi32>
            %add3A_326 = arith.addi %add3A_325, %and3A_66 : vector<16xi32>
            %add3A_327 = vector.broadcast %mul3A_259 : i32 to vector<16xi32>
            %add3A_328 = arith.addi %add3A_327, %iota3A : vector<16xi32>
            %gather3A_329 = tpu.vector_load_idx %arg4[%add3A_326, %add3A_328] : memref<64x256xf32, #tpu.memory_space<vmem>>[vector<16xi32>, vector<16xi32>], vector<16xf32>,
            %add3A_330 = vector.broadcast %add3A_262 : i32 to vector<16xi32>
            %add3A_331 = arith.addi %add3A_330, %add3A_142 : vector<16xi32>
            tpu.vector_store_idx %arg6[%add3A_331], %gather3A_329 : memref<16384xf32, #tpu.memory_space<vmem>>[vector<16xi32>], vector<16xf32>,
            %add3A_332 = vector.broadcast %mul3A_247 : i32 to vector<16xi32>
            %add3A_333 = arith.addi %add3A_332, %and3A_72 : vector<16xi32>
            %add3A_334 = vector.broadcast %mul3A_259 : i32 to vector<16xi32>
            %add3A_335 = arith.addi %add3A_334, %iota3A : vector<16xi32>
            %gather3A_336 = tpu.vector_load_idx %arg4[%add3A_333, %add3A_335] : memref<64x256xf32, #tpu.memory_space<vmem>>[vector<16xi32>, vector<16xi32>], vector<16xf32>,
            %add3A_337 = vector.broadcast %add3A_262 : i32 to vector<16xi32>
            %add3A_338 = arith.addi %add3A_337, %add3A_146 : vector<16xi32>
            tpu.vector_store_idx %arg6[%add3A_338], %gather3A_336 : memref<16384xf32, #tpu.memory_space<vmem>>[vector<16xi32>], vector<16xf32>,
            %add3A_339 = vector.broadcast %mul3A_247 : i32 to vector<16xi32>
            %add3A_340 = arith.addi %add3A_339, %and3A_78 : vector<16xi32>
            %add3A_341 = vector.broadcast %mul3A_259 : i32 to vector<16xi32>
            %add3A_342 = arith.addi %add3A_341, %iota3A : vector<16xi32>
            %gather3A_343 = tpu.vector_load_idx %arg4[%add3A_340, %add3A_342] : memref<64x256xf32, #tpu.memory_space<vmem>>[vector<16xi32>, vector<16xi32>], vector<16xf32>,
            %add3A_344 = vector.broadcast %add3A_262 : i32 to vector<16xi32>
            %add3A_345 = arith.addi %add3A_344, %add3A_150 : vector<16xi32>
            tpu.vector_store_idx %arg6[%add3A_345], %gather3A_343 : memref<16384xf32, #tpu.memory_space<vmem>>[vector<16xi32>], vector<16xf32>,
            %add3A_346 = vector.broadcast %mul3A_247 : i32 to vector<16xi32>
            %add3A_347 = arith.addi %add3A_346, %and3A_84 : vector<16xi32>
            %add3A_348 = vector.broadcast %mul3A_259 : i32 to vector<16xi32>
            %add3A_349 = arith.addi %add3A_348, %iota3A : vector<16xi32>
            %gather3A_350 = tpu.vector_load_idx %arg4[%add3A_347, %add3A_349] : memref<64x256xf32, #tpu.memory_space<vmem>>[vector<16xi32>, vector<16xi32>], vector<16xf32>,
            %add3A_351 = vector.broadcast %add3A_262 : i32 to vector<16xi32>
            %add3A_352 = arith.addi %add3A_351, %add3A_154 : vector<16xi32>
            tpu.vector_store_idx %arg6[%add3A_352], %gather3A_350 : memref<16384xf32, #tpu.memory_space<vmem>>[vector<16xi32>], vector<16xf32>,
            %add3A_353 = vector.broadcast %mul3A_247 : i32 to vector<16xi32>
            %add3A_354 = arith.addi %add3A_353, %and3A_90 : vector<16xi32>
            %add3A_355 = vector.broadcast %mul3A_259 : i32 to vector<16xi32>
            %add3A_356 = arith.addi %add3A_355, %iota3A : vector<16xi32>
            %gather3A_357 = tpu.vector_load_idx %arg4[%add3A_354, %add3A_356] : memref<64x256xf32, #tpu.memory_space<vmem>>[vector<16xi32>, vector<16xi32>], vector<16xf32>,
            %add3A_358 = vector.broadcast %add3A_262 : i32 to vector<16xi32>
            %add3A_359 = arith.addi %add3A_358, %add3A_158 : vector<16xi32>
            tpu.vector_store_idx %arg6[%add3A_359], %gather3A_357 : memref<16384xf32, #tpu.memory_space<vmem>>[vector<16xi32>], vector<16xf32>,
            %add3A_360 = vector.broadcast %mul3A_247 : i32 to vector<16xi32>
            %add3A_361 = arith.addi %add3A_360, %and3A_96 : vector<16xi32>
            %add3A_362 = vector.broadcast %mul3A_259 : i32 to vector<16xi32>
            %add3A_363 = arith.addi %add3A_362, %iota3A : vector<16xi32>
            %gather3A_364 = tpu.vector_load_idx %arg4[%add3A_361, %add3A_363] : memref<64x256xf32, #tpu.memory_space<vmem>>[vector<16xi32>, vector<16xi32>], vector<16xf32>,
            %add3A_365 = vector.broadcast %add3A_262 : i32 to vector<16xi32>
            %add3A_366 = arith.addi %add3A_365, %add3A_162 : vector<16xi32>
            tpu.vector_store_idx %arg6[%add3A_366], %gather3A_364 : memref<16384xf32, #tpu.memory_space<vmem>>[vector<16xi32>], vector<16xf32>,
            %add3A_367 = vector.broadcast %mul3A_247 : i32 to vector<16xi32>
            %add3A_368 = arith.addi %add3A_367, %and3A_102 : vector<16xi32>
            %add3A_369 = vector.broadcast %mul3A_259 : i32 to vector<16xi32>
            %add3A_370 = arith.addi %add3A_369, %iota3A : vector<16xi32>
            %gather3A_371 = tpu.vector_load_idx %arg4[%add3A_368, %add3A_370] : memref<64x256xf32, #tpu.memory_space<vmem>>[vector<16xi32>, vector<16xi32>], vector<16xf32>,
            %add3A_372 = vector.broadcast %add3A_262 : i32 to vector<16xi32>
            %add3A_373 = arith.addi %add3A_372, %add3A_166 : vector<16xi32>
            tpu.vector_store_idx %arg6[%add3A_373], %gather3A_371 : memref<16384xf32, #tpu.memory_space<vmem>>[vector<16xi32>], vector<16xf32>,
            %scan3A_374 = arith.constant 0 : i32
            scf.yield %scan3A_374 : i32
          }
          %scan3A_254 = arith.constant 16 : i32
          %scan3A_255 = arith.constant 0 : i32
          scf.yield %scan3A_255 : i32
        }
        %scan3A_231 = arith.constant 4 : i32
        %add3A_232 = arith.addi %add3A_4, %add3A_190 : i32
        %mul3A_233 = arith.constant 256 : i32
        %mul3A_234 = arith.muli %add3A_232, %mul3A_233 : i32
        %mul3A_235 = arith.constant 64 : i32
        %mul3A_236 = arith.muli %mul3A_234, %mul3A_235 : i32
        %dma_start3A = tpu.memref_slice %arg3[%mul3A_236] : memref<64000000xf32, #tpu.memory_space<hbm>> -> memref<16384xf32, #tpu.memory_space<hbm>>
        %dma_start3A_237 = tpu.memref_slice %arg3[%mul3A_236] : memref<64000000xf32, #tpu.memory_space<hbm>> -> memref<16384xf32, #tpu.memory_space<hbm>>
        tpu.enqueue_dma source(%arg6 : memref<16384xf32, #tpu.memory_space<vmem>>) target(%dma_start3A_237 : memref<16384xf32, #tpu.memory_space<hbm>>) target_semaphore(%arg11 : memref<!tpu.dma_semaphore, #tpu.memory_space<semaphore_mem>>)
        %add3A_238 = arith.constant 2 : i32
        %add3A_239 = arith.addi %add3A_190, %add3A_238 : i32
        %lt3A_240 = arith.cmpi slt, %add3A_239, %add3A_7 : i32
        %convert_element_type3A_241 = arith.extui %lt3A_240 : i1 to i32
        %cond3A_242 = arith.constant 0 : i32
        %cond3A_243 = arith.cmpi ne, %convert_element_type3A_241, %cond3A_242 : i32
        scf.if %cond3A_243 {
          %add3A_244 = arith.constant 2 : i32
          %add3A_245 = arith.addi %add3A_190, %add3A_244 : i32
          %add3A_246 = arith.addi %add3A_4, %add3A_245 : i32
          %mul3A_247 = arith.constant 256 : i32
          %mul3A_248 = arith.muli %add3A_246, %mul3A_247 : i32
          %dma_start3A_249 = arith.constant 0 : i32
          %dma_start3A_250 = tpu.memref_slice %arg2[%dma_start3A_249, %mul3A_248] : memref<64x1000000xf32, #tpu.memory_space<hbm>> -> memref<64x256xf32, #tpu.memory_space<hbm>>
          %dma_start3A_251 = arith.constant 0 : i32
          %dma_start3A_252 = tpu.memref_slice %arg2[%dma_start3A_251, %mul3A_248] : memref<64x1000000xf32, #tpu.memory_space<hbm>> -> memref<64x256xf32, #tpu.memory_space<hbm>>
          tpu.enqueue_dma source(%dma_start3A_252 : memref<64x256xf32, #tpu.memory_space<hbm>>) target(%arg4 : memref<64x256xf32, #tpu.memory_space<vmem>>) target_semaphore(%arg9 : memref<!tpu.dma_semaphore, #tpu.memory_space<semaphore_mem>>)
        } else {
        }
      } else {
      }
      %mul3A_202 = arith.constant 2 : i32
      %mul3A_203 = arith.muli %scan3A_185, %mul3A_202 : i32
      %add3A_204 = arith.constant 1 : i32
      %add3A_205 = arith.addi %mul3A_203, %add3A_204 : i32
      %ge3A_206 = arith.constant 2 : i32
      %ge3A_207 = arith.cmpi sge, %add3A_205, %ge3A_206 : i32
      %sub3A_208 = arith.constant 2 : i32
      %sub3A_209 = arith.subi %add3A_205, %sub3A_208 : i32
      %lt3A_210 = arith.cmpi slt, %sub3A_209, %add3A_7 : i32
      %and3A_211 = arith.andi %ge3A_207, %lt3A_210 : i1
      %convert_element_type3A_212 = arith.extui %and3A_211 : i1 to i32
      %cond3A_213 = arith.constant 0 : i32
      %cond3A_214 = arith.cmpi ne, %convert_element_type3A_212, %cond3A_213 : i32
      scf.if %cond3A_214 {
        %dma_wait3A = arith.constant 0 : i32
        %dma_wait3A_220 = tpu.memref_slice %arg3[%dma_wait3A] : memref<64000000xf32, #tpu.memory_space<hbm>> -> memref<16384xf32, #tpu.memory_space<hbm>>
        %dma_wait3A_221 = arith.constant 0 : i32
        %dma_wait3A_222 = tpu.memref_slice %arg3[%dma_wait3A_221] : memref<64000000xf32, #tpu.memory_space<hbm>> -> memref<16384xf32, #tpu.memory_space<hbm>>
        tpu.wait_dma2 semaphore(%arg12 : memref<!tpu.dma_semaphore, #tpu.memory_space<semaphore_mem>>) src(%arg7 : memref<16384xf32, #tpu.memory_space<vmem>>) dst(%dma_wait3A_222 : memref<16384xf32, #tpu.memory_space<hbm>>)
      } else {
      }
      %lt3A_215 = arith.cmpi slt, %add3A_205, %add3A_7 : i32
      %convert_element_type3A_216 = arith.extui %lt3A_215 : i1 to i32
      %cond3A_217 = arith.constant 0 : i32
      %cond3A_218 = arith.cmpi ne, %convert_element_type3A_216, %cond3A_217 : i32
      scf.if %cond3A_218 {
        %dma_wait3A = arith.constant 0 : i32
        %dma_wait3A_220 = arith.constant 0 : i32
        %dma_wait3A_221 = tpu.memref_slice %arg2[%dma_wait3A, %dma_wait3A_220] : memref<64x1000000xf32, #tpu.memory_space<hbm>> -> memref<64x256xf32, #tpu.memory_space<hbm>>
        %dma_wait3A_222 = arith.constant 0 : i32
        %dma_wait3A_223 = arith.constant 0 : i32
        %dma_wait3A_224 = tpu.memref_slice %arg2[%dma_wait3A_222, %dma_wait3A_223] : memref<64x1000000xf32, #tpu.memory_space<hbm>> -> memref<64x256xf32, #tpu.memory_space<hbm>>
        tpu.wait_dma2 semaphore(%arg10 : memref<!tpu.dma_semaphore, #tpu.memory_space<semaphore_mem>>) src(%dma_wait3A_224 : memref<64x256xf32, #tpu.memory_space<hbm>>) dst(%arg5 : memref<64x256xf32, #tpu.memory_space<vmem>>)
        %scan3A_225 = arith.constant 0 : i32
        %scan3A_226 = arith.constant 0 : i32
        %scan3A_227 = arith.constant 4 : i32
        %scan3A_228 = arith.addi %scan3A_226, %scan3A_227 : i32
        %scan3A_229 = arith.constant 1 : i32
        %scan3A_230 = scf.for %scan3A_244 = %scan3A_226 to %scan3A_228 step %scan3A_229 iter_args(%scan3A_245 = %scan3A_225) -> (i32)  : i32 {
          %mul3A_246 = arith.constant 16 : i32
          %mul3A_247 = arith.muli %scan3A_244, %mul3A_246 : i32
          %scan3A_248 = arith.constant 0 : i32
          %scan3A_249 = arith.constant 0 : i32
          %scan3A_250 = arith.constant 16 : i32
          %scan3A_251 = arith.addi %scan3A_249, %scan3A_250 : i32
          %scan3A_252 = arith.constant 1 : i32
          %scan3A_253 = scf.for %scan3A_256 = %scan3A_249 to %scan3A_251 step %scan3A_252 iter_args(%scan3A_257 = %scan3A_248) -> (i32)  : i32 {
            %mul3A_258 = arith.constant 16 : i32
            %mul3A_259 = arith.muli %scan3A_256, %mul3A_258 : i32
            %mul3A_260 = arith.constant 64 : i32
            %mul3A_261 = arith.muli %mul3A_259, %mul3A_260 : i32
            %add3A_262 = arith.addi %mul3A_261, %mul3A_247 : i32
            %add3A_263 = vector.broadcast %mul3A_247 : i32 to vector<16xi32>
            %add3A_264 = arith.addi %add3A_263, %and3A_12 : vector<16xi32>
            %add3A_265 = vector.broadcast %mul3A_259 : i32 to vector<16xi32>
            %add3A_266 = arith.addi %add3A_265, %iota3A : vector<16xi32>
            %gather3A = tpu.vector_load_idx %arg5[%add3A_264, %add3A_266] : memref<64x256xf32, #tpu.memory_space<vmem>>[vector<16xi32>, vector<16xi32>], vector<16xf32>,
            %add3A_267 = vector.broadcast %add3A_262 : i32 to vector<16xi32>
            %add3A_268 = arith.addi %add3A_267, %add3A_106 : vector<16xi32>
            tpu.vector_store_idx %arg7[%add3A_268], %gather3A : memref<16384xf32, #tpu.memory_space<vmem>>[vector<16xi32>], vector<16xf32>,
            %add3A_269 = vector.broadcast %mul3A_247 : i32 to vector<16xi32>
            %add3A_270 = arith.addi %add3A_269, %and3A_18 : vector<16xi32>
            %add3A_271 = vector.broadcast %mul3A_259 : i32 to vector<16xi32>
            %add3A_272 = arith.addi %add3A_271, %iota3A : vector<16xi32>
            %gather3A_273 = tpu.vector_load_idx %arg5[%add3A_270, %add3A_272] : memref<64x256xf32, #tpu.memory_space<vmem>>[vector<16xi32>, vector<16xi32>], vector<16xf32>,
            %add3A_274 = vector.broadcast %add3A_262 : i32 to vector<16xi32>
            %add3A_275 = arith.addi %add3A_274, %add3A_110 : vector<16xi32>
            tpu.vector_store_idx %arg7[%add3A_275], %gather3A_273 : memref<16384xf32, #tpu.memory_space<vmem>>[vector<16xi32>], vector<16xf32>,
            %add3A_276 = vector.broadcast %mul3A_247 : i32 to vector<16xi32>
            %add3A_277 = arith.addi %add3A_276, %and3A_24 : vector<16xi32>
            %add3A_278 = vector.broadcast %mul3A_259 : i32 to vector<16xi32>
            %add3A_279 = arith.addi %add3A_278, %iota3A : vector<16xi32>
            %gather3A_280 = tpu.vector_load_idx %arg5[%add3A_277, %add3A_279] : memref<64x256xf32, #tpu.memory_space<vmem>>[vector<16xi32>, vector<16xi32>], vector<16xf32>,
            %add3A_281 = vector.broadcast %add3A_262 : i32 to vector<16xi32>
            %add3A_282 = arith.addi %add3A_281, %add3A_114 : vector<16xi32>
            tpu.vector_store_idx %arg7[%add3A_282], %gather3A_280 : memref<16384xf32, #tpu.memory_space<vmem>>[vector<16xi32>], vector<16xf32>,
            %add3A_283 = vector.broadcast %mul3A_247 : i32 to vector<16xi32>
            %add3A_284 = arith.addi %add3A_283, %and3A_30 : vector<16xi32>
            %add3A_285 = vector.broadcast %mul3A_259 : i32 to vector<16xi32>
            %add3A_286 = arith.addi %add3A_285, %iota3A : vector<16xi32>
            %gather3A_287 = tpu.vector_load_idx %arg5[%add3A_284, %add3A_286] : memref<64x256xf32, #tpu.memory_space<vmem>>[vector<16xi32>, vector<16xi32>], vector<16xf32>,
            %add3A_288 = vector.broadcast %add3A_262 : i32 to vector<16xi32>
            %add3A_289 = arith.addi %add3A_288, %add3A_118 : vector<16xi32>
            tpu.vector_store_idx %arg7[%add3A_289], %gather3A_287 : memref<16384xf32, #tpu.memory_space<vmem>>[vector<16xi32>], vector<16xf32>,
            %add3A_290 = vector.broadcast %mul3A_247 : i32 to vector<16xi32>
            %add3A_291 = arith.addi %add3A_290, %and3A_36 : vector<16xi32>
            %add3A_292 = vector.broadcast %mul3A_259 : i32 to vector<16xi32>
            %add3A_293 = arith.addi %add3A_292, %iota3A : vector<16xi32>
            %gather3A_294 = tpu.vector_load_idx %arg5[%add3A_291, %add3A_293] : memref<64x256xf32, #tpu.memory_space<vmem>>[vector<16xi32>, vector<16xi32>], vector<16xf32>,
            %add3A_295 = vector.broadcast %add3A_262 : i32 to vector<16xi32>
            %add3A_296 = arith.addi %add3A_295, %add3A_122 : vector<16xi32>
            tpu.vector_store_idx %arg7[%add3A_296], %gather3A_294 : memref<16384xf32, #tpu.memory_space<vmem>>[vector<16xi32>], vector<16xf32>,
            %add3A_297 = vector.broadcast %mul3A_247 : i32 to vector<16xi32>
            %add3A_298 = arith.addi %add3A_297, %and3A_42 : vector<16xi32>
            %add3A_299 = vector.broadcast %mul3A_259 : i32 to vector<16xi32>
            %add3A_300 = arith.addi %add3A_299, %iota3A : vector<16xi32>
            %gather3A_301 = tpu.vector_load_idx %arg5[%add3A_298, %add3A_300] : memref<64x256xf32, #tpu.memory_space<vmem>>[vector<16xi32>, vector<16xi32>], vector<16xf32>,
            %add3A_302 = vector.broadcast %add3A_262 : i32 to vector<16xi32>
            %add3A_303 = arith.addi %add3A_302, %add3A_126 : vector<16xi32>
            tpu.vector_store_idx %arg7[%add3A_303], %gather3A_301 : memref<16384xf32, #tpu.memory_space<vmem>>[vector<16xi32>], vector<16xf32>,
            %add3A_304 = vector.broadcast %mul3A_247 : i32 to vector<16xi32>
            %add3A_305 = arith.addi %add3A_304, %and3A_48 : vector<16xi32>
            %add3A_306 = vector.broadcast %mul3A_259 : i32 to vector<16xi32>
            %add3A_307 = arith.addi %add3A_306, %iota3A : vector<16xi32>
            %gather3A_308 = tpu.vector_load_idx %arg5[%add3A_305, %add3A_307] : memref<64x256xf32, #tpu.memory_space<vmem>>[vector<16xi32>, vector<16xi32>], vector<16xf32>,
            %add3A_309 = vector.broadcast %add3A_262 : i32 to vector<16xi32>
            %add3A_310 = arith.addi %add3A_309, %add3A_130 : vector<16xi32>
            tpu.vector_store_idx %arg7[%add3A_310], %gather3A_308 : memref<16384xf32, #tpu.memory_space<vmem>>[vector<16xi32>], vector<16xf32>,
            %add3A_311 = vector.broadcast %mul3A_247 : i32 to vector<16xi32>
            %add3A_312 = arith.addi %add3A_311, %and3A_54 : vector<16xi32>
            %add3A_313 = vector.broadcast %mul3A_259 : i32 to vector<16xi32>
            %add3A_314 = arith.addi %add3A_313, %iota3A : vector<16xi32>
            %gather3A_315 = tpu.vector_load_idx %arg5[%add3A_312, %add3A_314] : memref<64x256xf32, #tpu.memory_space<vmem>>[vector<16xi32>, vector<16xi32>], vector<16xf32>,
            %add3A_316 = vector.broadcast %add3A_262 : i32 to vector<16xi32>
            %add3A_317 = arith.addi %add3A_316, %add3A_134 : vector<16xi32>
            tpu.vector_store_idx %arg7[%add3A_317], %gather3A_315 : memref<16384xf32, #tpu.memory_space<vmem>>[vector<16xi32>], vector<16xf32>,
            %add3A_318 = vector.broadcast %mul3A_247 : i32 to vector<16xi32>
            %add3A_319 = arith.addi %add3A_318, %and3A_60 : vector<16xi32>
            %add3A_320 = vector.broadcast %mul3A_259 : i32 to vector<16xi32>
            %add3A_321 = arith.addi %add3A_320, %iota3A : vector<16xi32>
            %gather3A_322 = tpu.vector_load_idx %arg5[%add3A_319, %add3A_321] : memref<64x256xf32, #tpu.memory_space<vmem>>[vector<16xi32>, vector<16xi32>], vector<16xf32>,
            %add3A_323 = vector.broadcast %add3A_262 : i32 to vector<16xi32>
            %add3A_324 = arith.addi %add3A_323, %add3A_138 : vector<16xi32>
            tpu.vector_store_idx %arg7[%add3A_324], %gather3A_322 : memref<16384xf32, #tpu.memory_space<vmem>>[vector<16xi32>], vector<16xf32>,
            %add3A_325 = vector.broadcast %mul3A_247 : i32 to vector<16xi32>
            %add3A_326 = arith.addi %add3A_325, %and3A_66 : vector<16xi32>
            %add3A_327 = vector.broadcast %mul3A_259 : i32 to vector<16xi32>
            %add3A_328 = arith.addi %add3A_327, %iota3A : vector<16xi32>
            %gather3A_329 = tpu.vector_load_idx %arg5[%add3A_326, %add3A_328] : memref<64x256xf32, #tpu.memory_space<vmem>>[vector<16xi32>, vector<16xi32>], vector<16xf32>,
            %add3A_330 = vector.broadcast %add3A_262 : i32 to vector<16xi32>
            %add3A_331 = arith.addi %add3A_330, %add3A_142 : vector<16xi32>
            tpu.vector_store_idx %arg7[%add3A_331], %gather3A_329 : memref<16384xf32, #tpu.memory_space<vmem>>[vector<16xi32>], vector<16xf32>,
            %add3A_332 = vector.broadcast %mul3A_247 : i32 to vector<16xi32>
            %add3A_333 = arith.addi %add3A_332, %and3A_72 : vector<16xi32>
            %add3A_334 = vector.broadcast %mul3A_259 : i32 to vector<16xi32>
            %add3A_335 = arith.addi %add3A_334, %iota3A : vector<16xi32>
            %gather3A_336 = tpu.vector_load_idx %arg5[%add3A_333, %add3A_335] : memref<64x256xf32, #tpu.memory_space<vmem>>[vector<16xi32>, vector<16xi32>], vector<16xf32>,
            %add3A_337 = vector.broadcast %add3A_262 : i32 to vector<16xi32>
            %add3A_338 = arith.addi %add3A_337, %add3A_146 : vector<16xi32>
            tpu.vector_store_idx %arg7[%add3A_338], %gather3A_336 : memref<16384xf32, #tpu.memory_space<vmem>>[vector<16xi32>], vector<16xf32>,
            %add3A_339 = vector.broadcast %mul3A_247 : i32 to vector<16xi32>
            %add3A_340 = arith.addi %add3A_339, %and3A_78 : vector<16xi32>
            %add3A_341 = vector.broadcast %mul3A_259 : i32 to vector<16xi32>
            %add3A_342 = arith.addi %add3A_341, %iota3A : vector<16xi32>
            %gather3A_343 = tpu.vector_load_idx %arg5[%add3A_340, %add3A_342] : memref<64x256xf32, #tpu.memory_space<vmem>>[vector<16xi32>, vector<16xi32>], vector<16xf32>,
            %add3A_344 = vector.broadcast %add3A_262 : i32 to vector<16xi32>
            %add3A_345 = arith.addi %add3A_344, %add3A_150 : vector<16xi32>
            tpu.vector_store_idx %arg7[%add3A_345], %gather3A_343 : memref<16384xf32, #tpu.memory_space<vmem>>[vector<16xi32>], vector<16xf32>,
            %add3A_346 = vector.broadcast %mul3A_247 : i32 to vector<16xi32>
            %add3A_347 = arith.addi %add3A_346, %and3A_84 : vector<16xi32>
            %add3A_348 = vector.broadcast %mul3A_259 : i32 to vector<16xi32>
            %add3A_349 = arith.addi %add3A_348, %iota3A : vector<16xi32>
            %gather3A_350 = tpu.vector_load_idx %arg5[%add3A_347, %add3A_349] : memref<64x256xf32, #tpu.memory_space<vmem>>[vector<16xi32>, vector<16xi32>], vector<16xf32>,
            %add3A_351 = vector.broadcast %add3A_262 : i32 to vector<16xi32>
            %add3A_352 = arith.addi %add3A_351, %add3A_154 : vector<16xi32>
            tpu.vector_store_idx %arg7[%add3A_352], %gather3A_350 : memref<16384xf32, #tpu.memory_space<vmem>>[vector<16xi32>], vector<16xf32>,
            %add3A_353 = vector.broadcast %mul3A_247 : i32 to vector<16xi32>
            %add3A_354 = arith.addi %add3A_353, %and3A_90 : vector<16xi32>
            %add3A_355 = vector.broadcast %mul3A_259 : i32 to vector<16xi32>
            %add3A_356 = arith.addi %add3A_355, %iota3A : vector<16xi32>
            %gather3A_357 = tpu.vector_load_idx %arg5[%add3A_354, %add3A_356] : memref<64x256xf32, #tpu.memory_space<vmem>>[vector<16xi32>, vector<16xi32>], vector<16xf32>,
            %add3A_358 = vector.broadcast %add3A_262 : i32 to vector<16xi32>
            %add3A_359 = arith.addi %add3A_358, %add3A_158 : vector<16xi32>
            tpu.vector_store_idx %arg7[%add3A_359], %gather3A_357 : memref<16384xf32, #tpu.memory_space<vmem>>[vector<16xi32>], vector<16xf32>,
            %add3A_360 = vector.broadcast %mul3A_247 : i32 to vector<16xi32>
            %add3A_361 = arith.addi %add3A_360, %and3A_96 : vector<16xi32>
            %add3A_362 = vector.broadcast %mul3A_259 : i32 to vector<16xi32>
            %add3A_363 = arith.addi %add3A_362, %iota3A : vector<16xi32>
            %gather3A_364 = tpu.vector_load_idx %arg5[%add3A_361, %add3A_363] : memref<64x256xf32, #tpu.memory_space<vmem>>[vector<16xi32>, vector<16xi32>], vector<16xf32>,
            %add3A_365 = vector.broadcast %add3A_262 : i32 to vector<16xi32>
            %add3A_366 = arith.addi %add3A_365, %add3A_162 : vector<16xi32>
            tpu.vector_store_idx %arg7[%add3A_366], %gather3A_364 : memref<16384xf32, #tpu.memory_space<vmem>>[vector<16xi32>], vector<16xf32>,
            %add3A_367 = vector.broadcast %mul3A_247 : i32 to vector<16xi32>
            %add3A_368 = arith.addi %add3A_367, %and3A_102 : vector<16xi32>
            %add3A_369 = vector.broadcast %mul3A_259 : i32 to vector<16xi32>
            %add3A_370 = arith.addi %add3A_369, %iota3A : vector<16xi32>
            %gather3A_371 = tpu.vector_load_idx %arg5[%add3A_368, %add3A_370] : memref<64x256xf32, #tpu.memory_space<vmem>>[vector<16xi32>, vector<16xi32>], vector<16xf32>,
            %add3A_372 = vector.broadcast %add3A_262 : i32 to vector<16xi32>
            %add3A_373 = arith.addi %add3A_372, %add3A_166 : vector<16xi32>
            tpu.vector_store_idx %arg7[%add3A_373], %gather3A_371 : memref<16384xf32, #tpu.memory_space<vmem>>[vector<16xi32>], vector<16xf32>,
            %scan3A_374 = arith.constant 0 : i32
            scf.yield %scan3A_374 : i32
          }
          %scan3A_254 = arith.constant 16 : i32
          %scan3A_255 = arith.constant 0 : i32
          scf.yield %scan3A_255 : i32
        }
        %scan3A_231 = arith.constant 4 : i32
        %add3A_232 = arith.addi %add3A_4, %add3A_205 : i32
        %mul3A_233 = arith.constant 256 : i32
        %mul3A_234 = arith.muli %add3A_232, %mul3A_233 : i32
        %mul3A_235 = arith.constant 64 : i32
        %mul3A_236 = arith.muli %mul3A_234, %mul3A_235 : i32
        %dma_start3A = tpu.memref_slice %arg3[%mul3A_236] : memref<64000000xf32, #tpu.memory_space<hbm>> -> memref<16384xf32, #tpu.memory_space<hbm>>
        %dma_start3A_237 = tpu.memref_slice %arg3[%mul3A_236] : memref<64000000xf32, #tpu.memory_space<hbm>> -> memref<16384xf32, #tpu.memory_space<hbm>>
        tpu.enqueue_dma source(%arg7 : memref<16384xf32, #tpu.memory_space<vmem>>) target(%dma_start3A_237 : memref<16384xf32, #tpu.memory_space<hbm>>) target_semaphore(%arg12 : memref<!tpu.dma_semaphore, #tpu.memory_space<semaphore_mem>>)
        %add3A_238 = arith.constant 2 : i32
        %add3A_239 = arith.addi %add3A_205, %add3A_238 : i32
        %lt3A_240 = arith.cmpi slt, %add3A_239, %add3A_7 : i32
        %convert_element_type3A_241 = arith.extui %lt3A_240 : i1 to i32
        %cond3A_242 = arith.constant 0 : i32
        %cond3A_243 = arith.cmpi ne, %convert_element_type3A_241, %cond3A_242 : i32
        scf.if %cond3A_243 {
          %add3A_244 = arith.constant 2 : i32
          %add3A_245 = arith.addi %add3A_205, %add3A_244 : i32
          %add3A_246 = arith.addi %add3A_4, %add3A_245 : i32
          %mul3A_247 = arith.constant 256 : i32
          %mul3A_248 = arith.muli %add3A_246, %mul3A_247 : i32
          %dma_start3A_249 = arith.constant 0 : i32
          %dma_start3A_250 = tpu.memref_slice %arg2[%dma_start3A_249, %mul3A_248] : memref<64x1000000xf32, #tpu.memory_space<hbm>> -> memref<64x256xf32, #tpu.memory_space<hbm>>
          %dma_start3A_251 = arith.constant 0 : i32
          %dma_start3A_252 = tpu.memref_slice %arg2[%dma_start3A_251, %mul3A_248] : memref<64x1000000xf32, #tpu.memory_space<hbm>> -> memref<64x256xf32, #tpu.memory_space<hbm>>
          tpu.enqueue_dma source(%dma_start3A_252 : memref<64x256xf32, #tpu.memory_space<hbm>>) target(%arg5 : memref<64x256xf32, #tpu.memory_space<vmem>>) target_semaphore(%arg10 : memref<!tpu.dma_semaphore, #tpu.memory_space<semaphore_mem>>)
        } else {
        }
      } else {
      }
      %scan3A_219 = arith.constant 0 : i32
      scf.yield %scan3A_219 : i32
    }
    %scan3A_180 = arith.constant 63 : i32
    %eq3A = arith.constant 31 : i32
    %eq3A_181 = arith.cmpi eq, %add3A, %eq3A : i32
    %convert_element_type3A_182 = arith.extui %eq3A_181 : i1 to i32
    %cond3A_183 = arith.constant 0 : i32
    %cond3A_184 = arith.cmpi ne, %convert_element_type3A_182, %cond3A_183 : i32
    scf.if %cond3A_184 {
      %dma_start3A = arith.constant 0 : i32
      %dma_start3A_185 = arith.constant 999936 : i32
      %dma_start3A_186 = tpu.memref_slice %arg2[%dma_start3A, %dma_start3A_185] : memref<64x1000000xf32, #tpu.memory_space<hbm>> -> memref<64x64xf32, #tpu.memory_space<hbm>>
      %dma_start3A_187 = arith.constant 0 : i32
      %dma_start3A_188 = arith.constant 999936 : i32
      %dma_start3A_189 = tpu.memref_slice %arg2[%dma_start3A_187, %dma_start3A_188] : memref<64x1000000xf32, #tpu.memory_space<hbm>> -> memref<64x64xf32, #tpu.memory_space<hbm>>
      tpu.enqueue_dma source(%dma_start3A_189 : memref<64x64xf32, #tpu.memory_space<hbm>>) target(%arg8 : memref<64x64xf32, #tpu.memory_space<vmem>>) target_semaphore(%arg9 : memref<!tpu.dma_semaphore, #tpu.memory_space<semaphore_mem>>)
      %dma_wait3A = arith.constant 0 : i32
      %dma_wait3A_190 = arith.constant 999936 : i32
      %dma_wait3A_191 = tpu.memref_slice %arg2[%dma_wait3A, %dma_wait3A_190] : memref<64x1000000xf32, #tpu.memory_space<hbm>> -> memref<64x64xf32, #tpu.memory_space<hbm>>
      %dma_wait3A_192 = arith.constant 0 : i32
      %dma_wait3A_193 = arith.constant 999936 : i32
      %dma_wait3A_194 = tpu.memref_slice %arg2[%dma_wait3A_192, %dma_wait3A_193] : memref<64x1000000xf32, #tpu.memory_space<hbm>> -> memref<64x64xf32, #tpu.memory_space<hbm>>
      tpu.wait_dma2 semaphore(%arg9 : memref<!tpu.dma_semaphore, #tpu.memory_space<semaphore_mem>>) src(%dma_wait3A_194 : memref<64x64xf32, #tpu.memory_space<hbm>>) dst(%arg8 : memref<64x64xf32, #tpu.memory_space<vmem>>)
      %scan3A_195 = arith.constant 0 : i32
      %scan3A_196 = arith.constant 0 : i32
      %scan3A_197 = arith.constant 4 : i32
      %scan3A_198 = arith.addi %scan3A_196, %scan3A_197 : i32
      %scan3A_199 = arith.constant 1 : i32
      %scan3A_200 = scf.for %scan3A_218 = %scan3A_196 to %scan3A_198 step %scan3A_199 iter_args(%scan3A_219 = %scan3A_195) -> (i32)  : i32 {
        %mul3A_220 = arith.constant 16 : i32
        %mul3A_221 = arith.muli %scan3A_218, %mul3A_220 : i32
        %scan3A_222 = arith.constant 0 : i32
        %scan3A_223 = arith.constant 0 : i32
        %scan3A_224 = arith.constant 4 : i32
        %scan3A_225 = arith.addi %scan3A_223, %scan3A_224 : i32
        %scan3A_226 = arith.constant 1 : i32
        %scan3A_227 = scf.for %scan3A_230 = %scan3A_223 to %scan3A_225 step %scan3A_226 iter_args(%scan3A_231 = %scan3A_222) -> (i32)  : i32 {
          %mul3A_232 = arith.constant 16 : i32
          %mul3A_233 = arith.muli %scan3A_230, %mul3A_232 : i32
          %mul3A_234 = arith.constant 64 : i32
          %mul3A_235 = arith.muli %mul3A_233, %mul3A_234 : i32
          %add3A_236 = arith.addi %mul3A_235, %mul3A_221 : i32
          %add3A_237 = vector.broadcast %mul3A_221 : i32 to vector<16xi32>
          %add3A_238 = arith.addi %add3A_237, %and3A_12 : vector<16xi32>
          %add3A_239 = vector.broadcast %mul3A_233 : i32 to vector<16xi32>
          %add3A_240 = arith.addi %add3A_239, %iota3A : vector<16xi32>
          %gather3A = tpu.vector_load_idx %arg8[%add3A_238, %add3A_240] : memref<64x64xf32, #tpu.memory_space<vmem>>[vector<16xi32>, vector<16xi32>], vector<16xf32>,
          %add3A_241 = vector.broadcast %add3A_236 : i32 to vector<16xi32>
          %add3A_242 = arith.addi %add3A_241, %add3A_106 : vector<16xi32>
          tpu.vector_store_idx %arg6[%add3A_242], %gather3A : memref<16384xf32, #tpu.memory_space<vmem>>[vector<16xi32>], vector<16xf32>,
          %add3A_243 = vector.broadcast %mul3A_221 : i32 to vector<16xi32>
          %add3A_244 = arith.addi %add3A_243, %and3A_18 : vector<16xi32>
          %add3A_245 = vector.broadcast %mul3A_233 : i32 to vector<16xi32>
          %add3A_246 = arith.addi %add3A_245, %iota3A : vector<16xi32>
          %gather3A_247 = tpu.vector_load_idx %arg8[%add3A_244, %add3A_246] : memref<64x64xf32, #tpu.memory_space<vmem>>[vector<16xi32>, vector<16xi32>], vector<16xf32>,
          %add3A_248 = vector.broadcast %add3A_236 : i32 to vector<16xi32>
          %add3A_249 = arith.addi %add3A_248, %add3A_110 : vector<16xi32>
          tpu.vector_store_idx %arg6[%add3A_249], %gather3A_247 : memref<16384xf32, #tpu.memory_space<vmem>>[vector<16xi32>], vector<16xf32>,
          %add3A_250 = vector.broadcast %mul3A_221 : i32 to vector<16xi32>
          %add3A_251 = arith.addi %add3A_250, %and3A_24 : vector<16xi32>
          %add3A_252 = vector.broadcast %mul3A_233 : i32 to vector<16xi32>
          %add3A_253 = arith.addi %add3A_252, %iota3A : vector<16xi32>
          %gather3A_254 = tpu.vector_load_idx %arg8[%add3A_251, %add3A_253] : memref<64x64xf32, #tpu.memory_space<vmem>>[vector<16xi32>, vector<16xi32>], vector<16xf32>,
          %add3A_255 = vector.broadcast %add3A_236 : i32 to vector<16xi32>
          %add3A_256 = arith.addi %add3A_255, %add3A_114 : vector<16xi32>
          tpu.vector_store_idx %arg6[%add3A_256], %gather3A_254 : memref<16384xf32, #tpu.memory_space<vmem>>[vector<16xi32>], vector<16xf32>,
          %add3A_257 = vector.broadcast %mul3A_221 : i32 to vector<16xi32>
          %add3A_258 = arith.addi %add3A_257, %and3A_30 : vector<16xi32>
          %add3A_259 = vector.broadcast %mul3A_233 : i32 to vector<16xi32>
          %add3A_260 = arith.addi %add3A_259, %iota3A : vector<16xi32>
          %gather3A_261 = tpu.vector_load_idx %arg8[%add3A_258, %add3A_260] : memref<64x64xf32, #tpu.memory_space<vmem>>[vector<16xi32>, vector<16xi32>], vector<16xf32>,
          %add3A_262 = vector.broadcast %add3A_236 : i32 to vector<16xi32>
          %add3A_263 = arith.addi %add3A_262, %add3A_118 : vector<16xi32>
          tpu.vector_store_idx %arg6[%add3A_263], %gather3A_261 : memref<16384xf32, #tpu.memory_space<vmem>>[vector<16xi32>], vector<16xf32>,
          %add3A_264 = vector.broadcast %mul3A_221 : i32 to vector<16xi32>
          %add3A_265 = arith.addi %add3A_264, %and3A_36 : vector<16xi32>
          %add3A_266 = vector.broadcast %mul3A_233 : i32 to vector<16xi32>
          %add3A_267 = arith.addi %add3A_266, %iota3A : vector<16xi32>
          %gather3A_268 = tpu.vector_load_idx %arg8[%add3A_265, %add3A_267] : memref<64x64xf32, #tpu.memory_space<vmem>>[vector<16xi32>, vector<16xi32>], vector<16xf32>,
          %add3A_269 = vector.broadcast %add3A_236 : i32 to vector<16xi32>
          %add3A_270 = arith.addi %add3A_269, %add3A_122 : vector<16xi32>
          tpu.vector_store_idx %arg6[%add3A_270], %gather3A_268 : memref<16384xf32, #tpu.memory_space<vmem>>[vector<16xi32>], vector<16xf32>,
          %add3A_271 = vector.broadcast %mul3A_221 : i32 to vector<16xi32>
          %add3A_272 = arith.addi %add3A_271, %and3A_42 : vector<16xi32>
          %add3A_273 = vector.broadcast %mul3A_233 : i32 to vector<16xi32>
          %add3A_274 = arith.addi %add3A_273, %iota3A : vector<16xi32>
          %gather3A_275 = tpu.vector_load_idx %arg8[%add3A_272, %add3A_274] : memref<64x64xf32, #tpu.memory_space<vmem>>[vector<16xi32>, vector<16xi32>], vector<16xf32>,
          %add3A_276 = vector.broadcast %add3A_236 : i32 to vector<16xi32>
          %add3A_277 = arith.addi %add3A_276, %add3A_126 : vector<16xi32>
          tpu.vector_store_idx %arg6[%add3A_277], %gather3A_275 : memref<16384xf32, #tpu.memory_space<vmem>>[vector<16xi32>], vector<16xf32>,
          %add3A_278 = vector.broadcast %mul3A_221 : i32 to vector<16xi32>
          %add3A_279 = arith.addi %add3A_278, %and3A_48 : vector<16xi32>
          %add3A_280 = vector.broadcast %mul3A_233 : i32 to vector<16xi32>
          %add3A_281 = arith.addi %add3A_280, %iota3A : vector<16xi32>
          %gather3A_282 = tpu.vector_load_idx %arg8[%add3A_279, %add3A_281] : memref<64x64xf32, #tpu.memory_space<vmem>>[vector<16xi32>, vector<16xi32>], vector<16xf32>,
          %add3A_283 = vector.broadcast %add3A_236 : i32 to vector<16xi32>
          %add3A_284 = arith.addi %add3A_283, %add3A_130 : vector<16xi32>
          tpu.vector_store_idx %arg6[%add3A_284], %gather3A_282 : memref<16384xf32, #tpu.memory_space<vmem>>[vector<16xi32>], vector<16xf32>,
          %add3A_285 = vector.broadcast %mul3A_221 : i32 to vector<16xi32>
          %add3A_286 = arith.addi %add3A_285, %and3A_54 : vector<16xi32>
          %add3A_287 = vector.broadcast %mul3A_233 : i32 to vector<16xi32>
          %add3A_288 = arith.addi %add3A_287, %iota3A : vector<16xi32>
          %gather3A_289 = tpu.vector_load_idx %arg8[%add3A_286, %add3A_288] : memref<64x64xf32, #tpu.memory_space<vmem>>[vector<16xi32>, vector<16xi32>], vector<16xf32>,
          %add3A_290 = vector.broadcast %add3A_236 : i32 to vector<16xi32>
          %add3A_291 = arith.addi %add3A_290, %add3A_134 : vector<16xi32>
          tpu.vector_store_idx %arg6[%add3A_291], %gather3A_289 : memref<16384xf32, #tpu.memory_space<vmem>>[vector<16xi32>], vector<16xf32>,
          %add3A_292 = vector.broadcast %mul3A_221 : i32 to vector<16xi32>
          %add3A_293 = arith.addi %add3A_292, %and3A_60 : vector<16xi32>
          %add3A_294 = vector.broadcast %mul3A_233 : i32 to vector<16xi32>
          %add3A_295 = arith.addi %add3A_294, %iota3A : vector<16xi32>
          %gather3A_296 = tpu.vector_load_idx %arg8[%add3A_293, %add3A_295] : memref<64x64xf32, #tpu.memory_space<vmem>>[vector<16xi32>, vector<16xi32>], vector<16xf32>,
          %add3A_297 = vector.broadcast %add3A_236 : i32 to vector<16xi32>
          %add3A_298 = arith.addi %add3A_297, %add3A_138 : vector<16xi32>
          tpu.vector_store_idx %arg6[%add3A_298], %gather3A_296 : memref<16384xf32, #tpu.memory_space<vmem>>[vector<16xi32>], vector<16xf32>,
          %add3A_299 = vector.broadcast %mul3A_221 : i32 to vector<16xi32>
          %add3A_300 = arith.addi %add3A_299, %and3A_66 : vector<16xi32>
          %add3A_301 = vector.broadcast %mul3A_233 : i32 to vector<16xi32>
          %add3A_302 = arith.addi %add3A_301, %iota3A : vector<16xi32>
          %gather3A_303 = tpu.vector_load_idx %arg8[%add3A_300, %add3A_302] : memref<64x64xf32, #tpu.memory_space<vmem>>[vector<16xi32>, vector<16xi32>], vector<16xf32>,
          %add3A_304 = vector.broadcast %add3A_236 : i32 to vector<16xi32>
          %add3A_305 = arith.addi %add3A_304, %add3A_142 : vector<16xi32>
          tpu.vector_store_idx %arg6[%add3A_305], %gather3A_303 : memref<16384xf32, #tpu.memory_space<vmem>>[vector<16xi32>], vector<16xf32>,
          %add3A_306 = vector.broadcast %mul3A_221 : i32 to vector<16xi32>
          %add3A_307 = arith.addi %add3A_306, %and3A_72 : vector<16xi32>
          %add3A_308 = vector.broadcast %mul3A_233 : i32 to vector<16xi32>
          %add3A_309 = arith.addi %add3A_308, %iota3A : vector<16xi32>
          %gather3A_310 = tpu.vector_load_idx %arg8[%add3A_307, %add3A_309] : memref<64x64xf32, #tpu.memory_space<vmem>>[vector<16xi32>, vector<16xi32>], vector<16xf32>,
          %add3A_311 = vector.broadcast %add3A_236 : i32 to vector<16xi32>
          %add3A_312 = arith.addi %add3A_311, %add3A_146 : vector<16xi32>
          tpu.vector_store_idx %arg6[%add3A_312], %gather3A_310 : memref<16384xf32, #tpu.memory_space<vmem>>[vector<16xi32>], vector<16xf32>,
          %add3A_313 = vector.broadcast %mul3A_221 : i32 to vector<16xi32>
          %add3A_314 = arith.addi %add3A_313, %and3A_78 : vector<16xi32>
          %add3A_315 = vector.broadcast %mul3A_233 : i32 to vector<16xi32>
          %add3A_316 = arith.addi %add3A_315, %iota3A : vector<16xi32>
          %gather3A_317 = tpu.vector_load_idx %arg8[%add3A_314, %add3A_316] : memref<64x64xf32, #tpu.memory_space<vmem>>[vector<16xi32>, vector<16xi32>], vector<16xf32>,
          %add3A_318 = vector.broadcast %add3A_236 : i32 to vector<16xi32>
          %add3A_319 = arith.addi %add3A_318, %add3A_150 : vector<16xi32>
          tpu.vector_store_idx %arg6[%add3A_319], %gather3A_317 : memref<16384xf32, #tpu.memory_space<vmem>>[vector<16xi32>], vector<16xf32>,
          %add3A_320 = vector.broadcast %mul3A_221 : i32 to vector<16xi32>
          %add3A_321 = arith.addi %add3A_320, %and3A_84 : vector<16xi32>
          %add3A_322 = vector.broadcast %mul3A_233 : i32 to vector<16xi32>
          %add3A_323 = arith.addi %add3A_322, %iota3A : vector<16xi32>
          %gather3A_324 = tpu.vector_load_idx %arg8[%add3A_321, %add3A_323] : memref<64x64xf32, #tpu.memory_space<vmem>>[vector<16xi32>, vector<16xi32>], vector<16xf32>,
          %add3A_325 = vector.broadcast %add3A_236 : i32 to vector<16xi32>
          %add3A_326 = arith.addi %add3A_325, %add3A_154 : vector<16xi32>
          tpu.vector_store_idx %arg6[%add3A_326], %gather3A_324 : memref<16384xf32, #tpu.memory_space<vmem>>[vector<16xi32>], vector<16xf32>,
          %add3A_327 = vector.broadcast %mul3A_221 : i32 to vector<16xi32>
          %add3A_328 = arith.addi %add3A_327, %and3A_90 : vector<16xi32>
          %add3A_329 = vector.broadcast %mul3A_233 : i32 to vector<16xi32>
          %add3A_330 = arith.addi %add3A_329, %iota3A : vector<16xi32>
          %gather3A_331 = tpu.vector_load_idx %arg8[%add3A_328, %add3A_330] : memref<64x64xf32, #tpu.memory_space<vmem>>[vector<16xi32>, vector<16xi32>], vector<16xf32>,
          %add3A_332 = vector.broadcast %add3A_236 : i32 to vector<16xi32>
          %add3A_333 = arith.addi %add3A_332, %add3A_158 : vector<16xi32>
          tpu.vector_store_idx %arg6[%add3A_333], %gather3A_331 : memref<16384xf32, #tpu.memory_space<vmem>>[vector<16xi32>], vector<16xf32>,
          %add3A_334 = vector.broadcast %mul3A_221 : i32 to vector<16xi32>
          %add3A_335 = arith.addi %add3A_334, %and3A_96 : vector<16xi32>
          %add3A_336 = vector.broadcast %mul3A_233 : i32 to vector<16xi32>
          %add3A_337 = arith.addi %add3A_336, %iota3A : vector<16xi32>
          %gather3A_338 = tpu.vector_load_idx %arg8[%add3A_335, %add3A_337] : memref<64x64xf32, #tpu.memory_space<vmem>>[vector<16xi32>, vector<16xi32>], vector<16xf32>,
          %add3A_339 = vector.broadcast %add3A_236 : i32 to vector<16xi32>
          %add3A_340 = arith.addi %add3A_339, %add3A_162 : vector<16xi32>
          tpu.vector_store_idx %arg6[%add3A_340], %gather3A_338 : memref<16384xf32, #tpu.memory_space<vmem>>[vector<16xi32>], vector<16xf32>,
          %add3A_341 = vector.broadcast %mul3A_221 : i32 to vector<16xi32>
          %add3A_342 = arith.addi %add3A_341, %and3A_102 : vector<16xi32>
          %add3A_343 = vector.broadcast %mul3A_233 : i32 to vector<16xi32>
          %add3A_344 = arith.addi %add3A_343, %iota3A : vector<16xi32>
          %gather3A_345 = tpu.vector_load_idx %arg8[%add3A_342, %add3A_344] : memref<64x64xf32, #tpu.memory_space<vmem>>[vector<16xi32>, vector<16xi32>], vector<16xf32>,
          %add3A_346 = vector.broadcast %add3A_236 : i32 to vector<16xi32>
          %add3A_347 = arith.addi %add3A_346, %add3A_166 : vector<16xi32>
          tpu.vector_store_idx %arg6[%add3A_347], %gather3A_345 : memref<16384xf32, #tpu.memory_space<vmem>>[vector<16xi32>], vector<16xf32>,
          %scan3A_348 = arith.constant 0 : i32
          scf.yield %scan3A_348 : i32
        }
        %scan3A_228 = arith.constant 4 : i32
        %scan3A_229 = arith.constant 0 : i32
        scf.yield %scan3A_229 : i32
      }
      %scan3A_201 = arith.constant 4 : i32
      %dma_start3A_202 = arith.constant 0 : i32
      %dma_start3A_203 = tpu.memref_slice %arg6[%dma_start3A_202] : memref<16384xf32, #tpu.memory_space<vmem>> -> memref<4096xf32, #tpu.memory_space<vmem>>
      %dma_start3A_204 = arith.constant 63995904 : i32
      %dma_start3A_205 = tpu.memref_slice %arg3[%dma_start3A_204] : memref<64000000xf32, #tpu.memory_space<hbm>> -> memref<4096xf32, #tpu.memory_space<hbm>>
      %dma_start3A_206 = arith.constant 63995904 : i32
      %dma_start3A_207 = tpu.memref_slice %arg3[%dma_start3A_206] : memref<64000000xf32, #tpu.memory_space<hbm>> -> memref<4096xf32, #tpu.memory_space<hbm>>
      %dma_start3A_208 = arith.constant 0 : i32
      %dma_start3A_209 = tpu.memref_slice %arg6[%dma_start3A_208] : memref<16384xf32, #tpu.memory_space<vmem>> -> memref<4096xf32, #tpu.memory_space<vmem>>
      tpu.enqueue_dma source(%dma_start3A_209 : memref<4096xf32, #tpu.memory_space<vmem>>) target(%dma_start3A_207 : memref<4096xf32, #tpu.memory_space<hbm>>) target_semaphore(%arg11 : memref<!tpu.dma_semaphore, #tpu.memory_space<semaphore_mem>>)
      %dma_wait3A_210 = arith.constant 0 : i32
      %dma_wait3A_211 = tpu.memref_slice %arg6[%dma_wait3A_210] : memref<16384xf32, #tpu.memory_space<vmem>> -> memref<4096xf32, #tpu.memory_space<vmem>>
      %dma_wait3A_212 = arith.constant 63995904 : i32
      %dma_wait3A_213 = tpu.memref_slice %arg3[%dma_wait3A_212] : memref<64000000xf32, #tpu.memory_space<hbm>> -> memref<4096xf32, #tpu.memory_space<hbm>>
      %dma_wait3A_214 = arith.constant 63995904 : i32
      %dma_wait3A_215 = tpu.memref_slice %arg3[%dma_wait3A_214] : memref<64000000xf32, #tpu.memory_space<hbm>> -> memref<4096xf32, #tpu.memory_space<hbm>>
      %dma_wait3A_216 = arith.constant 0 : i32
      %dma_wait3A_217 = tpu.memref_slice %arg6[%dma_wait3A_216] : memref<16384xf32, #tpu.memory_space<vmem>> -> memref<4096xf32, #tpu.memory_space<vmem>>
      tpu.wait_dma2 semaphore(%arg11 : memref<!tpu.dma_semaphore, #tpu.memory_space<semaphore_mem>>) src(%dma_wait3A_217 : memref<4096xf32, #tpu.memory_space<vmem>>) dst(%dma_wait3A_215 : memref<4096xf32, #tpu.memory_space<hbm>>)
    } else {
    }
    return
  }
}

#map = affine_map<(d0, d1) -> (0, 0)>
#map1 = affine_map<(d0, d1) -> (0)>
module attributes {stable_mosaic.version = 14 : i64} {
  func.func @_sc_body(%arg0: i32, %arg1: i32, %arg2: memref<1000000x64xf32, #tpu.memory_space<hbm>>, %arg3: memref<819200xi32, #tpu.memory_space<hbm>>, %arg4: memref<4096x128xf32, #tpu.memory_space<hbm>>, %arg5: memref<800xi32, #tpu.memory_space<vmem>>, %arg6: memref<800xi32, #tpu.memory_space<vmem>>, %arg7: memref<800x64xf32, #tpu.memory_space<vmem>>, %arg8: memref<800x64xf32, #tpu.memory_space<vmem>>, %arg9: memref<4x128xf32, #tpu.memory_space<vmem>>, %arg10: memref<4x128xf32, #tpu.memory_space<vmem>>, %arg11: memref<!tpu.dma_semaphore, #tpu.memory_space<semaphore_mem>>, %arg12: memref<!tpu.dma_semaphore, #tpu.memory_space<semaphore_mem>>, %arg13: memref<!tpu.dma_semaphore, #tpu.memory_space<semaphore_mem>>, %arg14: memref<!tpu.dma_semaphore, #tpu.memory_space<semaphore_mem>>, %arg15: memref<!tpu.dma_semaphore, #tpu.memory_space<semaphore_mem>>, %arg16: memref<!tpu.dma_semaphore, #tpu.memory_space<semaphore_mem>>) attributes {dimension_semantics = [#tpu.dimension_semantics<core_parallel>, #tpu.dimension_semantics<subcore_parallel>], iteration_bounds = array<i64: 2, 16>, scalar_prefetch = 0 : i64, scratch_operands = 12 : i64, tpu.core_type = #tpu.core_type<sc_vector_subcore>, window_params = [{transform_indices = #map}, {transform_indices = #map1}, {transform_indices = #map}]} {
    %mul3A = arith.constant 2 : i32
    %mul3A_0 = arith.muli %arg1, %mul3A : i32
    %add3A = arith.addi %mul3A_0, %arg0 : i32
    %mul3A_1 = arith.constant 128 : i32
    %mul3A_2 = arith.muli %add3A, %mul3A_1 : i32
    %mul3A_3 = arith.constant 200 : i32
    %mul3A_4 = arith.muli %mul3A_2, %mul3A_3 : i32
    %add3A_5 = arith.constant 0 : i32
    %add3A_6 = arith.addi %mul3A_4, %add3A_5 : i32
    %dma_start3A = tpu.memref_slice %arg3[%add3A_6] : memref<819200xi32, #tpu.memory_space<hbm>> -> memref<800xi32, #tpu.memory_space<hbm>>
    %dma_start3A_7 = tpu.memref_slice %arg3[%add3A_6] : memref<819200xi32, #tpu.memory_space<hbm>> -> memref<800xi32, #tpu.memory_space<hbm>>
    tpu.enqueue_dma source(%dma_start3A_7 : memref<800xi32, #tpu.memory_space<hbm>>) target(%arg5 : memref<800xi32, #tpu.memory_space<vmem>>) target_semaphore(%arg11 : memref<!tpu.dma_semaphore, #tpu.memory_space<semaphore_mem>>)
    %mul3A_8 = arith.constant 200 : i32
    %mul3A_9 = arith.muli %mul3A_2, %mul3A_8 : i32
    %add3A_10 = arith.constant 800 : i32
    %add3A_11 = arith.addi %mul3A_9, %add3A_10 : i32
    %dma_start3A_12 = tpu.memref_slice %arg3[%add3A_11] : memref<819200xi32, #tpu.memory_space<hbm>> -> memref<800xi32, #tpu.memory_space<hbm>>
    %dma_start3A_13 = tpu.memref_slice %arg3[%add3A_11] : memref<819200xi32, #tpu.memory_space<hbm>> -> memref<800xi32, #tpu.memory_space<hbm>>
    tpu.enqueue_dma source(%dma_start3A_13 : memref<800xi32, #tpu.memory_space<hbm>>) target(%arg6 : memref<800xi32, #tpu.memory_space<vmem>>) target_semaphore(%arg12 : memref<!tpu.dma_semaphore, #tpu.memory_space<semaphore_mem>>)
    %dma_wait3A = arith.constant 0 : i32
    %dma_wait3A_14 = tpu.memref_slice %arg3[%dma_wait3A] : memref<819200xi32, #tpu.memory_space<hbm>> -> memref<800xi32, #tpu.memory_space<hbm>>
    %dma_wait3A_15 = arith.constant 0 : i32
    %dma_wait3A_16 = tpu.memref_slice %arg3[%dma_wait3A_15] : memref<819200xi32, #tpu.memory_space<hbm>> -> memref<800xi32, #tpu.memory_space<hbm>>
    tpu.wait_dma2 semaphore(%arg11 : memref<!tpu.dma_semaphore, #tpu.memory_space<semaphore_mem>>) src(%dma_wait3A_16 : memref<800xi32, #tpu.memory_space<hbm>>) dst(%arg5 : memref<800xi32, #tpu.memory_space<vmem>>)
    %dma_start3A_17 = arith.constant 0 : i32
    %dma_start3A_18 = arith.constant 0 : i32
    %dma_start3A_19 = tpu.memref_slice %arg2[%dma_start3A_17, %dma_start3A_18] : memref<1000000x64xf32, #tpu.memory_space<hbm>> -> memref<1000000x64xf32, #tpu.memory_space<hbm>>
    tpu.enqueue_indirect_dma source(%dma_start3A_19 : memref<1000000x64xf32, #tpu.memory_space<hbm>>) target(%arg7 : memref<800x64xf32, #tpu.memory_space<vmem>>) offsets(%arg5 : memref<800xi32, #tpu.memory_space<vmem>>) semaphore(%arg13 : memref<!tpu.dma_semaphore, #tpu.memory_space<semaphore_mem>>)
    %dma_wait3A_20 = arith.constant 0 : i32
    %dma_wait3A_21 = tpu.memref_slice %arg3[%dma_wait3A_20] : memref<819200xi32, #tpu.memory_space<hbm>> -> memref<800xi32, #tpu.memory_space<hbm>>
    %dma_wait3A_22 = arith.constant 0 : i32
    %dma_wait3A_23 = tpu.memref_slice %arg3[%dma_wait3A_22] : memref<819200xi32, #tpu.memory_space<hbm>> -> memref<800xi32, #tpu.memory_space<hbm>>
    tpu.wait_dma2 semaphore(%arg12 : memref<!tpu.dma_semaphore, #tpu.memory_space<semaphore_mem>>) src(%dma_wait3A_23 : memref<800xi32, #tpu.memory_space<hbm>>) dst(%arg6 : memref<800xi32, #tpu.memory_space<vmem>>)
    %dma_start3A_24 = arith.constant 0 : i32
    %dma_start3A_25 = arith.constant 0 : i32
    %dma_start3A_26 = tpu.memref_slice %arg2[%dma_start3A_24, %dma_start3A_25] : memref<1000000x64xf32, #tpu.memory_space<hbm>> -> memref<1000000x64xf32, #tpu.memory_space<hbm>>
    tpu.enqueue_indirect_dma source(%dma_start3A_26 : memref<1000000x64xf32, #tpu.memory_space<hbm>>) target(%arg8 : memref<800x64xf32, #tpu.memory_space<vmem>>) offsets(%arg6 : memref<800xi32, #tpu.memory_space<vmem>>) semaphore(%arg14 : memref<!tpu.dma_semaphore, #tpu.memory_space<semaphore_mem>>)
    %scan3A = arith.constant 0 : i32
    %scan3A_27 = arith.constant 0 : i32
    %scan3A_28 = arith.constant 16 : i32
    %scan3A_29 = arith.addi %scan3A_27, %scan3A_28 : i32
    %scan3A_30 = arith.constant 1 : i32
    %scan3A_31 = scf.for %scan3A_45 = %scan3A_27 to %scan3A_29 step %scan3A_30 iter_args(%scan3A_46 = %scan3A) -> (i32)  : i32 {
      %mul3A_47 = arith.constant 2 : i32
      %mul3A_48 = arith.muli %scan3A_45, %mul3A_47 : i32
      %add3A_49 = arith.constant 0 : i32
      %add3A_50 = arith.addi %mul3A_48, %add3A_49 : i32
      %dma_wait3A_51 = arith.constant 0 : i32
      %dma_wait3A_52 = arith.constant 0 : i32
      %dma_wait3A_53 = tpu.memref_slice %arg2[%dma_wait3A_51, %dma_wait3A_52] : memref<1000000x64xf32, #tpu.memory_space<hbm>> -> memref<1000000x64xf32, #tpu.memory_space<hbm>>
      tpu.wait_indirect_dma semaphore(%arg13 : memref<!tpu.dma_semaphore, #tpu.memory_space<semaphore_mem>>) src(%dma_wait3A_53 : memref<1000000x64xf32, #tpu.memory_space<hbm>>) dst(%arg7 : memref<800x64xf32, #tpu.memory_space<vmem>>)
      %ge3A = arith.constant 2 : i32
      %ge3A_54 = arith.cmpi sge, %add3A_50, %ge3A : i32
      %convert_element_type3A = arith.extui %ge3A_54 : i1 to i32
      %cond3A = arith.constant 0 : i32
      %cond3A_55 = arith.cmpi ne, %convert_element_type3A, %cond3A : i32
      scf.if %cond3A_55 {
        %dma_wait3A_1167 = arith.constant 0 : i32
        %dma_wait3A_1168 = arith.constant 0 : i32
        %dma_wait3A_1169 = tpu.memref_slice %arg4[%dma_wait3A_1167, %dma_wait3A_1168] : memref<4096x128xf32, #tpu.memory_space<hbm>> -> memref<4x128xf32, #tpu.memory_space<hbm>>
        %dma_wait3A_1170 = arith.constant 0 : i32
        %dma_wait3A_1171 = arith.constant 0 : i32
        %dma_wait3A_1172 = tpu.memref_slice %arg4[%dma_wait3A_1170, %dma_wait3A_1171] : memref<4096x128xf32, #tpu.memory_space<hbm>> -> memref<4x128xf32, #tpu.memory_space<hbm>>
        tpu.wait_dma2 semaphore(%arg15 : memref<!tpu.dma_semaphore, #tpu.memory_space<semaphore_mem>>) src(%arg9 : memref<4x128xf32, #tpu.memory_space<vmem>>) dst(%dma_wait3A_1172 : memref<4x128xf32, #tpu.memory_space<hbm>>)
      } else {
      }
      %broadcast_in_dim3A = arith.constant 0 : i32
      %broadcast_in_dim3A_56 = vector.broadcast %broadcast_in_dim3A : i32 to vector<16xi32>
      %iota3A = tpu.iota {dimensions = array<i32: 0>} : vector<16xi32>
      %get3A = arith.constant 0 : index
      %get3A_57 = tpu.vector_load %arg5[%get3A] {strides = array<i32>} : memref<800xi32, #tpu.memory_space<vmem>>, vector<16xi32>,
      %ne3A = arith.constant 0 : i32
      %ne3A_58 = vector.broadcast %ne3A : i32 to vector<16xi32>
      %ne3A_59 = arith.cmpi ne, %get3A_57, %ne3A_58 : vector<16xi32>
      %all_reduce_population_count3A = tpu.all_reduce %ne3A_59 {dim = 0 : i64, kind = #tpu.reduction_kind<sum>} : vector<16xi1> -> vector<16xi32>
      %add3A_60 = arith.addi %broadcast_in_dim3A_56, %all_reduce_population_count3A : vector<16xi32>
      %get3A_61 = arith.constant 16 : index
      %get3A_62 = tpu.vector_load %arg5[%get3A_61] {strides = array<i32>} : memref<800xi32, #tpu.memory_space<vmem>>, vector<16xi32>,
      %ne3A_63 = arith.constant 0 : i32
      %ne3A_64 = vector.broadcast %ne3A_63 : i32 to vector<16xi32>
      %ne3A_65 = arith.cmpi ne, %get3A_62, %ne3A_64 : vector<16xi32>
      %all_reduce_population_count3A_66 = tpu.all_reduce %ne3A_65 {dim = 0 : i64, kind = #tpu.reduction_kind<sum>} : vector<16xi1> -> vector<16xi32>
      %add3A_67 = arith.addi %add3A_60, %all_reduce_population_count3A_66 : vector<16xi32>
      %get3A_68 = arith.constant 32 : index
      %get3A_69 = tpu.vector_load %arg5[%get3A_68] {strides = array<i32>} : memref<800xi32, #tpu.memory_space<vmem>>, vector<16xi32>,
      %ne3A_70 = arith.constant 0 : i32
      %ne3A_71 = vector.broadcast %ne3A_70 : i32 to vector<16xi32>
      %ne3A_72 = arith.cmpi ne, %get3A_69, %ne3A_71 : vector<16xi32>
      %all_reduce_population_count3A_73 = tpu.all_reduce %ne3A_72 {dim = 0 : i64, kind = #tpu.reduction_kind<sum>} : vector<16xi1> -> vector<16xi32>
      %add3A_74 = arith.addi %add3A_67, %all_reduce_population_count3A_73 : vector<16xi32>
      %get3A_75 = arith.constant 48 : index
      %get3A_76 = tpu.vector_load %arg5[%get3A_75] {strides = array<i32>} : memref<800xi32, #tpu.memory_space<vmem>>, vector<16xi32>,
      %ne3A_77 = arith.constant 0 : i32
      %ne3A_78 = vector.broadcast %ne3A_77 : i32 to vector<16xi32>
      %ne3A_79 = arith.cmpi ne, %get3A_76, %ne3A_78 : vector<16xi32>
      %all_reduce_population_count3A_80 = tpu.all_reduce %ne3A_79 {dim = 0 : i64, kind = #tpu.reduction_kind<sum>} : vector<16xi1> -> vector<16xi32>
      %add3A_81 = arith.addi %add3A_74, %all_reduce_population_count3A_80 : vector<16xi32>
      %get3A_82 = arith.constant 64 : index
      %get3A_83 = tpu.vector_load %arg5[%get3A_82] {strides = array<i32>} : memref<800xi32, #tpu.memory_space<vmem>>, vector<16xi32>,
      %ne3A_84 = arith.constant 0 : i32
      %ne3A_85 = vector.broadcast %ne3A_84 : i32 to vector<16xi32>
      %ne3A_86 = arith.cmpi ne, %get3A_83, %ne3A_85 : vector<16xi32>
      %all_reduce_population_count3A_87 = tpu.all_reduce %ne3A_86 {dim = 0 : i64, kind = #tpu.reduction_kind<sum>} : vector<16xi1> -> vector<16xi32>
      %add3A_88 = arith.addi %add3A_81, %all_reduce_population_count3A_87 : vector<16xi32>
      %get3A_89 = arith.constant 80 : index
      %get3A_90 = tpu.vector_load %arg5[%get3A_89] {strides = array<i32>} : memref<800xi32, #tpu.memory_space<vmem>>, vector<16xi32>,
      %ne3A_91 = arith.constant 0 : i32
      %ne3A_92 = vector.broadcast %ne3A_91 : i32 to vector<16xi32>
      %ne3A_93 = arith.cmpi ne, %get3A_90, %ne3A_92 : vector<16xi32>
      %all_reduce_population_count3A_94 = tpu.all_reduce %ne3A_93 {dim = 0 : i64, kind = #tpu.reduction_kind<sum>} : vector<16xi1> -> vector<16xi32>
      %add3A_95 = arith.addi %add3A_88, %all_reduce_population_count3A_94 : vector<16xi32>
      %get3A_96 = arith.constant 96 : index
      %get3A_97 = tpu.vector_load %arg5[%get3A_96] {strides = array<i32>} : memref<800xi32, #tpu.memory_space<vmem>>, vector<16xi32>,
      %ne3A_98 = arith.constant 0 : i32
      %ne3A_99 = vector.broadcast %ne3A_98 : i32 to vector<16xi32>
      %ne3A_100 = arith.cmpi ne, %get3A_97, %ne3A_99 : vector<16xi32>
      %all_reduce_population_count3A_101 = tpu.all_reduce %ne3A_100 {dim = 0 : i64, kind = #tpu.reduction_kind<sum>} : vector<16xi1> -> vector<16xi32>
      %add3A_102 = arith.addi %add3A_95, %all_reduce_population_count3A_101 : vector<16xi32>
      %get3A_103 = arith.constant 112 : index
      %get3A_104 = tpu.vector_load %arg5[%get3A_103] {strides = array<i32>} : memref<800xi32, #tpu.memory_space<vmem>>, vector<16xi32>,
      %ne3A_105 = arith.constant 0 : i32
      %ne3A_106 = vector.broadcast %ne3A_105 : i32 to vector<16xi32>
      %ne3A_107 = arith.cmpi ne, %get3A_104, %ne3A_106 : vector<16xi32>
      %all_reduce_population_count3A_108 = tpu.all_reduce %ne3A_107 {dim = 0 : i64, kind = #tpu.reduction_kind<sum>} : vector<16xi1> -> vector<16xi32>
      %add3A_109 = arith.addi %add3A_102, %all_reduce_population_count3A_108 : vector<16xi32>
      %get3A_110 = arith.constant 128 : index
      %get3A_111 = tpu.vector_load %arg5[%get3A_110] {strides = array<i32>} : memref<800xi32, #tpu.memory_space<vmem>>, vector<16xi32>,
      %ne3A_112 = arith.constant 0 : i32
      %ne3A_113 = vector.broadcast %ne3A_112 : i32 to vector<16xi32>
      %ne3A_114 = arith.cmpi ne, %get3A_111, %ne3A_113 : vector<16xi32>
      %all_reduce_population_count3A_115 = tpu.all_reduce %ne3A_114 {dim = 0 : i64, kind = #tpu.reduction_kind<sum>} : vector<16xi1> -> vector<16xi32>
      %add3A_116 = arith.addi %add3A_109, %all_reduce_population_count3A_115 : vector<16xi32>
      %get3A_117 = arith.constant 144 : index
      %get3A_118 = tpu.vector_load %arg5[%get3A_117] {strides = array<i32>} : memref<800xi32, #tpu.memory_space<vmem>>, vector<16xi32>,
      %ne3A_119 = arith.constant 0 : i32
      %ne3A_120 = vector.broadcast %ne3A_119 : i32 to vector<16xi32>
      %ne3A_121 = arith.cmpi ne, %get3A_118, %ne3A_120 : vector<16xi32>
      %all_reduce_population_count3A_122 = tpu.all_reduce %ne3A_121 {dim = 0 : i64, kind = #tpu.reduction_kind<sum>} : vector<16xi1> -> vector<16xi32>
      %add3A_123 = arith.addi %add3A_116, %all_reduce_population_count3A_122 : vector<16xi32>
      %get3A_124 = arith.constant 160 : index
      %get3A_125 = tpu.vector_load %arg5[%get3A_124] {strides = array<i32>} : memref<800xi32, #tpu.memory_space<vmem>>, vector<16xi32>,
      %ne3A_126 = arith.constant 0 : i32
      %ne3A_127 = vector.broadcast %ne3A_126 : i32 to vector<16xi32>
      %ne3A_128 = arith.cmpi ne, %get3A_125, %ne3A_127 : vector<16xi32>
      %all_reduce_population_count3A_129 = tpu.all_reduce %ne3A_128 {dim = 0 : i64, kind = #tpu.reduction_kind<sum>} : vector<16xi1> -> vector<16xi32>
      %add3A_130 = arith.addi %add3A_123, %all_reduce_population_count3A_129 : vector<16xi32>
      %get3A_131 = arith.constant 176 : index
      %get3A_132 = tpu.vector_load %arg5[%get3A_131] {strides = array<i32>} : memref<800xi32, #tpu.memory_space<vmem>>, vector<16xi32>,
      %ne3A_133 = arith.constant 0 : i32
      %ne3A_134 = vector.broadcast %ne3A_133 : i32 to vector<16xi32>
      %ne3A_135 = arith.cmpi ne, %get3A_132, %ne3A_134 : vector<16xi32>
      %all_reduce_population_count3A_136 = tpu.all_reduce %ne3A_135 {dim = 0 : i64, kind = #tpu.reduction_kind<sum>} : vector<16xi1> -> vector<16xi32>
      %add3A_137 = arith.addi %add3A_130, %all_reduce_population_count3A_136 : vector<16xi32>
      %get3A_138 = arith.constant 184 : index
      %get3A_139 = tpu.vector_load %arg5[%get3A_138] {strides = array<i32>} : memref<800xi32, #tpu.memory_space<vmem>>, vector<16xi32>,
      %ne3A_140 = arith.constant 0 : i32
      %ne3A_141 = vector.broadcast %ne3A_140 : i32 to vector<16xi32>
      %ne3A_142 = arith.cmpi ne, %get3A_139, %ne3A_141 : vector<16xi32>
      %ge3A_143 = arith.constant 8 : i32
      %ge3A_144 = vector.broadcast %ge3A_143 : i32 to vector<16xi32>
      %ge3A_145 = arith.cmpi sge, %iota3A, %ge3A_144 : vector<16xi32>
      %and3A = arith.andi %ne3A_142, %ge3A_145 : vector<16xi1>
      %all_reduce_population_count3A_146 = tpu.all_reduce %and3A {dim = 0 : i64, kind = #tpu.reduction_kind<sum>} : vector<16xi1> -> vector<16xi32>
      %add3A_147 = arith.addi %add3A_137, %all_reduce_population_count3A_146 : vector<16xi32>
      %convert_element_type3A_148 = arith.sitofp %add3A_147 : vector<16xi32> to vector<16xf32>
      %swap3A = arith.constant 0 : i32
      %swap3A_149 = arith.index_cast %swap3A : i32 to index
      %swap3A_150 = arith.constant 64 : index
      %swap3A_151 = tpu.vector_load %arg9[%swap3A_149, %swap3A_150] {strides = array<i32>} : memref<4x128xf32, #tpu.memory_space<vmem>>, vector<16xf32>,
      tpu.vector_store %arg9[%swap3A_149, %swap3A_150], %convert_element_type3A_148 {strides = array<i32>} : memref<4x128xf32, #tpu.memory_space<vmem>>, vector<16xf32>,
      %broadcast_in_dim3A_152 = arith.constant 0 : i32
      %broadcast_in_dim3A_153 = vector.broadcast %broadcast_in_dim3A_152 : i32 to vector<16xi32>
      %iota3A_154 = tpu.iota {dimensions = array<i32: 0>} : vector<16xi32>
      %get3A_155 = arith.constant 200 : index
      %get3A_156 = tpu.vector_load %arg5[%get3A_155] {strides = array<i32>} : memref<800xi32, #tpu.memory_space<vmem>>, vector<16xi32>,
      %ne3A_157 = arith.constant 0 : i32
      %ne3A_158 = vector.broadcast %ne3A_157 : i32 to vector<16xi32>
      %ne3A_159 = arith.cmpi ne, %get3A_156, %ne3A_158 : vector<16xi32>
      %all_reduce_population_count3A_160 = tpu.all_reduce %ne3A_159 {dim = 0 : i64, kind = #tpu.reduction_kind<sum>} : vector<16xi1> -> vector<16xi32>
      %add3A_161 = arith.addi %broadcast_in_dim3A_153, %all_reduce_population_count3A_160 : vector<16xi32>
      %get3A_162 = arith.constant 216 : index
      %get3A_163 = tpu.vector_load %arg5[%get3A_162] {strides = array<i32>} : memref<800xi32, #tpu.memory_space<vmem>>, vector<16xi32>,
      %ne3A_164 = arith.constant 0 : i32
      %ne3A_165 = vector.broadcast %ne3A_164 : i32 to vector<16xi32>
      %ne3A_166 = arith.cmpi ne, %get3A_163, %ne3A_165 : vector<16xi32>
      %all_reduce_population_count3A_167 = tpu.all_reduce %ne3A_166 {dim = 0 : i64, kind = #tpu.reduction_kind<sum>} : vector<16xi1> -> vector<16xi32>
      %add3A_168 = arith.addi %add3A_161, %all_reduce_population_count3A_167 : vector<16xi32>
      %get3A_169 = arith.constant 232 : index
      %get3A_170 = tpu.vector_load %arg5[%get3A_169] {strides = array<i32>} : memref<800xi32, #tpu.memory_space<vmem>>, vector<16xi32>,
      %ne3A_171 = arith.constant 0 : i32
      %ne3A_172 = vector.broadcast %ne3A_171 : i32 to vector<16xi32>
      %ne3A_173 = arith.cmpi ne, %get3A_170, %ne3A_172 : vector<16xi32>
      %all_reduce_population_count3A_174 = tpu.all_reduce %ne3A_173 {dim = 0 : i64, kind = #tpu.reduction_kind<sum>} : vector<16xi1> -> vector<16xi32>
      %add3A_175 = arith.addi %add3A_168, %all_reduce_population_count3A_174 : vector<16xi32>
      %get3A_176 = arith.constant 248 : index
      %get3A_177 = tpu.vector_load %arg5[%get3A_176] {strides = array<i32>} : memref<800xi32, #tpu.memory_space<vmem>>, vector<16xi32>,
      %ne3A_178 = arith.constant 0 : i32
      %ne3A_179 = vector.broadcast %ne3A_178 : i32 to vector<16xi32>
      %ne3A_180 = arith.cmpi ne, %get3A_177, %ne3A_179 : vector<16xi32>
      %all_reduce_population_count3A_181 = tpu.all_reduce %ne3A_180 {dim = 0 : i64, kind = #tpu.reduction_kind<sum>} : vector<16xi1> -> vector<16xi32>
      %add3A_182 = arith.addi %add3A_175, %all_reduce_population_count3A_181 : vector<16xi32>
      %get3A_183 = arith.constant 264 : index
      %get3A_184 = tpu.vector_load %arg5[%get3A_183] {strides = array<i32>} : memref<800xi32, #tpu.memory_space<vmem>>, vector<16xi32>,
      %ne3A_185 = arith.constant 0 : i32
      %ne3A_186 = vector.broadcast %ne3A_185 : i32 to vector<16xi32>
      %ne3A_187 = arith.cmpi ne, %get3A_184, %ne3A_186 : vector<16xi32>
      %all_reduce_population_count3A_188 = tpu.all_reduce %ne3A_187 {dim = 0 : i64, kind = #tpu.reduction_kind<sum>} : vector<16xi1> -> vector<16xi32>
      %add3A_189 = arith.addi %add3A_182, %all_reduce_population_count3A_188 : vector<16xi32>
      %get3A_190 = arith.constant 280 : index
      %get3A_191 = tpu.vector_load %arg5[%get3A_190] {strides = array<i32>} : memref<800xi32, #tpu.memory_space<vmem>>, vector<16xi32>,
      %ne3A_192 = arith.constant 0 : i32
      %ne3A_193 = vector.broadcast %ne3A_192 : i32 to vector<16xi32>
      %ne3A_194 = arith.cmpi ne, %get3A_191, %ne3A_193 : vector<16xi32>
      %all_reduce_population_count3A_195 = tpu.all_reduce %ne3A_194 {dim = 0 : i64, kind = #tpu.reduction_kind<sum>} : vector<16xi1> -> vector<16xi32>
      %add3A_196 = arith.addi %add3A_189, %all_reduce_population_count3A_195 : vector<16xi32>
      %get3A_197 = arith.constant 296 : index
      %get3A_198 = tpu.vector_load %arg5[%get3A_197] {strides = array<i32>} : memref<800xi32, #tpu.memory_space<vmem>>, vector<16xi32>,
      %ne3A_199 = arith.constant 0 : i32
      %ne3A_200 = vector.broadcast %ne3A_199 : i32 to vector<16xi32>
      %ne3A_201 = arith.cmpi ne, %get3A_198, %ne3A_200 : vector<16xi32>
      %all_reduce_population_count3A_202 = tpu.all_reduce %ne3A_201 {dim = 0 : i64, kind = #tpu.reduction_kind<sum>} : vector<16xi1> -> vector<16xi32>
      %add3A_203 = arith.addi %add3A_196, %all_reduce_population_count3A_202 : vector<16xi32>
      %get3A_204 = arith.constant 312 : index
      %get3A_205 = tpu.vector_load %arg5[%get3A_204] {strides = array<i32>} : memref<800xi32, #tpu.memory_space<vmem>>, vector<16xi32>,
      %ne3A_206 = arith.constant 0 : i32
      %ne3A_207 = vector.broadcast %ne3A_206 : i32 to vector<16xi32>
      %ne3A_208 = arith.cmpi ne, %get3A_205, %ne3A_207 : vector<16xi32>
      %all_reduce_population_count3A_209 = tpu.all_reduce %ne3A_208 {dim = 0 : i64, kind = #tpu.reduction_kind<sum>} : vector<16xi1> -> vector<16xi32>
      %add3A_210 = arith.addi %add3A_203, %all_reduce_population_count3A_209 : vector<16xi32>
      %get3A_211 = arith.constant 328 : index
      %get3A_212 = tpu.vector_load %arg5[%get3A_211] {strides = array<i32>} : memref<800xi32, #tpu.memory_space<vmem>>, vector<16xi32>,
      %ne3A_213 = arith.constant 0 : i32
      %ne3A_214 = vector.broadcast %ne3A_213 : i32 to vector<16xi32>
      %ne3A_215 = arith.cmpi ne, %get3A_212, %ne3A_214 : vector<16xi32>
      %all_reduce_population_count3A_216 = tpu.all_reduce %ne3A_215 {dim = 0 : i64, kind = #tpu.reduction_kind<sum>} : vector<16xi1> -> vector<16xi32>
      %add3A_217 = arith.addi %add3A_210, %all_reduce_population_count3A_216 : vector<16xi32>
      %get3A_218 = arith.constant 344 : index
      %get3A_219 = tpu.vector_load %arg5[%get3A_218] {strides = array<i32>} : memref<800xi32, #tpu.memory_space<vmem>>, vector<16xi32>,
      %ne3A_220 = arith.constant 0 : i32
      %ne3A_221 = vector.broadcast %ne3A_220 : i32 to vector<16xi32>
      %ne3A_222 = arith.cmpi ne, %get3A_219, %ne3A_221 : vector<16xi32>
      %all_reduce_population_count3A_223 = tpu.all_reduce %ne3A_222 {dim = 0 : i64, kind = #tpu.reduction_kind<sum>} : vector<16xi1> -> vector<16xi32>
      %add3A_224 = arith.addi %add3A_217, %all_reduce_population_count3A_223 : vector<16xi32>
      %get3A_225 = arith.constant 360 : index
      %get3A_226 = tpu.vector_load %arg5[%get3A_225] {strides = array<i32>} : memref<800xi32, #tpu.memory_space<vmem>>, vector<16xi32>,
      %ne3A_227 = arith.constant 0 : i32
      %ne3A_228 = vector.broadcast %ne3A_227 : i32 to vector<16xi32>
      %ne3A_229 = arith.cmpi ne, %get3A_226, %ne3A_228 : vector<16xi32>
      %all_reduce_population_count3A_230 = tpu.all_reduce %ne3A_229 {dim = 0 : i64, kind = #tpu.reduction_kind<sum>} : vector<16xi1> -> vector<16xi32>
      %add3A_231 = arith.addi %add3A_224, %all_reduce_population_count3A_230 : vector<16xi32>
      %get3A_232 = arith.constant 376 : index
      %get3A_233 = tpu.vector_load %arg5[%get3A_232] {strides = array<i32>} : memref<800xi32, #tpu.memory_space<vmem>>, vector<16xi32>,
      %ne3A_234 = arith.constant 0 : i32
      %ne3A_235 = vector.broadcast %ne3A_234 : i32 to vector<16xi32>
      %ne3A_236 = arith.cmpi ne, %get3A_233, %ne3A_235 : vector<16xi32>
      %all_reduce_population_count3A_237 = tpu.all_reduce %ne3A_236 {dim = 0 : i64, kind = #tpu.reduction_kind<sum>} : vector<16xi1> -> vector<16xi32>
      %add3A_238 = arith.addi %add3A_231, %all_reduce_population_count3A_237 : vector<16xi32>
      %get3A_239 = arith.constant 384 : index
      %get3A_240 = tpu.vector_load %arg5[%get3A_239] {strides = array<i32>} : memref<800xi32, #tpu.memory_space<vmem>>, vector<16xi32>,
      %ne3A_241 = arith.constant 0 : i32
      %ne3A_242 = vector.broadcast %ne3A_241 : i32 to vector<16xi32>
      %ne3A_243 = arith.cmpi ne, %get3A_240, %ne3A_242 : vector<16xi32>
      %ge3A_244 = arith.constant 8 : i32
      %ge3A_245 = vector.broadcast %ge3A_244 : i32 to vector<16xi32>
      %ge3A_246 = arith.cmpi sge, %iota3A_154, %ge3A_245 : vector<16xi32>
      %and3A_247 = arith.andi %ne3A_243, %ge3A_246 : vector<16xi1>
      %all_reduce_population_count3A_248 = tpu.all_reduce %and3A_247 {dim = 0 : i64, kind = #tpu.reduction_kind<sum>} : vector<16xi1> -> vector<16xi32>
      %add3A_249 = arith.addi %add3A_238, %all_reduce_population_count3A_248 : vector<16xi32>
      %convert_element_type3A_250 = arith.sitofp %add3A_249 : vector<16xi32> to vector<16xf32>
      %swap3A_251 = arith.constant 1 : i32
      %swap3A_252 = arith.index_cast %swap3A_251 : i32 to index
      %swap3A_253 = arith.constant 64 : index
      %swap3A_254 = tpu.vector_load %arg9[%swap3A_252, %swap3A_253] {strides = array<i32>} : memref<4x128xf32, #tpu.memory_space<vmem>>, vector<16xf32>,
      tpu.vector_store %arg9[%swap3A_252, %swap3A_253], %convert_element_type3A_250 {strides = array<i32>} : memref<4x128xf32, #tpu.memory_space<vmem>>, vector<16xf32>,
      %broadcast_in_dim3A_255 = arith.constant 0 : i32
      %broadcast_in_dim3A_256 = vector.broadcast %broadcast_in_dim3A_255 : i32 to vector<16xi32>
      %iota3A_257 = tpu.iota {dimensions = array<i32: 0>} : vector<16xi32>
      %get3A_258 = arith.constant 400 : index
      %get3A_259 = tpu.vector_load %arg5[%get3A_258] {strides = array<i32>} : memref<800xi32, #tpu.memory_space<vmem>>, vector<16xi32>,
      %ne3A_260 = arith.constant 0 : i32
      %ne3A_261 = vector.broadcast %ne3A_260 : i32 to vector<16xi32>
      %ne3A_262 = arith.cmpi ne, %get3A_259, %ne3A_261 : vector<16xi32>
      %all_reduce_population_count3A_263 = tpu.all_reduce %ne3A_262 {dim = 0 : i64, kind = #tpu.reduction_kind<sum>} : vector<16xi1> -> vector<16xi32>
      %add3A_264 = arith.addi %broadcast_in_dim3A_256, %all_reduce_population_count3A_263 : vector<16xi32>
      %get3A_265 = arith.constant 416 : index
      %get3A_266 = tpu.vector_load %arg5[%get3A_265] {strides = array<i32>} : memref<800xi32, #tpu.memory_space<vmem>>, vector<16xi32>,
      %ne3A_267 = arith.constant 0 : i32
      %ne3A_268 = vector.broadcast %ne3A_267 : i32 to vector<16xi32>
      %ne3A_269 = arith.cmpi ne, %get3A_266, %ne3A_268 : vector<16xi32>
      %all_reduce_population_count3A_270 = tpu.all_reduce %ne3A_269 {dim = 0 : i64, kind = #tpu.reduction_kind<sum>} : vector<16xi1> -> vector<16xi32>
      %add3A_271 = arith.addi %add3A_264, %all_reduce_population_count3A_270 : vector<16xi32>
      %get3A_272 = arith.constant 432 : index
      %get3A_273 = tpu.vector_load %arg5[%get3A_272] {strides = array<i32>} : memref<800xi32, #tpu.memory_space<vmem>>, vector<16xi32>,
      %ne3A_274 = arith.constant 0 : i32
      %ne3A_275 = vector.broadcast %ne3A_274 : i32 to vector<16xi32>
      %ne3A_276 = arith.cmpi ne, %get3A_273, %ne3A_275 : vector<16xi32>
      %all_reduce_population_count3A_277 = tpu.all_reduce %ne3A_276 {dim = 0 : i64, kind = #tpu.reduction_kind<sum>} : vector<16xi1> -> vector<16xi32>
      %add3A_278 = arith.addi %add3A_271, %all_reduce_population_count3A_277 : vector<16xi32>
      %get3A_279 = arith.constant 448 : index
      %get3A_280 = tpu.vector_load %arg5[%get3A_279] {strides = array<i32>} : memref<800xi32, #tpu.memory_space<vmem>>, vector<16xi32>,
      %ne3A_281 = arith.constant 0 : i32
      %ne3A_282 = vector.broadcast %ne3A_281 : i32 to vector<16xi32>
      %ne3A_283 = arith.cmpi ne, %get3A_280, %ne3A_282 : vector<16xi32>
      %all_reduce_population_count3A_284 = tpu.all_reduce %ne3A_283 {dim = 0 : i64, kind = #tpu.reduction_kind<sum>} : vector<16xi1> -> vector<16xi32>
      %add3A_285 = arith.addi %add3A_278, %all_reduce_population_count3A_284 : vector<16xi32>
      %get3A_286 = arith.constant 464 : index
      %get3A_287 = tpu.vector_load %arg5[%get3A_286] {strides = array<i32>} : memref<800xi32, #tpu.memory_space<vmem>>, vector<16xi32>,
      %ne3A_288 = arith.constant 0 : i32
      %ne3A_289 = vector.broadcast %ne3A_288 : i32 to vector<16xi32>
      %ne3A_290 = arith.cmpi ne, %get3A_287, %ne3A_289 : vector<16xi32>
      %all_reduce_population_count3A_291 = tpu.all_reduce %ne3A_290 {dim = 0 : i64, kind = #tpu.reduction_kind<sum>} : vector<16xi1> -> vector<16xi32>
      %add3A_292 = arith.addi %add3A_285, %all_reduce_population_count3A_291 : vector<16xi32>
      %get3A_293 = arith.constant 480 : index
      %get3A_294 = tpu.vector_load %arg5[%get3A_293] {strides = array<i32>} : memref<800xi32, #tpu.memory_space<vmem>>, vector<16xi32>,
      %ne3A_295 = arith.constant 0 : i32
      %ne3A_296 = vector.broadcast %ne3A_295 : i32 to vector<16xi32>
      %ne3A_297 = arith.cmpi ne, %get3A_294, %ne3A_296 : vector<16xi32>
      %all_reduce_population_count3A_298 = tpu.all_reduce %ne3A_297 {dim = 0 : i64, kind = #tpu.reduction_kind<sum>} : vector<16xi1> -> vector<16xi32>
      %add3A_299 = arith.addi %add3A_292, %all_reduce_population_count3A_298 : vector<16xi32>
      %get3A_300 = arith.constant 496 : index
      %get3A_301 = tpu.vector_load %arg5[%get3A_300] {strides = array<i32>} : memref<800xi32, #tpu.memory_space<vmem>>, vector<16xi32>,
      %ne3A_302 = arith.constant 0 : i32
      %ne3A_303 = vector.broadcast %ne3A_302 : i32 to vector<16xi32>
      %ne3A_304 = arith.cmpi ne, %get3A_301, %ne3A_303 : vector<16xi32>
      %all_reduce_population_count3A_305 = tpu.all_reduce %ne3A_304 {dim = 0 : i64, kind = #tpu.reduction_kind<sum>} : vector<16xi1> -> vector<16xi32>
      %add3A_306 = arith.addi %add3A_299, %all_reduce_population_count3A_305 : vector<16xi32>
      %get3A_307 = arith.constant 512 : index
      %get3A_308 = tpu.vector_load %arg5[%get3A_307] {strides = array<i32>} : memref<800xi32, #tpu.memory_space<vmem>>, vector<16xi32>,
      %ne3A_309 = arith.constant 0 : i32
      %ne3A_310 = vector.broadcast %ne3A_309 : i32 to vector<16xi32>
      %ne3A_311 = arith.cmpi ne, %get3A_308, %ne3A_310 : vector<16xi32>
      %all_reduce_population_count3A_312 = tpu.all_reduce %ne3A_311 {dim = 0 : i64, kind = #tpu.reduction_kind<sum>} : vector<16xi1> -> vector<16xi32>
      %add3A_313 = arith.addi %add3A_306, %all_reduce_population_count3A_312 : vector<16xi32>
      %get3A_314 = arith.constant 528 : index
      %get3A_315 = tpu.vector_load %arg5[%get3A_314] {strides = array<i32>} : memref<800xi32, #tpu.memory_space<vmem>>, vector<16xi32>,
      %ne3A_316 = arith.constant 0 : i32
      %ne3A_317 = vector.broadcast %ne3A_316 : i32 to vector<16xi32>
      %ne3A_318 = arith.cmpi ne, %get3A_315, %ne3A_317 : vector<16xi32>
      %all_reduce_population_count3A_319 = tpu.all_reduce %ne3A_318 {dim = 0 : i64, kind = #tpu.reduction_kind<sum>} : vector<16xi1> -> vector<16xi32>
      %add3A_320 = arith.addi %add3A_313, %all_reduce_population_count3A_319 : vector<16xi32>
      %get3A_321 = arith.constant 544 : index
      %get3A_322 = tpu.vector_load %arg5[%get3A_321] {strides = array<i32>} : memref<800xi32, #tpu.memory_space<vmem>>, vector<16xi32>,
      %ne3A_323 = arith.constant 0 : i32
      %ne3A_324 = vector.broadcast %ne3A_323 : i32 to vector<16xi32>
      %ne3A_325 = arith.cmpi ne, %get3A_322, %ne3A_324 : vector<16xi32>
      %all_reduce_population_count3A_326 = tpu.all_reduce %ne3A_325 {dim = 0 : i64, kind = #tpu.reduction_kind<sum>} : vector<16xi1> -> vector<16xi32>
      %add3A_327 = arith.addi %add3A_320, %all_reduce_population_count3A_326 : vector<16xi32>
      %get3A_328 = arith.constant 560 : index
      %get3A_329 = tpu.vector_load %arg5[%get3A_328] {strides = array<i32>} : memref<800xi32, #tpu.memory_space<vmem>>, vector<16xi32>,
      %ne3A_330 = arith.constant 0 : i32
      %ne3A_331 = vector.broadcast %ne3A_330 : i32 to vector<16xi32>
      %ne3A_332 = arith.cmpi ne, %get3A_329, %ne3A_331 : vector<16xi32>
      %all_reduce_population_count3A_333 = tpu.all_reduce %ne3A_332 {dim = 0 : i64, kind = #tpu.reduction_kind<sum>} : vector<16xi1> -> vector<16xi32>
      %add3A_334 = arith.addi %add3A_327, %all_reduce_population_count3A_333 : vector<16xi32>
      %get3A_335 = arith.constant 576 : index
      %get3A_336 = tpu.vector_load %arg5[%get3A_335] {strides = array<i32>} : memref<800xi32, #tpu.memory_space<vmem>>, vector<16xi32>,
      %ne3A_337 = arith.constant 0 : i32
      %ne3A_338 = vector.broadcast %ne3A_337 : i32 to vector<16xi32>
      %ne3A_339 = arith.cmpi ne, %get3A_336, %ne3A_338 : vector<16xi32>
      %all_reduce_population_count3A_340 = tpu.all_reduce %ne3A_339 {dim = 0 : i64, kind = #tpu.reduction_kind<sum>} : vector<16xi1> -> vector<16xi32>
      %add3A_341 = arith.addi %add3A_334, %all_reduce_population_count3A_340 : vector<16xi32>
      %get3A_342 = arith.constant 584 : index
      %get3A_343 = tpu.vector_load %arg5[%get3A_342] {strides = array<i32>} : memref<800xi32, #tpu.memory_space<vmem>>, vector<16xi32>,
      %ne3A_344 = arith.constant 0 : i32
      %ne3A_345 = vector.broadcast %ne3A_344 : i32 to vector<16xi32>
      %ne3A_346 = arith.cmpi ne, %get3A_343, %ne3A_345 : vector<16xi32>
      %ge3A_347 = arith.constant 8 : i32
      %ge3A_348 = vector.broadcast %ge3A_347 : i32 to vector<16xi32>
      %ge3A_349 = arith.cmpi sge, %iota3A_257, %ge3A_348 : vector<16xi32>
      %and3A_350 = arith.andi %ne3A_346, %ge3A_349 : vector<16xi1>
      %all_reduce_population_count3A_351 = tpu.all_reduce %and3A_350 {dim = 0 : i64, kind = #tpu.reduction_kind<sum>} : vector<16xi1> -> vector<16xi32>
      %add3A_352 = arith.addi %add3A_341, %all_reduce_population_count3A_351 : vector<16xi32>
      %convert_element_type3A_353 = arith.sitofp %add3A_352 : vector<16xi32> to vector<16xf32>
      %swap3A_354 = arith.constant 2 : i32
      %swap3A_355 = arith.index_cast %swap3A_354 : i32 to index
      %swap3A_356 = arith.constant 64 : index
      %swap3A_357 = tpu.vector_load %arg9[%swap3A_355, %swap3A_356] {strides = array<i32>} : memref<4x128xf32, #tpu.memory_space<vmem>>, vector<16xf32>,
      tpu.vector_store %arg9[%swap3A_355, %swap3A_356], %convert_element_type3A_353 {strides = array<i32>} : memref<4x128xf32, #tpu.memory_space<vmem>>, vector<16xf32>,
      %broadcast_in_dim3A_358 = arith.constant 0 : i32
      %broadcast_in_dim3A_359 = vector.broadcast %broadcast_in_dim3A_358 : i32 to vector<16xi32>
      %iota3A_360 = tpu.iota {dimensions = array<i32: 0>} : vector<16xi32>
      %get3A_361 = arith.constant 600 : index
      %get3A_362 = tpu.vector_load %arg5[%get3A_361] {strides = array<i32>} : memref<800xi32, #tpu.memory_space<vmem>>, vector<16xi32>,
      %ne3A_363 = arith.constant 0 : i32
      %ne3A_364 = vector.broadcast %ne3A_363 : i32 to vector<16xi32>
      %ne3A_365 = arith.cmpi ne, %get3A_362, %ne3A_364 : vector<16xi32>
      %all_reduce_population_count3A_366 = tpu.all_reduce %ne3A_365 {dim = 0 : i64, kind = #tpu.reduction_kind<sum>} : vector<16xi1> -> vector<16xi32>
      %add3A_367 = arith.addi %broadcast_in_dim3A_359, %all_reduce_population_count3A_366 : vector<16xi32>
      %get3A_368 = arith.constant 616 : index
      %get3A_369 = tpu.vector_load %arg5[%get3A_368] {strides = array<i32>} : memref<800xi32, #tpu.memory_space<vmem>>, vector<16xi32>,
      %ne3A_370 = arith.constant 0 : i32
      %ne3A_371 = vector.broadcast %ne3A_370 : i32 to vector<16xi32>
      %ne3A_372 = arith.cmpi ne, %get3A_369, %ne3A_371 : vector<16xi32>
      %all_reduce_population_count3A_373 = tpu.all_reduce %ne3A_372 {dim = 0 : i64, kind = #tpu.reduction_kind<sum>} : vector<16xi1> -> vector<16xi32>
      %add3A_374 = arith.addi %add3A_367, %all_reduce_population_count3A_373 : vector<16xi32>
      %get3A_375 = arith.constant 632 : index
      %get3A_376 = tpu.vector_load %arg5[%get3A_375] {strides = array<i32>} : memref<800xi32, #tpu.memory_space<vmem>>, vector<16xi32>,
      %ne3A_377 = arith.constant 0 : i32
      %ne3A_378 = vector.broadcast %ne3A_377 : i32 to vector<16xi32>
      %ne3A_379 = arith.cmpi ne, %get3A_376, %ne3A_378 : vector<16xi32>
      %all_reduce_population_count3A_380 = tpu.all_reduce %ne3A_379 {dim = 0 : i64, kind = #tpu.reduction_kind<sum>} : vector<16xi1> -> vector<16xi32>
      %add3A_381 = arith.addi %add3A_374, %all_reduce_population_count3A_380 : vector<16xi32>
      %get3A_382 = arith.constant 648 : index
      %get3A_383 = tpu.vector_load %arg5[%get3A_382] {strides = array<i32>} : memref<800xi32, #tpu.memory_space<vmem>>, vector<16xi32>,
      %ne3A_384 = arith.constant 0 : i32
      %ne3A_385 = vector.broadcast %ne3A_384 : i32 to vector<16xi32>
      %ne3A_386 = arith.cmpi ne, %get3A_383, %ne3A_385 : vector<16xi32>
      %all_reduce_population_count3A_387 = tpu.all_reduce %ne3A_386 {dim = 0 : i64, kind = #tpu.reduction_kind<sum>} : vector<16xi1> -> vector<16xi32>
      %add3A_388 = arith.addi %add3A_381, %all_reduce_population_count3A_387 : vector<16xi32>
      %get3A_389 = arith.constant 664 : index
      %get3A_390 = tpu.vector_load %arg5[%get3A_389] {strides = array<i32>} : memref<800xi32, #tpu.memory_space<vmem>>, vector<16xi32>,
      %ne3A_391 = arith.constant 0 : i32
      %ne3A_392 = vector.broadcast %ne3A_391 : i32 to vector<16xi32>
      %ne3A_393 = arith.cmpi ne, %get3A_390, %ne3A_392 : vector<16xi32>
      %all_reduce_population_count3A_394 = tpu.all_reduce %ne3A_393 {dim = 0 : i64, kind = #tpu.reduction_kind<sum>} : vector<16xi1> -> vector<16xi32>
      %add3A_395 = arith.addi %add3A_388, %all_reduce_population_count3A_394 : vector<16xi32>
      %get3A_396 = arith.constant 680 : index
      %get3A_397 = tpu.vector_load %arg5[%get3A_396] {strides = array<i32>} : memref<800xi32, #tpu.memory_space<vmem>>, vector<16xi32>,
      %ne3A_398 = arith.constant 0 : i32
      %ne3A_399 = vector.broadcast %ne3A_398 : i32 to vector<16xi32>
      %ne3A_400 = arith.cmpi ne, %get3A_397, %ne3A_399 : vector<16xi32>
      %all_reduce_population_count3A_401 = tpu.all_reduce %ne3A_400 {dim = 0 : i64, kind = #tpu.reduction_kind<sum>} : vector<16xi1> -> vector<16xi32>
      %add3A_402 = arith.addi %add3A_395, %all_reduce_population_count3A_401 : vector<16xi32>
      %get3A_403 = arith.constant 696 : index
      %get3A_404 = tpu.vector_load %arg5[%get3A_403] {strides = array<i32>} : memref<800xi32, #tpu.memory_space<vmem>>, vector<16xi32>,
      %ne3A_405 = arith.constant 0 : i32
      %ne3A_406 = vector.broadcast %ne3A_405 : i32 to vector<16xi32>
      %ne3A_407 = arith.cmpi ne, %get3A_404, %ne3A_406 : vector<16xi32>
      %all_reduce_population_count3A_408 = tpu.all_reduce %ne3A_407 {dim = 0 : i64, kind = #tpu.reduction_kind<sum>} : vector<16xi1> -> vector<16xi32>
      %add3A_409 = arith.addi %add3A_402, %all_reduce_population_count3A_408 : vector<16xi32>
      %get3A_410 = arith.constant 712 : index
      %get3A_411 = tpu.vector_load %arg5[%get3A_410] {strides = array<i32>} : memref<800xi32, #tpu.memory_space<vmem>>, vector<16xi32>,
      %ne3A_412 = arith.constant 0 : i32
      %ne3A_413 = vector.broadcast %ne3A_412 : i32 to vector<16xi32>
      %ne3A_414 = arith.cmpi ne, %get3A_411, %ne3A_413 : vector<16xi32>
      %all_reduce_population_count3A_415 = tpu.all_reduce %ne3A_414 {dim = 0 : i64, kind = #tpu.reduction_kind<sum>} : vector<16xi1> -> vector<16xi32>
      %add3A_416 = arith.addi %add3A_409, %all_reduce_population_count3A_415 : vector<16xi32>
      %get3A_417 = arith.constant 728 : index
      %get3A_418 = tpu.vector_load %arg5[%get3A_417] {strides = array<i32>} : memref<800xi32, #tpu.memory_space<vmem>>, vector<16xi32>,
      %ne3A_419 = arith.constant 0 : i32
      %ne3A_420 = vector.broadcast %ne3A_419 : i32 to vector<16xi32>
      %ne3A_421 = arith.cmpi ne, %get3A_418, %ne3A_420 : vector<16xi32>
      %all_reduce_population_count3A_422 = tpu.all_reduce %ne3A_421 {dim = 0 : i64, kind = #tpu.reduction_kind<sum>} : vector<16xi1> -> vector<16xi32>
      %add3A_423 = arith.addi %add3A_416, %all_reduce_population_count3A_422 : vector<16xi32>
      %get3A_424 = arith.constant 744 : index
      %get3A_425 = tpu.vector_load %arg5[%get3A_424] {strides = array<i32>} : memref<800xi32, #tpu.memory_space<vmem>>, vector<16xi32>,
      %ne3A_426 = arith.constant 0 : i32
      %ne3A_427 = vector.broadcast %ne3A_426 : i32 to vector<16xi32>
      %ne3A_428 = arith.cmpi ne, %get3A_425, %ne3A_427 : vector<16xi32>
      %all_reduce_population_count3A_429 = tpu.all_reduce %ne3A_428 {dim = 0 : i64, kind = #tpu.reduction_kind<sum>} : vector<16xi1> -> vector<16xi32>
      %add3A_430 = arith.addi %add3A_423, %all_reduce_population_count3A_429 : vector<16xi32>
      %get3A_431 = arith.constant 760 : index
      %get3A_432 = tpu.vector_load %arg5[%get3A_431] {strides = array<i32>} : memref<800xi32, #tpu.memory_space<vmem>>, vector<16xi32>,
      %ne3A_433 = arith.constant 0 : i32
      %ne3A_434 = vector.broadcast %ne3A_433 : i32 to vector<16xi32>
      %ne3A_435 = arith.cmpi ne, %get3A_432, %ne3A_434 : vector<16xi32>
      %all_reduce_population_count3A_436 = tpu.all_reduce %ne3A_435 {dim = 0 : i64, kind = #tpu.reduction_kind<sum>} : vector<16xi1> -> vector<16xi32>
      %add3A_437 = arith.addi %add3A_430, %all_reduce_population_count3A_436 : vector<16xi32>
      %get3A_438 = arith.constant 776 : index
      %get3A_439 = tpu.vector_load %arg5[%get3A_438] {strides = array<i32>} : memref<800xi32, #tpu.memory_space<vmem>>, vector<16xi32>,
      %ne3A_440 = arith.constant 0 : i32
      %ne3A_441 = vector.broadcast %ne3A_440 : i32 to vector<16xi32>
      %ne3A_442 = arith.cmpi ne, %get3A_439, %ne3A_441 : vector<16xi32>
      %all_reduce_population_count3A_443 = tpu.all_reduce %ne3A_442 {dim = 0 : i64, kind = #tpu.reduction_kind<sum>} : vector<16xi1> -> vector<16xi32>
      %add3A_444 = arith.addi %add3A_437, %all_reduce_population_count3A_443 : vector<16xi32>
      %get3A_445 = arith.constant 784 : index
      %get3A_446 = tpu.vector_load %arg5[%get3A_445] {strides = array<i32>} : memref<800xi32, #tpu.memory_space<vmem>>, vector<16xi32>,
      %ne3A_447 = arith.constant 0 : i32
      %ne3A_448 = vector.broadcast %ne3A_447 : i32 to vector<16xi32>
      %ne3A_449 = arith.cmpi ne, %get3A_446, %ne3A_448 : vector<16xi32>
      %ge3A_450 = arith.constant 8 : i32
      %ge3A_451 = vector.broadcast %ge3A_450 : i32 to vector<16xi32>
      %ge3A_452 = arith.cmpi sge, %iota3A_360, %ge3A_451 : vector<16xi32>
      %and3A_453 = arith.andi %ne3A_449, %ge3A_452 : vector<16xi1>
      %all_reduce_population_count3A_454 = tpu.all_reduce %and3A_453 {dim = 0 : i64, kind = #tpu.reduction_kind<sum>} : vector<16xi1> -> vector<16xi32>
      %add3A_455 = arith.addi %add3A_444, %all_reduce_population_count3A_454 : vector<16xi32>
      %convert_element_type3A_456 = arith.sitofp %add3A_455 : vector<16xi32> to vector<16xf32>
      %swap3A_457 = arith.constant 3 : i32
      %swap3A_458 = arith.index_cast %swap3A_457 : i32 to index
      %swap3A_459 = arith.constant 64 : index
      %swap3A_460 = tpu.vector_load %arg9[%swap3A_458, %swap3A_459] {strides = array<i32>} : memref<4x128xf32, #tpu.memory_space<vmem>>, vector<16xf32>,
      tpu.vector_store %arg9[%swap3A_458, %swap3A_459], %convert_element_type3A_456 {strides = array<i32>} : memref<4x128xf32, #tpu.memory_space<vmem>>, vector<16xf32>,
      %add3A_461 = arith.constant 2 : i32
      %add3A_462 = arith.addi %add3A_50, %add3A_461 : i32
      %lt3A = arith.constant 32 : i32
      %lt3A_463 = arith.cmpi slt, %add3A_462, %lt3A : i32
      %convert_element_type3A_464 = arith.extui %lt3A_463 : i1 to i32
      %cond3A_465 = arith.constant 0 : i32
      %cond3A_466 = arith.cmpi ne, %convert_element_type3A_464, %cond3A_465 : i32
      scf.if %cond3A_466 {
        %add3A_1167 = arith.constant 2 : i32
        %add3A_1168 = arith.addi %add3A_50, %add3A_1167 : i32
        %mul3A_1169 = arith.constant 200 : i32
        %mul3A_1170 = arith.muli %mul3A_2, %mul3A_1169 : i32
        %mul3A_1171 = arith.constant 800 : i32
        %mul3A_1172 = arith.muli %add3A_1168, %mul3A_1171 : i32
        %add3A_1173 = arith.addi %mul3A_1170, %mul3A_1172 : i32
        %dma_start3A_1174 = tpu.memref_slice %arg3[%add3A_1173] : memref<819200xi32, #tpu.memory_space<hbm>> -> memref<800xi32, #tpu.memory_space<hbm>>
        %dma_start3A_1175 = tpu.memref_slice %arg3[%add3A_1173] : memref<819200xi32, #tpu.memory_space<hbm>> -> memref<800xi32, #tpu.memory_space<hbm>>
        tpu.enqueue_dma source(%dma_start3A_1175 : memref<800xi32, #tpu.memory_space<hbm>>) target(%arg5 : memref<800xi32, #tpu.memory_space<vmem>>) target_semaphore(%arg11 : memref<!tpu.dma_semaphore, #tpu.memory_space<semaphore_mem>>)
      } else {
      }
      %broadcast_in_dim3A_467 = arith.constant 0.000000e+00 : f32
      %broadcast_in_dim3A_468 = vector.broadcast %broadcast_in_dim3A_467 : f32 to vector<16xf32>
      %broadcast_in_dim3A_469 = arith.constant 0.000000e+00 : f32
      %broadcast_in_dim3A_470 = vector.broadcast %broadcast_in_dim3A_469 : f32 to vector<16xf32>
      %broadcast_in_dim3A_471 = arith.constant 0.000000e+00 : f32
      %broadcast_in_dim3A_472 = vector.broadcast %broadcast_in_dim3A_471 : f32 to vector<16xf32>
      %broadcast_in_dim3A_473 = arith.constant 0.000000e+00 : f32
      %broadcast_in_dim3A_474 = vector.broadcast %broadcast_in_dim3A_473 : f32 to vector<16xf32>
      %scan3A_475 = arith.constant 0 : i32
      %scan3A_476 = arith.constant 50 : i32
      %scan3A_477 = arith.addi %scan3A_475, %scan3A_476 : i32
      %scan3A_478 = arith.constant 1 : i32
      %scan3A_479:4 = scf.for %scan3A_1167 = %scan3A_475 to %scan3A_477 step %scan3A_478 iter_args(%scan3A_1168 = %broadcast_in_dim3A_468, %scan3A_1169 = %broadcast_in_dim3A_470, %scan3A_1170 = %broadcast_in_dim3A_472, %scan3A_1171 = %broadcast_in_dim3A_474) -> (vector<16xf32>, vector<16xf32>, vector<16xf32>, vector<16xf32>)  : i32 {
        %mul3A_1172 = arith.constant 4 : i32
        %mul3A_1173 = arith.muli %scan3A_1167, %mul3A_1172 : i32
        %add3A_1174 = arith.constant 0 : i32
        %add3A_1175 = arith.addi %add3A_1174, %mul3A_1173 : i32
        %add3A_1176 = arith.constant 0 : i32
        %add3A_1177 = arith.addi %add3A_1175, %add3A_1176 : i32
        %get3A_1178 = arith.index_cast %add3A_1177 : i32 to index
        %get3A_1179 = arith.constant 0 : index
        %get3A_1180 = tpu.vector_load %arg7[%get3A_1178, %get3A_1179] {strides = array<i32>} : memref<800x64xf32, #tpu.memory_space<vmem>>, vector<16xf32>,
        %add3A_1181 = arith.addf %scan3A_1168, %get3A_1180 : vector<16xf32>
        %mul3A_1182 = arith.constant 4 : i32
        %mul3A_1183 = arith.muli %scan3A_1167, %mul3A_1182 : i32
        %add3A_1184 = arith.constant 0 : i32
        %add3A_1185 = arith.addi %add3A_1184, %mul3A_1183 : i32
        %add3A_1186 = arith.constant 0 : i32
        %add3A_1187 = arith.addi %add3A_1185, %add3A_1186 : i32
        %get3A_1188 = arith.index_cast %add3A_1187 : i32 to index
        %get3A_1189 = arith.constant 16 : index
        %get3A_1190 = tpu.vector_load %arg7[%get3A_1188, %get3A_1189] {strides = array<i32>} : memref<800x64xf32, #tpu.memory_space<vmem>>, vector<16xf32>,
        %add3A_1191 = arith.addf %scan3A_1169, %get3A_1190 : vector<16xf32>
        %mul3A_1192 = arith.constant 4 : i32
        %mul3A_1193 = arith.muli %scan3A_1167, %mul3A_1192 : i32
        %add3A_1194 = arith.constant 0 : i32
        %add3A_1195 = arith.addi %add3A_1194, %mul3A_1193 : i32
        %add3A_1196 = arith.constant 0 : i32
        %add3A_1197 = arith.addi %add3A_1195, %add3A_1196 : i32
        %get3A_1198 = arith.index_cast %add3A_1197 : i32 to index
        %get3A_1199 = arith.constant 32 : index
        %get3A_1200 = tpu.vector_load %arg7[%get3A_1198, %get3A_1199] {strides = array<i32>} : memref<800x64xf32, #tpu.memory_space<vmem>>, vector<16xf32>,
        %add3A_1201 = arith.addf %scan3A_1170, %get3A_1200 : vector<16xf32>
        %mul3A_1202 = arith.constant 4 : i32
        %mul3A_1203 = arith.muli %scan3A_1167, %mul3A_1202 : i32
        %add3A_1204 = arith.constant 0 : i32
        %add3A_1205 = arith.addi %add3A_1204, %mul3A_1203 : i32
        %add3A_1206 = arith.constant 0 : i32
        %add3A_1207 = arith.addi %add3A_1205, %add3A_1206 : i32
        %get3A_1208 = arith.index_cast %add3A_1207 : i32 to index
        %get3A_1209 = arith.constant 48 : index
        %get3A_1210 = tpu.vector_load %arg7[%get3A_1208, %get3A_1209] {strides = array<i32>} : memref<800x64xf32, #tpu.memory_space<vmem>>, vector<16xf32>,
        %add3A_1211 = arith.addf %scan3A_1171, %get3A_1210 : vector<16xf32>
        %mul3A_1212 = arith.constant 4 : i32
        %mul3A_1213 = arith.muli %scan3A_1167, %mul3A_1212 : i32
        %add3A_1214 = arith.constant 0 : i32
        %add3A_1215 = arith.addi %add3A_1214, %mul3A_1213 : i32
        %add3A_1216 = arith.constant 1 : i32
        %add3A_1217 = arith.addi %add3A_1215, %add3A_1216 : i32
        %get3A_1218 = arith.index_cast %add3A_1217 : i32 to index
        %get3A_1219 = arith.constant 0 : index
        %get3A_1220 = tpu.vector_load %arg7[%get3A_1218, %get3A_1219] {strides = array<i32>} : memref<800x64xf32, #tpu.memory_space<vmem>>, vector<16xf32>,
        %add3A_1221 = arith.addf %add3A_1181, %get3A_1220 : vector<16xf32>
        %mul3A_1222 = arith.constant 4 : i32
        %mul3A_1223 = arith.muli %scan3A_1167, %mul3A_1222 : i32
        %add3A_1224 = arith.constant 0 : i32
        %add3A_1225 = arith.addi %add3A_1224, %mul3A_1223 : i32
        %add3A_1226 = arith.constant 1 : i32
        %add3A_1227 = arith.addi %add3A_1225, %add3A_1226 : i32
        %get3A_1228 = arith.index_cast %add3A_1227 : i32 to index
        %get3A_1229 = arith.constant 16 : index
        %get3A_1230 = tpu.vector_load %arg7[%get3A_1228, %get3A_1229] {strides = array<i32>} : memref<800x64xf32, #tpu.memory_space<vmem>>, vector<16xf32>,
        %add3A_1231 = arith.addf %add3A_1191, %get3A_1230 : vector<16xf32>
        %mul3A_1232 = arith.constant 4 : i32
        %mul3A_1233 = arith.muli %scan3A_1167, %mul3A_1232 : i32
        %add3A_1234 = arith.constant 0 : i32
        %add3A_1235 = arith.addi %add3A_1234, %mul3A_1233 : i32
        %add3A_1236 = arith.constant 1 : i32
        %add3A_1237 = arith.addi %add3A_1235, %add3A_1236 : i32
        %get3A_1238 = arith.index_cast %add3A_1237 : i32 to index
        %get3A_1239 = arith.constant 32 : index
        %get3A_1240 = tpu.vector_load %arg7[%get3A_1238, %get3A_1239] {strides = array<i32>} : memref<800x64xf32, #tpu.memory_space<vmem>>, vector<16xf32>,
        %add3A_1241 = arith.addf %add3A_1201, %get3A_1240 : vector<16xf32>
        %mul3A_1242 = arith.constant 4 : i32
        %mul3A_1243 = arith.muli %scan3A_1167, %mul3A_1242 : i32
        %add3A_1244 = arith.constant 0 : i32
        %add3A_1245 = arith.addi %add3A_1244, %mul3A_1243 : i32
        %add3A_1246 = arith.constant 1 : i32
        %add3A_1247 = arith.addi %add3A_1245, %add3A_1246 : i32
        %get3A_1248 = arith.index_cast %add3A_1247 : i32 to index
        %get3A_1249 = arith.constant 48 : index
        %get3A_1250 = tpu.vector_load %arg7[%get3A_1248, %get3A_1249] {strides = array<i32>} : memref<800x64xf32, #tpu.memory_space<vmem>>, vector<16xf32>,
        %add3A_1251 = arith.addf %add3A_1211, %get3A_1250 : vector<16xf32>
        %mul3A_1252 = arith.constant 4 : i32
        %mul3A_1253 = arith.muli %scan3A_1167, %mul3A_1252 : i32
        %add3A_1254 = arith.constant 0 : i32
        %add3A_1255 = arith.addi %add3A_1254, %mul3A_1253 : i32
        %add3A_1256 = arith.constant 2 : i32
        %add3A_1257 = arith.addi %add3A_1255, %add3A_1256 : i32
        %get3A_1258 = arith.index_cast %add3A_1257 : i32 to index
        %get3A_1259 = arith.constant 0 : index
        %get3A_1260 = tpu.vector_load %arg7[%get3A_1258, %get3A_1259] {strides = array<i32>} : memref<800x64xf32, #tpu.memory_space<vmem>>, vector<16xf32>,
        %add3A_1261 = arith.addf %add3A_1221, %get3A_1260 : vector<16xf32>
        %mul3A_1262 = arith.constant 4 : i32
        %mul3A_1263 = arith.muli %scan3A_1167, %mul3A_1262 : i32
        %add3A_1264 = arith.constant 0 : i32
        %add3A_1265 = arith.addi %add3A_1264, %mul3A_1263 : i32
        %add3A_1266 = arith.constant 2 : i32
        %add3A_1267 = arith.addi %add3A_1265, %add3A_1266 : i32
        %get3A_1268 = arith.index_cast %add3A_1267 : i32 to index
        %get3A_1269 = arith.constant 16 : index
        %get3A_1270 = tpu.vector_load %arg7[%get3A_1268, %get3A_1269] {strides = array<i32>} : memref<800x64xf32, #tpu.memory_space<vmem>>, vector<16xf32>,
        %add3A_1271 = arith.addf %add3A_1231, %get3A_1270 : vector<16xf32>
        %mul3A_1272 = arith.constant 4 : i32
        %mul3A_1273 = arith.muli %scan3A_1167, %mul3A_1272 : i32
        %add3A_1274 = arith.constant 0 : i32
        %add3A_1275 = arith.addi %add3A_1274, %mul3A_1273 : i32
        %add3A_1276 = arith.constant 2 : i32
        %add3A_1277 = arith.addi %add3A_1275, %add3A_1276 : i32
        %get3A_1278 = arith.index_cast %add3A_1277 : i32 to index
        %get3A_1279 = arith.constant 32 : index
        %get3A_1280 = tpu.vector_load %arg7[%get3A_1278, %get3A_1279] {strides = array<i32>} : memref<800x64xf32, #tpu.memory_space<vmem>>, vector<16xf32>,
        %add3A_1281 = arith.addf %add3A_1241, %get3A_1280 : vector<16xf32>
        %mul3A_1282 = arith.constant 4 : i32
        %mul3A_1283 = arith.muli %scan3A_1167, %mul3A_1282 : i32
        %add3A_1284 = arith.constant 0 : i32
        %add3A_1285 = arith.addi %add3A_1284, %mul3A_1283 : i32
        %add3A_1286 = arith.constant 2 : i32
        %add3A_1287 = arith.addi %add3A_1285, %add3A_1286 : i32
        %get3A_1288 = arith.index_cast %add3A_1287 : i32 to index
        %get3A_1289 = arith.constant 48 : index
        %get3A_1290 = tpu.vector_load %arg7[%get3A_1288, %get3A_1289] {strides = array<i32>} : memref<800x64xf32, #tpu.memory_space<vmem>>, vector<16xf32>,
        %add3A_1291 = arith.addf %add3A_1251, %get3A_1290 : vector<16xf32>
        %mul3A_1292 = arith.constant 4 : i32
        %mul3A_1293 = arith.muli %scan3A_1167, %mul3A_1292 : i32
        %add3A_1294 = arith.constant 0 : i32
        %add3A_1295 = arith.addi %add3A_1294, %mul3A_1293 : i32
        %add3A_1296 = arith.constant 3 : i32
        %add3A_1297 = arith.addi %add3A_1295, %add3A_1296 : i32
        %get3A_1298 = arith.index_cast %add3A_1297 : i32 to index
        %get3A_1299 = arith.constant 0 : index
        %get3A_1300 = tpu.vector_load %arg7[%get3A_1298, %get3A_1299] {strides = array<i32>} : memref<800x64xf32, #tpu.memory_space<vmem>>, vector<16xf32>,
        %add3A_1301 = arith.addf %add3A_1261, %get3A_1300 : vector<16xf32>
        %mul3A_1302 = arith.constant 4 : i32
        %mul3A_1303 = arith.muli %scan3A_1167, %mul3A_1302 : i32
        %add3A_1304 = arith.constant 0 : i32
        %add3A_1305 = arith.addi %add3A_1304, %mul3A_1303 : i32
        %add3A_1306 = arith.constant 3 : i32
        %add3A_1307 = arith.addi %add3A_1305, %add3A_1306 : i32
        %get3A_1308 = arith.index_cast %add3A_1307 : i32 to index
        %get3A_1309 = arith.constant 16 : index
        %get3A_1310 = tpu.vector_load %arg7[%get3A_1308, %get3A_1309] {strides = array<i32>} : memref<800x64xf32, #tpu.memory_space<vmem>>, vector<16xf32>,
        %add3A_1311 = arith.addf %add3A_1271, %get3A_1310 : vector<16xf32>
        %mul3A_1312 = arith.constant 4 : i32
        %mul3A_1313 = arith.muli %scan3A_1167, %mul3A_1312 : i32
        %add3A_1314 = arith.constant 0 : i32
        %add3A_1315 = arith.addi %add3A_1314, %mul3A_1313 : i32
        %add3A_1316 = arith.constant 3 : i32
        %add3A_1317 = arith.addi %add3A_1315, %add3A_1316 : i32
        %get3A_1318 = arith.index_cast %add3A_1317 : i32 to index
        %get3A_1319 = arith.constant 32 : index
        %get3A_1320 = tpu.vector_load %arg7[%get3A_1318, %get3A_1319] {strides = array<i32>} : memref<800x64xf32, #tpu.memory_space<vmem>>, vector<16xf32>,
        %add3A_1321 = arith.addf %add3A_1281, %get3A_1320 : vector<16xf32>
        %mul3A_1322 = arith.constant 4 : i32
        %mul3A_1323 = arith.muli %scan3A_1167, %mul3A_1322 : i32
        %add3A_1324 = arith.constant 0 : i32
        %add3A_1325 = arith.addi %add3A_1324, %mul3A_1323 : i32
        %add3A_1326 = arith.constant 3 : i32
        %add3A_1327 = arith.addi %add3A_1325, %add3A_1326 : i32
        %get3A_1328 = arith.index_cast %add3A_1327 : i32 to index
        %get3A_1329 = arith.constant 48 : index
        %get3A_1330 = tpu.vector_load %arg7[%get3A_1328, %get3A_1329] {strides = array<i32>} : memref<800x64xf32, #tpu.memory_space<vmem>>, vector<16xf32>,
        %add3A_1331 = arith.addf %add3A_1291, %get3A_1330 : vector<16xf32>
        scf.yield %add3A_1301, %add3A_1311, %add3A_1321, %add3A_1331 : vector<16xf32>, vector<16xf32>, vector<16xf32>, vector<16xf32>
      }
      %scan3A_480 = arith.constant 50 : i32
      %swap3A_481 = arith.constant 0 : i32
      %swap3A_482 = arith.index_cast %swap3A_481 : i32 to index
      %swap3A_483 = arith.constant 0 : index
      %swap3A_484 = tpu.vector_load %arg9[%swap3A_482, %swap3A_483] {strides = array<i32>} : memref<4x128xf32, #tpu.memory_space<vmem>>, vector<16xf32>,
      tpu.vector_store %arg9[%swap3A_482, %swap3A_483], %scan3A_479#0 {strides = array<i32>} : memref<4x128xf32, #tpu.memory_space<vmem>>, vector<16xf32>,
      %swap3A_485 = arith.constant 0 : i32
      %swap3A_486 = arith.index_cast %swap3A_485 : i32 to index
      %swap3A_487 = arith.constant 16 : index
      %swap3A_488 = tpu.vector_load %arg9[%swap3A_486, %swap3A_487] {strides = array<i32>} : memref<4x128xf32, #tpu.memory_space<vmem>>, vector<16xf32>,
      tpu.vector_store %arg9[%swap3A_486, %swap3A_487], %scan3A_479#1 {strides = array<i32>} : memref<4x128xf32, #tpu.memory_space<vmem>>, vector<16xf32>,
      %swap3A_489 = arith.constant 0 : i32
      %swap3A_490 = arith.index_cast %swap3A_489 : i32 to index
      %swap3A_491 = arith.constant 32 : index
      %swap3A_492 = tpu.vector_load %arg9[%swap3A_490, %swap3A_491] {strides = array<i32>} : memref<4x128xf32, #tpu.memory_space<vmem>>, vector<16xf32>,
      tpu.vector_store %arg9[%swap3A_490, %swap3A_491], %scan3A_479#2 {strides = array<i32>} : memref<4x128xf32, #tpu.memory_space<vmem>>, vector<16xf32>,
      %swap3A_493 = arith.constant 0 : i32
      %swap3A_494 = arith.index_cast %swap3A_493 : i32 to index
      %swap3A_495 = arith.constant 48 : index
      %swap3A_496 = tpu.vector_load %arg9[%swap3A_494, %swap3A_495] {strides = array<i32>} : memref<4x128xf32, #tpu.memory_space<vmem>>, vector<16xf32>,
      tpu.vector_store %arg9[%swap3A_494, %swap3A_495], %scan3A_479#3 {strides = array<i32>} : memref<4x128xf32, #tpu.memory_space<vmem>>, vector<16xf32>,
      %broadcast_in_dim3A_497 = arith.constant 0.000000e+00 : f32
      %broadcast_in_dim3A_498 = vector.broadcast %broadcast_in_dim3A_497 : f32 to vector<16xf32>
      %broadcast_in_dim3A_499 = arith.constant 0.000000e+00 : f32
      %broadcast_in_dim3A_500 = vector.broadcast %broadcast_in_dim3A_499 : f32 to vector<16xf32>
      %broadcast_in_dim3A_501 = arith.constant 0.000000e+00 : f32
      %broadcast_in_dim3A_502 = vector.broadcast %broadcast_in_dim3A_501 : f32 to vector<16xf32>
      %broadcast_in_dim3A_503 = arith.constant 0.000000e+00 : f32
      %broadcast_in_dim3A_504 = vector.broadcast %broadcast_in_dim3A_503 : f32 to vector<16xf32>
      %scan3A_505 = arith.constant 0 : i32
      %scan3A_506 = arith.constant 50 : i32
      %scan3A_507 = arith.addi %scan3A_505, %scan3A_506 : i32
      %scan3A_508 = arith.constant 1 : i32
      %scan3A_509:4 = scf.for %scan3A_1167 = %scan3A_505 to %scan3A_507 step %scan3A_508 iter_args(%scan3A_1168 = %broadcast_in_dim3A_498, %scan3A_1169 = %broadcast_in_dim3A_500, %scan3A_1170 = %broadcast_in_dim3A_502, %scan3A_1171 = %broadcast_in_dim3A_504) -> (vector<16xf32>, vector<16xf32>, vector<16xf32>, vector<16xf32>)  : i32 {
        %mul3A_1172 = arith.constant 4 : i32
        %mul3A_1173 = arith.muli %scan3A_1167, %mul3A_1172 : i32
        %add3A_1174 = arith.constant 200 : i32
        %add3A_1175 = arith.addi %add3A_1174, %mul3A_1173 : i32
        %add3A_1176 = arith.constant 0 : i32
        %add3A_1177 = arith.addi %add3A_1175, %add3A_1176 : i32
        %get3A_1178 = arith.index_cast %add3A_1177 : i32 to index
        %get3A_1179 = arith.constant 0 : index
        %get3A_1180 = tpu.vector_load %arg7[%get3A_1178, %get3A_1179] {strides = array<i32>} : memref<800x64xf32, #tpu.memory_space<vmem>>, vector<16xf32>,
        %add3A_1181 = arith.addf %scan3A_1168, %get3A_1180 : vector<16xf32>
        %mul3A_1182 = arith.constant 4 : i32
        %mul3A_1183 = arith.muli %scan3A_1167, %mul3A_1182 : i32
        %add3A_1184 = arith.constant 200 : i32
        %add3A_1185 = arith.addi %add3A_1184, %mul3A_1183 : i32
        %add3A_1186 = arith.constant 0 : i32
        %add3A_1187 = arith.addi %add3A_1185, %add3A_1186 : i32
        %get3A_1188 = arith.index_cast %add3A_1187 : i32 to index
        %get3A_1189 = arith.constant 16 : index
        %get3A_1190 = tpu.vector_load %arg7[%get3A_1188, %get3A_1189] {strides = array<i32>} : memref<800x64xf32, #tpu.memory_space<vmem>>, vector<16xf32>,
        %add3A_1191 = arith.addf %scan3A_1169, %get3A_1190 : vector<16xf32>
        %mul3A_1192 = arith.constant 4 : i32
        %mul3A_1193 = arith.muli %scan3A_1167, %mul3A_1192 : i32
        %add3A_1194 = arith.constant 200 : i32
        %add3A_1195 = arith.addi %add3A_1194, %mul3A_1193 : i32
        %add3A_1196 = arith.constant 0 : i32
        %add3A_1197 = arith.addi %add3A_1195, %add3A_1196 : i32
        %get3A_1198 = arith.index_cast %add3A_1197 : i32 to index
        %get3A_1199 = arith.constant 32 : index
        %get3A_1200 = tpu.vector_load %arg7[%get3A_1198, %get3A_1199] {strides = array<i32>} : memref<800x64xf32, #tpu.memory_space<vmem>>, vector<16xf32>,
        %add3A_1201 = arith.addf %scan3A_1170, %get3A_1200 : vector<16xf32>
        %mul3A_1202 = arith.constant 4 : i32
        %mul3A_1203 = arith.muli %scan3A_1167, %mul3A_1202 : i32
        %add3A_1204 = arith.constant 200 : i32
        %add3A_1205 = arith.addi %add3A_1204, %mul3A_1203 : i32
        %add3A_1206 = arith.constant 0 : i32
        %add3A_1207 = arith.addi %add3A_1205, %add3A_1206 : i32
        %get3A_1208 = arith.index_cast %add3A_1207 : i32 to index
        %get3A_1209 = arith.constant 48 : index
        %get3A_1210 = tpu.vector_load %arg7[%get3A_1208, %get3A_1209] {strides = array<i32>} : memref<800x64xf32, #tpu.memory_space<vmem>>, vector<16xf32>,
        %add3A_1211 = arith.addf %scan3A_1171, %get3A_1210 : vector<16xf32>
        %mul3A_1212 = arith.constant 4 : i32
        %mul3A_1213 = arith.muli %scan3A_1167, %mul3A_1212 : i32
        %add3A_1214 = arith.constant 200 : i32
        %add3A_1215 = arith.addi %add3A_1214, %mul3A_1213 : i32
        %add3A_1216 = arith.constant 1 : i32
        %add3A_1217 = arith.addi %add3A_1215, %add3A_1216 : i32
        %get3A_1218 = arith.index_cast %add3A_1217 : i32 to index
        %get3A_1219 = arith.constant 0 : index
        %get3A_1220 = tpu.vector_load %arg7[%get3A_1218, %get3A_1219] {strides = array<i32>} : memref<800x64xf32, #tpu.memory_space<vmem>>, vector<16xf32>,
        %add3A_1221 = arith.addf %add3A_1181, %get3A_1220 : vector<16xf32>
        %mul3A_1222 = arith.constant 4 : i32
        %mul3A_1223 = arith.muli %scan3A_1167, %mul3A_1222 : i32
        %add3A_1224 = arith.constant 200 : i32
        %add3A_1225 = arith.addi %add3A_1224, %mul3A_1223 : i32
        %add3A_1226 = arith.constant 1 : i32
        %add3A_1227 = arith.addi %add3A_1225, %add3A_1226 : i32
        %get3A_1228 = arith.index_cast %add3A_1227 : i32 to index
        %get3A_1229 = arith.constant 16 : index
        %get3A_1230 = tpu.vector_load %arg7[%get3A_1228, %get3A_1229] {strides = array<i32>} : memref<800x64xf32, #tpu.memory_space<vmem>>, vector<16xf32>,
        %add3A_1231 = arith.addf %add3A_1191, %get3A_1230 : vector<16xf32>
        %mul3A_1232 = arith.constant 4 : i32
        %mul3A_1233 = arith.muli %scan3A_1167, %mul3A_1232 : i32
        %add3A_1234 = arith.constant 200 : i32
        %add3A_1235 = arith.addi %add3A_1234, %mul3A_1233 : i32
        %add3A_1236 = arith.constant 1 : i32
        %add3A_1237 = arith.addi %add3A_1235, %add3A_1236 : i32
        %get3A_1238 = arith.index_cast %add3A_1237 : i32 to index
        %get3A_1239 = arith.constant 32 : index
        %get3A_1240 = tpu.vector_load %arg7[%get3A_1238, %get3A_1239] {strides = array<i32>} : memref<800x64xf32, #tpu.memory_space<vmem>>, vector<16xf32>,
        %add3A_1241 = arith.addf %add3A_1201, %get3A_1240 : vector<16xf32>
        %mul3A_1242 = arith.constant 4 : i32
        %mul3A_1243 = arith.muli %scan3A_1167, %mul3A_1242 : i32
        %add3A_1244 = arith.constant 200 : i32
        %add3A_1245 = arith.addi %add3A_1244, %mul3A_1243 : i32
        %add3A_1246 = arith.constant 1 : i32
        %add3A_1247 = arith.addi %add3A_1245, %add3A_1246 : i32
        %get3A_1248 = arith.index_cast %add3A_1247 : i32 to index
        %get3A_1249 = arith.constant 48 : index
        %get3A_1250 = tpu.vector_load %arg7[%get3A_1248, %get3A_1249] {strides = array<i32>} : memref<800x64xf32, #tpu.memory_space<vmem>>, vector<16xf32>,
        %add3A_1251 = arith.addf %add3A_1211, %get3A_1250 : vector<16xf32>
        %mul3A_1252 = arith.constant 4 : i32
        %mul3A_1253 = arith.muli %scan3A_1167, %mul3A_1252 : i32
        %add3A_1254 = arith.constant 200 : i32
        %add3A_1255 = arith.addi %add3A_1254, %mul3A_1253 : i32
        %add3A_1256 = arith.constant 2 : i32
        %add3A_1257 = arith.addi %add3A_1255, %add3A_1256 : i32
        %get3A_1258 = arith.index_cast %add3A_1257 : i32 to index
        %get3A_1259 = arith.constant 0 : index
        %get3A_1260 = tpu.vector_load %arg7[%get3A_1258, %get3A_1259] {strides = array<i32>} : memref<800x64xf32, #tpu.memory_space<vmem>>, vector<16xf32>,
        %add3A_1261 = arith.addf %add3A_1221, %get3A_1260 : vector<16xf32>
        %mul3A_1262 = arith.constant 4 : i32
        %mul3A_1263 = arith.muli %scan3A_1167, %mul3A_1262 : i32
        %add3A_1264 = arith.constant 200 : i32
        %add3A_1265 = arith.addi %add3A_1264, %mul3A_1263 : i32
        %add3A_1266 = arith.constant 2 : i32
        %add3A_1267 = arith.addi %add3A_1265, %add3A_1266 : i32
        %get3A_1268 = arith.index_cast %add3A_1267 : i32 to index
        %get3A_1269 = arith.constant 16 : index
        %get3A_1270 = tpu.vector_load %arg7[%get3A_1268, %get3A_1269] {strides = array<i32>} : memref<800x64xf32, #tpu.memory_space<vmem>>, vector<16xf32>,
        %add3A_1271 = arith.addf %add3A_1231, %get3A_1270 : vector<16xf32>
        %mul3A_1272 = arith.constant 4 : i32
        %mul3A_1273 = arith.muli %scan3A_1167, %mul3A_1272 : i32
        %add3A_1274 = arith.constant 200 : i32
        %add3A_1275 = arith.addi %add3A_1274, %mul3A_1273 : i32
        %add3A_1276 = arith.constant 2 : i32
        %add3A_1277 = arith.addi %add3A_1275, %add3A_1276 : i32
        %get3A_1278 = arith.index_cast %add3A_1277 : i32 to index
        %get3A_1279 = arith.constant 32 : index
        %get3A_1280 = tpu.vector_load %arg7[%get3A_1278, %get3A_1279] {strides = array<i32>} : memref<800x64xf32, #tpu.memory_space<vmem>>, vector<16xf32>,
        %add3A_1281 = arith.addf %add3A_1241, %get3A_1280 : vector<16xf32>
        %mul3A_1282 = arith.constant 4 : i32
        %mul3A_1283 = arith.muli %scan3A_1167, %mul3A_1282 : i32
        %add3A_1284 = arith.constant 200 : i32
        %add3A_1285 = arith.addi %add3A_1284, %mul3A_1283 : i32
        %add3A_1286 = arith.constant 2 : i32
        %add3A_1287 = arith.addi %add3A_1285, %add3A_1286 : i32
        %get3A_1288 = arith.index_cast %add3A_1287 : i32 to index
        %get3A_1289 = arith.constant 48 : index
        %get3A_1290 = tpu.vector_load %arg7[%get3A_1288, %get3A_1289] {strides = array<i32>} : memref<800x64xf32, #tpu.memory_space<vmem>>, vector<16xf32>,
        %add3A_1291 = arith.addf %add3A_1251, %get3A_1290 : vector<16xf32>
        %mul3A_1292 = arith.constant 4 : i32
        %mul3A_1293 = arith.muli %scan3A_1167, %mul3A_1292 : i32
        %add3A_1294 = arith.constant 200 : i32
        %add3A_1295 = arith.addi %add3A_1294, %mul3A_1293 : i32
        %add3A_1296 = arith.constant 3 : i32
        %add3A_1297 = arith.addi %add3A_1295, %add3A_1296 : i32
        %get3A_1298 = arith.index_cast %add3A_1297 : i32 to index
        %get3A_1299 = arith.constant 0 : index
        %get3A_1300 = tpu.vector_load %arg7[%get3A_1298, %get3A_1299] {strides = array<i32>} : memref<800x64xf32, #tpu.memory_space<vmem>>, vector<16xf32>,
        %add3A_1301 = arith.addf %add3A_1261, %get3A_1300 : vector<16xf32>
        %mul3A_1302 = arith.constant 4 : i32
        %mul3A_1303 = arith.muli %scan3A_1167, %mul3A_1302 : i32
        %add3A_1304 = arith.constant 200 : i32
        %add3A_1305 = arith.addi %add3A_1304, %mul3A_1303 : i32
        %add3A_1306 = arith.constant 3 : i32
        %add3A_1307 = arith.addi %add3A_1305, %add3A_1306 : i32
        %get3A_1308 = arith.index_cast %add3A_1307 : i32 to index
        %get3A_1309 = arith.constant 16 : index
        %get3A_1310 = tpu.vector_load %arg7[%get3A_1308, %get3A_1309] {strides = array<i32>} : memref<800x64xf32, #tpu.memory_space<vmem>>, vector<16xf32>,
        %add3A_1311 = arith.addf %add3A_1271, %get3A_1310 : vector<16xf32>
        %mul3A_1312 = arith.constant 4 : i32
        %mul3A_1313 = arith.muli %scan3A_1167, %mul3A_1312 : i32
        %add3A_1314 = arith.constant 200 : i32
        %add3A_1315 = arith.addi %add3A_1314, %mul3A_1313 : i32
        %add3A_1316 = arith.constant 3 : i32
        %add3A_1317 = arith.addi %add3A_1315, %add3A_1316 : i32
        %get3A_1318 = arith.index_cast %add3A_1317 : i32 to index
        %get3A_1319 = arith.constant 32 : index
        %get3A_1320 = tpu.vector_load %arg7[%get3A_1318, %get3A_1319] {strides = array<i32>} : memref<800x64xf32, #tpu.memory_space<vmem>>, vector<16xf32>,
        %add3A_1321 = arith.addf %add3A_1281, %get3A_1320 : vector<16xf32>
        %mul3A_1322 = arith.constant 4 : i32
        %mul3A_1323 = arith.muli %scan3A_1167, %mul3A_1322 : i32
        %add3A_1324 = arith.constant 200 : i32
        %add3A_1325 = arith.addi %add3A_1324, %mul3A_1323 : i32
        %add3A_1326 = arith.constant 3 : i32
        %add3A_1327 = arith.addi %add3A_1325, %add3A_1326 : i32
        %get3A_1328 = arith.index_cast %add3A_1327 : i32 to index
        %get3A_1329 = arith.constant 48 : index
        %get3A_1330 = tpu.vector_load %arg7[%get3A_1328, %get3A_1329] {strides = array<i32>} : memref<800x64xf32, #tpu.memory_space<vmem>>, vector<16xf32>,
        %add3A_1331 = arith.addf %add3A_1291, %get3A_1330 : vector<16xf32>
        scf.yield %add3A_1301, %add3A_1311, %add3A_1321, %add3A_1331 : vector<16xf32>, vector<16xf32>, vector<16xf32>, vector<16xf32>
      }
      %scan3A_510 = arith.constant 50 : i32
      %swap3A_511 = arith.constant 1 : i32
      %swap3A_512 = arith.index_cast %swap3A_511 : i32 to index
      %swap3A_513 = arith.constant 0 : index
      %swap3A_514 = tpu.vector_load %arg9[%swap3A_512, %swap3A_513] {strides = array<i32>} : memref<4x128xf32, #tpu.memory_space<vmem>>, vector<16xf32>,
      tpu.vector_store %arg9[%swap3A_512, %swap3A_513], %scan3A_509#0 {strides = array<i32>} : memref<4x128xf32, #tpu.memory_space<vmem>>, vector<16xf32>,
      %swap3A_515 = arith.constant 1 : i32
      %swap3A_516 = arith.index_cast %swap3A_515 : i32 to index
      %swap3A_517 = arith.constant 16 : index
      %swap3A_518 = tpu.vector_load %arg9[%swap3A_516, %swap3A_517] {strides = array<i32>} : memref<4x128xf32, #tpu.memory_space<vmem>>, vector<16xf32>,
      tpu.vector_store %arg9[%swap3A_516, %swap3A_517], %scan3A_509#1 {strides = array<i32>} : memref<4x128xf32, #tpu.memory_space<vmem>>, vector<16xf32>,
      %swap3A_519 = arith.constant 1 : i32
      %swap3A_520 = arith.index_cast %swap3A_519 : i32 to index
      %swap3A_521 = arith.constant 32 : index
      %swap3A_522 = tpu.vector_load %arg9[%swap3A_520, %swap3A_521] {strides = array<i32>} : memref<4x128xf32, #tpu.memory_space<vmem>>, vector<16xf32>,
      tpu.vector_store %arg9[%swap3A_520, %swap3A_521], %scan3A_509#2 {strides = array<i32>} : memref<4x128xf32, #tpu.memory_space<vmem>>, vector<16xf32>,
      %swap3A_523 = arith.constant 1 : i32
      %swap3A_524 = arith.index_cast %swap3A_523 : i32 to index
      %swap3A_525 = arith.constant 48 : index
      %swap3A_526 = tpu.vector_load %arg9[%swap3A_524, %swap3A_525] {strides = array<i32>} : memref<4x128xf32, #tpu.memory_space<vmem>>, vector<16xf32>,
      tpu.vector_store %arg9[%swap3A_524, %swap3A_525], %scan3A_509#3 {strides = array<i32>} : memref<4x128xf32, #tpu.memory_space<vmem>>, vector<16xf32>,
      %broadcast_in_dim3A_527 = arith.constant 0.000000e+00 : f32
      %broadcast_in_dim3A_528 = vector.broadcast %broadcast_in_dim3A_527 : f32 to vector<16xf32>
      %broadcast_in_dim3A_529 = arith.constant 0.000000e+00 : f32
      %broadcast_in_dim3A_530 = vector.broadcast %broadcast_in_dim3A_529 : f32 to vector<16xf32>
      %broadcast_in_dim3A_531 = arith.constant 0.000000e+00 : f32
      %broadcast_in_dim3A_532 = vector.broadcast %broadcast_in_dim3A_531 : f32 to vector<16xf32>
      %broadcast_in_dim3A_533 = arith.constant 0.000000e+00 : f32
      %broadcast_in_dim3A_534 = vector.broadcast %broadcast_in_dim3A_533 : f32 to vector<16xf32>
      %scan3A_535 = arith.constant 0 : i32
      %scan3A_536 = arith.constant 50 : i32
      %scan3A_537 = arith.addi %scan3A_535, %scan3A_536 : i32
      %scan3A_538 = arith.constant 1 : i32
      %scan3A_539:4 = scf.for %scan3A_1167 = %scan3A_535 to %scan3A_537 step %scan3A_538 iter_args(%scan3A_1168 = %broadcast_in_dim3A_528, %scan3A_1169 = %broadcast_in_dim3A_530, %scan3A_1170 = %broadcast_in_dim3A_532, %scan3A_1171 = %broadcast_in_dim3A_534) -> (vector<16xf32>, vector<16xf32>, vector<16xf32>, vector<16xf32>)  : i32 {
        %mul3A_1172 = arith.constant 4 : i32
        %mul3A_1173 = arith.muli %scan3A_1167, %mul3A_1172 : i32
        %add3A_1174 = arith.constant 400 : i32
        %add3A_1175 = arith.addi %add3A_1174, %mul3A_1173 : i32
        %add3A_1176 = arith.constant 0 : i32
        %add3A_1177 = arith.addi %add3A_1175, %add3A_1176 : i32
        %get3A_1178 = arith.index_cast %add3A_1177 : i32 to index
        %get3A_1179 = arith.constant 0 : index
        %get3A_1180 = tpu.vector_load %arg7[%get3A_1178, %get3A_1179] {strides = array<i32>} : memref<800x64xf32, #tpu.memory_space<vmem>>, vector<16xf32>,
        %add3A_1181 = arith.addf %scan3A_1168, %get3A_1180 : vector<16xf32>
        %mul3A_1182 = arith.constant 4 : i32
        %mul3A_1183 = arith.muli %scan3A_1167, %mul3A_1182 : i32
        %add3A_1184 = arith.constant 400 : i32
        %add3A_1185 = arith.addi %add3A_1184, %mul3A_1183 : i32
        %add3A_1186 = arith.constant 0 : i32
        %add3A_1187 = arith.addi %add3A_1185, %add3A_1186 : i32
        %get3A_1188 = arith.index_cast %add3A_1187 : i32 to index
        %get3A_1189 = arith.constant 16 : index
        %get3A_1190 = tpu.vector_load %arg7[%get3A_1188, %get3A_1189] {strides = array<i32>} : memref<800x64xf32, #tpu.memory_space<vmem>>, vector<16xf32>,
        %add3A_1191 = arith.addf %scan3A_1169, %get3A_1190 : vector<16xf32>
        %mul3A_1192 = arith.constant 4 : i32
        %mul3A_1193 = arith.muli %scan3A_1167, %mul3A_1192 : i32
        %add3A_1194 = arith.constant 400 : i32
        %add3A_1195 = arith.addi %add3A_1194, %mul3A_1193 : i32
        %add3A_1196 = arith.constant 0 : i32
        %add3A_1197 = arith.addi %add3A_1195, %add3A_1196 : i32
        %get3A_1198 = arith.index_cast %add3A_1197 : i32 to index
        %get3A_1199 = arith.constant 32 : index
        %get3A_1200 = tpu.vector_load %arg7[%get3A_1198, %get3A_1199] {strides = array<i32>} : memref<800x64xf32, #tpu.memory_space<vmem>>, vector<16xf32>,
        %add3A_1201 = arith.addf %scan3A_1170, %get3A_1200 : vector<16xf32>
        %mul3A_1202 = arith.constant 4 : i32
        %mul3A_1203 = arith.muli %scan3A_1167, %mul3A_1202 : i32
        %add3A_1204 = arith.constant 400 : i32
        %add3A_1205 = arith.addi %add3A_1204, %mul3A_1203 : i32
        %add3A_1206 = arith.constant 0 : i32
        %add3A_1207 = arith.addi %add3A_1205, %add3A_1206 : i32
        %get3A_1208 = arith.index_cast %add3A_1207 : i32 to index
        %get3A_1209 = arith.constant 48 : index
        %get3A_1210 = tpu.vector_load %arg7[%get3A_1208, %get3A_1209] {strides = array<i32>} : memref<800x64xf32, #tpu.memory_space<vmem>>, vector<16xf32>,
        %add3A_1211 = arith.addf %scan3A_1171, %get3A_1210 : vector<16xf32>
        %mul3A_1212 = arith.constant 4 : i32
        %mul3A_1213 = arith.muli %scan3A_1167, %mul3A_1212 : i32
        %add3A_1214 = arith.constant 400 : i32
        %add3A_1215 = arith.addi %add3A_1214, %mul3A_1213 : i32
        %add3A_1216 = arith.constant 1 : i32
        %add3A_1217 = arith.addi %add3A_1215, %add3A_1216 : i32
        %get3A_1218 = arith.index_cast %add3A_1217 : i32 to index
        %get3A_1219 = arith.constant 0 : index
        %get3A_1220 = tpu.vector_load %arg7[%get3A_1218, %get3A_1219] {strides = array<i32>} : memref<800x64xf32, #tpu.memory_space<vmem>>, vector<16xf32>,
        %add3A_1221 = arith.addf %add3A_1181, %get3A_1220 : vector<16xf32>
        %mul3A_1222 = arith.constant 4 : i32
        %mul3A_1223 = arith.muli %scan3A_1167, %mul3A_1222 : i32
        %add3A_1224 = arith.constant 400 : i32
        %add3A_1225 = arith.addi %add3A_1224, %mul3A_1223 : i32
        %add3A_1226 = arith.constant 1 : i32
        %add3A_1227 = arith.addi %add3A_1225, %add3A_1226 : i32
        %get3A_1228 = arith.index_cast %add3A_1227 : i32 to index
        %get3A_1229 = arith.constant 16 : index
        %get3A_1230 = tpu.vector_load %arg7[%get3A_1228, %get3A_1229] {strides = array<i32>} : memref<800x64xf32, #tpu.memory_space<vmem>>, vector<16xf32>,
        %add3A_1231 = arith.addf %add3A_1191, %get3A_1230 : vector<16xf32>
        %mul3A_1232 = arith.constant 4 : i32
        %mul3A_1233 = arith.muli %scan3A_1167, %mul3A_1232 : i32
        %add3A_1234 = arith.constant 400 : i32
        %add3A_1235 = arith.addi %add3A_1234, %mul3A_1233 : i32
        %add3A_1236 = arith.constant 1 : i32
        %add3A_1237 = arith.addi %add3A_1235, %add3A_1236 : i32
        %get3A_1238 = arith.index_cast %add3A_1237 : i32 to index
        %get3A_1239 = arith.constant 32 : index
        %get3A_1240 = tpu.vector_load %arg7[%get3A_1238, %get3A_1239] {strides = array<i32>} : memref<800x64xf32, #tpu.memory_space<vmem>>, vector<16xf32>,
        %add3A_1241 = arith.addf %add3A_1201, %get3A_1240 : vector<16xf32>
        %mul3A_1242 = arith.constant 4 : i32
        %mul3A_1243 = arith.muli %scan3A_1167, %mul3A_1242 : i32
        %add3A_1244 = arith.constant 400 : i32
        %add3A_1245 = arith.addi %add3A_1244, %mul3A_1243 : i32
        %add3A_1246 = arith.constant 1 : i32
        %add3A_1247 = arith.addi %add3A_1245, %add3A_1246 : i32
        %get3A_1248 = arith.index_cast %add3A_1247 : i32 to index
        %get3A_1249 = arith.constant 48 : index
        %get3A_1250 = tpu.vector_load %arg7[%get3A_1248, %get3A_1249] {strides = array<i32>} : memref<800x64xf32, #tpu.memory_space<vmem>>, vector<16xf32>,
        %add3A_1251 = arith.addf %add3A_1211, %get3A_1250 : vector<16xf32>
        %mul3A_1252 = arith.constant 4 : i32
        %mul3A_1253 = arith.muli %scan3A_1167, %mul3A_1252 : i32
        %add3A_1254 = arith.constant 400 : i32
        %add3A_1255 = arith.addi %add3A_1254, %mul3A_1253 : i32
        %add3A_1256 = arith.constant 2 : i32
        %add3A_1257 = arith.addi %add3A_1255, %add3A_1256 : i32
        %get3A_1258 = arith.index_cast %add3A_1257 : i32 to index
        %get3A_1259 = arith.constant 0 : index
        %get3A_1260 = tpu.vector_load %arg7[%get3A_1258, %get3A_1259] {strides = array<i32>} : memref<800x64xf32, #tpu.memory_space<vmem>>, vector<16xf32>,
        %add3A_1261 = arith.addf %add3A_1221, %get3A_1260 : vector<16xf32>
        %mul3A_1262 = arith.constant 4 : i32
        %mul3A_1263 = arith.muli %scan3A_1167, %mul3A_1262 : i32
        %add3A_1264 = arith.constant 400 : i32
        %add3A_1265 = arith.addi %add3A_1264, %mul3A_1263 : i32
        %add3A_1266 = arith.constant 2 : i32
        %add3A_1267 = arith.addi %add3A_1265, %add3A_1266 : i32
        %get3A_1268 = arith.index_cast %add3A_1267 : i32 to index
        %get3A_1269 = arith.constant 16 : index
        %get3A_1270 = tpu.vector_load %arg7[%get3A_1268, %get3A_1269] {strides = array<i32>} : memref<800x64xf32, #tpu.memory_space<vmem>>, vector<16xf32>,
        %add3A_1271 = arith.addf %add3A_1231, %get3A_1270 : vector<16xf32>
        %mul3A_1272 = arith.constant 4 : i32
        %mul3A_1273 = arith.muli %scan3A_1167, %mul3A_1272 : i32
        %add3A_1274 = arith.constant 400 : i32
        %add3A_1275 = arith.addi %add3A_1274, %mul3A_1273 : i32
        %add3A_1276 = arith.constant 2 : i32
        %add3A_1277 = arith.addi %add3A_1275, %add3A_1276 : i32
        %get3A_1278 = arith.index_cast %add3A_1277 : i32 to index
        %get3A_1279 = arith.constant 32 : index
        %get3A_1280 = tpu.vector_load %arg7[%get3A_1278, %get3A_1279] {strides = array<i32>} : memref<800x64xf32, #tpu.memory_space<vmem>>, vector<16xf32>,
        %add3A_1281 = arith.addf %add3A_1241, %get3A_1280 : vector<16xf32>
        %mul3A_1282 = arith.constant 4 : i32
        %mul3A_1283 = arith.muli %scan3A_1167, %mul3A_1282 : i32
        %add3A_1284 = arith.constant 400 : i32
        %add3A_1285 = arith.addi %add3A_1284, %mul3A_1283 : i32
        %add3A_1286 = arith.constant 2 : i32
        %add3A_1287 = arith.addi %add3A_1285, %add3A_1286 : i32
        %get3A_1288 = arith.index_cast %add3A_1287 : i32 to index
        %get3A_1289 = arith.constant 48 : index
        %get3A_1290 = tpu.vector_load %arg7[%get3A_1288, %get3A_1289] {strides = array<i32>} : memref<800x64xf32, #tpu.memory_space<vmem>>, vector<16xf32>,
        %add3A_1291 = arith.addf %add3A_1251, %get3A_1290 : vector<16xf32>
        %mul3A_1292 = arith.constant 4 : i32
        %mul3A_1293 = arith.muli %scan3A_1167, %mul3A_1292 : i32
        %add3A_1294 = arith.constant 400 : i32
        %add3A_1295 = arith.addi %add3A_1294, %mul3A_1293 : i32
        %add3A_1296 = arith.constant 3 : i32
        %add3A_1297 = arith.addi %add3A_1295, %add3A_1296 : i32
        %get3A_1298 = arith.index_cast %add3A_1297 : i32 to index
        %get3A_1299 = arith.constant 0 : index
        %get3A_1300 = tpu.vector_load %arg7[%get3A_1298, %get3A_1299] {strides = array<i32>} : memref<800x64xf32, #tpu.memory_space<vmem>>, vector<16xf32>,
        %add3A_1301 = arith.addf %add3A_1261, %get3A_1300 : vector<16xf32>
        %mul3A_1302 = arith.constant 4 : i32
        %mul3A_1303 = arith.muli %scan3A_1167, %mul3A_1302 : i32
        %add3A_1304 = arith.constant 400 : i32
        %add3A_1305 = arith.addi %add3A_1304, %mul3A_1303 : i32
        %add3A_1306 = arith.constant 3 : i32
        %add3A_1307 = arith.addi %add3A_1305, %add3A_1306 : i32
        %get3A_1308 = arith.index_cast %add3A_1307 : i32 to index
        %get3A_1309 = arith.constant 16 : index
        %get3A_1310 = tpu.vector_load %arg7[%get3A_1308, %get3A_1309] {strides = array<i32>} : memref<800x64xf32, #tpu.memory_space<vmem>>, vector<16xf32>,
        %add3A_1311 = arith.addf %add3A_1271, %get3A_1310 : vector<16xf32>
        %mul3A_1312 = arith.constant 4 : i32
        %mul3A_1313 = arith.muli %scan3A_1167, %mul3A_1312 : i32
        %add3A_1314 = arith.constant 400 : i32
        %add3A_1315 = arith.addi %add3A_1314, %mul3A_1313 : i32
        %add3A_1316 = arith.constant 3 : i32
        %add3A_1317 = arith.addi %add3A_1315, %add3A_1316 : i32
        %get3A_1318 = arith.index_cast %add3A_1317 : i32 to index
        %get3A_1319 = arith.constant 32 : index
        %get3A_1320 = tpu.vector_load %arg7[%get3A_1318, %get3A_1319] {strides = array<i32>} : memref<800x64xf32, #tpu.memory_space<vmem>>, vector<16xf32>,
        %add3A_1321 = arith.addf %add3A_1281, %get3A_1320 : vector<16xf32>
        %mul3A_1322 = arith.constant 4 : i32
        %mul3A_1323 = arith.muli %scan3A_1167, %mul3A_1322 : i32
        %add3A_1324 = arith.constant 400 : i32
        %add3A_1325 = arith.addi %add3A_1324, %mul3A_1323 : i32
        %add3A_1326 = arith.constant 3 : i32
        %add3A_1327 = arith.addi %add3A_1325, %add3A_1326 : i32
        %get3A_1328 = arith.index_cast %add3A_1327 : i32 to index
        %get3A_1329 = arith.constant 48 : index
        %get3A_1330 = tpu.vector_load %arg7[%get3A_1328, %get3A_1329] {strides = array<i32>} : memref<800x64xf32, #tpu.memory_space<vmem>>, vector<16xf32>,
        %add3A_1331 = arith.addf %add3A_1291, %get3A_1330 : vector<16xf32>
        scf.yield %add3A_1301, %add3A_1311, %add3A_1321, %add3A_1331 : vector<16xf32>, vector<16xf32>, vector<16xf32>, vector<16xf32>
      }
      %scan3A_540 = arith.constant 50 : i32
      %swap3A_541 = arith.constant 2 : i32
      %swap3A_542 = arith.index_cast %swap3A_541 : i32 to index
      %swap3A_543 = arith.constant 0 : index
      %swap3A_544 = tpu.vector_load %arg9[%swap3A_542, %swap3A_543] {strides = array<i32>} : memref<4x128xf32, #tpu.memory_space<vmem>>, vector<16xf32>,
      tpu.vector_store %arg9[%swap3A_542, %swap3A_543], %scan3A_539#0 {strides = array<i32>} : memref<4x128xf32, #tpu.memory_space<vmem>>, vector<16xf32>,
      %swap3A_545 = arith.constant 2 : i32
      %swap3A_546 = arith.index_cast %swap3A_545 : i32 to index
      %swap3A_547 = arith.constant 16 : index
      %swap3A_548 = tpu.vector_load %arg9[%swap3A_546, %swap3A_547] {strides = array<i32>} : memref<4x128xf32, #tpu.memory_space<vmem>>, vector<16xf32>,
      tpu.vector_store %arg9[%swap3A_546, %swap3A_547], %scan3A_539#1 {strides = array<i32>} : memref<4x128xf32, #tpu.memory_space<vmem>>, vector<16xf32>,
      %swap3A_549 = arith.constant 2 : i32
      %swap3A_550 = arith.index_cast %swap3A_549 : i32 to index
      %swap3A_551 = arith.constant 32 : index
      %swap3A_552 = tpu.vector_load %arg9[%swap3A_550, %swap3A_551] {strides = array<i32>} : memref<4x128xf32, #tpu.memory_space<vmem>>, vector<16xf32>,
      tpu.vector_store %arg9[%swap3A_550, %swap3A_551], %scan3A_539#2 {strides = array<i32>} : memref<4x128xf32, #tpu.memory_space<vmem>>, vector<16xf32>,
      %swap3A_553 = arith.constant 2 : i32
      %swap3A_554 = arith.index_cast %swap3A_553 : i32 to index
      %swap3A_555 = arith.constant 48 : index
      %swap3A_556 = tpu.vector_load %arg9[%swap3A_554, %swap3A_555] {strides = array<i32>} : memref<4x128xf32, #tpu.memory_space<vmem>>, vector<16xf32>,
      tpu.vector_store %arg9[%swap3A_554, %swap3A_555], %scan3A_539#3 {strides = array<i32>} : memref<4x128xf32, #tpu.memory_space<vmem>>, vector<16xf32>,
      %broadcast_in_dim3A_557 = arith.constant 0.000000e+00 : f32
      %broadcast_in_dim3A_558 = vector.broadcast %broadcast_in_dim3A_557 : f32 to vector<16xf32>
      %broadcast_in_dim3A_559 = arith.constant 0.000000e+00 : f32
      %broadcast_in_dim3A_560 = vector.broadcast %broadcast_in_dim3A_559 : f32 to vector<16xf32>
      %broadcast_in_dim3A_561 = arith.constant 0.000000e+00 : f32
      %broadcast_in_dim3A_562 = vector.broadcast %broadcast_in_dim3A_561 : f32 to vector<16xf32>
      %broadcast_in_dim3A_563 = arith.constant 0.000000e+00 : f32
      %broadcast_in_dim3A_564 = vector.broadcast %broadcast_in_dim3A_563 : f32 to vector<16xf32>
      %scan3A_565 = arith.constant 0 : i32
      %scan3A_566 = arith.constant 50 : i32
      %scan3A_567 = arith.addi %scan3A_565, %scan3A_566 : i32
      %scan3A_568 = arith.constant 1 : i32
      %scan3A_569:4 = scf.for %scan3A_1167 = %scan3A_565 to %scan3A_567 step %scan3A_568 iter_args(%scan3A_1168 = %broadcast_in_dim3A_558, %scan3A_1169 = %broadcast_in_dim3A_560, %scan3A_1170 = %broadcast_in_dim3A_562, %scan3A_1171 = %broadcast_in_dim3A_564) -> (vector<16xf32>, vector<16xf32>, vector<16xf32>, vector<16xf32>)  : i32 {
        %mul3A_1172 = arith.constant 4 : i32
        %mul3A_1173 = arith.muli %scan3A_1167, %mul3A_1172 : i32
        %add3A_1174 = arith.constant 600 : i32
        %add3A_1175 = arith.addi %add3A_1174, %mul3A_1173 : i32
        %add3A_1176 = arith.constant 0 : i32
        %add3A_1177 = arith.addi %add3A_1175, %add3A_1176 : i32
        %get3A_1178 = arith.index_cast %add3A_1177 : i32 to index
        %get3A_1179 = arith.constant 0 : index
        %get3A_1180 = tpu.vector_load %arg7[%get3A_1178, %get3A_1179] {strides = array<i32>} : memref<800x64xf32, #tpu.memory_space<vmem>>, vector<16xf32>,
        %add3A_1181 = arith.addf %scan3A_1168, %get3A_1180 : vector<16xf32>
        %mul3A_1182 = arith.constant 4 : i32
        %mul3A_1183 = arith.muli %scan3A_1167, %mul3A_1182 : i32
        %add3A_1184 = arith.constant 600 : i32
        %add3A_1185 = arith.addi %add3A_1184, %mul3A_1183 : i32
        %add3A_1186 = arith.constant 0 : i32
        %add3A_1187 = arith.addi %add3A_1185, %add3A_1186 : i32
        %get3A_1188 = arith.index_cast %add3A_1187 : i32 to index
        %get3A_1189 = arith.constant 16 : index
        %get3A_1190 = tpu.vector_load %arg7[%get3A_1188, %get3A_1189] {strides = array<i32>} : memref<800x64xf32, #tpu.memory_space<vmem>>, vector<16xf32>,
        %add3A_1191 = arith.addf %scan3A_1169, %get3A_1190 : vector<16xf32>
        %mul3A_1192 = arith.constant 4 : i32
        %mul3A_1193 = arith.muli %scan3A_1167, %mul3A_1192 : i32
        %add3A_1194 = arith.constant 600 : i32
        %add3A_1195 = arith.addi %add3A_1194, %mul3A_1193 : i32
        %add3A_1196 = arith.constant 0 : i32
        %add3A_1197 = arith.addi %add3A_1195, %add3A_1196 : i32
        %get3A_1198 = arith.index_cast %add3A_1197 : i32 to index
        %get3A_1199 = arith.constant 32 : index
        %get3A_1200 = tpu.vector_load %arg7[%get3A_1198, %get3A_1199] {strides = array<i32>} : memref<800x64xf32, #tpu.memory_space<vmem>>, vector<16xf32>,
        %add3A_1201 = arith.addf %scan3A_1170, %get3A_1200 : vector<16xf32>
        %mul3A_1202 = arith.constant 4 : i32
        %mul3A_1203 = arith.muli %scan3A_1167, %mul3A_1202 : i32
        %add3A_1204 = arith.constant 600 : i32
        %add3A_1205 = arith.addi %add3A_1204, %mul3A_1203 : i32
        %add3A_1206 = arith.constant 0 : i32
        %add3A_1207 = arith.addi %add3A_1205, %add3A_1206 : i32
        %get3A_1208 = arith.index_cast %add3A_1207 : i32 to index
        %get3A_1209 = arith.constant 48 : index
        %get3A_1210 = tpu.vector_load %arg7[%get3A_1208, %get3A_1209] {strides = array<i32>} : memref<800x64xf32, #tpu.memory_space<vmem>>, vector<16xf32>,
        %add3A_1211 = arith.addf %scan3A_1171, %get3A_1210 : vector<16xf32>
        %mul3A_1212 = arith.constant 4 : i32
        %mul3A_1213 = arith.muli %scan3A_1167, %mul3A_1212 : i32
        %add3A_1214 = arith.constant 600 : i32
        %add3A_1215 = arith.addi %add3A_1214, %mul3A_1213 : i32
        %add3A_1216 = arith.constant 1 : i32
        %add3A_1217 = arith.addi %add3A_1215, %add3A_1216 : i32
        %get3A_1218 = arith.index_cast %add3A_1217 : i32 to index
        %get3A_1219 = arith.constant 0 : index
        %get3A_1220 = tpu.vector_load %arg7[%get3A_1218, %get3A_1219] {strides = array<i32>} : memref<800x64xf32, #tpu.memory_space<vmem>>, vector<16xf32>,
        %add3A_1221 = arith.addf %add3A_1181, %get3A_1220 : vector<16xf32>
        %mul3A_1222 = arith.constant 4 : i32
        %mul3A_1223 = arith.muli %scan3A_1167, %mul3A_1222 : i32
        %add3A_1224 = arith.constant 600 : i32
        %add3A_1225 = arith.addi %add3A_1224, %mul3A_1223 : i32
        %add3A_1226 = arith.constant 1 : i32
        %add3A_1227 = arith.addi %add3A_1225, %add3A_1226 : i32
        %get3A_1228 = arith.index_cast %add3A_1227 : i32 to index
        %get3A_1229 = arith.constant 16 : index
        %get3A_1230 = tpu.vector_load %arg7[%get3A_1228, %get3A_1229] {strides = array<i32>} : memref<800x64xf32, #tpu.memory_space<vmem>>, vector<16xf32>,
        %add3A_1231 = arith.addf %add3A_1191, %get3A_1230 : vector<16xf32>
        %mul3A_1232 = arith.constant 4 : i32
        %mul3A_1233 = arith.muli %scan3A_1167, %mul3A_1232 : i32
        %add3A_1234 = arith.constant 600 : i32
        %add3A_1235 = arith.addi %add3A_1234, %mul3A_1233 : i32
        %add3A_1236 = arith.constant 1 : i32
        %add3A_1237 = arith.addi %add3A_1235, %add3A_1236 : i32
        %get3A_1238 = arith.index_cast %add3A_1237 : i32 to index
        %get3A_1239 = arith.constant 32 : index
        %get3A_1240 = tpu.vector_load %arg7[%get3A_1238, %get3A_1239] {strides = array<i32>} : memref<800x64xf32, #tpu.memory_space<vmem>>, vector<16xf32>,
        %add3A_1241 = arith.addf %add3A_1201, %get3A_1240 : vector<16xf32>
        %mul3A_1242 = arith.constant 4 : i32
        %mul3A_1243 = arith.muli %scan3A_1167, %mul3A_1242 : i32
        %add3A_1244 = arith.constant 600 : i32
        %add3A_1245 = arith.addi %add3A_1244, %mul3A_1243 : i32
        %add3A_1246 = arith.constant 1 : i32
        %add3A_1247 = arith.addi %add3A_1245, %add3A_1246 : i32
        %get3A_1248 = arith.index_cast %add3A_1247 : i32 to index
        %get3A_1249 = arith.constant 48 : index
        %get3A_1250 = tpu.vector_load %arg7[%get3A_1248, %get3A_1249] {strides = array<i32>} : memref<800x64xf32, #tpu.memory_space<vmem>>, vector<16xf32>,
        %add3A_1251 = arith.addf %add3A_1211, %get3A_1250 : vector<16xf32>
        %mul3A_1252 = arith.constant 4 : i32
        %mul3A_1253 = arith.muli %scan3A_1167, %mul3A_1252 : i32
        %add3A_1254 = arith.constant 600 : i32
        %add3A_1255 = arith.addi %add3A_1254, %mul3A_1253 : i32
        %add3A_1256 = arith.constant 2 : i32
        %add3A_1257 = arith.addi %add3A_1255, %add3A_1256 : i32
        %get3A_1258 = arith.index_cast %add3A_1257 : i32 to index
        %get3A_1259 = arith.constant 0 : index
        %get3A_1260 = tpu.vector_load %arg7[%get3A_1258, %get3A_1259] {strides = array<i32>} : memref<800x64xf32, #tpu.memory_space<vmem>>, vector<16xf32>,
        %add3A_1261 = arith.addf %add3A_1221, %get3A_1260 : vector<16xf32>
        %mul3A_1262 = arith.constant 4 : i32
        %mul3A_1263 = arith.muli %scan3A_1167, %mul3A_1262 : i32
        %add3A_1264 = arith.constant 600 : i32
        %add3A_1265 = arith.addi %add3A_1264, %mul3A_1263 : i32
        %add3A_1266 = arith.constant 2 : i32
        %add3A_1267 = arith.addi %add3A_1265, %add3A_1266 : i32
        %get3A_1268 = arith.index_cast %add3A_1267 : i32 to index
        %get3A_1269 = arith.constant 16 : index
        %get3A_1270 = tpu.vector_load %arg7[%get3A_1268, %get3A_1269] {strides = array<i32>} : memref<800x64xf32, #tpu.memory_space<vmem>>, vector<16xf32>,
        %add3A_1271 = arith.addf %add3A_1231, %get3A_1270 : vector<16xf32>
        %mul3A_1272 = arith.constant 4 : i32
        %mul3A_1273 = arith.muli %scan3A_1167, %mul3A_1272 : i32
        %add3A_1274 = arith.constant 600 : i32
        %add3A_1275 = arith.addi %add3A_1274, %mul3A_1273 : i32
        %add3A_1276 = arith.constant 2 : i32
        %add3A_1277 = arith.addi %add3A_1275, %add3A_1276 : i32
        %get3A_1278 = arith.index_cast %add3A_1277 : i32 to index
        %get3A_1279 = arith.constant 32 : index
        %get3A_1280 = tpu.vector_load %arg7[%get3A_1278, %get3A_1279] {strides = array<i32>} : memref<800x64xf32, #tpu.memory_space<vmem>>, vector<16xf32>,
        %add3A_1281 = arith.addf %add3A_1241, %get3A_1280 : vector<16xf32>
        %mul3A_1282 = arith.constant 4 : i32
        %mul3A_1283 = arith.muli %scan3A_1167, %mul3A_1282 : i32
        %add3A_1284 = arith.constant 600 : i32
        %add3A_1285 = arith.addi %add3A_1284, %mul3A_1283 : i32
        %add3A_1286 = arith.constant 2 : i32
        %add3A_1287 = arith.addi %add3A_1285, %add3A_1286 : i32
        %get3A_1288 = arith.index_cast %add3A_1287 : i32 to index
        %get3A_1289 = arith.constant 48 : index
        %get3A_1290 = tpu.vector_load %arg7[%get3A_1288, %get3A_1289] {strides = array<i32>} : memref<800x64xf32, #tpu.memory_space<vmem>>, vector<16xf32>,
        %add3A_1291 = arith.addf %add3A_1251, %get3A_1290 : vector<16xf32>
        %mul3A_1292 = arith.constant 4 : i32
        %mul3A_1293 = arith.muli %scan3A_1167, %mul3A_1292 : i32
        %add3A_1294 = arith.constant 600 : i32
        %add3A_1295 = arith.addi %add3A_1294, %mul3A_1293 : i32
        %add3A_1296 = arith.constant 3 : i32
        %add3A_1297 = arith.addi %add3A_1295, %add3A_1296 : i32
        %get3A_1298 = arith.index_cast %add3A_1297 : i32 to index
        %get3A_1299 = arith.constant 0 : index
        %get3A_1300 = tpu.vector_load %arg7[%get3A_1298, %get3A_1299] {strides = array<i32>} : memref<800x64xf32, #tpu.memory_space<vmem>>, vector<16xf32>,
        %add3A_1301 = arith.addf %add3A_1261, %get3A_1300 : vector<16xf32>
        %mul3A_1302 = arith.constant 4 : i32
        %mul3A_1303 = arith.muli %scan3A_1167, %mul3A_1302 : i32
        %add3A_1304 = arith.constant 600 : i32
        %add3A_1305 = arith.addi %add3A_1304, %mul3A_1303 : i32
        %add3A_1306 = arith.constant 3 : i32
        %add3A_1307 = arith.addi %add3A_1305, %add3A_1306 : i32
        %get3A_1308 = arith.index_cast %add3A_1307 : i32 to index
        %get3A_1309 = arith.constant 16 : index
        %get3A_1310 = tpu.vector_load %arg7[%get3A_1308, %get3A_1309] {strides = array<i32>} : memref<800x64xf32, #tpu.memory_space<vmem>>, vector<16xf32>,
        %add3A_1311 = arith.addf %add3A_1271, %get3A_1310 : vector<16xf32>
        %mul3A_1312 = arith.constant 4 : i32
        %mul3A_1313 = arith.muli %scan3A_1167, %mul3A_1312 : i32
        %add3A_1314 = arith.constant 600 : i32
        %add3A_1315 = arith.addi %add3A_1314, %mul3A_1313 : i32
        %add3A_1316 = arith.constant 3 : i32
        %add3A_1317 = arith.addi %add3A_1315, %add3A_1316 : i32
        %get3A_1318 = arith.index_cast %add3A_1317 : i32 to index
        %get3A_1319 = arith.constant 32 : index
        %get3A_1320 = tpu.vector_load %arg7[%get3A_1318, %get3A_1319] {strides = array<i32>} : memref<800x64xf32, #tpu.memory_space<vmem>>, vector<16xf32>,
        %add3A_1321 = arith.addf %add3A_1281, %get3A_1320 : vector<16xf32>
        %mul3A_1322 = arith.constant 4 : i32
        %mul3A_1323 = arith.muli %scan3A_1167, %mul3A_1322 : i32
        %add3A_1324 = arith.constant 600 : i32
        %add3A_1325 = arith.addi %add3A_1324, %mul3A_1323 : i32
        %add3A_1326 = arith.constant 3 : i32
        %add3A_1327 = arith.addi %add3A_1325, %add3A_1326 : i32
        %get3A_1328 = arith.index_cast %add3A_1327 : i32 to index
        %get3A_1329 = arith.constant 48 : index
        %get3A_1330 = tpu.vector_load %arg7[%get3A_1328, %get3A_1329] {strides = array<i32>} : memref<800x64xf32, #tpu.memory_space<vmem>>, vector<16xf32>,
        %add3A_1331 = arith.addf %add3A_1291, %get3A_1330 : vector<16xf32>
        scf.yield %add3A_1301, %add3A_1311, %add3A_1321, %add3A_1331 : vector<16xf32>, vector<16xf32>, vector<16xf32>, vector<16xf32>
      }
      %scan3A_570 = arith.constant 50 : i32
      %swap3A_571 = arith.constant 3 : i32
      %swap3A_572 = arith.index_cast %swap3A_571 : i32 to index
      %swap3A_573 = arith.constant 0 : index
      %swap3A_574 = tpu.vector_load %arg9[%swap3A_572, %swap3A_573] {strides = array<i32>} : memref<4x128xf32, #tpu.memory_space<vmem>>, vector<16xf32>,
      tpu.vector_store %arg9[%swap3A_572, %swap3A_573], %scan3A_569#0 {strides = array<i32>} : memref<4x128xf32, #tpu.memory_space<vmem>>, vector<16xf32>,
      %swap3A_575 = arith.constant 3 : i32
      %swap3A_576 = arith.index_cast %swap3A_575 : i32 to index
      %swap3A_577 = arith.constant 16 : index
      %swap3A_578 = tpu.vector_load %arg9[%swap3A_576, %swap3A_577] {strides = array<i32>} : memref<4x128xf32, #tpu.memory_space<vmem>>, vector<16xf32>,
      tpu.vector_store %arg9[%swap3A_576, %swap3A_577], %scan3A_569#1 {strides = array<i32>} : memref<4x128xf32, #tpu.memory_space<vmem>>, vector<16xf32>,
      %swap3A_579 = arith.constant 3 : i32
      %swap3A_580 = arith.index_cast %swap3A_579 : i32 to index
      %swap3A_581 = arith.constant 32 : index
      %swap3A_582 = tpu.vector_load %arg9[%swap3A_580, %swap3A_581] {strides = array<i32>} : memref<4x128xf32, #tpu.memory_space<vmem>>, vector<16xf32>,
      tpu.vector_store %arg9[%swap3A_580, %swap3A_581], %scan3A_569#2 {strides = array<i32>} : memref<4x128xf32, #tpu.memory_space<vmem>>, vector<16xf32>,
      %swap3A_583 = arith.constant 3 : i32
      %swap3A_584 = arith.index_cast %swap3A_583 : i32 to index
      %swap3A_585 = arith.constant 48 : index
      %swap3A_586 = tpu.vector_load %arg9[%swap3A_584, %swap3A_585] {strides = array<i32>} : memref<4x128xf32, #tpu.memory_space<vmem>>, vector<16xf32>,
      tpu.vector_store %arg9[%swap3A_584, %swap3A_585], %scan3A_569#3 {strides = array<i32>} : memref<4x128xf32, #tpu.memory_space<vmem>>, vector<16xf32>,
      %mul3A_587 = arith.constant 4 : i32
      %mul3A_588 = arith.muli %add3A_50, %mul3A_587 : i32
      %add3A_589 = arith.addi %mul3A_2, %mul3A_588 : i32
      %dma_start3A_590 = arith.constant 0 : i32
      %dma_start3A_591 = tpu.memref_slice %arg4[%add3A_589, %dma_start3A_590] : memref<4096x128xf32, #tpu.memory_space<hbm>> -> memref<4x128xf32, #tpu.memory_space<hbm>>
      %dma_start3A_592 = arith.constant 0 : i32
      %dma_start3A_593 = tpu.memref_slice %arg4[%add3A_589, %dma_start3A_592] : memref<4096x128xf32, #tpu.memory_space<hbm>> -> memref<4x128xf32, #tpu.memory_space<hbm>>
      tpu.enqueue_dma source(%arg9 : memref<4x128xf32, #tpu.memory_space<vmem>>) target(%dma_start3A_593 : memref<4x128xf32, #tpu.memory_space<hbm>>) target_semaphore(%arg15 : memref<!tpu.dma_semaphore, #tpu.memory_space<semaphore_mem>>)
      %add3A_594 = arith.constant 2 : i32
      %add3A_595 = arith.addi %add3A_50, %add3A_594 : i32
      %lt3A_596 = arith.constant 32 : i32
      %lt3A_597 = arith.cmpi slt, %add3A_595, %lt3A_596 : i32
      %convert_element_type3A_598 = arith.extui %lt3A_597 : i1 to i32
      %cond3A_599 = arith.constant 0 : i32
      %cond3A_600 = arith.cmpi ne, %convert_element_type3A_598, %cond3A_599 : i32
      scf.if %cond3A_600 {
        %dma_wait3A_1167 = arith.constant 0 : i32
        %dma_wait3A_1168 = tpu.memref_slice %arg3[%dma_wait3A_1167] : memref<819200xi32, #tpu.memory_space<hbm>> -> memref<800xi32, #tpu.memory_space<hbm>>
        %dma_wait3A_1169 = arith.constant 0 : i32
        %dma_wait3A_1170 = tpu.memref_slice %arg3[%dma_wait3A_1169] : memref<819200xi32, #tpu.memory_space<hbm>> -> memref<800xi32, #tpu.memory_space<hbm>>
        tpu.wait_dma2 semaphore(%arg11 : memref<!tpu.dma_semaphore, #tpu.memory_space<semaphore_mem>>) src(%dma_wait3A_1170 : memref<800xi32, #tpu.memory_space<hbm>>) dst(%arg5 : memref<800xi32, #tpu.memory_space<vmem>>)
        %dma_start3A_1171 = arith.constant 0 : i32
        %dma_start3A_1172 = arith.constant 0 : i32
        %dma_start3A_1173 = tpu.memref_slice %arg2[%dma_start3A_1171, %dma_start3A_1172] : memref<1000000x64xf32, #tpu.memory_space<hbm>> -> memref<1000000x64xf32, #tpu.memory_space<hbm>>
        tpu.enqueue_indirect_dma source(%dma_start3A_1173 : memref<1000000x64xf32, #tpu.memory_space<hbm>>) target(%arg7 : memref<800x64xf32, #tpu.memory_space<vmem>>) offsets(%arg5 : memref<800xi32, #tpu.memory_space<vmem>>) semaphore(%arg13 : memref<!tpu.dma_semaphore, #tpu.memory_space<semaphore_mem>>)
      } else {
      }
      %mul3A_601 = arith.constant 2 : i32
      %mul3A_602 = arith.muli %scan3A_45, %mul3A_601 : i32
      %add3A_603 = arith.constant 1 : i32
      %add3A_604 = arith.addi %mul3A_602, %add3A_603 : i32
      %dma_wait3A_605 = arith.constant 0 : i32
      %dma_wait3A_606 = arith.constant 0 : i32
      %dma_wait3A_607 = tpu.memref_slice %arg2[%dma_wait3A_605, %dma_wait3A_606] : memref<1000000x64xf32, #tpu.memory_space<hbm>> -> memref<1000000x64xf32, #tpu.memory_space<hbm>>
      tpu.wait_indirect_dma semaphore(%arg14 : memref<!tpu.dma_semaphore, #tpu.memory_space<semaphore_mem>>) src(%dma_wait3A_607 : memref<1000000x64xf32, #tpu.memory_space<hbm>>) dst(%arg8 : memref<800x64xf32, #tpu.memory_space<vmem>>)
      %ge3A_608 = arith.constant 2 : i32
      %ge3A_609 = arith.cmpi sge, %add3A_604, %ge3A_608 : i32
      %convert_element_type3A_610 = arith.extui %ge3A_609 : i1 to i32
      %cond3A_611 = arith.constant 0 : i32
      %cond3A_612 = arith.cmpi ne, %convert_element_type3A_610, %cond3A_611 : i32
      scf.if %cond3A_612 {
        %dma_wait3A_1167 = arith.constant 0 : i32
        %dma_wait3A_1168 = arith.constant 0 : i32
        %dma_wait3A_1169 = tpu.memref_slice %arg4[%dma_wait3A_1167, %dma_wait3A_1168] : memref<4096x128xf32, #tpu.memory_space<hbm>> -> memref<4x128xf32, #tpu.memory_space<hbm>>
        %dma_wait3A_1170 = arith.constant 0 : i32
        %dma_wait3A_1171 = arith.constant 0 : i32
        %dma_wait3A_1172 = tpu.memref_slice %arg4[%dma_wait3A_1170, %dma_wait3A_1171] : memref<4096x128xf32, #tpu.memory_space<hbm>> -> memref<4x128xf32, #tpu.memory_space<hbm>>
        tpu.wait_dma2 semaphore(%arg16 : memref<!tpu.dma_semaphore, #tpu.memory_space<semaphore_mem>>) src(%arg10 : memref<4x128xf32, #tpu.memory_space<vmem>>) dst(%dma_wait3A_1172 : memref<4x128xf32, #tpu.memory_space<hbm>>)
      } else {
      }
      %broadcast_in_dim3A_613 = arith.constant 0 : i32
      %broadcast_in_dim3A_614 = vector.broadcast %broadcast_in_dim3A_613 : i32 to vector<16xi32>
      %iota3A_615 = tpu.iota {dimensions = array<i32: 0>} : vector<16xi32>
      %get3A_616 = arith.constant 0 : index
      %get3A_617 = tpu.vector_load %arg6[%get3A_616] {strides = array<i32>} : memref<800xi32, #tpu.memory_space<vmem>>, vector<16xi32>,
      %ne3A_618 = arith.constant 0 : i32
      %ne3A_619 = vector.broadcast %ne3A_618 : i32 to vector<16xi32>
      %ne3A_620 = arith.cmpi ne, %get3A_617, %ne3A_619 : vector<16xi32>
      %all_reduce_population_count3A_621 = tpu.all_reduce %ne3A_620 {dim = 0 : i64, kind = #tpu.reduction_kind<sum>} : vector<16xi1> -> vector<16xi32>
      %add3A_622 = arith.addi %broadcast_in_dim3A_614, %all_reduce_population_count3A_621 : vector<16xi32>
      %get3A_623 = arith.constant 16 : index
      %get3A_624 = tpu.vector_load %arg6[%get3A_623] {strides = array<i32>} : memref<800xi32, #tpu.memory_space<vmem>>, vector<16xi32>,
      %ne3A_625 = arith.constant 0 : i32
      %ne3A_626 = vector.broadcast %ne3A_625 : i32 to vector<16xi32>
      %ne3A_627 = arith.cmpi ne, %get3A_624, %ne3A_626 : vector<16xi32>
      %all_reduce_population_count3A_628 = tpu.all_reduce %ne3A_627 {dim = 0 : i64, kind = #tpu.reduction_kind<sum>} : vector<16xi1> -> vector<16xi32>
      %add3A_629 = arith.addi %add3A_622, %all_reduce_population_count3A_628 : vector<16xi32>
      %get3A_630 = arith.constant 32 : index
      %get3A_631 = tpu.vector_load %arg6[%get3A_630] {strides = array<i32>} : memref<800xi32, #tpu.memory_space<vmem>>, vector<16xi32>,
      %ne3A_632 = arith.constant 0 : i32
      %ne3A_633 = vector.broadcast %ne3A_632 : i32 to vector<16xi32>
      %ne3A_634 = arith.cmpi ne, %get3A_631, %ne3A_633 : vector<16xi32>
      %all_reduce_population_count3A_635 = tpu.all_reduce %ne3A_634 {dim = 0 : i64, kind = #tpu.reduction_kind<sum>} : vector<16xi1> -> vector<16xi32>
      %add3A_636 = arith.addi %add3A_629, %all_reduce_population_count3A_635 : vector<16xi32>
      %get3A_637 = arith.constant 48 : index
      %get3A_638 = tpu.vector_load %arg6[%get3A_637] {strides = array<i32>} : memref<800xi32, #tpu.memory_space<vmem>>, vector<16xi32>,
      %ne3A_639 = arith.constant 0 : i32
      %ne3A_640 = vector.broadcast %ne3A_639 : i32 to vector<16xi32>
      %ne3A_641 = arith.cmpi ne, %get3A_638, %ne3A_640 : vector<16xi32>
      %all_reduce_population_count3A_642 = tpu.all_reduce %ne3A_641 {dim = 0 : i64, kind = #tpu.reduction_kind<sum>} : vector<16xi1> -> vector<16xi32>
      %add3A_643 = arith.addi %add3A_636, %all_reduce_population_count3A_642 : vector<16xi32>
      %get3A_644 = arith.constant 64 : index
      %get3A_645 = tpu.vector_load %arg6[%get3A_644] {strides = array<i32>} : memref<800xi32, #tpu.memory_space<vmem>>, vector<16xi32>,
      %ne3A_646 = arith.constant 0 : i32
      %ne3A_647 = vector.broadcast %ne3A_646 : i32 to vector<16xi32>
      %ne3A_648 = arith.cmpi ne, %get3A_645, %ne3A_647 : vector<16xi32>
      %all_reduce_population_count3A_649 = tpu.all_reduce %ne3A_648 {dim = 0 : i64, kind = #tpu.reduction_kind<sum>} : vector<16xi1> -> vector<16xi32>
      %add3A_650 = arith.addi %add3A_643, %all_reduce_population_count3A_649 : vector<16xi32>
      %get3A_651 = arith.constant 80 : index
      %get3A_652 = tpu.vector_load %arg6[%get3A_651] {strides = array<i32>} : memref<800xi32, #tpu.memory_space<vmem>>, vector<16xi32>,
      %ne3A_653 = arith.constant 0 : i32
      %ne3A_654 = vector.broadcast %ne3A_653 : i32 to vector<16xi32>
      %ne3A_655 = arith.cmpi ne, %get3A_652, %ne3A_654 : vector<16xi32>
      %all_reduce_population_count3A_656 = tpu.all_reduce %ne3A_655 {dim = 0 : i64, kind = #tpu.reduction_kind<sum>} : vector<16xi1> -> vector<16xi32>
      %add3A_657 = arith.addi %add3A_650, %all_reduce_population_count3A_656 : vector<16xi32>
      %get3A_658 = arith.constant 96 : index
      %get3A_659 = tpu.vector_load %arg6[%get3A_658] {strides = array<i32>} : memref<800xi32, #tpu.memory_space<vmem>>, vector<16xi32>,
      %ne3A_660 = arith.constant 0 : i32
      %ne3A_661 = vector.broadcast %ne3A_660 : i32 to vector<16xi32>
      %ne3A_662 = arith.cmpi ne, %get3A_659, %ne3A_661 : vector<16xi32>
      %all_reduce_population_count3A_663 = tpu.all_reduce %ne3A_662 {dim = 0 : i64, kind = #tpu.reduction_kind<sum>} : vector<16xi1> -> vector<16xi32>
      %add3A_664 = arith.addi %add3A_657, %all_reduce_population_count3A_663 : vector<16xi32>
      %get3A_665 = arith.constant 112 : index
      %get3A_666 = tpu.vector_load %arg6[%get3A_665] {strides = array<i32>} : memref<800xi32, #tpu.memory_space<vmem>>, vector<16xi32>,
      %ne3A_667 = arith.constant 0 : i32
      %ne3A_668 = vector.broadcast %ne3A_667 : i32 to vector<16xi32>
      %ne3A_669 = arith.cmpi ne, %get3A_666, %ne3A_668 : vector<16xi32>
      %all_reduce_population_count3A_670 = tpu.all_reduce %ne3A_669 {dim = 0 : i64, kind = #tpu.reduction_kind<sum>} : vector<16xi1> -> vector<16xi32>
      %add3A_671 = arith.addi %add3A_664, %all_reduce_population_count3A_670 : vector<16xi32>
      %get3A_672 = arith.constant 128 : index
      %get3A_673 = tpu.vector_load %arg6[%get3A_672] {strides = array<i32>} : memref<800xi32, #tpu.memory_space<vmem>>, vector<16xi32>,
      %ne3A_674 = arith.constant 0 : i32
      %ne3A_675 = vector.broadcast %ne3A_674 : i32 to vector<16xi32>
      %ne3A_676 = arith.cmpi ne, %get3A_673, %ne3A_675 : vector<16xi32>
      %all_reduce_population_count3A_677 = tpu.all_reduce %ne3A_676 {dim = 0 : i64, kind = #tpu.reduction_kind<sum>} : vector<16xi1> -> vector<16xi32>
      %add3A_678 = arith.addi %add3A_671, %all_reduce_population_count3A_677 : vector<16xi32>
      %get3A_679 = arith.constant 144 : index
      %get3A_680 = tpu.vector_load %arg6[%get3A_679] {strides = array<i32>} : memref<800xi32, #tpu.memory_space<vmem>>, vector<16xi32>,
      %ne3A_681 = arith.constant 0 : i32
      %ne3A_682 = vector.broadcast %ne3A_681 : i32 to vector<16xi32>
      %ne3A_683 = arith.cmpi ne, %get3A_680, %ne3A_682 : vector<16xi32>
      %all_reduce_population_count3A_684 = tpu.all_reduce %ne3A_683 {dim = 0 : i64, kind = #tpu.reduction_kind<sum>} : vector<16xi1> -> vector<16xi32>
      %add3A_685 = arith.addi %add3A_678, %all_reduce_population_count3A_684 : vector<16xi32>
      %get3A_686 = arith.constant 160 : index
      %get3A_687 = tpu.vector_load %arg6[%get3A_686] {strides = array<i32>} : memref<800xi32, #tpu.memory_space<vmem>>, vector<16xi32>,
      %ne3A_688 = arith.constant 0 : i32
      %ne3A_689 = vector.broadcast %ne3A_688 : i32 to vector<16xi32>
      %ne3A_690 = arith.cmpi ne, %get3A_687, %ne3A_689 : vector<16xi32>
      %all_reduce_population_count3A_691 = tpu.all_reduce %ne3A_690 {dim = 0 : i64, kind = #tpu.reduction_kind<sum>} : vector<16xi1> -> vector<16xi32>
      %add3A_692 = arith.addi %add3A_685, %all_reduce_population_count3A_691 : vector<16xi32>
      %get3A_693 = arith.constant 176 : index
      %get3A_694 = tpu.vector_load %arg6[%get3A_693] {strides = array<i32>} : memref<800xi32, #tpu.memory_space<vmem>>, vector<16xi32>,
      %ne3A_695 = arith.constant 0 : i32
      %ne3A_696 = vector.broadcast %ne3A_695 : i32 to vector<16xi32>
      %ne3A_697 = arith.cmpi ne, %get3A_694, %ne3A_696 : vector<16xi32>
      %all_reduce_population_count3A_698 = tpu.all_reduce %ne3A_697 {dim = 0 : i64, kind = #tpu.reduction_kind<sum>} : vector<16xi1> -> vector<16xi32>
      %add3A_699 = arith.addi %add3A_692, %all_reduce_population_count3A_698 : vector<16xi32>
      %get3A_700 = arith.constant 184 : index
      %get3A_701 = tpu.vector_load %arg6[%get3A_700] {strides = array<i32>} : memref<800xi32, #tpu.memory_space<vmem>>, vector<16xi32>,
      %ne3A_702 = arith.constant 0 : i32
      %ne3A_703 = vector.broadcast %ne3A_702 : i32 to vector<16xi32>
      %ne3A_704 = arith.cmpi ne, %get3A_701, %ne3A_703 : vector<16xi32>
      %ge3A_705 = arith.constant 8 : i32
      %ge3A_706 = vector.broadcast %ge3A_705 : i32 to vector<16xi32>
      %ge3A_707 = arith.cmpi sge, %iota3A_615, %ge3A_706 : vector<16xi32>
      %and3A_708 = arith.andi %ne3A_704, %ge3A_707 : vector<16xi1>
      %all_reduce_population_count3A_709 = tpu.all_reduce %and3A_708 {dim = 0 : i64, kind = #tpu.reduction_kind<sum>} : vector<16xi1> -> vector<16xi32>
      %add3A_710 = arith.addi %add3A_699, %all_reduce_population_count3A_709 : vector<16xi32>
      %convert_element_type3A_711 = arith.sitofp %add3A_710 : vector<16xi32> to vector<16xf32>
      %swap3A_712 = arith.constant 0 : i32
      %swap3A_713 = arith.index_cast %swap3A_712 : i32 to index
      %swap3A_714 = arith.constant 64 : index
      %swap3A_715 = tpu.vector_load %arg10[%swap3A_713, %swap3A_714] {strides = array<i32>} : memref<4x128xf32, #tpu.memory_space<vmem>>, vector<16xf32>,
      tpu.vector_store %arg10[%swap3A_713, %swap3A_714], %convert_element_type3A_711 {strides = array<i32>} : memref<4x128xf32, #tpu.memory_space<vmem>>, vector<16xf32>,
      %broadcast_in_dim3A_716 = arith.constant 0 : i32
      %broadcast_in_dim3A_717 = vector.broadcast %broadcast_in_dim3A_716 : i32 to vector<16xi32>
      %iota3A_718 = tpu.iota {dimensions = array<i32: 0>} : vector<16xi32>
      %get3A_719 = arith.constant 200 : index
      %get3A_720 = tpu.vector_load %arg6[%get3A_719] {strides = array<i32>} : memref<800xi32, #tpu.memory_space<vmem>>, vector<16xi32>,
      %ne3A_721 = arith.constant 0 : i32
      %ne3A_722 = vector.broadcast %ne3A_721 : i32 to vector<16xi32>
      %ne3A_723 = arith.cmpi ne, %get3A_720, %ne3A_722 : vector<16xi32>
      %all_reduce_population_count3A_724 = tpu.all_reduce %ne3A_723 {dim = 0 : i64, kind = #tpu.reduction_kind<sum>} : vector<16xi1> -> vector<16xi32>
      %add3A_725 = arith.addi %broadcast_in_dim3A_717, %all_reduce_population_count3A_724 : vector<16xi32>
      %get3A_726 = arith.constant 216 : index
      %get3A_727 = tpu.vector_load %arg6[%get3A_726] {strides = array<i32>} : memref<800xi32, #tpu.memory_space<vmem>>, vector<16xi32>,
      %ne3A_728 = arith.constant 0 : i32
      %ne3A_729 = vector.broadcast %ne3A_728 : i32 to vector<16xi32>
      %ne3A_730 = arith.cmpi ne, %get3A_727, %ne3A_729 : vector<16xi32>
      %all_reduce_population_count3A_731 = tpu.all_reduce %ne3A_730 {dim = 0 : i64, kind = #tpu.reduction_kind<sum>} : vector<16xi1> -> vector<16xi32>
      %add3A_732 = arith.addi %add3A_725, %all_reduce_population_count3A_731 : vector<16xi32>
      %get3A_733 = arith.constant 232 : index
      %get3A_734 = tpu.vector_load %arg6[%get3A_733] {strides = array<i32>} : memref<800xi32, #tpu.memory_space<vmem>>, vector<16xi32>,
      %ne3A_735 = arith.constant 0 : i32
      %ne3A_736 = vector.broadcast %ne3A_735 : i32 to vector<16xi32>
      %ne3A_737 = arith.cmpi ne, %get3A_734, %ne3A_736 : vector<16xi32>
      %all_reduce_population_count3A_738 = tpu.all_reduce %ne3A_737 {dim = 0 : i64, kind = #tpu.reduction_kind<sum>} : vector<16xi1> -> vector<16xi32>
      %add3A_739 = arith.addi %add3A_732, %all_reduce_population_count3A_738 : vector<16xi32>
      %get3A_740 = arith.constant 248 : index
      %get3A_741 = tpu.vector_load %arg6[%get3A_740] {strides = array<i32>} : memref<800xi32, #tpu.memory_space<vmem>>, vector<16xi32>,
      %ne3A_742 = arith.constant 0 : i32
      %ne3A_743 = vector.broadcast %ne3A_742 : i32 to vector<16xi32>
      %ne3A_744 = arith.cmpi ne, %get3A_741, %ne3A_743 : vector<16xi32>
      %all_reduce_population_count3A_745 = tpu.all_reduce %ne3A_744 {dim = 0 : i64, kind = #tpu.reduction_kind<sum>} : vector<16xi1> -> vector<16xi32>
      %add3A_746 = arith.addi %add3A_739, %all_reduce_population_count3A_745 : vector<16xi32>
      %get3A_747 = arith.constant 264 : index
      %get3A_748 = tpu.vector_load %arg6[%get3A_747] {strides = array<i32>} : memref<800xi32, #tpu.memory_space<vmem>>, vector<16xi32>,
      %ne3A_749 = arith.constant 0 : i32
      %ne3A_750 = vector.broadcast %ne3A_749 : i32 to vector<16xi32>
      %ne3A_751 = arith.cmpi ne, %get3A_748, %ne3A_750 : vector<16xi32>
      %all_reduce_population_count3A_752 = tpu.all_reduce %ne3A_751 {dim = 0 : i64, kind = #tpu.reduction_kind<sum>} : vector<16xi1> -> vector<16xi32>
      %add3A_753 = arith.addi %add3A_746, %all_reduce_population_count3A_752 : vector<16xi32>
      %get3A_754 = arith.constant 280 : index
      %get3A_755 = tpu.vector_load %arg6[%get3A_754] {strides = array<i32>} : memref<800xi32, #tpu.memory_space<vmem>>, vector<16xi32>,
      %ne3A_756 = arith.constant 0 : i32
      %ne3A_757 = vector.broadcast %ne3A_756 : i32 to vector<16xi32>
      %ne3A_758 = arith.cmpi ne, %get3A_755, %ne3A_757 : vector<16xi32>
      %all_reduce_population_count3A_759 = tpu.all_reduce %ne3A_758 {dim = 0 : i64, kind = #tpu.reduction_kind<sum>} : vector<16xi1> -> vector<16xi32>
      %add3A_760 = arith.addi %add3A_753, %all_reduce_population_count3A_759 : vector<16xi32>
      %get3A_761 = arith.constant 296 : index
      %get3A_762 = tpu.vector_load %arg6[%get3A_761] {strides = array<i32>} : memref<800xi32, #tpu.memory_space<vmem>>, vector<16xi32>,
      %ne3A_763 = arith.constant 0 : i32
      %ne3A_764 = vector.broadcast %ne3A_763 : i32 to vector<16xi32>
      %ne3A_765 = arith.cmpi ne, %get3A_762, %ne3A_764 : vector<16xi32>
      %all_reduce_population_count3A_766 = tpu.all_reduce %ne3A_765 {dim = 0 : i64, kind = #tpu.reduction_kind<sum>} : vector<16xi1> -> vector<16xi32>
      %add3A_767 = arith.addi %add3A_760, %all_reduce_population_count3A_766 : vector<16xi32>
      %get3A_768 = arith.constant 312 : index
      %get3A_769 = tpu.vector_load %arg6[%get3A_768] {strides = array<i32>} : memref<800xi32, #tpu.memory_space<vmem>>, vector<16xi32>,
      %ne3A_770 = arith.constant 0 : i32
      %ne3A_771 = vector.broadcast %ne3A_770 : i32 to vector<16xi32>
      %ne3A_772 = arith.cmpi ne, %get3A_769, %ne3A_771 : vector<16xi32>
      %all_reduce_population_count3A_773 = tpu.all_reduce %ne3A_772 {dim = 0 : i64, kind = #tpu.reduction_kind<sum>} : vector<16xi1> -> vector<16xi32>
      %add3A_774 = arith.addi %add3A_767, %all_reduce_population_count3A_773 : vector<16xi32>
      %get3A_775 = arith.constant 328 : index
      %get3A_776 = tpu.vector_load %arg6[%get3A_775] {strides = array<i32>} : memref<800xi32, #tpu.memory_space<vmem>>, vector<16xi32>,
      %ne3A_777 = arith.constant 0 : i32
      %ne3A_778 = vector.broadcast %ne3A_777 : i32 to vector<16xi32>
      %ne3A_779 = arith.cmpi ne, %get3A_776, %ne3A_778 : vector<16xi32>
      %all_reduce_population_count3A_780 = tpu.all_reduce %ne3A_779 {dim = 0 : i64, kind = #tpu.reduction_kind<sum>} : vector<16xi1> -> vector<16xi32>
      %add3A_781 = arith.addi %add3A_774, %all_reduce_population_count3A_780 : vector<16xi32>
      %get3A_782 = arith.constant 344 : index
      %get3A_783 = tpu.vector_load %arg6[%get3A_782] {strides = array<i32>} : memref<800xi32, #tpu.memory_space<vmem>>, vector<16xi32>,
      %ne3A_784 = arith.constant 0 : i32
      %ne3A_785 = vector.broadcast %ne3A_784 : i32 to vector<16xi32>
      %ne3A_786 = arith.cmpi ne, %get3A_783, %ne3A_785 : vector<16xi32>
      %all_reduce_population_count3A_787 = tpu.all_reduce %ne3A_786 {dim = 0 : i64, kind = #tpu.reduction_kind<sum>} : vector<16xi1> -> vector<16xi32>
      %add3A_788 = arith.addi %add3A_781, %all_reduce_population_count3A_787 : vector<16xi32>
      %get3A_789 = arith.constant 360 : index
      %get3A_790 = tpu.vector_load %arg6[%get3A_789] {strides = array<i32>} : memref<800xi32, #tpu.memory_space<vmem>>, vector<16xi32>,
      %ne3A_791 = arith.constant 0 : i32
      %ne3A_792 = vector.broadcast %ne3A_791 : i32 to vector<16xi32>
      %ne3A_793 = arith.cmpi ne, %get3A_790, %ne3A_792 : vector<16xi32>
      %all_reduce_population_count3A_794 = tpu.all_reduce %ne3A_793 {dim = 0 : i64, kind = #tpu.reduction_kind<sum>} : vector<16xi1> -> vector<16xi32>
      %add3A_795 = arith.addi %add3A_788, %all_reduce_population_count3A_794 : vector<16xi32>
      %get3A_796 = arith.constant 376 : index
      %get3A_797 = tpu.vector_load %arg6[%get3A_796] {strides = array<i32>} : memref<800xi32, #tpu.memory_space<vmem>>, vector<16xi32>,
      %ne3A_798 = arith.constant 0 : i32
      %ne3A_799 = vector.broadcast %ne3A_798 : i32 to vector<16xi32>
      %ne3A_800 = arith.cmpi ne, %get3A_797, %ne3A_799 : vector<16xi32>
      %all_reduce_population_count3A_801 = tpu.all_reduce %ne3A_800 {dim = 0 : i64, kind = #tpu.reduction_kind<sum>} : vector<16xi1> -> vector<16xi32>
      %add3A_802 = arith.addi %add3A_795, %all_reduce_population_count3A_801 : vector<16xi32>
      %get3A_803 = arith.constant 384 : index
      %get3A_804 = tpu.vector_load %arg6[%get3A_803] {strides = array<i32>} : memref<800xi32, #tpu.memory_space<vmem>>, vector<16xi32>,
      %ne3A_805 = arith.constant 0 : i32
      %ne3A_806 = vector.broadcast %ne3A_805 : i32 to vector<16xi32>
      %ne3A_807 = arith.cmpi ne, %get3A_804, %ne3A_806 : vector<16xi32>
      %ge3A_808 = arith.constant 8 : i32
      %ge3A_809 = vector.broadcast %ge3A_808 : i32 to vector<16xi32>
      %ge3A_810 = arith.cmpi sge, %iota3A_718, %ge3A_809 : vector<16xi32>
      %and3A_811 = arith.andi %ne3A_807, %ge3A_810 : vector<16xi1>
      %all_reduce_population_count3A_812 = tpu.all_reduce %and3A_811 {dim = 0 : i64, kind = #tpu.reduction_kind<sum>} : vector<16xi1> -> vector<16xi32>
      %add3A_813 = arith.addi %add3A_802, %all_reduce_population_count3A_812 : vector<16xi32>
      %convert_element_type3A_814 = arith.sitofp %add3A_813 : vector<16xi32> to vector<16xf32>
      %swap3A_815 = arith.constant 1 : i32
      %swap3A_816 = arith.index_cast %swap3A_815 : i32 to index
      %swap3A_817 = arith.constant 64 : index
      %swap3A_818 = tpu.vector_load %arg10[%swap3A_816, %swap3A_817] {strides = array<i32>} : memref<4x128xf32, #tpu.memory_space<vmem>>, vector<16xf32>,
      tpu.vector_store %arg10[%swap3A_816, %swap3A_817], %convert_element_type3A_814 {strides = array<i32>} : memref<4x128xf32, #tpu.memory_space<vmem>>, vector<16xf32>,
      %broadcast_in_dim3A_819 = arith.constant 0 : i32
      %broadcast_in_dim3A_820 = vector.broadcast %broadcast_in_dim3A_819 : i32 to vector<16xi32>
      %iota3A_821 = tpu.iota {dimensions = array<i32: 0>} : vector<16xi32>
      %get3A_822 = arith.constant 400 : index
      %get3A_823 = tpu.vector_load %arg6[%get3A_822] {strides = array<i32>} : memref<800xi32, #tpu.memory_space<vmem>>, vector<16xi32>,
      %ne3A_824 = arith.constant 0 : i32
      %ne3A_825 = vector.broadcast %ne3A_824 : i32 to vector<16xi32>
      %ne3A_826 = arith.cmpi ne, %get3A_823, %ne3A_825 : vector<16xi32>
      %all_reduce_population_count3A_827 = tpu.all_reduce %ne3A_826 {dim = 0 : i64, kind = #tpu.reduction_kind<sum>} : vector<16xi1> -> vector<16xi32>
      %add3A_828 = arith.addi %broadcast_in_dim3A_820, %all_reduce_population_count3A_827 : vector<16xi32>
      %get3A_829 = arith.constant 416 : index
      %get3A_830 = tpu.vector_load %arg6[%get3A_829] {strides = array<i32>} : memref<800xi32, #tpu.memory_space<vmem>>, vector<16xi32>,
      %ne3A_831 = arith.constant 0 : i32
      %ne3A_832 = vector.broadcast %ne3A_831 : i32 to vector<16xi32>
      %ne3A_833 = arith.cmpi ne, %get3A_830, %ne3A_832 : vector<16xi32>
      %all_reduce_population_count3A_834 = tpu.all_reduce %ne3A_833 {dim = 0 : i64, kind = #tpu.reduction_kind<sum>} : vector<16xi1> -> vector<16xi32>
      %add3A_835 = arith.addi %add3A_828, %all_reduce_population_count3A_834 : vector<16xi32>
      %get3A_836 = arith.constant 432 : index
      %get3A_837 = tpu.vector_load %arg6[%get3A_836] {strides = array<i32>} : memref<800xi32, #tpu.memory_space<vmem>>, vector<16xi32>,
      %ne3A_838 = arith.constant 0 : i32
      %ne3A_839 = vector.broadcast %ne3A_838 : i32 to vector<16xi32>
      %ne3A_840 = arith.cmpi ne, %get3A_837, %ne3A_839 : vector<16xi32>
      %all_reduce_population_count3A_841 = tpu.all_reduce %ne3A_840 {dim = 0 : i64, kind = #tpu.reduction_kind<sum>} : vector<16xi1> -> vector<16xi32>
      %add3A_842 = arith.addi %add3A_835, %all_reduce_population_count3A_841 : vector<16xi32>
      %get3A_843 = arith.constant 448 : index
      %get3A_844 = tpu.vector_load %arg6[%get3A_843] {strides = array<i32>} : memref<800xi32, #tpu.memory_space<vmem>>, vector<16xi32>,
      %ne3A_845 = arith.constant 0 : i32
      %ne3A_846 = vector.broadcast %ne3A_845 : i32 to vector<16xi32>
      %ne3A_847 = arith.cmpi ne, %get3A_844, %ne3A_846 : vector<16xi32>
      %all_reduce_population_count3A_848 = tpu.all_reduce %ne3A_847 {dim = 0 : i64, kind = #tpu.reduction_kind<sum>} : vector<16xi1> -> vector<16xi32>
      %add3A_849 = arith.addi %add3A_842, %all_reduce_population_count3A_848 : vector<16xi32>
      %get3A_850 = arith.constant 464 : index
      %get3A_851 = tpu.vector_load %arg6[%get3A_850] {strides = array<i32>} : memref<800xi32, #tpu.memory_space<vmem>>, vector<16xi32>,
      %ne3A_852 = arith.constant 0 : i32
      %ne3A_853 = vector.broadcast %ne3A_852 : i32 to vector<16xi32>
      %ne3A_854 = arith.cmpi ne, %get3A_851, %ne3A_853 : vector<16xi32>
      %all_reduce_population_count3A_855 = tpu.all_reduce %ne3A_854 {dim = 0 : i64, kind = #tpu.reduction_kind<sum>} : vector<16xi1> -> vector<16xi32>
      %add3A_856 = arith.addi %add3A_849, %all_reduce_population_count3A_855 : vector<16xi32>
      %get3A_857 = arith.constant 480 : index
      %get3A_858 = tpu.vector_load %arg6[%get3A_857] {strides = array<i32>} : memref<800xi32, #tpu.memory_space<vmem>>, vector<16xi32>,
      %ne3A_859 = arith.constant 0 : i32
      %ne3A_860 = vector.broadcast %ne3A_859 : i32 to vector<16xi32>
      %ne3A_861 = arith.cmpi ne, %get3A_858, %ne3A_860 : vector<16xi32>
      %all_reduce_population_count3A_862 = tpu.all_reduce %ne3A_861 {dim = 0 : i64, kind = #tpu.reduction_kind<sum>} : vector<16xi1> -> vector<16xi32>
      %add3A_863 = arith.addi %add3A_856, %all_reduce_population_count3A_862 : vector<16xi32>
      %get3A_864 = arith.constant 496 : index
      %get3A_865 = tpu.vector_load %arg6[%get3A_864] {strides = array<i32>} : memref<800xi32, #tpu.memory_space<vmem>>, vector<16xi32>,
      %ne3A_866 = arith.constant 0 : i32
      %ne3A_867 = vector.broadcast %ne3A_866 : i32 to vector<16xi32>
      %ne3A_868 = arith.cmpi ne, %get3A_865, %ne3A_867 : vector<16xi32>
      %all_reduce_population_count3A_869 = tpu.all_reduce %ne3A_868 {dim = 0 : i64, kind = #tpu.reduction_kind<sum>} : vector<16xi1> -> vector<16xi32>
      %add3A_870 = arith.addi %add3A_863, %all_reduce_population_count3A_869 : vector<16xi32>
      %get3A_871 = arith.constant 512 : index
      %get3A_872 = tpu.vector_load %arg6[%get3A_871] {strides = array<i32>} : memref<800xi32, #tpu.memory_space<vmem>>, vector<16xi32>,
      %ne3A_873 = arith.constant 0 : i32
      %ne3A_874 = vector.broadcast %ne3A_873 : i32 to vector<16xi32>
      %ne3A_875 = arith.cmpi ne, %get3A_872, %ne3A_874 : vector<16xi32>
      %all_reduce_population_count3A_876 = tpu.all_reduce %ne3A_875 {dim = 0 : i64, kind = #tpu.reduction_kind<sum>} : vector<16xi1> -> vector<16xi32>
      %add3A_877 = arith.addi %add3A_870, %all_reduce_population_count3A_876 : vector<16xi32>
      %get3A_878 = arith.constant 528 : index
      %get3A_879 = tpu.vector_load %arg6[%get3A_878] {strides = array<i32>} : memref<800xi32, #tpu.memory_space<vmem>>, vector<16xi32>,
      %ne3A_880 = arith.constant 0 : i32
      %ne3A_881 = vector.broadcast %ne3A_880 : i32 to vector<16xi32>
      %ne3A_882 = arith.cmpi ne, %get3A_879, %ne3A_881 : vector<16xi32>
      %all_reduce_population_count3A_883 = tpu.all_reduce %ne3A_882 {dim = 0 : i64, kind = #tpu.reduction_kind<sum>} : vector<16xi1> -> vector<16xi32>
      %add3A_884 = arith.addi %add3A_877, %all_reduce_population_count3A_883 : vector<16xi32>
      %get3A_885 = arith.constant 544 : index
      %get3A_886 = tpu.vector_load %arg6[%get3A_885] {strides = array<i32>} : memref<800xi32, #tpu.memory_space<vmem>>, vector<16xi32>,
      %ne3A_887 = arith.constant 0 : i32
      %ne3A_888 = vector.broadcast %ne3A_887 : i32 to vector<16xi32>
      %ne3A_889 = arith.cmpi ne, %get3A_886, %ne3A_888 : vector<16xi32>
      %all_reduce_population_count3A_890 = tpu.all_reduce %ne3A_889 {dim = 0 : i64, kind = #tpu.reduction_kind<sum>} : vector<16xi1> -> vector<16xi32>
      %add3A_891 = arith.addi %add3A_884, %all_reduce_population_count3A_890 : vector<16xi32>
      %get3A_892 = arith.constant 560 : index
      %get3A_893 = tpu.vector_load %arg6[%get3A_892] {strides = array<i32>} : memref<800xi32, #tpu.memory_space<vmem>>, vector<16xi32>,
      %ne3A_894 = arith.constant 0 : i32
      %ne3A_895 = vector.broadcast %ne3A_894 : i32 to vector<16xi32>
      %ne3A_896 = arith.cmpi ne, %get3A_893, %ne3A_895 : vector<16xi32>
      %all_reduce_population_count3A_897 = tpu.all_reduce %ne3A_896 {dim = 0 : i64, kind = #tpu.reduction_kind<sum>} : vector<16xi1> -> vector<16xi32>
      %add3A_898 = arith.addi %add3A_891, %all_reduce_population_count3A_897 : vector<16xi32>
      %get3A_899 = arith.constant 576 : index
      %get3A_900 = tpu.vector_load %arg6[%get3A_899] {strides = array<i32>} : memref<800xi32, #tpu.memory_space<vmem>>, vector<16xi32>,
      %ne3A_901 = arith.constant 0 : i32
      %ne3A_902 = vector.broadcast %ne3A_901 : i32 to vector<16xi32>
      %ne3A_903 = arith.cmpi ne, %get3A_900, %ne3A_902 : vector<16xi32>
      %all_reduce_population_count3A_904 = tpu.all_reduce %ne3A_903 {dim = 0 : i64, kind = #tpu.reduction_kind<sum>} : vector<16xi1> -> vector<16xi32>
      %add3A_905 = arith.addi %add3A_898, %all_reduce_population_count3A_904 : vector<16xi32>
      %get3A_906 = arith.constant 584 : index
      %get3A_907 = tpu.vector_load %arg6[%get3A_906] {strides = array<i32>} : memref<800xi32, #tpu.memory_space<vmem>>, vector<16xi32>,
      %ne3A_908 = arith.constant 0 : i32
      %ne3A_909 = vector.broadcast %ne3A_908 : i32 to vector<16xi32>
      %ne3A_910 = arith.cmpi ne, %get3A_907, %ne3A_909 : vector<16xi32>
      %ge3A_911 = arith.constant 8 : i32
      %ge3A_912 = vector.broadcast %ge3A_911 : i32 to vector<16xi32>
      %ge3A_913 = arith.cmpi sge, %iota3A_821, %ge3A_912 : vector<16xi32>
      %and3A_914 = arith.andi %ne3A_910, %ge3A_913 : vector<16xi1>
      %all_reduce_population_count3A_915 = tpu.all_reduce %and3A_914 {dim = 0 : i64, kind = #tpu.reduction_kind<sum>} : vector<16xi1> -> vector<16xi32>
      %add3A_916 = arith.addi %add3A_905, %all_reduce_population_count3A_915 : vector<16xi32>
      %convert_element_type3A_917 = arith.sitofp %add3A_916 : vector<16xi32> to vector<16xf32>
      %swap3A_918 = arith.constant 2 : i32
      %swap3A_919 = arith.index_cast %swap3A_918 : i32 to index
      %swap3A_920 = arith.constant 64 : index
      %swap3A_921 = tpu.vector_load %arg10[%swap3A_919, %swap3A_920] {strides = array<i32>} : memref<4x128xf32, #tpu.memory_space<vmem>>, vector<16xf32>,
      tpu.vector_store %arg10[%swap3A_919, %swap3A_920], %convert_element_type3A_917 {strides = array<i32>} : memref<4x128xf32, #tpu.memory_space<vmem>>, vector<16xf32>,
      %broadcast_in_dim3A_922 = arith.constant 0 : i32
      %broadcast_in_dim3A_923 = vector.broadcast %broadcast_in_dim3A_922 : i32 to vector<16xi32>
      %iota3A_924 = tpu.iota {dimensions = array<i32: 0>} : vector<16xi32>
      %get3A_925 = arith.constant 600 : index
      %get3A_926 = tpu.vector_load %arg6[%get3A_925] {strides = array<i32>} : memref<800xi32, #tpu.memory_space<vmem>>, vector<16xi32>,
      %ne3A_927 = arith.constant 0 : i32
      %ne3A_928 = vector.broadcast %ne3A_927 : i32 to vector<16xi32>
      %ne3A_929 = arith.cmpi ne, %get3A_926, %ne3A_928 : vector<16xi32>
      %all_reduce_population_count3A_930 = tpu.all_reduce %ne3A_929 {dim = 0 : i64, kind = #tpu.reduction_kind<sum>} : vector<16xi1> -> vector<16xi32>
      %add3A_931 = arith.addi %broadcast_in_dim3A_923, %all_reduce_population_count3A_930 : vector<16xi32>
      %get3A_932 = arith.constant 616 : index
      %get3A_933 = tpu.vector_load %arg6[%get3A_932] {strides = array<i32>} : memref<800xi32, #tpu.memory_space<vmem>>, vector<16xi32>,
      %ne3A_934 = arith.constant 0 : i32
      %ne3A_935 = vector.broadcast %ne3A_934 : i32 to vector<16xi32>
      %ne3A_936 = arith.cmpi ne, %get3A_933, %ne3A_935 : vector<16xi32>
      %all_reduce_population_count3A_937 = tpu.all_reduce %ne3A_936 {dim = 0 : i64, kind = #tpu.reduction_kind<sum>} : vector<16xi1> -> vector<16xi32>
      %add3A_938 = arith.addi %add3A_931, %all_reduce_population_count3A_937 : vector<16xi32>
      %get3A_939 = arith.constant 632 : index
      %get3A_940 = tpu.vector_load %arg6[%get3A_939] {strides = array<i32>} : memref<800xi32, #tpu.memory_space<vmem>>, vector<16xi32>,
      %ne3A_941 = arith.constant 0 : i32
      %ne3A_942 = vector.broadcast %ne3A_941 : i32 to vector<16xi32>
      %ne3A_943 = arith.cmpi ne, %get3A_940, %ne3A_942 : vector<16xi32>
      %all_reduce_population_count3A_944 = tpu.all_reduce %ne3A_943 {dim = 0 : i64, kind = #tpu.reduction_kind<sum>} : vector<16xi1> -> vector<16xi32>
      %add3A_945 = arith.addi %add3A_938, %all_reduce_population_count3A_944 : vector<16xi32>
      %get3A_946 = arith.constant 648 : index
      %get3A_947 = tpu.vector_load %arg6[%get3A_946] {strides = array<i32>} : memref<800xi32, #tpu.memory_space<vmem>>, vector<16xi32>,
      %ne3A_948 = arith.constant 0 : i32
      %ne3A_949 = vector.broadcast %ne3A_948 : i32 to vector<16xi32>
      %ne3A_950 = arith.cmpi ne, %get3A_947, %ne3A_949 : vector<16xi32>
      %all_reduce_population_count3A_951 = tpu.all_reduce %ne3A_950 {dim = 0 : i64, kind = #tpu.reduction_kind<sum>} : vector<16xi1> -> vector<16xi32>
      %add3A_952 = arith.addi %add3A_945, %all_reduce_population_count3A_951 : vector<16xi32>
      %get3A_953 = arith.constant 664 : index
      %get3A_954 = tpu.vector_load %arg6[%get3A_953] {strides = array<i32>} : memref<800xi32, #tpu.memory_space<vmem>>, vector<16xi32>,
      %ne3A_955 = arith.constant 0 : i32
      %ne3A_956 = vector.broadcast %ne3A_955 : i32 to vector<16xi32>
      %ne3A_957 = arith.cmpi ne, %get3A_954, %ne3A_956 : vector<16xi32>
      %all_reduce_population_count3A_958 = tpu.all_reduce %ne3A_957 {dim = 0 : i64, kind = #tpu.reduction_kind<sum>} : vector<16xi1> -> vector<16xi32>
      %add3A_959 = arith.addi %add3A_952, %all_reduce_population_count3A_958 : vector<16xi32>
      %get3A_960 = arith.constant 680 : index
      %get3A_961 = tpu.vector_load %arg6[%get3A_960] {strides = array<i32>} : memref<800xi32, #tpu.memory_space<vmem>>, vector<16xi32>,
      %ne3A_962 = arith.constant 0 : i32
      %ne3A_963 = vector.broadcast %ne3A_962 : i32 to vector<16xi32>
      %ne3A_964 = arith.cmpi ne, %get3A_961, %ne3A_963 : vector<16xi32>
      %all_reduce_population_count3A_965 = tpu.all_reduce %ne3A_964 {dim = 0 : i64, kind = #tpu.reduction_kind<sum>} : vector<16xi1> -> vector<16xi32>
      %add3A_966 = arith.addi %add3A_959, %all_reduce_population_count3A_965 : vector<16xi32>
      %get3A_967 = arith.constant 696 : index
      %get3A_968 = tpu.vector_load %arg6[%get3A_967] {strides = array<i32>} : memref<800xi32, #tpu.memory_space<vmem>>, vector<16xi32>,
      %ne3A_969 = arith.constant 0 : i32
      %ne3A_970 = vector.broadcast %ne3A_969 : i32 to vector<16xi32>
      %ne3A_971 = arith.cmpi ne, %get3A_968, %ne3A_970 : vector<16xi32>
      %all_reduce_population_count3A_972 = tpu.all_reduce %ne3A_971 {dim = 0 : i64, kind = #tpu.reduction_kind<sum>} : vector<16xi1> -> vector<16xi32>
      %add3A_973 = arith.addi %add3A_966, %all_reduce_population_count3A_972 : vector<16xi32>
      %get3A_974 = arith.constant 712 : index
      %get3A_975 = tpu.vector_load %arg6[%get3A_974] {strides = array<i32>} : memref<800xi32, #tpu.memory_space<vmem>>, vector<16xi32>,
      %ne3A_976 = arith.constant 0 : i32
      %ne3A_977 = vector.broadcast %ne3A_976 : i32 to vector<16xi32>
      %ne3A_978 = arith.cmpi ne, %get3A_975, %ne3A_977 : vector<16xi32>
      %all_reduce_population_count3A_979 = tpu.all_reduce %ne3A_978 {dim = 0 : i64, kind = #tpu.reduction_kind<sum>} : vector<16xi1> -> vector<16xi32>
      %add3A_980 = arith.addi %add3A_973, %all_reduce_population_count3A_979 : vector<16xi32>
      %get3A_981 = arith.constant 728 : index
      %get3A_982 = tpu.vector_load %arg6[%get3A_981] {strides = array<i32>} : memref<800xi32, #tpu.memory_space<vmem>>, vector<16xi32>,
      %ne3A_983 = arith.constant 0 : i32
      %ne3A_984 = vector.broadcast %ne3A_983 : i32 to vector<16xi32>
      %ne3A_985 = arith.cmpi ne, %get3A_982, %ne3A_984 : vector<16xi32>
      %all_reduce_population_count3A_986 = tpu.all_reduce %ne3A_985 {dim = 0 : i64, kind = #tpu.reduction_kind<sum>} : vector<16xi1> -> vector<16xi32>
      %add3A_987 = arith.addi %add3A_980, %all_reduce_population_count3A_986 : vector<16xi32>
      %get3A_988 = arith.constant 744 : index
      %get3A_989 = tpu.vector_load %arg6[%get3A_988] {strides = array<i32>} : memref<800xi32, #tpu.memory_space<vmem>>, vector<16xi32>,
      %ne3A_990 = arith.constant 0 : i32
      %ne3A_991 = vector.broadcast %ne3A_990 : i32 to vector<16xi32>
      %ne3A_992 = arith.cmpi ne, %get3A_989, %ne3A_991 : vector<16xi32>
      %all_reduce_population_count3A_993 = tpu.all_reduce %ne3A_992 {dim = 0 : i64, kind = #tpu.reduction_kind<sum>} : vector<16xi1> -> vector<16xi32>
      %add3A_994 = arith.addi %add3A_987, %all_reduce_population_count3A_993 : vector<16xi32>
      %get3A_995 = arith.constant 760 : index
      %get3A_996 = tpu.vector_load %arg6[%get3A_995] {strides = array<i32>} : memref<800xi32, #tpu.memory_space<vmem>>, vector<16xi32>,
      %ne3A_997 = arith.constant 0 : i32
      %ne3A_998 = vector.broadcast %ne3A_997 : i32 to vector<16xi32>
      %ne3A_999 = arith.cmpi ne, %get3A_996, %ne3A_998 : vector<16xi32>
      %all_reduce_population_count3A_1000 = tpu.all_reduce %ne3A_999 {dim = 0 : i64, kind = #tpu.reduction_kind<sum>} : vector<16xi1> -> vector<16xi32>
      %add3A_1001 = arith.addi %add3A_994, %all_reduce_population_count3A_1000 : vector<16xi32>
      %get3A_1002 = arith.constant 776 : index
      %get3A_1003 = tpu.vector_load %arg6[%get3A_1002] {strides = array<i32>} : memref<800xi32, #tpu.memory_space<vmem>>, vector<16xi32>,
      %ne3A_1004 = arith.constant 0 : i32
      %ne3A_1005 = vector.broadcast %ne3A_1004 : i32 to vector<16xi32>
      %ne3A_1006 = arith.cmpi ne, %get3A_1003, %ne3A_1005 : vector<16xi32>
      %all_reduce_population_count3A_1007 = tpu.all_reduce %ne3A_1006 {dim = 0 : i64, kind = #tpu.reduction_kind<sum>} : vector<16xi1> -> vector<16xi32>
      %add3A_1008 = arith.addi %add3A_1001, %all_reduce_population_count3A_1007 : vector<16xi32>
      %get3A_1009 = arith.constant 784 : index
      %get3A_1010 = tpu.vector_load %arg6[%get3A_1009] {strides = array<i32>} : memref<800xi32, #tpu.memory_space<vmem>>, vector<16xi32>,
      %ne3A_1011 = arith.constant 0 : i32
      %ne3A_1012 = vector.broadcast %ne3A_1011 : i32 to vector<16xi32>
      %ne3A_1013 = arith.cmpi ne, %get3A_1010, %ne3A_1012 : vector<16xi32>
      %ge3A_1014 = arith.constant 8 : i32
      %ge3A_1015 = vector.broadcast %ge3A_1014 : i32 to vector<16xi32>
      %ge3A_1016 = arith.cmpi sge, %iota3A_924, %ge3A_1015 : vector<16xi32>
      %and3A_1017 = arith.andi %ne3A_1013, %ge3A_1016 : vector<16xi1>
      %all_reduce_population_count3A_1018 = tpu.all_reduce %and3A_1017 {dim = 0 : i64, kind = #tpu.reduction_kind<sum>} : vector<16xi1> -> vector<16xi32>
      %add3A_1019 = arith.addi %add3A_1008, %all_reduce_population_count3A_1018 : vector<16xi32>
      %convert_element_type3A_1020 = arith.sitofp %add3A_1019 : vector<16xi32> to vector<16xf32>
      %swap3A_1021 = arith.constant 3 : i32
      %swap3A_1022 = arith.index_cast %swap3A_1021 : i32 to index
      %swap3A_1023 = arith.constant 64 : index
      %swap3A_1024 = tpu.vector_load %arg10[%swap3A_1022, %swap3A_1023] {strides = array<i32>} : memref<4x128xf32, #tpu.memory_space<vmem>>, vector<16xf32>,
      tpu.vector_store %arg10[%swap3A_1022, %swap3A_1023], %convert_element_type3A_1020 {strides = array<i32>} : memref<4x128xf32, #tpu.memory_space<vmem>>, vector<16xf32>,
      %add3A_1025 = arith.constant 2 : i32
      %add3A_1026 = arith.addi %add3A_604, %add3A_1025 : i32
      %lt3A_1027 = arith.constant 32 : i32
      %lt3A_1028 = arith.cmpi slt, %add3A_1026, %lt3A_1027 : i32
      %convert_element_type3A_1029 = arith.extui %lt3A_1028 : i1 to i32
      %cond3A_1030 = arith.constant 0 : i32
      %cond3A_1031 = arith.cmpi ne, %convert_element_type3A_1029, %cond3A_1030 : i32
      scf.if %cond3A_1031 {
        %add3A_1167 = arith.constant 2 : i32
        %add3A_1168 = arith.addi %add3A_604, %add3A_1167 : i32
        %mul3A_1169 = arith.constant 200 : i32
        %mul3A_1170 = arith.muli %mul3A_2, %mul3A_1169 : i32
        %mul3A_1171 = arith.constant 800 : i32
        %mul3A_1172 = arith.muli %add3A_1168, %mul3A_1171 : i32
        %add3A_1173 = arith.addi %mul3A_1170, %mul3A_1172 : i32
        %dma_start3A_1174 = tpu.memref_slice %arg3[%add3A_1173] : memref<819200xi32, #tpu.memory_space<hbm>> -> memref<800xi32, #tpu.memory_space<hbm>>
        %dma_start3A_1175 = tpu.memref_slice %arg3[%add3A_1173] : memref<819200xi32, #tpu.memory_space<hbm>> -> memref<800xi32, #tpu.memory_space<hbm>>
        tpu.enqueue_dma source(%dma_start3A_1175 : memref<800xi32, #tpu.memory_space<hbm>>) target(%arg6 : memref<800xi32, #tpu.memory_space<vmem>>) target_semaphore(%arg12 : memref<!tpu.dma_semaphore, #tpu.memory_space<semaphore_mem>>)
      } else {
      }
      %broadcast_in_dim3A_1032 = arith.constant 0.000000e+00 : f32
      %broadcast_in_dim3A_1033 = vector.broadcast %broadcast_in_dim3A_1032 : f32 to vector<16xf32>
      %broadcast_in_dim3A_1034 = arith.constant 0.000000e+00 : f32
      %broadcast_in_dim3A_1035 = vector.broadcast %broadcast_in_dim3A_1034 : f32 to vector<16xf32>
      %broadcast_in_dim3A_1036 = arith.constant 0.000000e+00 : f32
      %broadcast_in_dim3A_1037 = vector.broadcast %broadcast_in_dim3A_1036 : f32 to vector<16xf32>
      %broadcast_in_dim3A_1038 = arith.constant 0.000000e+00 : f32
      %broadcast_in_dim3A_1039 = vector.broadcast %broadcast_in_dim3A_1038 : f32 to vector<16xf32>
      %scan3A_1040 = arith.constant 0 : i32
      %scan3A_1041 = arith.constant 50 : i32
      %scan3A_1042 = arith.addi %scan3A_1040, %scan3A_1041 : i32
      %scan3A_1043 = arith.constant 1 : i32
      %scan3A_1044:4 = scf.for %scan3A_1167 = %scan3A_1040 to %scan3A_1042 step %scan3A_1043 iter_args(%scan3A_1168 = %broadcast_in_dim3A_1033, %scan3A_1169 = %broadcast_in_dim3A_1035, %scan3A_1170 = %broadcast_in_dim3A_1037, %scan3A_1171 = %broadcast_in_dim3A_1039) -> (vector<16xf32>, vector<16xf32>, vector<16xf32>, vector<16xf32>)  : i32 {
        %mul3A_1172 = arith.constant 4 : i32
        %mul3A_1173 = arith.muli %scan3A_1167, %mul3A_1172 : i32
        %add3A_1174 = arith.constant 0 : i32
        %add3A_1175 = arith.addi %add3A_1174, %mul3A_1173 : i32
        %add3A_1176 = arith.constant 0 : i32
        %add3A_1177 = arith.addi %add3A_1175, %add3A_1176 : i32
        %get3A_1178 = arith.index_cast %add3A_1177 : i32 to index
        %get3A_1179 = arith.constant 0 : index
        %get3A_1180 = tpu.vector_load %arg8[%get3A_1178, %get3A_1179] {strides = array<i32>} : memref<800x64xf32, #tpu.memory_space<vmem>>, vector<16xf32>,
        %add3A_1181 = arith.addf %scan3A_1168, %get3A_1180 : vector<16xf32>
        %mul3A_1182 = arith.constant 4 : i32
        %mul3A_1183 = arith.muli %scan3A_1167, %mul3A_1182 : i32
        %add3A_1184 = arith.constant 0 : i32
        %add3A_1185 = arith.addi %add3A_1184, %mul3A_1183 : i32
        %add3A_1186 = arith.constant 0 : i32
        %add3A_1187 = arith.addi %add3A_1185, %add3A_1186 : i32
        %get3A_1188 = arith.index_cast %add3A_1187 : i32 to index
        %get3A_1189 = arith.constant 16 : index
        %get3A_1190 = tpu.vector_load %arg8[%get3A_1188, %get3A_1189] {strides = array<i32>} : memref<800x64xf32, #tpu.memory_space<vmem>>, vector<16xf32>,
        %add3A_1191 = arith.addf %scan3A_1169, %get3A_1190 : vector<16xf32>
        %mul3A_1192 = arith.constant 4 : i32
        %mul3A_1193 = arith.muli %scan3A_1167, %mul3A_1192 : i32
        %add3A_1194 = arith.constant 0 : i32
        %add3A_1195 = arith.addi %add3A_1194, %mul3A_1193 : i32
        %add3A_1196 = arith.constant 0 : i32
        %add3A_1197 = arith.addi %add3A_1195, %add3A_1196 : i32
        %get3A_1198 = arith.index_cast %add3A_1197 : i32 to index
        %get3A_1199 = arith.constant 32 : index
        %get3A_1200 = tpu.vector_load %arg8[%get3A_1198, %get3A_1199] {strides = array<i32>} : memref<800x64xf32, #tpu.memory_space<vmem>>, vector<16xf32>,
        %add3A_1201 = arith.addf %scan3A_1170, %get3A_1200 : vector<16xf32>
        %mul3A_1202 = arith.constant 4 : i32
        %mul3A_1203 = arith.muli %scan3A_1167, %mul3A_1202 : i32
        %add3A_1204 = arith.constant 0 : i32
        %add3A_1205 = arith.addi %add3A_1204, %mul3A_1203 : i32
        %add3A_1206 = arith.constant 0 : i32
        %add3A_1207 = arith.addi %add3A_1205, %add3A_1206 : i32
        %get3A_1208 = arith.index_cast %add3A_1207 : i32 to index
        %get3A_1209 = arith.constant 48 : index
        %get3A_1210 = tpu.vector_load %arg8[%get3A_1208, %get3A_1209] {strides = array<i32>} : memref<800x64xf32, #tpu.memory_space<vmem>>, vector<16xf32>,
        %add3A_1211 = arith.addf %scan3A_1171, %get3A_1210 : vector<16xf32>
        %mul3A_1212 = arith.constant 4 : i32
        %mul3A_1213 = arith.muli %scan3A_1167, %mul3A_1212 : i32
        %add3A_1214 = arith.constant 0 : i32
        %add3A_1215 = arith.addi %add3A_1214, %mul3A_1213 : i32
        %add3A_1216 = arith.constant 1 : i32
        %add3A_1217 = arith.addi %add3A_1215, %add3A_1216 : i32
        %get3A_1218 = arith.index_cast %add3A_1217 : i32 to index
        %get3A_1219 = arith.constant 0 : index
        %get3A_1220 = tpu.vector_load %arg8[%get3A_1218, %get3A_1219] {strides = array<i32>} : memref<800x64xf32, #tpu.memory_space<vmem>>, vector<16xf32>,
        %add3A_1221 = arith.addf %add3A_1181, %get3A_1220 : vector<16xf32>
        %mul3A_1222 = arith.constant 4 : i32
        %mul3A_1223 = arith.muli %scan3A_1167, %mul3A_1222 : i32
        %add3A_1224 = arith.constant 0 : i32
        %add3A_1225 = arith.addi %add3A_1224, %mul3A_1223 : i32
        %add3A_1226 = arith.constant 1 : i32
        %add3A_1227 = arith.addi %add3A_1225, %add3A_1226 : i32
        %get3A_1228 = arith.index_cast %add3A_1227 : i32 to index
        %get3A_1229 = arith.constant 16 : index
        %get3A_1230 = tpu.vector_load %arg8[%get3A_1228, %get3A_1229] {strides = array<i32>} : memref<800x64xf32, #tpu.memory_space<vmem>>, vector<16xf32>,
        %add3A_1231 = arith.addf %add3A_1191, %get3A_1230 : vector<16xf32>
        %mul3A_1232 = arith.constant 4 : i32
        %mul3A_1233 = arith.muli %scan3A_1167, %mul3A_1232 : i32
        %add3A_1234 = arith.constant 0 : i32
        %add3A_1235 = arith.addi %add3A_1234, %mul3A_1233 : i32
        %add3A_1236 = arith.constant 1 : i32
        %add3A_1237 = arith.addi %add3A_1235, %add3A_1236 : i32
        %get3A_1238 = arith.index_cast %add3A_1237 : i32 to index
        %get3A_1239 = arith.constant 32 : index
        %get3A_1240 = tpu.vector_load %arg8[%get3A_1238, %get3A_1239] {strides = array<i32>} : memref<800x64xf32, #tpu.memory_space<vmem>>, vector<16xf32>,
        %add3A_1241 = arith.addf %add3A_1201, %get3A_1240 : vector<16xf32>
        %mul3A_1242 = arith.constant 4 : i32
        %mul3A_1243 = arith.muli %scan3A_1167, %mul3A_1242 : i32
        %add3A_1244 = arith.constant 0 : i32
        %add3A_1245 = arith.addi %add3A_1244, %mul3A_1243 : i32
        %add3A_1246 = arith.constant 1 : i32
        %add3A_1247 = arith.addi %add3A_1245, %add3A_1246 : i32
        %get3A_1248 = arith.index_cast %add3A_1247 : i32 to index
        %get3A_1249 = arith.constant 48 : index
        %get3A_1250 = tpu.vector_load %arg8[%get3A_1248, %get3A_1249] {strides = array<i32>} : memref<800x64xf32, #tpu.memory_space<vmem>>, vector<16xf32>,
        %add3A_1251 = arith.addf %add3A_1211, %get3A_1250 : vector<16xf32>
        %mul3A_1252 = arith.constant 4 : i32
        %mul3A_1253 = arith.muli %scan3A_1167, %mul3A_1252 : i32
        %add3A_1254 = arith.constant 0 : i32
        %add3A_1255 = arith.addi %add3A_1254, %mul3A_1253 : i32
        %add3A_1256 = arith.constant 2 : i32
        %add3A_1257 = arith.addi %add3A_1255, %add3A_1256 : i32
        %get3A_1258 = arith.index_cast %add3A_1257 : i32 to index
        %get3A_1259 = arith.constant 0 : index
        %get3A_1260 = tpu.vector_load %arg8[%get3A_1258, %get3A_1259] {strides = array<i32>} : memref<800x64xf32, #tpu.memory_space<vmem>>, vector<16xf32>,
        %add3A_1261 = arith.addf %add3A_1221, %get3A_1260 : vector<16xf32>
        %mul3A_1262 = arith.constant 4 : i32
        %mul3A_1263 = arith.muli %scan3A_1167, %mul3A_1262 : i32
        %add3A_1264 = arith.constant 0 : i32
        %add3A_1265 = arith.addi %add3A_1264, %mul3A_1263 : i32
        %add3A_1266 = arith.constant 2 : i32
        %add3A_1267 = arith.addi %add3A_1265, %add3A_1266 : i32
        %get3A_1268 = arith.index_cast %add3A_1267 : i32 to index
        %get3A_1269 = arith.constant 16 : index
        %get3A_1270 = tpu.vector_load %arg8[%get3A_1268, %get3A_1269] {strides = array<i32>} : memref<800x64xf32, #tpu.memory_space<vmem>>, vector<16xf32>,
        %add3A_1271 = arith.addf %add3A_1231, %get3A_1270 : vector<16xf32>
        %mul3A_1272 = arith.constant 4 : i32
        %mul3A_1273 = arith.muli %scan3A_1167, %mul3A_1272 : i32
        %add3A_1274 = arith.constant 0 : i32
        %add3A_1275 = arith.addi %add3A_1274, %mul3A_1273 : i32
        %add3A_1276 = arith.constant 2 : i32
        %add3A_1277 = arith.addi %add3A_1275, %add3A_1276 : i32
        %get3A_1278 = arith.index_cast %add3A_1277 : i32 to index
        %get3A_1279 = arith.constant 32 : index
        %get3A_1280 = tpu.vector_load %arg8[%get3A_1278, %get3A_1279] {strides = array<i32>} : memref<800x64xf32, #tpu.memory_space<vmem>>, vector<16xf32>,
        %add3A_1281 = arith.addf %add3A_1241, %get3A_1280 : vector<16xf32>
        %mul3A_1282 = arith.constant 4 : i32
        %mul3A_1283 = arith.muli %scan3A_1167, %mul3A_1282 : i32
        %add3A_1284 = arith.constant 0 : i32
        %add3A_1285 = arith.addi %add3A_1284, %mul3A_1283 : i32
        %add3A_1286 = arith.constant 2 : i32
        %add3A_1287 = arith.addi %add3A_1285, %add3A_1286 : i32
        %get3A_1288 = arith.index_cast %add3A_1287 : i32 to index
        %get3A_1289 = arith.constant 48 : index
        %get3A_1290 = tpu.vector_load %arg8[%get3A_1288, %get3A_1289] {strides = array<i32>} : memref<800x64xf32, #tpu.memory_space<vmem>>, vector<16xf32>,
        %add3A_1291 = arith.addf %add3A_1251, %get3A_1290 : vector<16xf32>
        %mul3A_1292 = arith.constant 4 : i32
        %mul3A_1293 = arith.muli %scan3A_1167, %mul3A_1292 : i32
        %add3A_1294 = arith.constant 0 : i32
        %add3A_1295 = arith.addi %add3A_1294, %mul3A_1293 : i32
        %add3A_1296 = arith.constant 3 : i32
        %add3A_1297 = arith.addi %add3A_1295, %add3A_1296 : i32
        %get3A_1298 = arith.index_cast %add3A_1297 : i32 to index
        %get3A_1299 = arith.constant 0 : index
        %get3A_1300 = tpu.vector_load %arg8[%get3A_1298, %get3A_1299] {strides = array<i32>} : memref<800x64xf32, #tpu.memory_space<vmem>>, vector<16xf32>,
        %add3A_1301 = arith.addf %add3A_1261, %get3A_1300 : vector<16xf32>
        %mul3A_1302 = arith.constant 4 : i32
        %mul3A_1303 = arith.muli %scan3A_1167, %mul3A_1302 : i32
        %add3A_1304 = arith.constant 0 : i32
        %add3A_1305 = arith.addi %add3A_1304, %mul3A_1303 : i32
        %add3A_1306 = arith.constant 3 : i32
        %add3A_1307 = arith.addi %add3A_1305, %add3A_1306 : i32
        %get3A_1308 = arith.index_cast %add3A_1307 : i32 to index
        %get3A_1309 = arith.constant 16 : index
        %get3A_1310 = tpu.vector_load %arg8[%get3A_1308, %get3A_1309] {strides = array<i32>} : memref<800x64xf32, #tpu.memory_space<vmem>>, vector<16xf32>,
        %add3A_1311 = arith.addf %add3A_1271, %get3A_1310 : vector<16xf32>
        %mul3A_1312 = arith.constant 4 : i32
        %mul3A_1313 = arith.muli %scan3A_1167, %mul3A_1312 : i32
        %add3A_1314 = arith.constant 0 : i32
        %add3A_1315 = arith.addi %add3A_1314, %mul3A_1313 : i32
        %add3A_1316 = arith.constant 3 : i32
        %add3A_1317 = arith.addi %add3A_1315, %add3A_1316 : i32
        %get3A_1318 = arith.index_cast %add3A_1317 : i32 to index
        %get3A_1319 = arith.constant 32 : index
        %get3A_1320 = tpu.vector_load %arg8[%get3A_1318, %get3A_1319] {strides = array<i32>} : memref<800x64xf32, #tpu.memory_space<vmem>>, vector<16xf32>,
        %add3A_1321 = arith.addf %add3A_1281, %get3A_1320 : vector<16xf32>
        %mul3A_1322 = arith.constant 4 : i32
        %mul3A_1323 = arith.muli %scan3A_1167, %mul3A_1322 : i32
        %add3A_1324 = arith.constant 0 : i32
        %add3A_1325 = arith.addi %add3A_1324, %mul3A_1323 : i32
        %add3A_1326 = arith.constant 3 : i32
        %add3A_1327 = arith.addi %add3A_1325, %add3A_1326 : i32
        %get3A_1328 = arith.index_cast %add3A_1327 : i32 to index
        %get3A_1329 = arith.constant 48 : index
        %get3A_1330 = tpu.vector_load %arg8[%get3A_1328, %get3A_1329] {strides = array<i32>} : memref<800x64xf32, #tpu.memory_space<vmem>>, vector<16xf32>,
        %add3A_1331 = arith.addf %add3A_1291, %get3A_1330 : vector<16xf32>
        scf.yield %add3A_1301, %add3A_1311, %add3A_1321, %add3A_1331 : vector<16xf32>, vector<16xf32>, vector<16xf32>, vector<16xf32>
      }
      %scan3A_1045 = arith.constant 50 : i32
      %swap3A_1046 = arith.constant 0 : i32
      %swap3A_1047 = arith.index_cast %swap3A_1046 : i32 to index
      %swap3A_1048 = arith.constant 0 : index
      %swap3A_1049 = tpu.vector_load %arg10[%swap3A_1047, %swap3A_1048] {strides = array<i32>} : memref<4x128xf32, #tpu.memory_space<vmem>>, vector<16xf32>,
      tpu.vector_store %arg10[%swap3A_1047, %swap3A_1048], %scan3A_1044#0 {strides = array<i32>} : memref<4x128xf32, #tpu.memory_space<vmem>>, vector<16xf32>,
      %swap3A_1050 = arith.constant 0 : i32
      %swap3A_1051 = arith.index_cast %swap3A_1050 : i32 to index
      %swap3A_1052 = arith.constant 16 : index
      %swap3A_1053 = tpu.vector_load %arg10[%swap3A_1051, %swap3A_1052] {strides = array<i32>} : memref<4x128xf32, #tpu.memory_space<vmem>>, vector<16xf32>,
      tpu.vector_store %arg10[%swap3A_1051, %swap3A_1052], %scan3A_1044#1 {strides = array<i32>} : memref<4x128xf32, #tpu.memory_space<vmem>>, vector<16xf32>,
      %swap3A_1054 = arith.constant 0 : i32
      %swap3A_1055 = arith.index_cast %swap3A_1054 : i32 to index
      %swap3A_1056 = arith.constant 32 : index
      %swap3A_1057 = tpu.vector_load %arg10[%swap3A_1055, %swap3A_1056] {strides = array<i32>} : memref<4x128xf32, #tpu.memory_space<vmem>>, vector<16xf32>,
      tpu.vector_store %arg10[%swap3A_1055, %swap3A_1056], %scan3A_1044#2 {strides = array<i32>} : memref<4x128xf32, #tpu.memory_space<vmem>>, vector<16xf32>,
      %swap3A_1058 = arith.constant 0 : i32
      %swap3A_1059 = arith.index_cast %swap3A_1058 : i32 to index
      %swap3A_1060 = arith.constant 48 : index
      %swap3A_1061 = tpu.vector_load %arg10[%swap3A_1059, %swap3A_1060] {strides = array<i32>} : memref<4x128xf32, #tpu.memory_space<vmem>>, vector<16xf32>,
      tpu.vector_store %arg10[%swap3A_1059, %swap3A_1060], %scan3A_1044#3 {strides = array<i32>} : memref<4x128xf32, #tpu.memory_space<vmem>>, vector<16xf32>,
      %broadcast_in_dim3A_1062 = arith.constant 0.000000e+00 : f32
      %broadcast_in_dim3A_1063 = vector.broadcast %broadcast_in_dim3A_1062 : f32 to vector<16xf32>
      %broadcast_in_dim3A_1064 = arith.constant 0.000000e+00 : f32
      %broadcast_in_dim3A_1065 = vector.broadcast %broadcast_in_dim3A_1064 : f32 to vector<16xf32>
      %broadcast_in_dim3A_1066 = arith.constant 0.000000e+00 : f32
      %broadcast_in_dim3A_1067 = vector.broadcast %broadcast_in_dim3A_1066 : f32 to vector<16xf32>
      %broadcast_in_dim3A_1068 = arith.constant 0.000000e+00 : f32
      %broadcast_in_dim3A_1069 = vector.broadcast %broadcast_in_dim3A_1068 : f32 to vector<16xf32>
      %scan3A_1070 = arith.constant 0 : i32
      %scan3A_1071 = arith.constant 50 : i32
      %scan3A_1072 = arith.addi %scan3A_1070, %scan3A_1071 : i32
      %scan3A_1073 = arith.constant 1 : i32
      %scan3A_1074:4 = scf.for %scan3A_1167 = %scan3A_1070 to %scan3A_1072 step %scan3A_1073 iter_args(%scan3A_1168 = %broadcast_in_dim3A_1063, %scan3A_1169 = %broadcast_in_dim3A_1065, %scan3A_1170 = %broadcast_in_dim3A_1067, %scan3A_1171 = %broadcast_in_dim3A_1069) -> (vector<16xf32>, vector<16xf32>, vector<16xf32>, vector<16xf32>)  : i32 {
        %mul3A_1172 = arith.constant 4 : i32
        %mul3A_1173 = arith.muli %scan3A_1167, %mul3A_1172 : i32
        %add3A_1174 = arith.constant 200 : i32
        %add3A_1175 = arith.addi %add3A_1174, %mul3A_1173 : i32
        %add3A_1176 = arith.constant 0 : i32
        %add3A_1177 = arith.addi %add3A_1175, %add3A_1176 : i32
        %get3A_1178 = arith.index_cast %add3A_1177 : i32 to index
        %get3A_1179 = arith.constant 0 : index
        %get3A_1180 = tpu.vector_load %arg8[%get3A_1178, %get3A_1179] {strides = array<i32>} : memref<800x64xf32, #tpu.memory_space<vmem>>, vector<16xf32>,
        %add3A_1181 = arith.addf %scan3A_1168, %get3A_1180 : vector<16xf32>
        %mul3A_1182 = arith.constant 4 : i32
        %mul3A_1183 = arith.muli %scan3A_1167, %mul3A_1182 : i32
        %add3A_1184 = arith.constant 200 : i32
        %add3A_1185 = arith.addi %add3A_1184, %mul3A_1183 : i32
        %add3A_1186 = arith.constant 0 : i32
        %add3A_1187 = arith.addi %add3A_1185, %add3A_1186 : i32
        %get3A_1188 = arith.index_cast %add3A_1187 : i32 to index
        %get3A_1189 = arith.constant 16 : index
        %get3A_1190 = tpu.vector_load %arg8[%get3A_1188, %get3A_1189] {strides = array<i32>} : memref<800x64xf32, #tpu.memory_space<vmem>>, vector<16xf32>,
        %add3A_1191 = arith.addf %scan3A_1169, %get3A_1190 : vector<16xf32>
        %mul3A_1192 = arith.constant 4 : i32
        %mul3A_1193 = arith.muli %scan3A_1167, %mul3A_1192 : i32
        %add3A_1194 = arith.constant 200 : i32
        %add3A_1195 = arith.addi %add3A_1194, %mul3A_1193 : i32
        %add3A_1196 = arith.constant 0 : i32
        %add3A_1197 = arith.addi %add3A_1195, %add3A_1196 : i32
        %get3A_1198 = arith.index_cast %add3A_1197 : i32 to index
        %get3A_1199 = arith.constant 32 : index
        %get3A_1200 = tpu.vector_load %arg8[%get3A_1198, %get3A_1199] {strides = array<i32>} : memref<800x64xf32, #tpu.memory_space<vmem>>, vector<16xf32>,
        %add3A_1201 = arith.addf %scan3A_1170, %get3A_1200 : vector<16xf32>
        %mul3A_1202 = arith.constant 4 : i32
        %mul3A_1203 = arith.muli %scan3A_1167, %mul3A_1202 : i32
        %add3A_1204 = arith.constant 200 : i32
        %add3A_1205 = arith.addi %add3A_1204, %mul3A_1203 : i32
        %add3A_1206 = arith.constant 0 : i32
        %add3A_1207 = arith.addi %add3A_1205, %add3A_1206 : i32
        %get3A_1208 = arith.index_cast %add3A_1207 : i32 to index
        %get3A_1209 = arith.constant 48 : index
        %get3A_1210 = tpu.vector_load %arg8[%get3A_1208, %get3A_1209] {strides = array<i32>} : memref<800x64xf32, #tpu.memory_space<vmem>>, vector<16xf32>,
        %add3A_1211 = arith.addf %scan3A_1171, %get3A_1210 : vector<16xf32>
        %mul3A_1212 = arith.constant 4 : i32
        %mul3A_1213 = arith.muli %scan3A_1167, %mul3A_1212 : i32
        %add3A_1214 = arith.constant 200 : i32
        %add3A_1215 = arith.addi %add3A_1214, %mul3A_1213 : i32
        %add3A_1216 = arith.constant 1 : i32
        %add3A_1217 = arith.addi %add3A_1215, %add3A_1216 : i32
        %get3A_1218 = arith.index_cast %add3A_1217 : i32 to index
        %get3A_1219 = arith.constant 0 : index
        %get3A_1220 = tpu.vector_load %arg8[%get3A_1218, %get3A_1219] {strides = array<i32>} : memref<800x64xf32, #tpu.memory_space<vmem>>, vector<16xf32>,
        %add3A_1221 = arith.addf %add3A_1181, %get3A_1220 : vector<16xf32>
        %mul3A_1222 = arith.constant 4 : i32
        %mul3A_1223 = arith.muli %scan3A_1167, %mul3A_1222 : i32
        %add3A_1224 = arith.constant 200 : i32
        %add3A_1225 = arith.addi %add3A_1224, %mul3A_1223 : i32
        %add3A_1226 = arith.constant 1 : i32
        %add3A_1227 = arith.addi %add3A_1225, %add3A_1226 : i32
        %get3A_1228 = arith.index_cast %add3A_1227 : i32 to index
        %get3A_1229 = arith.constant 16 : index
        %get3A_1230 = tpu.vector_load %arg8[%get3A_1228, %get3A_1229] {strides = array<i32>} : memref<800x64xf32, #tpu.memory_space<vmem>>, vector<16xf32>,
        %add3A_1231 = arith.addf %add3A_1191, %get3A_1230 : vector<16xf32>
        %mul3A_1232 = arith.constant 4 : i32
        %mul3A_1233 = arith.muli %scan3A_1167, %mul3A_1232 : i32
        %add3A_1234 = arith.constant 200 : i32
        %add3A_1235 = arith.addi %add3A_1234, %mul3A_1233 : i32
        %add3A_1236 = arith.constant 1 : i32
        %add3A_1237 = arith.addi %add3A_1235, %add3A_1236 : i32
        %get3A_1238 = arith.index_cast %add3A_1237 : i32 to index
        %get3A_1239 = arith.constant 32 : index
        %get3A_1240 = tpu.vector_load %arg8[%get3A_1238, %get3A_1239] {strides = array<i32>} : memref<800x64xf32, #tpu.memory_space<vmem>>, vector<16xf32>,
        %add3A_1241 = arith.addf %add3A_1201, %get3A_1240 : vector<16xf32>
        %mul3A_1242 = arith.constant 4 : i32
        %mul3A_1243 = arith.muli %scan3A_1167, %mul3A_1242 : i32
        %add3A_1244 = arith.constant 200 : i32
        %add3A_1245 = arith.addi %add3A_1244, %mul3A_1243 : i32
        %add3A_1246 = arith.constant 1 : i32
        %add3A_1247 = arith.addi %add3A_1245, %add3A_1246 : i32
        %get3A_1248 = arith.index_cast %add3A_1247 : i32 to index
        %get3A_1249 = arith.constant 48 : index
        %get3A_1250 = tpu.vector_load %arg8[%get3A_1248, %get3A_1249] {strides = array<i32>} : memref<800x64xf32, #tpu.memory_space<vmem>>, vector<16xf32>,
        %add3A_1251 = arith.addf %add3A_1211, %get3A_1250 : vector<16xf32>
        %mul3A_1252 = arith.constant 4 : i32
        %mul3A_1253 = arith.muli %scan3A_1167, %mul3A_1252 : i32
        %add3A_1254 = arith.constant 200 : i32
        %add3A_1255 = arith.addi %add3A_1254, %mul3A_1253 : i32
        %add3A_1256 = arith.constant 2 : i32
        %add3A_1257 = arith.addi %add3A_1255, %add3A_1256 : i32
        %get3A_1258 = arith.index_cast %add3A_1257 : i32 to index
        %get3A_1259 = arith.constant 0 : index
        %get3A_1260 = tpu.vector_load %arg8[%get3A_1258, %get3A_1259] {strides = array<i32>} : memref<800x64xf32, #tpu.memory_space<vmem>>, vector<16xf32>,
        %add3A_1261 = arith.addf %add3A_1221, %get3A_1260 : vector<16xf32>
        %mul3A_1262 = arith.constant 4 : i32
        %mul3A_1263 = arith.muli %scan3A_1167, %mul3A_1262 : i32
        %add3A_1264 = arith.constant 200 : i32
        %add3A_1265 = arith.addi %add3A_1264, %mul3A_1263 : i32
        %add3A_1266 = arith.constant 2 : i32
        %add3A_1267 = arith.addi %add3A_1265, %add3A_1266 : i32
        %get3A_1268 = arith.index_cast %add3A_1267 : i32 to index
        %get3A_1269 = arith.constant 16 : index
        %get3A_1270 = tpu.vector_load %arg8[%get3A_1268, %get3A_1269] {strides = array<i32>} : memref<800x64xf32, #tpu.memory_space<vmem>>, vector<16xf32>,
        %add3A_1271 = arith.addf %add3A_1231, %get3A_1270 : vector<16xf32>
        %mul3A_1272 = arith.constant 4 : i32
        %mul3A_1273 = arith.muli %scan3A_1167, %mul3A_1272 : i32
        %add3A_1274 = arith.constant 200 : i32
        %add3A_1275 = arith.addi %add3A_1274, %mul3A_1273 : i32
        %add3A_1276 = arith.constant 2 : i32
        %add3A_1277 = arith.addi %add3A_1275, %add3A_1276 : i32
        %get3A_1278 = arith.index_cast %add3A_1277 : i32 to index
        %get3A_1279 = arith.constant 32 : index
        %get3A_1280 = tpu.vector_load %arg8[%get3A_1278, %get3A_1279] {strides = array<i32>} : memref<800x64xf32, #tpu.memory_space<vmem>>, vector<16xf32>,
        %add3A_1281 = arith.addf %add3A_1241, %get3A_1280 : vector<16xf32>
        %mul3A_1282 = arith.constant 4 : i32
        %mul3A_1283 = arith.muli %scan3A_1167, %mul3A_1282 : i32
        %add3A_1284 = arith.constant 200 : i32
        %add3A_1285 = arith.addi %add3A_1284, %mul3A_1283 : i32
        %add3A_1286 = arith.constant 2 : i32
        %add3A_1287 = arith.addi %add3A_1285, %add3A_1286 : i32
        %get3A_1288 = arith.index_cast %add3A_1287 : i32 to index
        %get3A_1289 = arith.constant 48 : index
        %get3A_1290 = tpu.vector_load %arg8[%get3A_1288, %get3A_1289] {strides = array<i32>} : memref<800x64xf32, #tpu.memory_space<vmem>>, vector<16xf32>,
        %add3A_1291 = arith.addf %add3A_1251, %get3A_1290 : vector<16xf32>
        %mul3A_1292 = arith.constant 4 : i32
        %mul3A_1293 = arith.muli %scan3A_1167, %mul3A_1292 : i32
        %add3A_1294 = arith.constant 200 : i32
        %add3A_1295 = arith.addi %add3A_1294, %mul3A_1293 : i32
        %add3A_1296 = arith.constant 3 : i32
        %add3A_1297 = arith.addi %add3A_1295, %add3A_1296 : i32
        %get3A_1298 = arith.index_cast %add3A_1297 : i32 to index
        %get3A_1299 = arith.constant 0 : index
        %get3A_1300 = tpu.vector_load %arg8[%get3A_1298, %get3A_1299] {strides = array<i32>} : memref<800x64xf32, #tpu.memory_space<vmem>>, vector<16xf32>,
        %add3A_1301 = arith.addf %add3A_1261, %get3A_1300 : vector<16xf32>
        %mul3A_1302 = arith.constant 4 : i32
        %mul3A_1303 = arith.muli %scan3A_1167, %mul3A_1302 : i32
        %add3A_1304 = arith.constant 200 : i32
        %add3A_1305 = arith.addi %add3A_1304, %mul3A_1303 : i32
        %add3A_1306 = arith.constant 3 : i32
        %add3A_1307 = arith.addi %add3A_1305, %add3A_1306 : i32
        %get3A_1308 = arith.index_cast %add3A_1307 : i32 to index
        %get3A_1309 = arith.constant 16 : index
        %get3A_1310 = tpu.vector_load %arg8[%get3A_1308, %get3A_1309] {strides = array<i32>} : memref<800x64xf32, #tpu.memory_space<vmem>>, vector<16xf32>,
        %add3A_1311 = arith.addf %add3A_1271, %get3A_1310 : vector<16xf32>
        %mul3A_1312 = arith.constant 4 : i32
        %mul3A_1313 = arith.muli %scan3A_1167, %mul3A_1312 : i32
        %add3A_1314 = arith.constant 200 : i32
        %add3A_1315 = arith.addi %add3A_1314, %mul3A_1313 : i32
        %add3A_1316 = arith.constant 3 : i32
        %add3A_1317 = arith.addi %add3A_1315, %add3A_1316 : i32
        %get3A_1318 = arith.index_cast %add3A_1317 : i32 to index
        %get3A_1319 = arith.constant 32 : index
        %get3A_1320 = tpu.vector_load %arg8[%get3A_1318, %get3A_1319] {strides = array<i32>} : memref<800x64xf32, #tpu.memory_space<vmem>>, vector<16xf32>,
        %add3A_1321 = arith.addf %add3A_1281, %get3A_1320 : vector<16xf32>
        %mul3A_1322 = arith.constant 4 : i32
        %mul3A_1323 = arith.muli %scan3A_1167, %mul3A_1322 : i32
        %add3A_1324 = arith.constant 200 : i32
        %add3A_1325 = arith.addi %add3A_1324, %mul3A_1323 : i32
        %add3A_1326 = arith.constant 3 : i32
        %add3A_1327 = arith.addi %add3A_1325, %add3A_1326 : i32
        %get3A_1328 = arith.index_cast %add3A_1327 : i32 to index
        %get3A_1329 = arith.constant 48 : index
        %get3A_1330 = tpu.vector_load %arg8[%get3A_1328, %get3A_1329] {strides = array<i32>} : memref<800x64xf32, #tpu.memory_space<vmem>>, vector<16xf32>,
        %add3A_1331 = arith.addf %add3A_1291, %get3A_1330 : vector<16xf32>
        scf.yield %add3A_1301, %add3A_1311, %add3A_1321, %add3A_1331 : vector<16xf32>, vector<16xf32>, vector<16xf32>, vector<16xf32>
      }
      %scan3A_1075 = arith.constant 50 : i32
      %swap3A_1076 = arith.constant 1 : i32
      %swap3A_1077 = arith.index_cast %swap3A_1076 : i32 to index
      %swap3A_1078 = arith.constant 0 : index
      %swap3A_1079 = tpu.vector_load %arg10[%swap3A_1077, %swap3A_1078] {strides = array<i32>} : memref<4x128xf32, #tpu.memory_space<vmem>>, vector<16xf32>,
      tpu.vector_store %arg10[%swap3A_1077, %swap3A_1078], %scan3A_1074#0 {strides = array<i32>} : memref<4x128xf32, #tpu.memory_space<vmem>>, vector<16xf32>,
      %swap3A_1080 = arith.constant 1 : i32
      %swap3A_1081 = arith.index_cast %swap3A_1080 : i32 to index
      %swap3A_1082 = arith.constant 16 : index
      %swap3A_1083 = tpu.vector_load %arg10[%swap3A_1081, %swap3A_1082] {strides = array<i32>} : memref<4x128xf32, #tpu.memory_space<vmem>>, vector<16xf32>,
      tpu.vector_store %arg10[%swap3A_1081, %swap3A_1082], %scan3A_1074#1 {strides = array<i32>} : memref<4x128xf32, #tpu.memory_space<vmem>>, vector<16xf32>,
      %swap3A_1084 = arith.constant 1 : i32
      %swap3A_1085 = arith.index_cast %swap3A_1084 : i32 to index
      %swap3A_1086 = arith.constant 32 : index
      %swap3A_1087 = tpu.vector_load %arg10[%swap3A_1085, %swap3A_1086] {strides = array<i32>} : memref<4x128xf32, #tpu.memory_space<vmem>>, vector<16xf32>,
      tpu.vector_store %arg10[%swap3A_1085, %swap3A_1086], %scan3A_1074#2 {strides = array<i32>} : memref<4x128xf32, #tpu.memory_space<vmem>>, vector<16xf32>,
      %swap3A_1088 = arith.constant 1 : i32
      %swap3A_1089 = arith.index_cast %swap3A_1088 : i32 to index
      %swap3A_1090 = arith.constant 48 : index
      %swap3A_1091 = tpu.vector_load %arg10[%swap3A_1089, %swap3A_1090] {strides = array<i32>} : memref<4x128xf32, #tpu.memory_space<vmem>>, vector<16xf32>,
      tpu.vector_store %arg10[%swap3A_1089, %swap3A_1090], %scan3A_1074#3 {strides = array<i32>} : memref<4x128xf32, #tpu.memory_space<vmem>>, vector<16xf32>,
      %broadcast_in_dim3A_1092 = arith.constant 0.000000e+00 : f32
      %broadcast_in_dim3A_1093 = vector.broadcast %broadcast_in_dim3A_1092 : f32 to vector<16xf32>
      %broadcast_in_dim3A_1094 = arith.constant 0.000000e+00 : f32
      %broadcast_in_dim3A_1095 = vector.broadcast %broadcast_in_dim3A_1094 : f32 to vector<16xf32>
      %broadcast_in_dim3A_1096 = arith.constant 0.000000e+00 : f32
      %broadcast_in_dim3A_1097 = vector.broadcast %broadcast_in_dim3A_1096 : f32 to vector<16xf32>
      %broadcast_in_dim3A_1098 = arith.constant 0.000000e+00 : f32
      %broadcast_in_dim3A_1099 = vector.broadcast %broadcast_in_dim3A_1098 : f32 to vector<16xf32>
      %scan3A_1100 = arith.constant 0 : i32
      %scan3A_1101 = arith.constant 50 : i32
      %scan3A_1102 = arith.addi %scan3A_1100, %scan3A_1101 : i32
      %scan3A_1103 = arith.constant 1 : i32
      %scan3A_1104:4 = scf.for %scan3A_1167 = %scan3A_1100 to %scan3A_1102 step %scan3A_1103 iter_args(%scan3A_1168 = %broadcast_in_dim3A_1093, %scan3A_1169 = %broadcast_in_dim3A_1095, %scan3A_1170 = %broadcast_in_dim3A_1097, %scan3A_1171 = %broadcast_in_dim3A_1099) -> (vector<16xf32>, vector<16xf32>, vector<16xf32>, vector<16xf32>)  : i32 {
        %mul3A_1172 = arith.constant 4 : i32
        %mul3A_1173 = arith.muli %scan3A_1167, %mul3A_1172 : i32
        %add3A_1174 = arith.constant 400 : i32
        %add3A_1175 = arith.addi %add3A_1174, %mul3A_1173 : i32
        %add3A_1176 = arith.constant 0 : i32
        %add3A_1177 = arith.addi %add3A_1175, %add3A_1176 : i32
        %get3A_1178 = arith.index_cast %add3A_1177 : i32 to index
        %get3A_1179 = arith.constant 0 : index
        %get3A_1180 = tpu.vector_load %arg8[%get3A_1178, %get3A_1179] {strides = array<i32>} : memref<800x64xf32, #tpu.memory_space<vmem>>, vector<16xf32>,
        %add3A_1181 = arith.addf %scan3A_1168, %get3A_1180 : vector<16xf32>
        %mul3A_1182 = arith.constant 4 : i32
        %mul3A_1183 = arith.muli %scan3A_1167, %mul3A_1182 : i32
        %add3A_1184 = arith.constant 400 : i32
        %add3A_1185 = arith.addi %add3A_1184, %mul3A_1183 : i32
        %add3A_1186 = arith.constant 0 : i32
        %add3A_1187 = arith.addi %add3A_1185, %add3A_1186 : i32
        %get3A_1188 = arith.index_cast %add3A_1187 : i32 to index
        %get3A_1189 = arith.constant 16 : index
        %get3A_1190 = tpu.vector_load %arg8[%get3A_1188, %get3A_1189] {strides = array<i32>} : memref<800x64xf32, #tpu.memory_space<vmem>>, vector<16xf32>,
        %add3A_1191 = arith.addf %scan3A_1169, %get3A_1190 : vector<16xf32>
        %mul3A_1192 = arith.constant 4 : i32
        %mul3A_1193 = arith.muli %scan3A_1167, %mul3A_1192 : i32
        %add3A_1194 = arith.constant 400 : i32
        %add3A_1195 = arith.addi %add3A_1194, %mul3A_1193 : i32
        %add3A_1196 = arith.constant 0 : i32
        %add3A_1197 = arith.addi %add3A_1195, %add3A_1196 : i32
        %get3A_1198 = arith.index_cast %add3A_1197 : i32 to index
        %get3A_1199 = arith.constant 32 : index
        %get3A_1200 = tpu.vector_load %arg8[%get3A_1198, %get3A_1199] {strides = array<i32>} : memref<800x64xf32, #tpu.memory_space<vmem>>, vector<16xf32>,
        %add3A_1201 = arith.addf %scan3A_1170, %get3A_1200 : vector<16xf32>
        %mul3A_1202 = arith.constant 4 : i32
        %mul3A_1203 = arith.muli %scan3A_1167, %mul3A_1202 : i32
        %add3A_1204 = arith.constant 400 : i32
        %add3A_1205 = arith.addi %add3A_1204, %mul3A_1203 : i32
        %add3A_1206 = arith.constant 0 : i32
        %add3A_1207 = arith.addi %add3A_1205, %add3A_1206 : i32
        %get3A_1208 = arith.index_cast %add3A_1207 : i32 to index
        %get3A_1209 = arith.constant 48 : index
        %get3A_1210 = tpu.vector_load %arg8[%get3A_1208, %get3A_1209] {strides = array<i32>} : memref<800x64xf32, #tpu.memory_space<vmem>>, vector<16xf32>,
        %add3A_1211 = arith.addf %scan3A_1171, %get3A_1210 : vector<16xf32>
        %mul3A_1212 = arith.constant 4 : i32
        %mul3A_1213 = arith.muli %scan3A_1167, %mul3A_1212 : i32
        %add3A_1214 = arith.constant 400 : i32
        %add3A_1215 = arith.addi %add3A_1214, %mul3A_1213 : i32
        %add3A_1216 = arith.constant 1 : i32
        %add3A_1217 = arith.addi %add3A_1215, %add3A_1216 : i32
        %get3A_1218 = arith.index_cast %add3A_1217 : i32 to index
        %get3A_1219 = arith.constant 0 : index
        %get3A_1220 = tpu.vector_load %arg8[%get3A_1218, %get3A_1219] {strides = array<i32>} : memref<800x64xf32, #tpu.memory_space<vmem>>, vector<16xf32>,
        %add3A_1221 = arith.addf %add3A_1181, %get3A_1220 : vector<16xf32>
        %mul3A_1222 = arith.constant 4 : i32
        %mul3A_1223 = arith.muli %scan3A_1167, %mul3A_1222 : i32
        %add3A_1224 = arith.constant 400 : i32
        %add3A_1225 = arith.addi %add3A_1224, %mul3A_1223 : i32
        %add3A_1226 = arith.constant 1 : i32
        %add3A_1227 = arith.addi %add3A_1225, %add3A_1226 : i32
        %get3A_1228 = arith.index_cast %add3A_1227 : i32 to index
        %get3A_1229 = arith.constant 16 : index
        %get3A_1230 = tpu.vector_load %arg8[%get3A_1228, %get3A_1229] {strides = array<i32>} : memref<800x64xf32, #tpu.memory_space<vmem>>, vector<16xf32>,
        %add3A_1231 = arith.addf %add3A_1191, %get3A_1230 : vector<16xf32>
        %mul3A_1232 = arith.constant 4 : i32
        %mul3A_1233 = arith.muli %scan3A_1167, %mul3A_1232 : i32
        %add3A_1234 = arith.constant 400 : i32
        %add3A_1235 = arith.addi %add3A_1234, %mul3A_1233 : i32
        %add3A_1236 = arith.constant 1 : i32
        %add3A_1237 = arith.addi %add3A_1235, %add3A_1236 : i32
        %get3A_1238 = arith.index_cast %add3A_1237 : i32 to index
        %get3A_1239 = arith.constant 32 : index
        %get3A_1240 = tpu.vector_load %arg8[%get3A_1238, %get3A_1239] {strides = array<i32>} : memref<800x64xf32, #tpu.memory_space<vmem>>, vector<16xf32>,
        %add3A_1241 = arith.addf %add3A_1201, %get3A_1240 : vector<16xf32>
        %mul3A_1242 = arith.constant 4 : i32
        %mul3A_1243 = arith.muli %scan3A_1167, %mul3A_1242 : i32
        %add3A_1244 = arith.constant 400 : i32
        %add3A_1245 = arith.addi %add3A_1244, %mul3A_1243 : i32
        %add3A_1246 = arith.constant 1 : i32
        %add3A_1247 = arith.addi %add3A_1245, %add3A_1246 : i32
        %get3A_1248 = arith.index_cast %add3A_1247 : i32 to index
        %get3A_1249 = arith.constant 48 : index
        %get3A_1250 = tpu.vector_load %arg8[%get3A_1248, %get3A_1249] {strides = array<i32>} : memref<800x64xf32, #tpu.memory_space<vmem>>, vector<16xf32>,
        %add3A_1251 = arith.addf %add3A_1211, %get3A_1250 : vector<16xf32>
        %mul3A_1252 = arith.constant 4 : i32
        %mul3A_1253 = arith.muli %scan3A_1167, %mul3A_1252 : i32
        %add3A_1254 = arith.constant 400 : i32
        %add3A_1255 = arith.addi %add3A_1254, %mul3A_1253 : i32
        %add3A_1256 = arith.constant 2 : i32
        %add3A_1257 = arith.addi %add3A_1255, %add3A_1256 : i32
        %get3A_1258 = arith.index_cast %add3A_1257 : i32 to index
        %get3A_1259 = arith.constant 0 : index
        %get3A_1260 = tpu.vector_load %arg8[%get3A_1258, %get3A_1259] {strides = array<i32>} : memref<800x64xf32, #tpu.memory_space<vmem>>, vector<16xf32>,
        %add3A_1261 = arith.addf %add3A_1221, %get3A_1260 : vector<16xf32>
        %mul3A_1262 = arith.constant 4 : i32
        %mul3A_1263 = arith.muli %scan3A_1167, %mul3A_1262 : i32
        %add3A_1264 = arith.constant 400 : i32
        %add3A_1265 = arith.addi %add3A_1264, %mul3A_1263 : i32
        %add3A_1266 = arith.constant 2 : i32
        %add3A_1267 = arith.addi %add3A_1265, %add3A_1266 : i32
        %get3A_1268 = arith.index_cast %add3A_1267 : i32 to index
        %get3A_1269 = arith.constant 16 : index
        %get3A_1270 = tpu.vector_load %arg8[%get3A_1268, %get3A_1269] {strides = array<i32>} : memref<800x64xf32, #tpu.memory_space<vmem>>, vector<16xf32>,
        %add3A_1271 = arith.addf %add3A_1231, %get3A_1270 : vector<16xf32>
        %mul3A_1272 = arith.constant 4 : i32
        %mul3A_1273 = arith.muli %scan3A_1167, %mul3A_1272 : i32
        %add3A_1274 = arith.constant 400 : i32
        %add3A_1275 = arith.addi %add3A_1274, %mul3A_1273 : i32
        %add3A_1276 = arith.constant 2 : i32
        %add3A_1277 = arith.addi %add3A_1275, %add3A_1276 : i32
        %get3A_1278 = arith.index_cast %add3A_1277 : i32 to index
        %get3A_1279 = arith.constant 32 : index
        %get3A_1280 = tpu.vector_load %arg8[%get3A_1278, %get3A_1279] {strides = array<i32>} : memref<800x64xf32, #tpu.memory_space<vmem>>, vector<16xf32>,
        %add3A_1281 = arith.addf %add3A_1241, %get3A_1280 : vector<16xf32>
        %mul3A_1282 = arith.constant 4 : i32
        %mul3A_1283 = arith.muli %scan3A_1167, %mul3A_1282 : i32
        %add3A_1284 = arith.constant 400 : i32
        %add3A_1285 = arith.addi %add3A_1284, %mul3A_1283 : i32
        %add3A_1286 = arith.constant 2 : i32
        %add3A_1287 = arith.addi %add3A_1285, %add3A_1286 : i32
        %get3A_1288 = arith.index_cast %add3A_1287 : i32 to index
        %get3A_1289 = arith.constant 48 : index
        %get3A_1290 = tpu.vector_load %arg8[%get3A_1288, %get3A_1289] {strides = array<i32>} : memref<800x64xf32, #tpu.memory_space<vmem>>, vector<16xf32>,
        %add3A_1291 = arith.addf %add3A_1251, %get3A_1290 : vector<16xf32>
        %mul3A_1292 = arith.constant 4 : i32
        %mul3A_1293 = arith.muli %scan3A_1167, %mul3A_1292 : i32
        %add3A_1294 = arith.constant 400 : i32
        %add3A_1295 = arith.addi %add3A_1294, %mul3A_1293 : i32
        %add3A_1296 = arith.constant 3 : i32
        %add3A_1297 = arith.addi %add3A_1295, %add3A_1296 : i32
        %get3A_1298 = arith.index_cast %add3A_1297 : i32 to index
        %get3A_1299 = arith.constant 0 : index
        %get3A_1300 = tpu.vector_load %arg8[%get3A_1298, %get3A_1299] {strides = array<i32>} : memref<800x64xf32, #tpu.memory_space<vmem>>, vector<16xf32>,
        %add3A_1301 = arith.addf %add3A_1261, %get3A_1300 : vector<16xf32>
        %mul3A_1302 = arith.constant 4 : i32
        %mul3A_1303 = arith.muli %scan3A_1167, %mul3A_1302 : i32
        %add3A_1304 = arith.constant 400 : i32
        %add3A_1305 = arith.addi %add3A_1304, %mul3A_1303 : i32
        %add3A_1306 = arith.constant 3 : i32
        %add3A_1307 = arith.addi %add3A_1305, %add3A_1306 : i32
        %get3A_1308 = arith.index_cast %add3A_1307 : i32 to index
        %get3A_1309 = arith.constant 16 : index
        %get3A_1310 = tpu.vector_load %arg8[%get3A_1308, %get3A_1309] {strides = array<i32>} : memref<800x64xf32, #tpu.memory_space<vmem>>, vector<16xf32>,
        %add3A_1311 = arith.addf %add3A_1271, %get3A_1310 : vector<16xf32>
        %mul3A_1312 = arith.constant 4 : i32
        %mul3A_1313 = arith.muli %scan3A_1167, %mul3A_1312 : i32
        %add3A_1314 = arith.constant 400 : i32
        %add3A_1315 = arith.addi %add3A_1314, %mul3A_1313 : i32
        %add3A_1316 = arith.constant 3 : i32
        %add3A_1317 = arith.addi %add3A_1315, %add3A_1316 : i32
        %get3A_1318 = arith.index_cast %add3A_1317 : i32 to index
        %get3A_1319 = arith.constant 32 : index
        %get3A_1320 = tpu.vector_load %arg8[%get3A_1318, %get3A_1319] {strides = array<i32>} : memref<800x64xf32, #tpu.memory_space<vmem>>, vector<16xf32>,
        %add3A_1321 = arith.addf %add3A_1281, %get3A_1320 : vector<16xf32>
        %mul3A_1322 = arith.constant 4 : i32
        %mul3A_1323 = arith.muli %scan3A_1167, %mul3A_1322 : i32
        %add3A_1324 = arith.constant 400 : i32
        %add3A_1325 = arith.addi %add3A_1324, %mul3A_1323 : i32
        %add3A_1326 = arith.constant 3 : i32
        %add3A_1327 = arith.addi %add3A_1325, %add3A_1326 : i32
        %get3A_1328 = arith.index_cast %add3A_1327 : i32 to index
        %get3A_1329 = arith.constant 48 : index
        %get3A_1330 = tpu.vector_load %arg8[%get3A_1328, %get3A_1329] {strides = array<i32>} : memref<800x64xf32, #tpu.memory_space<vmem>>, vector<16xf32>,
        %add3A_1331 = arith.addf %add3A_1291, %get3A_1330 : vector<16xf32>
        scf.yield %add3A_1301, %add3A_1311, %add3A_1321, %add3A_1331 : vector<16xf32>, vector<16xf32>, vector<16xf32>, vector<16xf32>
      }
      %scan3A_1105 = arith.constant 50 : i32
      %swap3A_1106 = arith.constant 2 : i32
      %swap3A_1107 = arith.index_cast %swap3A_1106 : i32 to index
      %swap3A_1108 = arith.constant 0 : index
      %swap3A_1109 = tpu.vector_load %arg10[%swap3A_1107, %swap3A_1108] {strides = array<i32>} : memref<4x128xf32, #tpu.memory_space<vmem>>, vector<16xf32>,
      tpu.vector_store %arg10[%swap3A_1107, %swap3A_1108], %scan3A_1104#0 {strides = array<i32>} : memref<4x128xf32, #tpu.memory_space<vmem>>, vector<16xf32>,
      %swap3A_1110 = arith.constant 2 : i32
      %swap3A_1111 = arith.index_cast %swap3A_1110 : i32 to index
      %swap3A_1112 = arith.constant 16 : index
      %swap3A_1113 = tpu.vector_load %arg10[%swap3A_1111, %swap3A_1112] {strides = array<i32>} : memref<4x128xf32, #tpu.memory_space<vmem>>, vector<16xf32>,
      tpu.vector_store %arg10[%swap3A_1111, %swap3A_1112], %scan3A_1104#1 {strides = array<i32>} : memref<4x128xf32, #tpu.memory_space<vmem>>, vector<16xf32>,
      %swap3A_1114 = arith.constant 2 : i32
      %swap3A_1115 = arith.index_cast %swap3A_1114 : i32 to index
      %swap3A_1116 = arith.constant 32 : index
      %swap3A_1117 = tpu.vector_load %arg10[%swap3A_1115, %swap3A_1116] {strides = array<i32>} : memref<4x128xf32, #tpu.memory_space<vmem>>, vector<16xf32>,
      tpu.vector_store %arg10[%swap3A_1115, %swap3A_1116], %scan3A_1104#2 {strides = array<i32>} : memref<4x128xf32, #tpu.memory_space<vmem>>, vector<16xf32>,
      %swap3A_1118 = arith.constant 2 : i32
      %swap3A_1119 = arith.index_cast %swap3A_1118 : i32 to index
      %swap3A_1120 = arith.constant 48 : index
      %swap3A_1121 = tpu.vector_load %arg10[%swap3A_1119, %swap3A_1120] {strides = array<i32>} : memref<4x128xf32, #tpu.memory_space<vmem>>, vector<16xf32>,
      tpu.vector_store %arg10[%swap3A_1119, %swap3A_1120], %scan3A_1104#3 {strides = array<i32>} : memref<4x128xf32, #tpu.memory_space<vmem>>, vector<16xf32>,
      %broadcast_in_dim3A_1122 = arith.constant 0.000000e+00 : f32
      %broadcast_in_dim3A_1123 = vector.broadcast %broadcast_in_dim3A_1122 : f32 to vector<16xf32>
      %broadcast_in_dim3A_1124 = arith.constant 0.000000e+00 : f32
      %broadcast_in_dim3A_1125 = vector.broadcast %broadcast_in_dim3A_1124 : f32 to vector<16xf32>
      %broadcast_in_dim3A_1126 = arith.constant 0.000000e+00 : f32
      %broadcast_in_dim3A_1127 = vector.broadcast %broadcast_in_dim3A_1126 : f32 to vector<16xf32>
      %broadcast_in_dim3A_1128 = arith.constant 0.000000e+00 : f32
      %broadcast_in_dim3A_1129 = vector.broadcast %broadcast_in_dim3A_1128 : f32 to vector<16xf32>
      %scan3A_1130 = arith.constant 0 : i32
      %scan3A_1131 = arith.constant 50 : i32
      %scan3A_1132 = arith.addi %scan3A_1130, %scan3A_1131 : i32
      %scan3A_1133 = arith.constant 1 : i32
      %scan3A_1134:4 = scf.for %scan3A_1167 = %scan3A_1130 to %scan3A_1132 step %scan3A_1133 iter_args(%scan3A_1168 = %broadcast_in_dim3A_1123, %scan3A_1169 = %broadcast_in_dim3A_1125, %scan3A_1170 = %broadcast_in_dim3A_1127, %scan3A_1171 = %broadcast_in_dim3A_1129) -> (vector<16xf32>, vector<16xf32>, vector<16xf32>, vector<16xf32>)  : i32 {
        %mul3A_1172 = arith.constant 4 : i32
        %mul3A_1173 = arith.muli %scan3A_1167, %mul3A_1172 : i32
        %add3A_1174 = arith.constant 600 : i32
        %add3A_1175 = arith.addi %add3A_1174, %mul3A_1173 : i32
        %add3A_1176 = arith.constant 0 : i32
        %add3A_1177 = arith.addi %add3A_1175, %add3A_1176 : i32
        %get3A_1178 = arith.index_cast %add3A_1177 : i32 to index
        %get3A_1179 = arith.constant 0 : index
        %get3A_1180 = tpu.vector_load %arg8[%get3A_1178, %get3A_1179] {strides = array<i32>} : memref<800x64xf32, #tpu.memory_space<vmem>>, vector<16xf32>,
        %add3A_1181 = arith.addf %scan3A_1168, %get3A_1180 : vector<16xf32>
        %mul3A_1182 = arith.constant 4 : i32
        %mul3A_1183 = arith.muli %scan3A_1167, %mul3A_1182 : i32
        %add3A_1184 = arith.constant 600 : i32
        %add3A_1185 = arith.addi %add3A_1184, %mul3A_1183 : i32
        %add3A_1186 = arith.constant 0 : i32
        %add3A_1187 = arith.addi %add3A_1185, %add3A_1186 : i32
        %get3A_1188 = arith.index_cast %add3A_1187 : i32 to index
        %get3A_1189 = arith.constant 16 : index
        %get3A_1190 = tpu.vector_load %arg8[%get3A_1188, %get3A_1189] {strides = array<i32>} : memref<800x64xf32, #tpu.memory_space<vmem>>, vector<16xf32>,
        %add3A_1191 = arith.addf %scan3A_1169, %get3A_1190 : vector<16xf32>
        %mul3A_1192 = arith.constant 4 : i32
        %mul3A_1193 = arith.muli %scan3A_1167, %mul3A_1192 : i32
        %add3A_1194 = arith.constant 600 : i32
        %add3A_1195 = arith.addi %add3A_1194, %mul3A_1193 : i32
        %add3A_1196 = arith.constant 0 : i32
        %add3A_1197 = arith.addi %add3A_1195, %add3A_1196 : i32
        %get3A_1198 = arith.index_cast %add3A_1197 : i32 to index
        %get3A_1199 = arith.constant 32 : index
        %get3A_1200 = tpu.vector_load %arg8[%get3A_1198, %get3A_1199] {strides = array<i32>} : memref<800x64xf32, #tpu.memory_space<vmem>>, vector<16xf32>,
        %add3A_1201 = arith.addf %scan3A_1170, %get3A_1200 : vector<16xf32>
        %mul3A_1202 = arith.constant 4 : i32
        %mul3A_1203 = arith.muli %scan3A_1167, %mul3A_1202 : i32
        %add3A_1204 = arith.constant 600 : i32
        %add3A_1205 = arith.addi %add3A_1204, %mul3A_1203 : i32
        %add3A_1206 = arith.constant 0 : i32
        %add3A_1207 = arith.addi %add3A_1205, %add3A_1206 : i32
        %get3A_1208 = arith.index_cast %add3A_1207 : i32 to index
        %get3A_1209 = arith.constant 48 : index
        %get3A_1210 = tpu.vector_load %arg8[%get3A_1208, %get3A_1209] {strides = array<i32>} : memref<800x64xf32, #tpu.memory_space<vmem>>, vector<16xf32>,
        %add3A_1211 = arith.addf %scan3A_1171, %get3A_1210 : vector<16xf32>
        %mul3A_1212 = arith.constant 4 : i32
        %mul3A_1213 = arith.muli %scan3A_1167, %mul3A_1212 : i32
        %add3A_1214 = arith.constant 600 : i32
        %add3A_1215 = arith.addi %add3A_1214, %mul3A_1213 : i32
        %add3A_1216 = arith.constant 1 : i32
        %add3A_1217 = arith.addi %add3A_1215, %add3A_1216 : i32
        %get3A_1218 = arith.index_cast %add3A_1217 : i32 to index
        %get3A_1219 = arith.constant 0 : index
        %get3A_1220 = tpu.vector_load %arg8[%get3A_1218, %get3A_1219] {strides = array<i32>} : memref<800x64xf32, #tpu.memory_space<vmem>>, vector<16xf32>,
        %add3A_1221 = arith.addf %add3A_1181, %get3A_1220 : vector<16xf32>
        %mul3A_1222 = arith.constant 4 : i32
        %mul3A_1223 = arith.muli %scan3A_1167, %mul3A_1222 : i32
        %add3A_1224 = arith.constant 600 : i32
        %add3A_1225 = arith.addi %add3A_1224, %mul3A_1223 : i32
        %add3A_1226 = arith.constant 1 : i32
        %add3A_1227 = arith.addi %add3A_1225, %add3A_1226 : i32
        %get3A_1228 = arith.index_cast %add3A_1227 : i32 to index
        %get3A_1229 = arith.constant 16 : index
        %get3A_1230 = tpu.vector_load %arg8[%get3A_1228, %get3A_1229] {strides = array<i32>} : memref<800x64xf32, #tpu.memory_space<vmem>>, vector<16xf32>,
        %add3A_1231 = arith.addf %add3A_1191, %get3A_1230 : vector<16xf32>
        %mul3A_1232 = arith.constant 4 : i32
        %mul3A_1233 = arith.muli %scan3A_1167, %mul3A_1232 : i32
        %add3A_1234 = arith.constant 600 : i32
        %add3A_1235 = arith.addi %add3A_1234, %mul3A_1233 : i32
        %add3A_1236 = arith.constant 1 : i32
        %add3A_1237 = arith.addi %add3A_1235, %add3A_1236 : i32
        %get3A_1238 = arith.index_cast %add3A_1237 : i32 to index
        %get3A_1239 = arith.constant 32 : index
        %get3A_1240 = tpu.vector_load %arg8[%get3A_1238, %get3A_1239] {strides = array<i32>} : memref<800x64xf32, #tpu.memory_space<vmem>>, vector<16xf32>,
        %add3A_1241 = arith.addf %add3A_1201, %get3A_1240 : vector<16xf32>
        %mul3A_1242 = arith.constant 4 : i32
        %mul3A_1243 = arith.muli %scan3A_1167, %mul3A_1242 : i32
        %add3A_1244 = arith.constant 600 : i32
        %add3A_1245 = arith.addi %add3A_1244, %mul3A_1243 : i32
        %add3A_1246 = arith.constant 1 : i32
        %add3A_1247 = arith.addi %add3A_1245, %add3A_1246 : i32
        %get3A_1248 = arith.index_cast %add3A_1247 : i32 to index
        %get3A_1249 = arith.constant 48 : index
        %get3A_1250 = tpu.vector_load %arg8[%get3A_1248, %get3A_1249] {strides = array<i32>} : memref<800x64xf32, #tpu.memory_space<vmem>>, vector<16xf32>,
        %add3A_1251 = arith.addf %add3A_1211, %get3A_1250 : vector<16xf32>
        %mul3A_1252 = arith.constant 4 : i32
        %mul3A_1253 = arith.muli %scan3A_1167, %mul3A_1252 : i32
        %add3A_1254 = arith.constant 600 : i32
        %add3A_1255 = arith.addi %add3A_1254, %mul3A_1253 : i32
        %add3A_1256 = arith.constant 2 : i32
        %add3A_1257 = arith.addi %add3A_1255, %add3A_1256 : i32
        %get3A_1258 = arith.index_cast %add3A_1257 : i32 to index
        %get3A_1259 = arith.constant 0 : index
        %get3A_1260 = tpu.vector_load %arg8[%get3A_1258, %get3A_1259] {strides = array<i32>} : memref<800x64xf32, #tpu.memory_space<vmem>>, vector<16xf32>,
        %add3A_1261 = arith.addf %add3A_1221, %get3A_1260 : vector<16xf32>
        %mul3A_1262 = arith.constant 4 : i32
        %mul3A_1263 = arith.muli %scan3A_1167, %mul3A_1262 : i32
        %add3A_1264 = arith.constant 600 : i32
        %add3A_1265 = arith.addi %add3A_1264, %mul3A_1263 : i32
        %add3A_1266 = arith.constant 2 : i32
        %add3A_1267 = arith.addi %add3A_1265, %add3A_1266 : i32
        %get3A_1268 = arith.index_cast %add3A_1267 : i32 to index
        %get3A_1269 = arith.constant 16 : index
        %get3A_1270 = tpu.vector_load %arg8[%get3A_1268, %get3A_1269] {strides = array<i32>} : memref<800x64xf32, #tpu.memory_space<vmem>>, vector<16xf32>,
        %add3A_1271 = arith.addf %add3A_1231, %get3A_1270 : vector<16xf32>
        %mul3A_1272 = arith.constant 4 : i32
        %mul3A_1273 = arith.muli %scan3A_1167, %mul3A_1272 : i32
        %add3A_1274 = arith.constant 600 : i32
        %add3A_1275 = arith.addi %add3A_1274, %mul3A_1273 : i32
        %add3A_1276 = arith.constant 2 : i32
        %add3A_1277 = arith.addi %add3A_1275, %add3A_1276 : i32
        %get3A_1278 = arith.index_cast %add3A_1277 : i32 to index
        %get3A_1279 = arith.constant 32 : index
        %get3A_1280 = tpu.vector_load %arg8[%get3A_1278, %get3A_1279] {strides = array<i32>} : memref<800x64xf32, #tpu.memory_space<vmem>>, vector<16xf32>,
        %add3A_1281 = arith.addf %add3A_1241, %get3A_1280 : vector<16xf32>
        %mul3A_1282 = arith.constant 4 : i32
        %mul3A_1283 = arith.muli %scan3A_1167, %mul3A_1282 : i32
        %add3A_1284 = arith.constant 600 : i32
        %add3A_1285 = arith.addi %add3A_1284, %mul3A_1283 : i32
        %add3A_1286 = arith.constant 2 : i32
        %add3A_1287 = arith.addi %add3A_1285, %add3A_1286 : i32
        %get3A_1288 = arith.index_cast %add3A_1287 : i32 to index
        %get3A_1289 = arith.constant 48 : index
        %get3A_1290 = tpu.vector_load %arg8[%get3A_1288, %get3A_1289] {strides = array<i32>} : memref<800x64xf32, #tpu.memory_space<vmem>>, vector<16xf32>,
        %add3A_1291 = arith.addf %add3A_1251, %get3A_1290 : vector<16xf32>
        %mul3A_1292 = arith.constant 4 : i32
        %mul3A_1293 = arith.muli %scan3A_1167, %mul3A_1292 : i32
        %add3A_1294 = arith.constant 600 : i32
        %add3A_1295 = arith.addi %add3A_1294, %mul3A_1293 : i32
        %add3A_1296 = arith.constant 3 : i32
        %add3A_1297 = arith.addi %add3A_1295, %add3A_1296 : i32
        %get3A_1298 = arith.index_cast %add3A_1297 : i32 to index
        %get3A_1299 = arith.constant 0 : index
        %get3A_1300 = tpu.vector_load %arg8[%get3A_1298, %get3A_1299] {strides = array<i32>} : memref<800x64xf32, #tpu.memory_space<vmem>>, vector<16xf32>,
        %add3A_1301 = arith.addf %add3A_1261, %get3A_1300 : vector<16xf32>
        %mul3A_1302 = arith.constant 4 : i32
        %mul3A_1303 = arith.muli %scan3A_1167, %mul3A_1302 : i32
        %add3A_1304 = arith.constant 600 : i32
        %add3A_1305 = arith.addi %add3A_1304, %mul3A_1303 : i32
        %add3A_1306 = arith.constant 3 : i32
        %add3A_1307 = arith.addi %add3A_1305, %add3A_1306 : i32
        %get3A_1308 = arith.index_cast %add3A_1307 : i32 to index
        %get3A_1309 = arith.constant 16 : index
        %get3A_1310 = tpu.vector_load %arg8[%get3A_1308, %get3A_1309] {strides = array<i32>} : memref<800x64xf32, #tpu.memory_space<vmem>>, vector<16xf32>,
        %add3A_1311 = arith.addf %add3A_1271, %get3A_1310 : vector<16xf32>
        %mul3A_1312 = arith.constant 4 : i32
        %mul3A_1313 = arith.muli %scan3A_1167, %mul3A_1312 : i32
        %add3A_1314 = arith.constant 600 : i32
        %add3A_1315 = arith.addi %add3A_1314, %mul3A_1313 : i32
        %add3A_1316 = arith.constant 3 : i32
        %add3A_1317 = arith.addi %add3A_1315, %add3A_1316 : i32
        %get3A_1318 = arith.index_cast %add3A_1317 : i32 to index
        %get3A_1319 = arith.constant 32 : index
        %get3A_1320 = tpu.vector_load %arg8[%get3A_1318, %get3A_1319] {strides = array<i32>} : memref<800x64xf32, #tpu.memory_space<vmem>>, vector<16xf32>,
        %add3A_1321 = arith.addf %add3A_1281, %get3A_1320 : vector<16xf32>
        %mul3A_1322 = arith.constant 4 : i32
        %mul3A_1323 = arith.muli %scan3A_1167, %mul3A_1322 : i32
        %add3A_1324 = arith.constant 600 : i32
        %add3A_1325 = arith.addi %add3A_1324, %mul3A_1323 : i32
        %add3A_1326 = arith.constant 3 : i32
        %add3A_1327 = arith.addi %add3A_1325, %add3A_1326 : i32
        %get3A_1328 = arith.index_cast %add3A_1327 : i32 to index
        %get3A_1329 = arith.constant 48 : index
        %get3A_1330 = tpu.vector_load %arg8[%get3A_1328, %get3A_1329] {strides = array<i32>} : memref<800x64xf32, #tpu.memory_space<vmem>>, vector<16xf32>,
        %add3A_1331 = arith.addf %add3A_1291, %get3A_1330 : vector<16xf32>
        scf.yield %add3A_1301, %add3A_1311, %add3A_1321, %add3A_1331 : vector<16xf32>, vector<16xf32>, vector<16xf32>, vector<16xf32>
      }
      %scan3A_1135 = arith.constant 50 : i32
      %swap3A_1136 = arith.constant 3 : i32
      %swap3A_1137 = arith.index_cast %swap3A_1136 : i32 to index
      %swap3A_1138 = arith.constant 0 : index
      %swap3A_1139 = tpu.vector_load %arg10[%swap3A_1137, %swap3A_1138] {strides = array<i32>} : memref<4x128xf32, #tpu.memory_space<vmem>>, vector<16xf32>,
      tpu.vector_store %arg10[%swap3A_1137, %swap3A_1138], %scan3A_1134#0 {strides = array<i32>} : memref<4x128xf32, #tpu.memory_space<vmem>>, vector<16xf32>,
      %swap3A_1140 = arith.constant 3 : i32
      %swap3A_1141 = arith.index_cast %swap3A_1140 : i32 to index
      %swap3A_1142 = arith.constant 16 : index
      %swap3A_1143 = tpu.vector_load %arg10[%swap3A_1141, %swap3A_1142] {strides = array<i32>} : memref<4x128xf32, #tpu.memory_space<vmem>>, vector<16xf32>,
      tpu.vector_store %arg10[%swap3A_1141, %swap3A_1142], %scan3A_1134#1 {strides = array<i32>} : memref<4x128xf32, #tpu.memory_space<vmem>>, vector<16xf32>,
      %swap3A_1144 = arith.constant 3 : i32
      %swap3A_1145 = arith.index_cast %swap3A_1144 : i32 to index
      %swap3A_1146 = arith.constant 32 : index
      %swap3A_1147 = tpu.vector_load %arg10[%swap3A_1145, %swap3A_1146] {strides = array<i32>} : memref<4x128xf32, #tpu.memory_space<vmem>>, vector<16xf32>,
      tpu.vector_store %arg10[%swap3A_1145, %swap3A_1146], %scan3A_1134#2 {strides = array<i32>} : memref<4x128xf32, #tpu.memory_space<vmem>>, vector<16xf32>,
      %swap3A_1148 = arith.constant 3 : i32
      %swap3A_1149 = arith.index_cast %swap3A_1148 : i32 to index
      %swap3A_1150 = arith.constant 48 : index
      %swap3A_1151 = tpu.vector_load %arg10[%swap3A_1149, %swap3A_1150] {strides = array<i32>} : memref<4x128xf32, #tpu.memory_space<vmem>>, vector<16xf32>,
      tpu.vector_store %arg10[%swap3A_1149, %swap3A_1150], %scan3A_1134#3 {strides = array<i32>} : memref<4x128xf32, #tpu.memory_space<vmem>>, vector<16xf32>,
      %mul3A_1152 = arith.constant 4 : i32
      %mul3A_1153 = arith.muli %add3A_604, %mul3A_1152 : i32
      %add3A_1154 = arith.addi %mul3A_2, %mul3A_1153 : i32
      %dma_start3A_1155 = arith.constant 0 : i32
      %dma_start3A_1156 = tpu.memref_slice %arg4[%add3A_1154, %dma_start3A_1155] : memref<4096x128xf32, #tpu.memory_space<hbm>> -> memref<4x128xf32, #tpu.memory_space<hbm>>
      %dma_start3A_1157 = arith.constant 0 : i32
      %dma_start3A_1158 = tpu.memref_slice %arg4[%add3A_1154, %dma_start3A_1157] : memref<4096x128xf32, #tpu.memory_space<hbm>> -> memref<4x128xf32, #tpu.memory_space<hbm>>
      tpu.enqueue_dma source(%arg10 : memref<4x128xf32, #tpu.memory_space<vmem>>) target(%dma_start3A_1158 : memref<4x128xf32, #tpu.memory_space<hbm>>) target_semaphore(%arg16 : memref<!tpu.dma_semaphore, #tpu.memory_space<semaphore_mem>>)
      %add3A_1159 = arith.constant 2 : i32
      %add3A_1160 = arith.addi %add3A_604, %add3A_1159 : i32
      %lt3A_1161 = arith.constant 32 : i32
      %lt3A_1162 = arith.cmpi slt, %add3A_1160, %lt3A_1161 : i32
      %convert_element_type3A_1163 = arith.extui %lt3A_1162 : i1 to i32
      %cond3A_1164 = arith.constant 0 : i32
      %cond3A_1165 = arith.cmpi ne, %convert_element_type3A_1163, %cond3A_1164 : i32
      scf.if %cond3A_1165 {
        %dma_wait3A_1167 = arith.constant 0 : i32
        %dma_wait3A_1168 = tpu.memref_slice %arg3[%dma_wait3A_1167] : memref<819200xi32, #tpu.memory_space<hbm>> -> memref<800xi32, #tpu.memory_space<hbm>>
        %dma_wait3A_1169 = arith.constant 0 : i32
        %dma_wait3A_1170 = tpu.memref_slice %arg3[%dma_wait3A_1169] : memref<819200xi32, #tpu.memory_space<hbm>> -> memref<800xi32, #tpu.memory_space<hbm>>
        tpu.wait_dma2 semaphore(%arg12 : memref<!tpu.dma_semaphore, #tpu.memory_space<semaphore_mem>>) src(%dma_wait3A_1170 : memref<800xi32, #tpu.memory_space<hbm>>) dst(%arg6 : memref<800xi32, #tpu.memory_space<vmem>>)
        %dma_start3A_1171 = arith.constant 0 : i32
        %dma_start3A_1172 = arith.constant 0 : i32
        %dma_start3A_1173 = tpu.memref_slice %arg2[%dma_start3A_1171, %dma_start3A_1172] : memref<1000000x64xf32, #tpu.memory_space<hbm>> -> memref<1000000x64xf32, #tpu.memory_space<hbm>>
        tpu.enqueue_indirect_dma source(%dma_start3A_1173 : memref<1000000x64xf32, #tpu.memory_space<hbm>>) target(%arg8 : memref<800x64xf32, #tpu.memory_space<vmem>>) offsets(%arg6 : memref<800xi32, #tpu.memory_space<vmem>>) semaphore(%arg14 : memref<!tpu.dma_semaphore, #tpu.memory_space<semaphore_mem>>)
      } else {
      }
      %scan3A_1166 = arith.constant 0 : i32
      scf.yield %scan3A_1166 : i32
    }
    %scan3A_32 = arith.constant 16 : i32
    %dma_wait3A_33 = arith.constant 0 : i32
    %dma_wait3A_34 = arith.constant 0 : i32
    %dma_wait3A_35 = tpu.memref_slice %arg4[%dma_wait3A_33, %dma_wait3A_34] : memref<4096x128xf32, #tpu.memory_space<hbm>> -> memref<4x128xf32, #tpu.memory_space<hbm>>
    %dma_wait3A_36 = arith.constant 0 : i32
    %dma_wait3A_37 = arith.constant 0 : i32
    %dma_wait3A_38 = tpu.memref_slice %arg4[%dma_wait3A_36, %dma_wait3A_37] : memref<4096x128xf32, #tpu.memory_space<hbm>> -> memref<4x128xf32, #tpu.memory_space<hbm>>
    tpu.wait_dma2 semaphore(%arg15 : memref<!tpu.dma_semaphore, #tpu.memory_space<semaphore_mem>>) src(%arg9 : memref<4x128xf32, #tpu.memory_space<vmem>>) dst(%dma_wait3A_38 : memref<4x128xf32, #tpu.memory_space<hbm>>)
    %dma_wait3A_39 = arith.constant 0 : i32
    %dma_wait3A_40 = arith.constant 0 : i32
    %dma_wait3A_41 = tpu.memref_slice %arg4[%dma_wait3A_39, %dma_wait3A_40] : memref<4096x128xf32, #tpu.memory_space<hbm>> -> memref<4x128xf32, #tpu.memory_space<hbm>>
    %dma_wait3A_42 = arith.constant 0 : i32
    %dma_wait3A_43 = arith.constant 0 : i32
    %dma_wait3A_44 = tpu.memref_slice %arg4[%dma_wait3A_42, %dma_wait3A_43] : memref<4096x128xf32, #tpu.memory_space<hbm>> -> memref<4x128xf32, #tpu.memory_space<hbm>>
    tpu.wait_dma2 semaphore(%arg16 : memref<!tpu.dma_semaphore, #tpu.memory_space<semaphore_mem>>) src(%arg10 : memref<4x128xf32, #tpu.memory_space<vmem>>) dst(%dma_wait3A_44 : memref<4x128xf32, #tpu.memory_space<hbm>>)
    return
  }
}

module attributes {stable_mosaic.version = 14 : i64} {
  func.func @_tc_finalize_body(%arg0: i32, %arg1: memref<512x128xf32, #tpu.memory_space<vmem>>, %arg2: memref<64x192xf32, #tpu.memory_space<vmem>>, %arg3: memref<1x192xf32, #tpu.memory_space<vmem>>, %arg4: memref<512x192xf32, #tpu.memory_space<vmem>>) attributes {dimension_semantics = [#tpu.dimension_semantics<arbitrary>], iteration_bounds = array<i64: 8>, scalar_prefetch = 0 : i64, scratch_operands = 0 : i64, tpu.core_type = #tpu.core_type<tc>, window_params = [{transform_indices = @transform_0, window_bounds = array<i64: 512, 128>}, {pipeline_mode = #tpu.pipeline_mode<synchronous>, transform_indices = @transform_1, window_bounds = array<i64: 64, 192>}, {pipeline_mode = #tpu.pipeline_mode<synchronous>, transform_indices = @transform_2, window_bounds = array<i64: 1, 192>}, {transform_indices = @transform_3, window_bounds = array<i64: 512, 192>}]} {
    %get3A = arith.constant 0 : index
    %get3A_0 = arith.constant 0 : index
    %get3A_1 = vector.load %arg1[%get3A, %get3A_0] : memref<512x128xf32, #tpu.memory_space<vmem>>, vector<512x128xf32>
    %slice3A = vector.extract_strided_slice %get3A_1 {offsets = [0, 64], sizes = [512, 1], strides = [1, 1]} : vector<512x128xf32> to vector<512x1xf32>
    %slice3A_2 = vector.extract_strided_slice %get3A_1 {offsets = [0, 0], sizes = [512, 64], strides = [1, 1]} : vector<512x128xf32> to vector<512x64xf32>
    %max3A = arith.constant 1.000000e+00 : f32
    %max3A_3 = vector.broadcast %max3A : f32 to vector<512x1xf32>
    %max3A_4 = arith.maximumf %slice3A, %max3A_3 : vector<512x1xf32>
    %div3A = vector.broadcast %max3A_4 : vector<512x1xf32> to vector<512x64xf32>
    %div3A_5 = arith.divf %slice3A_2, %div3A : vector<512x64xf32>
    %get3A_6 = arith.constant 0 : index
    %get3A_7 = arith.constant 0 : index
    %get3A_8 = vector.load %arg2[%get3A_6, %get3A_7] : memref<64x192xf32, #tpu.memory_space<vmem>>, vector<64x192xf32>
    %dot_general3A = arith.constant dense<0.000000e+00> : vector<512x192xf32>
    %dot_general3A_9 = tpu.matmul %div3A_5, %get3A_8, %dot_general3A {dimension_numbers = #tpu.dot_dimension_numbers<[1], [0], [0], [1], [0, 0, 1, 1], [], []>, transpose_lhs_hint = false} : vector<512x64xf32>, vector<64x192xf32>, vector<512x192xf32> -> vector<512x192xf32>
    %get3A_10 = arith.constant 0 : index
    %get3A_11 = arith.constant 0 : index
    %get3A_12 = vector.load %arg3[%get3A_10, %get3A_11] : memref<1x192xf32, #tpu.memory_space<vmem>>, vector<1x192xf32>
    %add3A = vector.broadcast %get3A_12 : vector<1x192xf32> to vector<512x192xf32>
    %add3A_13 = arith.addf %dot_general3A_9, %add3A : vector<512x192xf32>
    %swap3A = arith.constant 0 : index
    %swap3A_14 = arith.constant 0 : index
    %swap3A_15 = vector.load %arg4[%swap3A, %swap3A_14] : memref<512x192xf32, #tpu.memory_space<vmem>>, vector<512x192xf32>
    tpu.vector_store %arg4[%swap3A, %swap3A_14], %add3A_13 {strides = array<i32>} : memref<512x192xf32, #tpu.memory_space<vmem>>, vector<512x192xf32>,
    return
  }
  func.func @transform_0(%arg0: i32) -> (i32, i32) {
    %c0_i32 = arith.constant 0 : i32
    %c0_i32_0 = arith.constant 0 : i32
    return %arg0, %c0_i32 : i32, i32
  }
  func.func @transform_1(%arg0: i32) -> (i32, i32) {
    %c0_i32 = arith.constant 0 : i32
    %c0_i32_0 = arith.constant 0 : i32
    %c0_i32_1 = arith.constant 0 : i32
    return %c0_i32, %c0_i32_0 : i32, i32
  }
  func.func @transform_2(%arg0: i32) -> (i32, i32) {
    %c0_i32 = arith.constant 0 : i32
    %c0_i32_0 = arith.constant 0 : i32
    %c0_i32_1 = arith.constant 0 : i32
    return %c0_i32, %c0_i32_0 : i32, i32
  }
  func.func @transform_3(%arg0: i32) -> (i32, i32) {
    %c0_i32 = arith.constant 0 : i32
    %c0_i32_0 = arith.constant 0 : i32
    return %arg0, %c0_i32 : i32, i32
  }
}

</mosaic_0001>

<sc_bundles>
// kernel: kernel.5.cloned.1.call-start
scs
__scs_entry_jumppad:
0x0: {  	(pc) =	sbr.rel $0x88, $3  }
0x1: {  	(tag) =	ssettag $0x0;
	lr =	simm.s32 $0x1  }
0x2: {  	[smem:$0x3F9D] =	sst lr;
	_ =	strace $0xD0000000  }
0x3: {  	_ = 	snop  }
0x4: {  	_ = 	snop  }
0x5: {  	_ = 	snop  }
0x6: {  	_ = 	snop  }
0x7: {  	_ = 	snop  }
__scs_overlays_trampoline_lowered:
0x8: {  	[smem:$0x3FAC] =	sst s0  }
0x9: {  	[smem:$0x3FAD] =	sst s1  }
0xa: {  	[smem:$0x3FAE] =	sst s2  }
0xb: {  	[smem:$0x3FAF] =	sst s3  }
0xc: {  	[smem:$0x3FB0] =	sst s4  }
0xd: {  	[smem:$0x3FB1] =	sst s5  }
0xe: {  	[smem:$0x3FB2] =	sst s6  }
0xf: {  	[smem:$0x3FB3] =	sst s7  }
0x10: {  	[smem:$0x3FB4] =	sst s8  }
0x11: {  	[smem:$0x3FB5] =	sst s9;
	s0 =	simm.s32 @!p0 $0x0  }
0x12: {  	s1 =	sld [smem:$0x3F9B];
	s0 =	simm.s32 @p0 $0x1  }
0x13: {  	[smem:$0x3FB6] =	sst s0;
	s0 =	simm.s32 @!p1 $0x0  }
0x14: {  	s2 =	sld [smem:$0x3F9A];
	s0 =	simm.s32 @p1 $0x1  }
0x15: {  	[smem:$0x3FB7] =	sst s0;
	s0 =	simm.s32 @!p2 $0x0  }
0x16: {  	s3 =	sld [smem:$0x3FDB];
	s0 =	simm.s32 @p2 $0x1  }
0x17: {  	s4 =	simm.s32 $0x1BF5;
	[smem:$0x3FB9] =	sst s0  }
0x18: {  	s0 =	sld [smem:$0x3F9C];
	_ =	swait.ge [sflag:s4], $0x0  }
0x19: {  	s7 =	sld [smem:$0x3F9D]  }
0x1a: {  	s8 =	sadd.s32 $0xFFFFE003, lr  }
0x1b: {  	s9 =	sadd.s32 $0xFFFFFEF7, lr;
	s5 =	simm.s32 $0xFFFFFFFF;
	p2 =	slt.u32 s8, $0xFFFFF086  }
0x1c: {  	p1 =	slt.u32 s9, $0xF7A;
	s5 =	simm.s32 @!p2 $0x0  }
0x1d: {  	s5 =	simm.s32 @p1 $0x1;
	p0 =	seq.s32 s7, s2  }
0x1e: {  	s7 =	smul.u32 @!p0 $0xF7A, s2;
	p2 =	seq.s32 @!p0 s5, $0x0  }
0x1f: {  	s9 =	smul.u32 $0xF7A, s1;
	s8 =	simm.s32 @!p0 $0x1BF5;
	p2 =	por !p2, p0  }
0x20: {  	[sflag:s8] =	ssyncset.s32 @!p0 $0xFFFFF086;
	s6 =	sadd.s32 @!p0 s3, s7;
	s7 =	simm.s32 @!p0 $0x108  }
0x21: {  	s3 =	sadd.s32 s3, s9;
	s6 =	sadd.s32 @!p0 $0x88, s6;
	s7 =	simm.s32 @p2 $0x1082  }
0x22: {  	[simem:s7], [sflag:s8] =	dma.local @!p0 [hbm:s6], $0xF7A  }
0x23: {  	s9 =	sor.u32 $0xD0000000, s2;
	s6 =	simm.s32 $0x108;
	_ =	swait.ge @!p0 [sflag:s8], $0x0  }
0x24: {  	s3 =	sadd.s32 $0x88, s3;
	s6 =	simm.s32 @!p1 $0x1082;
	[sflag:s4] =	ssyncset.s32 $0xFFFFF086  }
0x25: {  	[simem:s6], [sflag:s4] =	dma.local [hbm:s3], $0xF7A  }
0x26: {  	[smem:$0x3F9D] =	sst s1;
	(tag) =	ssettag s2;
	_ =	strace s9  }
0x27: {  	s1 =	sld [smem:$0x3FAD]  }
0x28: {  	s2 =	sld [smem:$0x3FAE]  }
0x29: {  	s4 =	sld [smem:$0x3FB0]  }
0x2a: {  	p0 =	seq.s32 s5, $0x0;
	s5 =	sld [smem:$0x3FB1]  }
0x2b: {  	s6 =	sld [smem:$0x3FB2]  }
0x2c: {  	s7 =	sld [smem:$0x3FB3]  }
0x2d: {  	s3 =	simm.s32 $0x108;
	s8 =	sld [smem:$0x3FB4]  }
0x2e: {  	s3 =	simm.s32 @!p0 $0x1082;
	s9 =	sld [smem:$0x3FB5]  }
0x2f: {  	lr =	sadd.s32 s0, s3;
	s0 =	sld [smem:$0x3FAC]  }
0x30: {  	s3 =	sld [smem:$0x3FAF]  }
0x31: {  	[smem:$0x3FB8] =	sst s10  }
0x32: {  	s10 =	sld [smem:$0x3FB6];
	_ =	sdelay $0x3  }
0x33: {  	p0 =	seq.s32 s10, $0x1;
	s10 =	sld [smem:$0x3FB8];
	_ =	sdelay $0x3  }
0x34: {  	[smem:$0x3FB8] =	sst s10  }
0x35: {  	s10 =	sld [smem:$0x3FB7];
	_ =	sdelay $0x3  }
0x36: {  	p1 =	seq.s32 s10, $0x1;
	s10 =	sld [smem:$0x3FB8];
	_ =	sdelay $0x3  }
0x37: {  	[smem:$0x3FB8] =	sst s10  }
0x38: {  	s10 =	sld [smem:$0x3FB9]  }
0x39: {  	_ = 	snop;
	(pc) =	sbr.ind lr, $3  }
0x3a: {  	_ = 	snop  }
0x3b: {  	_ = 	snop  }
0x3c: {  	p2 =	seq.s32 s10, $0x1;
	s10 =	sld [smem:$0x3FB8]  }
0x3d: {  	_ =	shalt  }
0x3e: {  	_ =	shalt  }
0x3f: {  	_ =	shalt  }
0x40: {  	_ =	shalt  }
0x41: {  	_ =	shalt  }
0x42: {  	_ =	shalt  }
0x43: {  	_ =	shalt  }
0x44: {  	_ =	shalt  }
0x45: {  	_ =	shalt  }
0x46: {  	_ =	shalt  }
0x47: {  	_ =	shalt  }
0x48: {  	_ =	shalt  }
0x49: {  	_ =	shalt  }
0x4a: {  	_ =	shalt  }
0x4b: {  	_ =	shalt  }
0x4c: {  	_ =	shalt  }
0x4d: {  	_ =	shalt  }
0x4e: {  	_ =	shalt  }
0x4f: {  	_ =	shalt  }
0x50: {  	_ =	shalt  }
0x51: {  	_ =	shalt  }
0x52: {  	_ =	shalt  }
0x53: {  	_ =	shalt  }
0x54: {  	_ =	shalt  }
0x55: {  	_ =	shalt  }
0x56: {  	_ =	shalt  }
0x57: {  	_ =	shalt  }
0x58: {  	_ =	shalt  }
0x59: {  	_ =	shalt  }
0x5a: {  	_ =	shalt  }
0x5b: {  	_ =	shalt  }
0x5c: {  	_ =	shalt  }
0x5d: {  	_ =	shalt  }
0x5e: {  	_ =	shalt  }
0x5f: {  	_ =	shalt  }
0x60: {  	_ =	shalt  }
0x61: {  	_ =	shalt  }
0x62: {  	_ =	shalt  }
0x63: {  	_ =	shalt  }
0x64: {  	_ =	shalt  }
0x65: {  	_ =	shalt  }
0x66: {  	_ =	shalt  }
0x67: {  	_ =	shalt  }
0x68: {  	_ =	shalt  }
0x69: {  	_ =	shalt  }
0x6a: {  	_ =	shalt  }
0x6b: {  	_ =	shalt  }
0x6c: {  	_ =	shalt  }
0x6d: {  	_ =	shalt  }
0x6e: {  	_ =	shalt  }
0x6f: {  	_ =	shalt  }
0x70: {  	_ =	shalt  }
0x71: {  	_ =	shalt  }
0x72: {  	_ =	shalt  }
0x73: {  	_ =	shalt  }
0x74: {  	_ =	shalt  }
0x75: {  	_ =	shalt  }
0x76: {  	_ =	shalt  }
0x77: {  	_ =	shalt  }
0x78: {  	_ =	shalt  }
0x79: {  	_ =	shalt  }
0x7a: {  	_ =	shalt  }
0x7b: {  	_ =	shalt  }
0x7c: {  	_ =	shalt  }
0x7d: {  	_ =	shalt  }
0x7e: {  	_ =	shalt  }
0x7f: {  	_ =	shalt  }
0x80: {  	_ =	shalt  }
0x81: {  	_ =	shalt  }
0x82: {  	_ =	shalt  }
0x83: {  	_ =	shalt  }
0x84: {  	_ =	shalt  }
0x85: {  	_ =	shalt  }
0x86: {  	_ =	shalt  }
0x87: {  	_ =	shalt  }
.Lfunc_end0:
.L_simem_size_0:
called_computation_lowered:
.L_overlay_start_0:
0x88: {  	s2 =	sld [smem:$0x3FD9]  }
0x89: {  	s3 =	sld [smem:$0x3FFE];
	_ =	sdelay $0x1  }
0x8a: {  	s1 =	srdreg.scid  }
0x8b: {  	s0 =	sand.u32 $0x1, s1  }
0x8c: {  	s17 =	sshll.u32 s0, $0xA;
	s2 =	sadd.s32 s3, s2  }
0x8d: {  	s2 =	sadd.s32 s2, s17  }
0x8e: {  	[smem:$0x3FC4] =	sst s2  }
0x8f: {  	_ = 	snop  }
0x90: {  	s2 =	sld [smem:$0x3FC8];
	(tm) =	ssettm $0x1  }
0x91: {  	s18 =	sld [smem:$0x3FFB];
	_ =	sdelay $0x3  }
0x92: {  	_ =	strace s18  }
0x93: {  	s3 =	sld [smem:$0x3FFC];
	_ =	sdelay $0x3  }
0x94: {  	_ =	strace s3  }
0x95: {  	s3 =	sld [smem:$0x3FFD];
	_ =	sdelay $0x3  }
0x96: {  	_ =	strace s3  }
0x97: {  	_ =	strace $0x8FFFFFFF  }
0x98: {  	s19 =	sld [smem:$0x3FDB];
	_ =	sdelay $0x1  }
0x99: {  	s4 =	simm.s32 $_scs_section_size  }
0x9a: {  	s5 =	simm.s32 $_size__tile_overlayer_lowered;
	s6 =	simm.s32 $_tile_overlayer_lowered  }
0x9b: {  	s22 =	simm.s32 $0x1BFF;
	s21 =	sshll.u32 s6, $0x1;
	s3 =	sadd.s32 s4, s19  }
0x9c: {  	s7 =	simm.s32 $0x0;
	s20 =	sshll.u32 s5, $0x1;
	s5 =	sadd.s32 s21, s3  }
0x9d: {  	[timem:s7], [sflag:s22] =	dma.local [hbm:s5], s20  }
0x9e: {  	_ =	swait.ge [sflag:s22], s20  }
0x9f: {  	s4 =	ssub.s32 $0x0, s20;
	[sflag:s22] =	ssyncset.done $0x0  }
0xa0: {  	[sflag:s22] =	ssyncadd.s32 s4;
	_ =	sdelay $0x1  }
0xa1: {  	s23 =	simm.s32 $0x1B8B  }
0xa2: {  	_ =	swait.ge [sflag:s23], $0x1  }
0xa3: {  	[sflag:s23] =	ssyncset.done $0x0  }
0xa4: {  	s25 =	simm.s32 $0x1B8E;
	s24 =	sld [smem:$0x3FFE];
	[sflag:s23] =	ssyncadd.s32 $0xFFFFFFFF  }
0xa5: {  	s26 =	simm.s32 $execute0_lowered;
	[smem:$0x3FD2] =	sst s25  }
0xa6: {  	s5 =	sshll.u32 s26, $0x1;
	_ =	strace $0x80000046;
	[dreg:$0x1] =	wrdreg $0xFFFFFFFF  }
0xa7: {  	s28 =	simm.s32 $_size_execute0_lowered;
	s3 =	sadd.s32 s3, s5;
	[dreg:$0x0] =	wrdreg $0x0  }
0xa8: {  	s5 =	sshll.u32 s28, $0x1;
	[dreg:$0x2] =	wrdreg s3  }
0xa9: {  	[dreg:$0x3] =	wrdreg s5  }
0xaa: {  	[dreg:$0x4] =	wrdreg $0xC0  }
0xab: {  	_ =	task [dreg:s7], $0x5FFFF  }
0xac: {  	[dreg:$0x1] =	wrdreg $0xFFFFFFFF  }
0xad: {  	[dreg:$0x0] =	wrdreg $0x60  }
0xae: {  	[dreg:$0x2] =	wrdreg s2  }
0xaf: {  	[dreg:$0x3] =	wrdreg s24  }
0xb0: {  	[dreg:$0x4] =	wrdreg $0x9  }
0xb1: {  	_ =	task.clear_ibuf [dreg:s7], $0x5FFFF;
	_ =	strace $0x90000046  }
0xb2: {  	s29 =	simm.s32 $0x9;
	_ =	strace $0x80000048  }
0xb3: {  	_ =	swait.ge [sflag:s29], $0x1  }
0xb4: {  	[sflag:s29] =	ssyncadd.s32 $0xFFFFFFFF  }
0xb5: {  	_ =	strace $0x90000048  }
0xb6: {  	_ =	sfence  }
0xb7: {  	s30 =	sld [smem:$0x0];
	_ =	sdelay $0x2  }
0xb8: {  	s31 =	sshll.u32 s1, $0xD;
	s1 =	sshrl.u32 s1, $0x2  }
0xb9: {  	s3 =	sand.u32 $0x4000, s31;
	s1 =	sadd.s32 s1, s30  }
0xba: {  	s0 =	sor.u32 s3, s0;
	s1 =	sshll.u32 s1, $0x11  }
0xbb: {  	s0 =	sor.u32 s1, s0  }
0xbc: {  	s0 =	sadd.s32 $0x8F2B, s0  }
0xbd: {  	[sflag:s0] =	ssyncadd.remote.s32 $0x1  }
0xbe: {  	_ =	sfence.sel $0xFFFF  }
0xbf: {  	[dreg:$0x0] =	wrdreg $0xFFFFFFFF;
	(pc) =	sbr.abs _section_cstart, $3  }
0xc0: {  	[dreg:$0x1] =	wrdreg $0xFFFFFFFF  }
0xc1: {  	_ =	task.clear_ibuf [dreg:s7], $0x2FFFF;
	_ =	strace $0x9FFFFFFF  }
0xc2: {  	(tm) =	ssettm $0x7FFFFFFF  }
0xc3: {  	_ =	shalt  }
tec
execute0_lowered:
.L_overlay_start_1:
0x0: {  	(tag) =	ssettag $0x1  }
0x1: {  	v0 =	vimm.s32 $0xE00;
	vm14 =	vcmask $0x300;
	vm13 =	vcmask $0x704  }
0x2: {  	vm12 =	vcmask $0xB08;
	vm11 =	vcmask $0xF0C;
	vm10 =	vcmask $0x1310  }
0x3: {  	vm9 =	vcmask $0x1714;
	vm8 =	vcmask $0x1B18;
	vm7 =	vcmask $0x1F1C  }
0x4: {  	vm6 =	vcmask $0x2320;
	vm5 =	vcmask $0x2724;
	vm4 =	vcmask $0x2B28  }
0x5: {  	v1 =	vimm.s32 $0xD00;
	vm0 =	vcmask $0x2F2C;
	v2 =	vimm.s32 $0xC00  }
0x6: {  	vm1 =	vcmask $0x3330;
	vm2 =	vcmask $0x3734;
	vm3 =	vcmask $0x3B38  }
0x7: {  	v3 =	vimm.s32 $0xB00;
	v4 =	vimm.s32 $0xA00;
	v5 =	vimm.s32 $0x900  }
0x8: {  	v6 =	vimm.s32 $0x800;
	v40 =	vimm.s32 $0x700;
	v42 =	vimm.s32 $0x600  }
0x9: {  	v44 =	vimm.s32 $0x500;
	v47 =	vimm.s32 $0x400;
	v22 =	vimm.s32 $0x300  }
0xa: {  	v20 =	vimm.s32 $0x200;
	v18 =	vimm.s32 $0x100;
	v14 =	vimm.s32 $0x0  }
0xb: {  	v19 =	vimm.s32 $0x80;
	v25 =	vimm.s32 $0xC4834201;
	vm15 =	vcmask $0xF00  }
0xc: {  	v26 =	vimm.s32 $0xC5844302;
	v27 =	vimm.s32 $0xC6854403;
	v29 =	vimm.s32 $0xC7864504  }
0xd: {  	v32 =	vimm.s32 $0xCA894807;
	v33 =	vimm.s32 $0xCB8A4908;
	v34 =	vimm.s32 $0xCC8B4A09  }
0xe: {  	v35 =	vimm.s32 $0xCD8C4B0A;
	v36 =	vimm.s32 $0xCE8D4C0B;
	v37 =	vimm.s32 $0xCF8E4D0C  }
0xf: {  	v38 =	vimm.s32 $0xC08F4E0D;
	v39 =	vimm.s32 $0xC1804F0E;
	v41 =	vimm.s32 $0xC281400F  }
0x10: {  	v43 =	vimm.s32 $0x680;
	v59 =	vimm.s32 $0x580;
	v46 =	vimm.s32 $0x480  }
0x11: {  	v0 =	vsel vm14, $0xF00, v0;
	v1 =	vsel vm14, $0xE00, v1;
	v2 =	vsel vm14, $0xD00, v2  }
0x12: {  	v3 =	vsel vm14, $0xC00, v3;
	v4 =	vsel vm14, $0xB00, v4;
	v5 =	vsel vm14, $0xA00, v5  }
0x13: {  	v6 =	vsel vm14, $0x900, v6;
	v7 =	vsel vm14, $0x800, v40;
	v8 =	vsel vm14, $0x700, v42  }
0x14: {  	v9 =	vsel vm14, $0x600, v44;
	v10 =	vsel vm14, $0x500, v47;
	v11 =	vsel vm14, $0x400, v22  }
0x15: {  	v12 =	vsel vm14, $0x300, v20;
	v13 =	vsel vm14, $0x200, v18;
	v15 =	vsel vm14, $0x100, v14  }
0x16: {  	v14 =	vsel vm14, $0x80, v14;
	v19 =	vsel vm14, $0x100, v19;
	v18 =	vsel vm14, $0x180, v18  }
0x17: {  	v24 =	vsel vm14, $0x280, v20;
	v48 =	vsel vm14, $0x380, v22;
	v25 =	vunpack.c.0.s8.s32 v25  }
0x18: {  	v26 =	vunpack.c.0.s8.s32 v26;
	v27 =	vunpack.c.0.s8.s32 v27;
	v29 =	vunpack.c.0.s8.s32 v29  }
0x19: {  	v32 =	vunpack.c.0.s8.s32 v32;
	v33 =	vunpack.c.0.s8.s32 v33;
	v34 =	vunpack.c.0.s8.s32 v34  }
0x1a: {  	v35 =	vunpack.c.0.s8.s32 v35;
	v36 =	vunpack.c.0.s8.s32 v36;
	v37 =	vunpack.c.0.s8.s32 v37  }
0x1b: {  	v38 =	vunpack.c.0.s8.s32 v38;
	v39 =	vunpack.c.0.s8.s32 v39;
	v41 =	vunpack.c.0.s8.s32 v41  }
0x1c: {  	v40 =	vsel vm14, $0x780, v40;
	v43 =	vsel vm14, $0x700, v43;
	v42 =	vsel vm14, $0x680, v42  }
0x1d: {  	v61 =	vsel vm14, $0x600, v59;
	v62 =	vsel vm14, $0x580, v44;
	v59 =	vimm.s32 $0x380  }
0x1e: {  	v0 =	vsel vm13, $0x0, v0;
	v1 =	vsel vm13, $0xF00, v1;
	v2 =	vsel vm13, $0xE00, v2  }
0x1f: {  	v3 =	vsel vm13, $0xD00, v3;
	v4 =	vsel vm13, $0xC00, v4;
	v5 =	vsel vm13, $0xB00, v5  }
0x20: {  	v6 =	vsel vm13, $0xA00, v6;
	v7 =	vsel vm13, $0x900, v7;
	v8 =	vsel vm13, $0x800, v8  }
0x21: {  	v9 =	vsel vm13, $0x700, v9;
	v10 =	vsel vm13, $0x600, v10;
	v11 =	vsel vm13, $0x500, v11  }
0x22: {  	v12 =	vsel vm13, $0x400, v12;
	v13 =	vsel vm13, $0x300, v13;
	v15 =	vsel vm13, $0x200, v15  }
0x23: {  	v14 =	vsel vm13, $0x100, v14;
	v19 =	vsel vm13, $0x180, v19;
	v40 =	vsel vm13, $0x0, v40  }
0x24: {  	v43 =	vsel vm13, $0x780, v43;
	v42 =	vsel vm13, $0x700, v42;
	v0 =	vsel vm12, $0x100, v0  }
0x25: {  	v1 =	vsel vm12, $0x0, v1;
	v2 =	vsel vm12, $0xF00, v2;
	v3 =	vsel vm12, $0xE00, v3  }
0x26: {  	v4 =	vsel vm12, $0xD00, v4;
	v5 =	vsel vm12, $0xC00, v5;
	v6 =	vsel vm12, $0xB00, v6  }
0x27: {  	v7 =	vsel vm12, $0xA00, v7;
	v8 =	vsel vm12, $0x900, v8;
	v9 =	vsel vm12, $0x800, v9  }
0x28: {  	v10 =	vsel vm12, $0x700, v10;
	v11 =	vsel vm12, $0x600, v11;
	v12 =	vsel vm12, $0x500, v12  }
0x29: {  	v13 =	vsel vm12, $0x400, v13;
	v15 =	vsel vm12, $0x300, v15;
	v14 =	vsel vm12, $0x180, v14  }
0x2a: {  	v19 =	vsel vm12, $0x200, v19;
	v25 =	vand.u32 $0xFF, v25;
	v26 =	vand.u32 $0xFF, v26  }
0x2b: {  	v27 =	vand.u32 $0xFF, v27;
	v29 =	vand.u32 $0xFF, v29;
	v32 =	vand.u32 $0xFF, v32  }
0x2c: {  	v33 =	vand.u32 $0xFF, v33;
	v34 =	vand.u32 $0xFF, v34;
	v35 =	vand.u32 $0xFF, v35  }
0x2d: {  	v36 =	vand.u32 $0xFF, v36;
	v37 =	vand.u32 $0xFF, v37;
	v38 =	vand.u32 $0xFF, v38  }
0x2e: {  	v39 =	vand.u32 $0xFF, v39;
	v41 =	vand.u32 $0xFF, v41;
	v45 =	vsel vm12, $0x80, v40  }
0x2f: {  	v43 =	vsel vm12, $0x0, v43;
	v42 =	vsel vm12, $0x780, v42;
	v0 =	vsel vm11, $0x200, v0  }
0x30: {  	v1 =	vsel vm11, $0x100, v1;
	v2 =	vsel vm11, $0x0, v2;
	v3 =	vsel vm11, $0xF00, v3  }
0x31: {  	v4 =	vsel vm11, $0xE00, v4;
	v5 =	vsel vm11, $0xD00, v5;
	v6 =	vsel vm11, $0xC00, v6  }
0x32: {  	v7 =	vsel vm11, $0xB00, v7;
	v8 =	vsel vm11, $0xA00, v8;
	v9 =	vsel vm11, $0x900, v9  }
0x33: {  	v10 =	vsel vm11, $0x800, v10;
	v11 =	vsel vm11, $0x700, v11;
	v12 =	vsel vm11, $0x600, v12  }
0x34: {  	v13 =	vsel vm11, $0x500, v13;
	v15 =	vsel vm11, $0x400, v15;
	v14 =	vsel vm11, $0x200, v14  }
0x35: {  	v19 =	vsel vm11, $0x280, v19;
	v25 =	vnsel vm15, $0x3C0, v25;
	v26 =	vnsel vm15, $0x3C1, v26  }
0x36: {  	v27 =	vnsel vm15, $0x3C2, v27;
	v29 =	vnsel vm15, $0x3C3, v29;
	v32 =	vnsel vm15, $0x3C6, v32  }
0x37: {  	v33 =	vnsel vm15, $0x3C7, v33;
	v34 =	vnsel vm15, $0x3C8, v34;
	v35 =	vnsel vm15, $0x3C9, v35  }
0x38: {  	v36 =	vnsel vm15, $0x3CA, v36;
	v37 =	vnsel vm15, $0x3CB, v37;
	v38 =	vnsel vm15, $0x3CC, v38  }
0x39: {  	v39 =	vnsel vm15, $0x3CD, v39;
	v41 =	vnsel vm15, $0x3CE, v41;
	v56 =	vsel vm11, $0x100, v45  }
0x3a: {  	v43 =	vsel vm11, $0x80, v43;
	v42 =	vsel vm11, $0x0, v42;
	v0 =	vsel vm10, $0x300, v0  }
0x3b: {  	v1 =	vsel vm10, $0x200, v1;
	v2 =	vsel vm10, $0x100, v2;
	v3 =	vsel vm10, $0x0, v3  }
0x3c: {  	v4 =	vsel vm10, $0xF00, v4;
	v5 =	vsel vm10, $0xE00, v5;
	v6 =	vsel vm10, $0xD00, v6  }
0x3d: {  	v7 =	vsel vm10, $0xC00, v7;
	v8 =	vsel vm10, $0xB00, v8;
	v9 =	vsel vm10, $0xA00, v9  }
0x3e: {  	v10 =	vsel vm10, $0x900, v10;
	v11 =	vsel vm10, $0x800, v11;
	v12 =	vsel vm10, $0x700, v12  }
0x3f: {  	v13 =	vsel vm10, $0x600, v13;
	v15 =	vsel vm10, $0x500, v15;
	v14 =	vsel vm10, $0x280, v14  }
0x40: {  	v19 =	vsel vm10, $0x300, v19;
	v25 =	vsel vm10, $0x105, v25;
	v26 =	vsel vm10, $0x106, v26  }
0x41: {  	v27 =	vsel vm10, $0x107, v27;
	v29 =	vsel vm10, $0x108, v29;
	v32 =	vsel vm10, $0x10B, v32  }
0x42: {  	v33 =	vsel vm10, $0x10C, v33;
	v34 =	vsel vm10, $0x10D, v34;
	v35 =	vsel vm10, $0x10E, v35  }
0x43: {  	v36 =	vsel vm10, $0x10F, v36;
	v37 =	vsel vm10, $0x100, v37;
	v38 =	vsel vm10, $0x101, v38  }
0x44: {  	v39 =	vsel vm10, $0x102, v39;
	v41 =	vsel vm10, $0x103, v41;
	v43 =	vsel vm10, $0x100, v43  }
0x45: {  	v42 =	vsel vm10, $0x80, v42;
	v0 =	vsel vm9, $0x400, v0;
	v1 =	vsel vm9, $0x300, v1  }
0x46: {  	v2 =	vsel vm9, $0x200, v2;
	v3 =	vsel vm9, $0x100, v3;
	v4 =	vsel vm9, $0x0, v4  }
0x47: {  	v5 =	vsel vm9, $0xF00, v5;
	v6 =	vsel vm9, $0xE00, v6;
	v7 =	vsel vm9, $0xD00, v7  }
0x48: {  	v8 =	vsel vm9, $0xC00, v8;
	v9 =	vsel vm9, $0xB00, v9;
	v10 =	vsel vm9, $0xA00, v10  }
0x49: {  	v11 =	vsel vm9, $0x900, v11;
	v12 =	vsel vm9, $0x800, v12;
	v13 =	vsel vm9, $0x700, v13  }
0x4a: {  	v15 =	vsel vm9, $0x600, v15;
	v14 =	vsel vm9, $0x300, v14;
	v55 =	vsel vm9, $0x380, v19  }
0x4b: {  	v25 =	vsel vm9, $0x146, v25;
	v26 =	vsel vm9, $0x147, v26;
	v27 =	vsel vm9, $0x148, v27  }
0x4c: {  	v29 =	vsel vm9, $0x149, v29;
	v32 =	vsel vm9, $0x14C, v32;
	v33 =	vsel vm9, $0x14D, v33  }
0x4d: {  	v34 =	vsel vm9, $0x14E, v34;
	v35 =	vsel vm9, $0x14F, v35;
	v36 =	vsel vm9, $0x140, v36  }
0x4e: {  	v37 =	vsel vm9, $0x141, v37;
	v38 =	vsel vm9, $0x142, v38;
	v39 =	vsel vm9, $0x143, v39  }
0x4f: {  	v41 =	vsel vm9, $0x144, v41;
	v43 =	vsel vm9, $0x180, v43;
	v42 =	vsel vm9, $0x100, v42  }
0x50: {  	v0 =	vsel vm8, $0x500, v0;
	v1 =	vsel vm8, $0x400, v1;
	v2 =	vsel vm8, $0x300, v2  }
0x51: {  	v3 =	vsel vm8, $0x200, v3;
	v4 =	vsel vm8, $0x100, v4;
	v5 =	vsel vm8, $0x0, v5  }
0x52: {  	v6 =	vsel vm8, $0xF00, v6;
	v7 =	vsel vm8, $0xE00, v7;
	v8 =	vsel vm8, $0xD00, v8  }
0x53: {  	v9 =	vsel vm8, $0xC00, v9;
	v10 =	vsel vm8, $0xB00, v10;
	v11 =	vsel vm8, $0xA00, v11  }
0x54: {  	v12 =	vsel vm8, $0x900, v12;
	v13 =	vsel vm8, $0x800, v13;
	v15 =	vsel vm8, $0x700, v15  }
0x55: {  	v54 =	vsel vm8, $0x380, v14;
	v25 =	vsel vm8, $0x187, v25;
	v26 =	vsel vm8, $0x188, v26  }
0x56: {  	v27 =	vsel vm8, $0x189, v27;
	v29 =	vsel vm8, $0x18A, v29;
	v32 =	vsel vm8, $0x18D, v32  }
0x57: {  	v33 =	vsel vm8, $0x18E, v33;
	v34 =	vsel vm8, $0x18F, v34;
	v35 =	vsel vm8, $0x180, v35  }
0x58: {  	v36 =	vsel vm8, $0x181, v36;
	v37 =	vsel vm8, $0x182, v37;
	v38 =	vsel vm8, $0x183, v38  }
0x59: {  	v39 =	vsel vm8, $0x184, v39;
	v41 =	vsel vm8, $0x185, v41;
	v43 =	vsel vm8, $0x200, v43  }
0x5a: {  	v42 =	vsel vm8, $0x180, v42;
	v0 =	vsel vm7, $0x600, v0;
	v1 =	vsel vm7, $0x500, v1  }
0x5b: {  	v2 =	vsel vm7, $0x400, v2;
	v3 =	vsel vm7, $0x300, v3;
	v4 =	vsel vm7, $0x200, v4  }
0x5c: {  	v5 =	vsel vm7, $0x100, v5;
	v6 =	vsel vm7, $0x0, v6;
	v7 =	vsel vm7, $0xF00, v7  }
0x5d: {  	v8 =	vsel vm7, $0xE00, v8;
	v9 =	vsel vm7, $0xD00, v9;
	v10 =	vsel vm7, $0xC00, v10  }
0x5e: {  	v11 =	vsel vm7, $0xB00, v11;
	v12 =	vsel vm7, $0xA00, v12;
	v13 =	vsel vm7, $0x900, v13  }
0x5f: {  	v15 =	vsel vm7, $0x800, v15;
	v17 =	vsel vm6, $0x80, v54;
	v28 =	vsel vm7, $0x1C8, v25  }
0x60: {  	v26 =	vsel vm7, $0x1C9, v26;
	v27 =	vsel vm7, $0x1CA, v27;
	v29 =	vsel vm7, $0x1CB, v29  }
0x61: {  	v32 =	vsel vm7, $0x1CE, v32;
	v33 =	vsel vm7, $0x1CF, v33;
	v34 =	vsel vm7, $0x1C0, v34  }
0x62: {  	v35 =	vsel vm7, $0x1C1, v35;
	v36 =	vsel vm7, $0x1C2, v36;
	v37 =	vsel vm7, $0x1C3, v37  }
0x63: {  	v38 =	vsel vm7, $0x1C4, v38;
	v39 =	vsel vm7, $0x1C5, v39;
	v41 =	vsel vm7, $0x1C6, v41  }
0x64: {  	v43 =	vsel vm7, $0x280, v43;
	v42 =	vsel vm7, $0x200, v42;
	v0 =	vsel vm6, $0x700, v0  }
0x65: {  	v1 =	vsel vm6, $0x600, v1;
	v2 =	vsel vm6, $0x500, v2;
	v3 =	vsel vm6, $0x400, v3  }
0x66: {  	v4 =	vsel vm6, $0x300, v4;
	v5 =	vsel vm6, $0x200, v5;
	v6 =	vsel vm6, $0x100, v6  }
0x67: {  	v7 =	vsel vm6, $0x0, v7;
	v8 =	vsel vm6, $0xF00, v8;
	v9 =	vsel vm6, $0xE00, v9  }
0x68: {  	v10 =	vsel vm6, $0xD00, v10;
	v11 =	vsel vm6, $0xC00, v11;
	v12 =	vsel vm6, $0xB00, v12  }
0x69: {  	v13 =	vsel vm6, $0xA00, v13;
	v15 =	vsel vm6, $0x900, v15;
	v17 =	vsel vm5, $0x100, v17  }
0x6a: {  	v28 =	vsel vm6, $0x209, v28;
	v26 =	vsel vm6, $0x20A, v26;
	v27 =	vsel vm6, $0x20B, v27  }
0x6b: {  	v29 =	vsel vm6, $0x20C, v29;
	v32 =	vsel vm6, $0x20F, v32;
	v33 =	vsel vm6, $0x200, v33  }
0x6c: {  	v34 =	vsel vm6, $0x201, v34;
	v35 =	vsel vm6, $0x202, v35;
	v36 =	vsel vm6, $0x203, v36  }
0x6d: {  	v37 =	vsel vm6, $0x204, v37;
	v38 =	vsel vm6, $0x205, v38;
	v39 =	vsel vm6, $0x206, v39  }
0x6e: {  	v41 =	vsel vm6, $0x207, v41;
	v43 =	vsel vm6, $0x300, v43;
	v42 =	vsel vm6, $0x280, v42  }
0x6f: {  	v0 =	vsel vm5, $0x800, v0;
	v1 =	vsel vm5, $0x700, v1;
	v2 =	vsel vm5, $0x600, v2  }
0x70: {  	v3 =	vsel vm5, $0x500, v3;
	v4 =	vsel vm5, $0x400, v4;
	v5 =	vsel vm5, $0x300, v5  }
0x71: {  	v6 =	vsel vm5, $0x200, v6;
	v7 =	vsel vm5, $0x100, v7;
	v8 =	vsel vm5, $0x0, v8  }
0x72: {  	v9 =	vsel vm5, $0xF00, v9;
	v10 =	vsel vm5, $0xE00, v10;
	v11 =	vsel vm5, $0xD00, v11  }
0x73: {  	v12 =	vsel vm5, $0xC00, v12;
	v13 =	vsel vm5, $0xB00, v13;
	v15 =	vsel vm5, $0xA00, v15  }
0x74: {  	v23 =	vsel vm4, $0x180, v17;
	v28 =	vsel vm5, $0x24A, v28;
	v26 =	vsel vm5, $0x24B, v26  }
0x75: {  	v27 =	vsel vm5, $0x24C, v27;
	v29 =	vsel vm5, $0x24D, v29;
	v32 =	vsel vm5, $0x240, v32  }
0x76: {  	v33 =	vsel vm5, $0x241, v33;
	v34 =	vsel vm5, $0x242, v34;
	v35 =	vsel vm5, $0x243, v35  }
0x77: {  	v36 =	vsel vm5, $0x244, v36;
	v37 =	vsel vm5, $0x245, v37;
	v38 =	vsel vm5, $0x246, v38  }
0x78: {  	v39 =	vsel vm5, $0x247, v39;
	v41 =	vsel vm5, $0x248, v41;
	v43 =	vsel vm5, $0x380, v43  }
0x79: {  	v42 =	vsel vm5, $0x300, v42;
	v0 =	vsel vm4, $0x900, v0;
	v1 =	vsel vm4, $0x800, v1  }
0x7a: {  	v2 =	vsel vm4, $0x700, v2;
	v3 =	vsel vm4, $0x600, v3;
	v4 =	vsel vm4, $0x500, v4  }
0x7b: {  	v5 =	vsel vm4, $0x400, v5;
	v6 =	vsel vm4, $0x300, v6;
	v7 =	vsel vm4, $0x200, v7  }
0x7c: {  	v8 =	vsel vm4, $0x100, v8;
	v9 =	vsel vm4, $0x0, v9;
	v10 =	vsel vm4, $0xF00, v10  }
0x7d: {  	v11 =	vsel vm4, $0xE00, v11;
	v12 =	vsel vm4, $0xD00, v12;
	v13 =	vsel vm4, $0xC00, v13  }
0x7e: {  	v15 =	vsel vm4, $0xB00, v15;
	v28 =	vsel vm4, $0x28B, v28;
	v26 =	vsel vm4, $0x28C, v26  }
0x7f: {  	v27 =	vsel vm4, $0x28D, v27;
	v29 =	vsel vm4, $0x28E, v29;
	v32 =	vsel vm4, $0x281, v32  }
0x80: {  	v33 =	vsel vm4, $0x282, v33;
	v34 =	vsel vm4, $0x283, v34;
	v35 =	vsel vm4, $0x284, v35  }
0x81: {  	v36 =	vsel vm4, $0x285, v36;
	v37 =	vsel vm4, $0x286, v37;
	v38 =	vsel vm4, $0x287, v38  }
0x82: {  	v39 =	vsel vm4, $0x288, v39;
	v41 =	vsel vm4, $0x289, v41;
	v43 =	vsel vm4, $0x400, v43  }
0x83: {  	v42 =	vsel vm4, $0x380, v42;
	v0 =	vsel vm0, $0xA00, v0;
	v1 =	vsel vm0, $0x900, v1  }
0x84: {  	v2 =	vsel vm0, $0x800, v2;
	v3 =	vsel vm0, $0x700, v3;
	v4 =	vsel vm0, $0x600, v4  }
0x85: {  	v5 =	vsel vm0, $0x500, v5;
	v6 =	vsel vm0, $0x400, v6;
	v7 =	vsel vm0, $0x300, v7  }
0x86: {  	v8 =	vsel vm0, $0x200, v8;
	v9 =	vsel vm0, $0x100, v9;
	v10 =	vsel vm0, $0x0, v10  }
0x87: {  	v11 =	vsel vm0, $0xF00, v11;
	v12 =	vsel vm0, $0xE00, v12;
	v13 =	vsel vm0, $0xD00, v13  }
0x88: {  	v15 =	vsel vm0, $0xC00, v15;
	v28 =	vsel vm0, $0x2CC, v28;
	v30 =	vsel vm0, $0x2CD, v26  }
0x89: {  	v27 =	vsel vm0, $0x2CE, v27;
	v29 =	vsel vm0, $0x2CF, v29;
	v32 =	vsel vm0, $0x2C2, v32  }
0x8a: {  	v33 =	vsel vm0, $0x2C3, v33;
	v34 =	vsel vm0, $0x2C4, v34;
	v35 =	vsel vm0, $0x2C5, v35  }
0x8b: {  	v36 =	vsel vm0, $0x2C6, v36;
	v37 =	vsel vm0, $0x2C7, v37;
	v38 =	vsel vm0, $0x2C8, v38  }
0x8c: {  	v39 =	vsel vm0, $0x2C9, v39;
	v41 =	vsel vm0, $0x2CA, v41;
	v43 =	vsel vm0, $0x480, v43  }
0x8d: {  	v60 =	vsel vm0, $0x400, v42;
	v42 =	vsel vm13, $0x680, v61;
	v0 =	vsel vm1, $0xB00, v0  }
0x8e: {  	v1 =	vsel vm1, $0xA00, v1;
	v2 =	vsel vm1, $0x900, v2;
	v3 =	vsel vm1, $0x800, v3  }
0x8f: {  	v4 =	vsel vm1, $0x700, v4;
	v5 =	vsel vm1, $0x600, v5;
	v6 =	vsel vm1, $0x500, v6  }
0x90: {  	v7 =	vsel vm1, $0x400, v7;
	v8 =	vsel vm1, $0x300, v8;
	v9 =	vsel vm1, $0x200, v9  }
0x91: {  	v10 =	vsel vm1, $0x100, v10;
	v11 =	vsel vm1, $0x0, v11;
	v12 =	vsel vm1, $0xF00, v12  }
0x92: {  	v13 =	vsel vm1, $0xE00, v13;
	v15 =	vsel vm1, $0xD00, v15;
	v28 =	vsel vm1, $0x30D, v28  }
0x93: {  	v31 =	vsel vm1, $0x30F, v27;
	v29 =	vsel vm1, $0x300, v29;
	v32 =	vsel vm1, $0x303, v32  }
0x94: {  	v33 =	vsel vm1, $0x304, v33;
	v34 =	vsel vm1, $0x305, v34;
	v35 =	vsel vm1, $0x306, v35  }
0x95: {  	v36 =	vsel vm1, $0x307, v36;
	v37 =	vsel vm1, $0x308, v37;
	v38 =	vsel vm1, $0x309, v38  }
0x96: {  	v39 =	vsel vm1, $0x30A, v39;
	v41 =	vsel vm1, $0x30B, v41;
	v58 =	vsel vm1, $0x500, v43  }
0x97: {  	v42 =	vsel vm12, $0x700, v42;
	v43 =	vsel vm13, $0x600, v62;
	v62 =	vsel vm13, $0x400, v48  }
0x98: {  	v0 =	vsel vm2, $0xC00, v0;
	v1 =	vsel vm2, $0xB00, v1;
	v2 =	vsel vm2, $0xA00, v2  }
0x99: {  	v3 =	vsel vm2, $0x900, v3;
	v4 =	vsel vm2, $0x800, v4;
	v5 =	vsel vm2, $0x700, v5  }
0x9a: {  	v6 =	vsel vm2, $0x600, v6;
	v7 =	vsel vm2, $0x500, v7;
	v8 =	vsel vm2, $0x400, v8  }
0x9b: {  	v9 =	vsel vm2, $0x300, v9;
	v10 =	vsel vm2, $0x200, v10;
	v11 =	vsel vm2, $0x100, v11  }
0x9c: {  	v12 =	vsel vm2, $0x0, v12;
	v13 =	vsel vm2, $0xF00, v13;
	v15 =	vsel vm2, $0xE00, v15  }
0x9d: {  	v28 =	vsel vm2, $0x34E, v28;
	v29 =	vsel vm2, $0x341, v29;
	v32 =	vsel vm2, $0x344, v32  }
0x9e: {  	v33 =	vsel vm2, $0x345, v33;
	v34 =	vsel vm2, $0x346, v34;
	v35 =	vsel vm2, $0x347, v35  }
0x9f: {  	v36 =	vsel vm2, $0x348, v36;
	v37 =	vsel vm2, $0x349, v37;
	v38 =	vsel vm2, $0x34A, v38  }
0xa0: {  	v39 =	vsel vm2, $0x34B, v39;
	v41 =	vsel vm2, $0x34C, v41;
	v63 =	vsel vm11, $0x780, v42  }
0xa1: {  	v45 =	vsel vm12, $0x680, v43;
	v43 =	vsel vm14, $0x500, v46;
	v0 =	vsel vm3, $0xD00, v0  }
0xa2: {  	v1 =	vsel vm3, $0xC00, v1;
	v2 =	vsel vm3, $0xB00, v2;
	v3 =	vsel vm3, $0xA00, v3  }
0xa3: {  	v4 =	vsel vm3, $0x900, v4;
	v5 =	vsel vm3, $0x800, v5;
	v6 =	vsel vm3, $0x700, v6  }
0xa4: {  	v7 =	vsel vm3, $0x600, v7;
	v8 =	vsel vm3, $0x500, v8;
	v9 =	vsel vm3, $0x400, v9  }
0xa5: {  	v10 =	vsel vm3, $0x300, v10;
	v11 =	vsel vm3, $0x200, v11;
	v12 =	vsel vm3, $0x100, v12  }
0xa6: {  	v13 =	vsel vm3, $0x0, v13;
	v14 =	vsel vm3, $0xF00, v15;
	v15 =	vlaneseq.u32  }
0xa7: {  	v26 =	vsel vm3, $0x38F, v28;
	v28 =	vsel vm1, $0x30E, v30;
	v30 =	vimm.s32 $0xC8874605  }
0xa8: {  	v29 =	vsel vm3, $0x382, v29;
	v32 =	vsel vm3, $0x385, v32;
	v33 =	vsel vm3, $0x386, v33  }
0xa9: {  	v34 =	vsel vm3, $0x387, v34;
	v35 =	vsel vm3, $0x388, v35;
	v36 =	vsel vm3, $0x389, v36  }
0xaa: {  	v37 =	vsel vm3, $0x38A, v37;
	v38 =	vsel vm3, $0x38B, v38;
	v39 =	vsel vm3, $0x38C, v39  }
0xab: {  	v40 =	vsel vm3, $0x38D, v41;
	v41 =	vsel vm10, $0x180, v56;
	v42 =	vsel vm11, $0x700, v45  }
0xac: {  	v43 =	vsel vm13, $0x580, v43;
	v16 =	vmul.u32 $0x100, v15;
	v21 =	vand.u32 $0x7, v15  }
0xad: {  	v25 =	vmul.u32 $0x41, v15;
	v28 =	vsel vm2, $0x34F, v28;
	v30 =	vunpack.c.0.s8.s32 v30  }
0xae: {  	v57 =	vmul.u32 $0x80, v15;
	v41 =	vsel vm9, $0x200, v41;
	v42 =	vsel vm10, $0x780, v42  }
0xaf: {  	v43 =	vsel vm12, $0x600, v43;
	v17 =	vmul.u32 $0x80, v21;
	v21 =	vsel vm0, $0x200, v23  }
0xb0: {  	v23 =	vsel vm13, $0x200, v18;
	v27 =	vsel vm3, $0x380, v28;
	v28 =	vsel vm2, $0x340, v31  }
0xb1: {  	v31 =	vimm.s32 $0xC9884706;
	v41 =	vsel vm8, $0x280, v41;
	v42 =	vsel vm9, $0x0, v42  }
0xb2: {  	v43 =	vsel vm11, $0x680, v43;
	v21 =	vsel vm1, $0x280, v21;
	v30 =	vand.u32 $0xFF, v30  }
0xb3: {  	v31 =	vunpack.c.0.s8.s32 v31;
	v28 =	vsel vm3, $0x381, v28;
	v41 =	vsel vm7, $0x300, v41  }
0xb4: {  	v42 =	vsel vm8, $0x80, v42;
	v43 =	vsel vm10, $0x700, v43;
	v21 =	vsel vm2, $0x300, v21  }
0xb5: {  	v30 =	vnsel vm15, $0x3C4, v30;
	v41 =	vsel vm6, $0x380, v41;
	v42 =	vsel vm7, $0x100, v42  }
0xb6: {  	v43 =	vsel vm9, $0x780, v43;
	v18 =	vsel vm3, $0x380, v21;
	v21 =	vsel vm12, $0x280, v23  }
0xb7: {  	v23 =	vsel vm8, $0x0, v55;
	v30 =	vsel vm10, $0x109, v30;
	v31 =	vand.u32 $0xFF, v31  }
0xb8: {  	v41 =	vsel vm5, $0x400, v41;
	v42 =	vsel vm6, $0x180, v42;
	v43 =	vsel vm8, $0x0, v43  }
0xb9: {  	v19 =	vsel vm11, $0x300, v21;
	v21 =	vimm.s32 $0x180;
	v30 =	vsel vm9, $0x14A, v30  }
0xba: {  	v31 =	vnsel vm15, $0x3C5, v31;
	v41 =	vsel vm4, $0x480, v41;
	v42 =	vsel vm5, $0x200, v42  }
0xbb: {  	v43 =	vsel vm7, $0x80, v43;
	v53 =	vsel vm10, $0x380, v19;
	v19 =	vsel vm14, $0x200, v21  }
0xbc: {  	v21 =	vsel vm6, $0x100, v23;
	v30 =	vsel vm8, $0x18B, v30;
	v31 =	vsel vm10, $0x10A, v31  }
0xbd: {  	v41 =	vsel vm0, $0x500, v41;
	v42 =	vsel vm4, $0x280, v42;
	v43 =	vsel vm6, $0x100, v43  }
0xbe: {  	v23 =	vsel vm9, $0x0, v53;
	v19 =	vsel vm13, $0x280, v19;
	v21 =	vsel vm5, $0x180, v21  }
0xbf: {  	v30 =	vsel vm7, $0x1CC, v30;
	v31 =	vsel vm9, $0x14B, v31;
	v41 =	vsel vm1, $0x580, v41  }
0xc0: {  	v42 =	vsel vm0, $0x300, v42;
	v56 =	vsel vm5, $0x180, v43;
	v43 =	vsel vm14, $0x400, v59  }
0xc1: {  	v23 =	vsel vm8, $0x80, v23;
	v19 =	vsel vm12, $0x300, v19;
	v21 =	vsel vm4, $0x200, v21  }
0xc2: {  	v30 =	vsel vm6, $0x20D, v30;
	v31 =	vsel vm8, $0x18C, v31;
	v41 =	vsel vm2, $0x600, v41  }
0xc3: {  	[tilespmem:$0x1FF20] =	vst v57;
	v42 =	vsel vm1, $0x380, v42;
	v57 =	vsel vm4, $0x200, v56;
	v43 =	vsel vm13, $0x480, v43  }
0xc4: {  	v23 =	vsel vm6, $0x180, v23;
	v51 =	vsel vm11, $0x380, v19;
	v19 =	vsel vm0, $0x280, v21  }
0xc5: {  	v30 =	vsel vm5, $0x24E, v30;
	v31 =	vsel vm7, $0x1CD, v31;
	v41 =	vsel vm3, $0x680, v41  }
0xc6: {  	v52 =	vsel vm2, $0x400, v42;
	v61 =	vsel vm12, $0x500, v43;
	v43 =	vsel vm12, $0x480, v62  }
0xc7: {  	v62 =	vsel vm8, $0x400, v55;
	v21 =	vsel vm5, $0x200, v23;
	v23 =	vsel vm10, $0x0, v51  }
0xc8: {  	v19 =	vsel vm1, $0x300, v19;
	v30 =	vsel vm4, $0x28F, v30;
	v31 =	vsel vm6, $0x20E, v31  }
0xc9: {  	[tilespmem:$0x1FF30] =	vst v41;
	v41 =	vsel vm2, $0x580, v58;
	v58 =	vsel vm14, $0x480, v47;
	v43 =	vsel vm11, $0x500, v43  }
0xca: {  	v56 =	vsel vm10, $0x400, v51;
	v21 =	vsel vm4, $0x280, v21;
	v23 =	vsel vm9, $0x80, v23  }
0xcb: {  	v19 =	vsel vm2, $0x380, v19;
	v30 =	vsel vm0, $0x2C0, v30;
	v31 =	vsel vm5, $0x24F, v31  }
0xcc: {  	v41 =	vsel vm3, $0x600, v41;
	v42 =	vsel vm13, $0x500, v58;
	v43 =	vsel vm10, $0x580, v43  }
0xcd: {  	v21 =	vsel vm0, $0x300, v21;
	v23 =	vsel vm8, $0x100, v23;
	v19 =	vsel vm3, $0x0, v19  }
0xce: {  	v30 =	vsel vm1, $0x301, v30;
	v31 =	vsel vm4, $0x280, v31;
	[tilespmem:$0x1FF40] =	vst v41;
	v41 =	vsel vm1, $0x480, v60  }
0xcf: {  	v42 =	vsel vm12, $0x580, v42;
	v43 =	vsel vm9, $0x600, v43;
	v21 =	vsel vm1, $0x380, v21  }
0xd0: {  	v23 =	vsel vm6, $0x200, v23;
	v30 =	vsel vm2, $0x342, v30;
	v31 =	vsel vm0, $0x2C1, v31  }
0xd1: {  	v41 =	vsel vm2, $0x500, v41;
	v42 =	vsel vm11, $0x600, v42;
	v43 =	vsel vm8, $0x680, v43  }
0xd2: {  	v21 =	vsel vm2, $0x0, v21;
	v23 =	vsel vm5, $0x280, v23;
	v30 =	vsel vm3, $0x383, v30  }
0xd3: {  	v31 =	vsel vm1, $0x302, v31;
	v41 =	vsel vm3, $0x580, v41;
	v60 =	vsel vm10, $0x680, v42  }
0xd4: {  	v42 =	vsel vm11, $0x580, v61;
	v43 =	vsel vm7, $0x700, v43;
	v20 =	vsel vm3, $0x80, v21  }
0xd5: {  	v21 =	vsel vm4, $0x300, v23;
	v23 =	vsel vm13, $0x300, v24;
	v31 =	vsel vm2, $0x343, v31  }
0xd6: {  	[tilespmem:$0x1FF50] =	vst v41;
	v41 =	vsel vm10, $0x0, v63;
	v42 =	vsel vm10, $0x600, v42;
	v43 =	vsel vm6, $0x780, v43  }
0xd7: {  	v21 =	vsel vm0, $0x380, v21;
	v50 =	vsel vm12, $0x380, v23;
	v41 =	vsel vm9, $0x80, v41  }
0xd8: {  	v23 =	vimm.s32 $0x280;
	v31 =	vsel vm3, $0x384, v31;
	v41 =	vsel vm8, $0x100, v41  }
0xd9: {  	v42 =	vsel vm9, $0x680, v42;
	v43 =	vsel vm5, $0x0, v43;
	v41 =	vsel vm7, $0x180, v41  }
0xda: {  	v21 =	vsel vm1, $0x0, v21;
	v24 =	vsel vm11, $0x0, v50;
	v41 =	vsel vm6, $0x200, v41  }
0xdb: {  	v23 =	vsel vm14, $0x300, v23;
	v42 =	vsel vm8, $0x700, v42;
	v41 =	vsel vm5, $0x280, v41  }
0xdc: {  	v45 =	vsel vm4, $0x80, v43;
	v43 =	vsel vm9, $0x480, v56;
	v41 =	vsel vm4, $0x300, v41  }
0xdd: {  	v21 =	vsel vm2, $0x80, v21;
	v24 =	vsel vm10, $0x80, v24;
	v41 =	vsel vm0, $0x380, v41  }
0xde: {  	v49 =	vsel vm13, $0x380, v23;
	v42 =	vsel vm7, $0x780, v42;
	v41 =	vsel vm1, $0x400, v41  }
0xdf: {  	v43 =	vsel vm8, $0x500, v43;
	v21 =	vsel vm3, $0x100, v21;
	v41 =	vsel vm2, $0x480, v41  }
0xe0: {  	v23 =	vsel vm9, $0x100, v24;
	v24 =	vsel vm12, $0x0, v49;
	v41 =	vsel vm3, $0x500, v41  }
0xe1: {  	v42 =	vsel vm6, $0x0, v42;
	v46 =	vsel vm12, $0x400, v49;
	[tilespmem:$0x1FF60] =	vst v41;
	v41 =	vsel vm3, $0x480, v52  }
0xe2: {  	v49 =	vsel vm11, $0x400, v50;
	v43 =	vsel vm7, $0x580, v43;
	[tilespmem:$0x1FF70] =	vst v41;
	v41 =	vsel vm0, $0x280, v57  }
0xe3: {  	v23 =	vsel vm8, $0x180, v23;
	v24 =	vsel vm11, $0x80, v24;
	v41 =	vsel vm1, $0x300, v41  }
0xe4: {  	v42 =	vsel vm5, $0x80, v42;
	v43 =	vsel vm6, $0x600, v43;
	v41 =	vsel vm2, $0x380, v41  }
0xe5: {  	v22 =	vsel vm6, $0x280, v23;
	v23 =	vsel vm10, $0x100, v24;
	v41 =	vsel vm3, $0x400, v41  }
0xe6: {  	v24 =	vsel vm13, $0x0, v48;
	v42 =	vsel vm4, $0x100, v42;
	[tilespmem:$0x1FF80] =	vst v41;
	v41 =	vsel vm9, $0x700, v60  }
0xe7: {  	v48 =	vsel vm11, $0x480, v46;
	v43 =	vsel vm5, $0x680, v43;
	v41 =	vsel vm8, $0x780, v41  }
0xe8: {  	v22 =	vsel vm5, $0x300, v22;
	v23 =	vsel vm9, $0x180, v23;
	v41 =	vsel vm7, $0x0, v41  }
0xe9: {  	v24 =	vsel vm12, $0x80, v24;
	v42 =	vsel vm0, $0x180, v42;
	v41 =	vsel vm6, $0x80, v41  }
0xea: {  	v43 =	vsel vm4, $0x700, v43;
	v22 =	vsel vm4, $0x380, v22;
	v41 =	vsel vm5, $0x100, v41  }
0xeb: {  	v23 =	vsel vm8, $0x200, v23;
	v24 =	vsel vm11, $0x100, v24;
	v41 =	vsel vm4, $0x180, v41  }
0xec: {  	v63 =	vsel vm1, $0x200, v42;
	v42 =	vsel vm0, $0x100, v45;
	v41 =	vsel vm0, $0x200, v41  }
0xed: {  	v43 =	vsel vm0, $0x780, v43;
	v22 =	vsel vm0, $0x0, v22;
	v41 =	vsel vm1, $0x280, v41  }
0xee: {  	v23 =	vsel vm6, $0x300, v23;
	v24 =	vsel vm10, $0x180, v24;
	v41 =	vsel vm2, $0x300, v41  }
0xef: {  	v47 =	vsel vm1, $0x180, v42;
	v42 =	vsel vm10, $0x500, v48;
	v41 =	vsel vm3, $0x380, v41  }
0xf0: {  	v58 =	vsel vm1, $0x0, v43;
	v22 =	vsel vm1, $0x80, v22;
	[tilespmem:$0x1FF90] =	vst v41;
	v41 =	vsel vm2, $0x280, v63  }
0xf1: {  	v23 =	vsel vm5, $0x380, v23;
	v24 =	vsel vm9, $0x200, v24;
	v41 =	vsel vm3, $0x300, v41  }
0xf2: {  	v50 =	vsel vm9, $0x580, v42;
	v59 =	vsel vm2, $0x80, v58;
	[tilespmem:$0x1FFA0] =	vst v41;
	v41 =	vsel vm2, $0x200, v47  }
0xf3: {  	v22 =	vsel vm2, $0x100, v22;
	v52 =	vsel vm10, $0x480, v49;
	v41 =	vsel vm3, $0x280, v41  }
0xf4: {  	v23 =	vsel vm4, $0x0, v23;
	v42 =	vsel vm9, $0x500, v52;
	[tilespmem:$0x1FFB0] =	vst v41;
	v41 =	vsel vm8, $0x600, v50  }
0xf5: {  	v24 =	vsel vm8, $0x280, v24;
	v42 =	vsel vm8, $0x580, v42;
	v41 =	vsel vm7, $0x680, v41  }
0xf6: {  	v23 =	vsel vm0, $0x80, v23;
	v42 =	vsel vm7, $0x600, v42;
	v41 =	vsel vm6, $0x700, v41  }
0xf7: {  	v24 =	vsel vm6, $0x380, v24;
	v42 =	vsel vm6, $0x680, v42;
	v41 =	vsel vm5, $0x780, v41  }
0xf8: {  	v22 =	vsel vm3, $0x180, v22;
	v42 =	vsel vm5, $0x700, v42;
	v41 =	vsel vm4, $0x0, v41  }
0xf9: {  	v23 =	vsel vm1, $0x100, v23;
	v42 =	vsel vm4, $0x780, v42;
	v41 =	vsel vm0, $0x80, v41  }
0xfa: {  	s0 =	rddreg [dreg:$0x0];
	s1 =	srdreg.scid;
	v24 =	vsel vm5, $0x0, v24;
	v42 =	vsel vm0, $0x0, v42;
	v41 =	vsel vm1, $0x100, v41  }
0xfb: {  	s7 =	stileid.u32;
	s2 =	rddreg [dreg:$0x1];
	v23 =	vsel vm2, $0x180, v23;
	v42 =	vsel vm1, $0x80, v42;
	v41 =	vsel vm2, $0x180, v41  }
0xfc: {  	s3 =	simm.s32 $0x0;
	s12 =	simm.s32 $0x800;
	s14 =	simm.s32 $0x7A1400;
	v24 =	vsel vm4, $0x80, v24;
	v57 =	vsel vm2, $0x100, v42;
	v41 =	vsel vm3, $0x200, v41  }
0xfd: {  	s15 =	simm.s32 $0x4000;
	s16 =	simm.s32 $0x1;
	[smem:$0x7FF] =	sst s3;
	v24 =	vsel vm0, $0x100, v24;
	v60 =	vsel vm9, $0x400, v53;
	[tilespmem:$0x1FFC0] =	vst v41;
	v41 =	vsel vm3, $0x180, v57  }
0xfe: {  	s17 =	simm.s32 $0x8000;
	s18 =	simm.s32 $0x2;
	v24 =	vsel vm1, $0x180, v24;
	v61 =	vsel vm8, $0x480, v60;
	_ =	strace $0x80000047;
	[tilespmem:$0x1FFD0] =	vst v41;
	v41 =	vsel vm3, $0x100, v59  }
0xff: {  	s19 =	simm.s32 $0xC000;
	s21 =	simm.s32 $0x10000;
	s22 =	simm.s32 $0x3;
	v23 =	vsel vm3, $0x200, v23;
	v24 =	vsel vm2, $0x200, v24;
	[tilespmem:$0x1FFE0] =	vst v41;
	v41 =	vsel vm7, $0x500, v61  }
0x100: {  	s23 =	simm.s32 $0x0;
	s1 =	sand.u32 $0x1, s1;
	s4 =	sshll.u32 s7, $0x1;
	v42 =	vsel vm7, $0x480, v62;
	v63 =	vsel vm7, $0x400, v54;
	v41 =	vsel vm6, $0x580, v41  }
0x101: {  	p0 =	seq.s32 s7, $0x0;
	s10 =	sadd.s32 $0xF4200, s0;
	s20 =	sor.u32 s1, s4;
	v42 =	vsel vm6, $0x500, v42;
	v43 =	vsel vm6, $0x480, v63;
	v41 =	vsel vm5, $0x600, v41  }
0x102: {  	s11 =	sadd.s32 $0x7A2000, s2;
	s1 =	ssub.s32 $0x2, s1;
	s5 =	smul.u32 $0x7A, s20;
	v42 =	vsel vm5, $0x580, v42;
	v43 =	vsel vm5, $0x500, v43;
	v41 =	vsel vm4, $0x680, v41  }
.Ltmp0:
0x103: {  	s6 =	smin.u32 s20, $0x2;
	s8 =	sshrl.u32 s1, $0x1;
	v42 =	vsel vm4, $0x600, v42;
	v43 =	vsel vm4, $0x580, v43;
	v41 =	vsel vm0, $0x700, v41;
	(pc) =	sbr.rel .LBB2_1-.Ltmp0, $4  }
0x104: {  	s4 =	sadd.s32 $0x1000, s2;
	s1 =	ssub.s32 s1, s8;
	s5 =	sadd.s32 s6, s5;
	v42 =	vsel vm0, $0x680, v42;
	v43 =	vsel vm0, $0x600, v43;
	v41 =	vsel vm1, $0x780, v41  }
0x105: {  	s6 =	simm.s32 $0x7B;
	s13 =	smax.u32 s1, $0x1;
	s31 =	sshll.u32 s5, $0x8;
	v42 =	vsel vm1, $0x700, v42;
	v43 =	vsel vm1, $0x680, v43;
	v41 =	vsel vm2, $0x0, v41  }
0x106: {  	s6 =	simm.s32 @!p0 $0x7A;
	p0 =	sne.s32 s20, $0x1F;
	s7 =	sadd.s32 s0, s31;
	v42 =	vsel vm2, $0x780, v42;
	v43 =	vsel vm2, $0x700, v43;
	v41 =	vsel vm3, $0x80, v41  }
0x107: {  	s20 =	simm.s32 $0x400;
	s9 =	sadd.s32 $0x2, s6;
	s8 =	sadd.s32 $0x100, s7;
	v24 =	vsel vm3, $0x280, v24;
	v55 =	vsel vm3, $0x0, v42;
	v56 =	vsel vm3, $0x780, v43;
	[tilespmem:$0x1FFF0] =	vst v41  }
.LBB2_21:
0x108: {  	s23 =	sadd.s32 $0x1, s23  }
0x109: {  	p1 =	sne.s32 s23, s13  }
.Ltmp1:
0x10a: {  	_ = 	snop;
	(pc) =	sbr.rel @!p1 .LBB2_22-.Ltmp1, $1  }
0x10b: {  	_ =	sdelay $0x3  }
.LBB2_1:
.Ltmp2:
0x10c: {  	(pc) =	sbr.rel .LBB2_2-.Ltmp2, $4  }
0x10d: {  	_ = 	snop  }
0x10e: {  	[tilespmem:s3], [sflag:$0x1] =	stream.strided.gather [hbm4b:s7+s12], $0x4000, s14, s12, $0x38;
	[tilespmem:$0x12000] =	vst v63  }
0x10f: {  	s24 =	simm.s32 $0x0  }
0x110: {  	[tilespmem:s15], [sflag:$0x2] =	stream.strided.gather [hbm4b:s8+s12], $0x4000, s14, s12, $0x38;
	[tilespmem:$0x12000] =	vst v63  }
.LBB2_14:
0x111: {  	s24 =	sadd.s32 $0x1, s24  }
0x112: {  	p1 =	sne.s32 s24, $0x3F  }
.Ltmp3:
0x113: {  	_ = 	snop;
	(pc) =	sbr.rel @!p1 .LBB2_15-.Ltmp3, $1  }
0x114: {  	_ =	sdelay $0x3  }
.LBB2_2:
0x115: {  	s25 =	sshll.u32 s24, $0x1;
	p1 =	seq.s32 s24, $0x0  }
0x116: {  	p2 =	sge.u32 @!p1 s25, s9;
	p3 =	sge.u32 s25, s6  }
.Ltmp4:
0x117: {  	p2 =	por p2, p1;
	(pc) =	sbr.rel @p3 .LBB2_8-.Ltmp4, $4  }
0x118: {  	s1 =	simm.s32 @!p2 $0x3  }
0x119: {  	_ =	swait.ge @!p2 [sflag:s1], $0x4000  }
0x11a: {  	[sflag:s1] =	ssyncset.done @!p2 $0x0  }
0x11b: {  	[sflag:s1] =	ssyncadd.s32 @!p2 $0xFFFFC000  }
0x11c: {  	_ =	swait.ge [sflag:s16], $0x4000  }
0x11d: {  	s26 =	simm.s32 $0x0;
	[sflag:s16] =	ssyncset.done $0x0  }
0x11e: {  	s28 =	simm.s32 $0x0;
	s29 =	simm.s32 $0x0;
	[sflag:s16] =	ssyncadd.s32 $0xFFFFC000  }
.LBB2_4:
0x11f: {  	s1 =	sshll.u32 s29, $0x4  }
0x120: {  	v41 =	vmov s1  }
0x121: {  	v49 =	vshll.u32 v41, $0x8  }
0x122: {  	v42 =	vmov s26;
	v41 =	vor.u32 v16, v49  }
0x123: {  	v42 =	vshll.u32 v42, $0x3;
	v41 =	vand.u32 $0x3800, v41  }
0x124: {  	v60 =	vor.u32 s26, v15;
	v50 =	vand.u32 $0x400, v42;
	v57 =	vor.u32 v17, v41  }
0x125: {  	v51 =	vand.u32 $0x7F, v60;
	v61 =	vor.u32 v57, v50  }
0x126: {  	v41 =	vor.u32 v51, v61;
	_ =	sdelay $0x1  }
0x127: {  	v62 =	vor.u32 v14, v49  }
0x128: {  	v42 =	vand.u32 $0x3800, v62  }
0x129: {  	v58 =	vor.u32 v18, v42  }
0x12a: {  	v63 =	vor.u32 s28, v25;
	v43 =	vor.u32 v58, v50;
	v41 =	vld.idx.msk [tilespmem:v41+s3+$0x0], $0xffff  }
0x12b: {  	v43 =	vor.u32 v51, v43;
	_ =	sdelay $0x1  }
0x12c: {  	v44 =	vor.u32 v13, v49  }
0x12d: {  	v44 =	vand.u32 $0x3800, v44  }
0x12e: {  	v59 =	vor.u32 v19, v44;
	[tilespmem:v63+s17+$0x0] =	vst.idx.msk $0xffff, v41  }
0x12f: {  	v48 =	vor.u32 s28, v26;
	v52 =	vor.u32 v59, v50;
	v41 =	vld.idx.msk [tilespmem:v43+s3+$0x0], $0xffff  }
0x130: {  	v43 =	vor.u32 v51, v52;
	_ =	sdelay $0x1  }
0x131: {  	v53 =	vor.u32 v12, v49  }
0x132: {  	v44 =	vand.u32 $0x3800, v53  }
0x133: {  	v60 =	vor.u32 v20, v44;
	[tilespmem:v48+s17+$0x0] =	vst.idx.msk $0xffff, v41  }
0x134: {  	v54 =	vor.u32 s28, v27;
	v62 =	vor.u32 v60, v50;
	v41 =	vld.idx.msk [tilespmem:v43+s3+$0x0], $0xffff  }
0x135: {  	v43 =	vor.u32 v51, v62;
	_ =	sdelay $0x1  }
0x136: {  	v63 =	vor.u32 v11, v49  }
0x137: {  	v44 =	vand.u32 $0x3800, v63  }
0x138: {  	v61 =	vor.u32 v21, v44;
	[tilespmem:v54+s17+$0x0] =	vst.idx.msk $0xffff, v41  }
0x139: {  	v52 =	vor.u32 v61, v50;
	v48 =	vor.u32 s28, v28;
	v41 =	vld.idx.msk [tilespmem:v43+s3+$0x0], $0xffff  }
0x13a: {  	v43 =	vor.u32 v51, v52;
	_ =	sdelay $0x1  }
0x13b: {  	v53 =	vor.u32 v10, v49  }
0x13c: {  	v44 =	vand.u32 $0x3800, v53  }
0x13d: {  	v62 =	vor.u32 v22, v44;
	[tilespmem:v48+s17+$0x0] =	vst.idx.msk $0xffff, v41  }
0x13e: {  	v47 =	vor.u32 v62, v50;
	v54 =	vor.u32 s28, v29;
	v41 =	vld.idx.msk [tilespmem:v43+s3+$0x0], $0xffff  }
0x13f: {  	v43 =	vor.u32 v51, v47;
	_ =	sdelay $0x1  }
0x140: {  	v48 =	vor.u32 v9, v49  }
0x141: {  	v44 =	vand.u32 $0x3800, v48  }
0x142: {  	v63 =	vor.u32 v23, v44;
	[tilespmem:v54+s17+$0x0] =	vst.idx.msk $0xffff, v41  }
0x143: {  	v52 =	vor.u32 s28, v30;
	v53 =	vor.u32 v63, v50;
	v42 =	vld.idx.msk [tilespmem:v43+s3+$0x0], $0xffff  }
0x144: {  	v54 =	vor.u32 v51, v53;
	_ =	sdelay $0x1  }
0x145: {  	v47 =	vor.u32 v8, v49  }
0x146: {  	v41 =	vand.u32 $0x3800, v47  }
0x147: {  	v41 =	vor.u32 v24, v41;
	[tilespmem:v52+s17+$0x0] =	vst.idx.msk $0xffff, v42  }
0x148: {  	v48 =	vor.u32 s28, v31;
	v52 =	vor.u32 v41, v50;
	v43 =	vld.idx.msk [tilespmem:v54+s3+$0x0], $0xffff  }
0x149: {  	v45 =	vor.u32 v51, v52;
	_ =	sdelay $0x1  }
0x14a: {  	v53 =	vor.u32 v7, v49  }
0x14b: {  	v42 =	vand.u32 $0x3800, v53  }
0x14c: {  	v42 =	vor.u32 v17, v42;
	[tilespmem:v48+s17+$0x0] =	vst.idx.msk $0xffff, v43  }
0x14d: {  	v54 =	vor.u32 s28, v32;
	v46 =	vor.u32 v42, v50;
	v44 =	vld.idx.msk [tilespmem:v45+s3+$0x0], $0xffff  }
0x14e: {  	v46 =	vor.u32 v51, v46;
	_ =	sdelay $0x1  }
0x14f: {  	v47 =	vor.u32 v6, v49  }
0x150: {  	v43 =	vand.u32 $0x3800, v47  }
0x151: {  	v43 =	vor.u32 v18, v43;
	[tilespmem:v54+s17+$0x0] =	vst.idx.msk $0xffff, v44  }
0x152: {  	v48 =	vor.u32 s28, v33;
	v52 =	vor.u32 v43, v50;
	v45 =	vld.idx.msk [tilespmem:v46+s3+$0x0], $0xffff  }
0x153: {  	v47 =	vor.u32 v51, v52;
	_ =	sdelay $0x1  }
0x154: {  	v53 =	vor.u32 v5, v49  }
0x155: {  	v44 =	vand.u32 $0x3800, v53  }
0x156: {  	v44 =	vor.u32 v19, v44;
	[tilespmem:v48+s17+$0x0] =	vst.idx.msk $0xffff, v45  }
0x157: {  	v54 =	vor.u32 s28, v34;
	v48 =	vor.u32 v44, v50;
	v46 =	vld.idx.msk [tilespmem:v47+s3+$0x0], $0xffff  }
0x158: {  	v48 =	vor.u32 v51, v48;
	_ =	sdelay $0x1  }
0x159: {  	v52 =	vor.u32 v4, v49  }
0x15a: {  	v45 =	vand.u32 $0x3800, v52  }
0x15b: {  	v45 =	vor.u32 v20, v45;
	[tilespmem:v54+s17+$0x0] =	vst.idx.msk $0xffff, v46  }
0x15c: {  	v53 =	vor.u32 v45, v50;
	v47 =	vld.idx.msk [tilespmem:v48+s3+$0x0], $0xffff;
	v48 =	vor.u32 s28, v35  }
0x15d: {  	v52 =	vor.u32 v51, v53;
	_ =	sdelay $0x1  }
0x15e: {  	v54 =	vor.u32 v3, v49  }
0x15f: {  	v46 =	vand.u32 $0x3800, v54  }
0x160: {  	v46 =	vor.u32 v21, v46;
	[tilespmem:v48+s17+$0x0] =	vst.idx.msk $0xffff, v47  }
0x161: {  	v53 =	vor.u32 v46, v50;
	v48 =	vld.idx.msk [tilespmem:v52+s3+$0x0], $0xffff;
	v52 =	vor.u32 s28, v36  }
0x162: {  	v53 =	vor.u32 v51, v53;
	_ =	sdelay $0x1  }
0x163: {  	v54 =	vor.u32 v2, v49  }
0x164: {  	v47 =	vand.u32 $0x3800, v54  }
0x165: {  	v47 =	vor.u32 v22, v47;
	[tilespmem:v52+s17+$0x0] =	vst.idx.msk $0xffff, v48  }
0x166: {  	v54 =	vor.u32 v47, v50;
	v52 =	vld.idx.msk [tilespmem:v53+s3+$0x0], $0xffff;
	v53 =	vor.u32 s28, v37  }
0x167: {  	v54 =	vor.u32 v51, v54;
	_ =	sdelay $0x1  }
0x168: {  	v48 =	vor.u32 v1, v49  }
0x169: {  	v48 =	vand.u32 $0x3800, v48  }
0x16a: {  	v48 =	vor.u32 v23, v48;
	[tilespmem:v53+s17+$0x0] =	vst.idx.msk $0xffff, v52  }
0x16b: {  	v53 =	vor.u32 s28, v38;
	v52 =	vld.idx.msk [tilespmem:v54+s3+$0x0], $0xffff;
	v54 =	vor.u32 v48, v50  }
0x16c: {  	v54 =	vor.u32 v51, v54;
	_ =	sdelay $0x1  }
0x16d: {  	v49 =	vor.u32 v0, v49  }
0x16e: {  	v49 =	vand.u32 $0x3800, v49  }
0x16f: {  	v49 =	vor.u32 v24, v49;
	[tilespmem:v53+s17+$0x0] =	vst.idx.msk $0xffff, v52  }
0x170: {  	v50 =	vor.u32 v49, v50;
	v53 =	vor.u32 s28, v39;
	v52 =	vld.idx.msk [tilespmem:v54+s3+$0x0], $0xffff  }
0x171: {  	v51 =	vor.u32 v51, v50;
	_ =	sdelay $0x1  }
0x172: {  	s31 =	simm.s32 $0x10  }
0x173: {  	s2 =	simm.s32 $0x20;
	s30 =	smov.u32 s28;
	v50 =	vmov s31  }
.LBB2_5:
0x174: {  	p2 =	sne.s32 s2, $0xF0;
	v50 =	vshll.u32 v50, $0x3;
	[tilespmem:v53+s17+$0x0] =	vst.idx.msk $0xffff, v52  }
0x175: {  	v52 =	vor.u32 s31, v15;
	s31 =	smov.u32 s2;
	v50 =	vand.u32 $0x400, v50;
	v53 =	vld.idx.msk [tilespmem:v51+s3+$0x0], $0xffff  }
0x176: {  	v54 =	vor.u32 s30, v40;
	v51 =	vand.u32 $0x7F, v52;
	v52 =	vor.u32 v57, v50  }
0x177: {  	v52 =	vor.u32 v51, v52;
	_ =	sdelay $0x3  }
0x178: {  	[tilespmem:v54+s17+$0x0] =	vst.idx.msk $0xffff, v53  }
0x179: {  	s30 =	sadd.s32 $0x400, s30;
	v52 =	vld.idx.msk [tilespmem:v52+s3+$0x0], $0xffff  }
0x17a: {  	v53 =	vor.u32 s30, v25;
	v54 =	vor.u32 v58, v50  }
0x17b: {  	v54 =	vor.u32 v51, v54;
	_ =	sdelay $0x3  }
0x17c: {  	[tilespmem:v53+s17+$0x0] =	vst.idx.msk $0xffff, v52  }
0x17d: {  	v52 =	vld.idx.msk [tilespmem:v54+s3+$0x0], $0xffff  }
0x17e: {  	v53 =	vor.u32 s30, v26;
	v54 =	vor.u32 v59, v50  }
0x17f: {  	v54 =	vor.u32 v51, v54;
	_ =	sdelay $0x3  }
0x180: {  	[tilespmem:v53+s17+$0x0] =	vst.idx.msk $0xffff, v52  }
0x181: {  	v52 =	vld.idx.msk [tilespmem:v54+s3+$0x0], $0xffff  }
0x182: {  	v53 =	vor.u32 s30, v27;
	v54 =	vor.u32 v60, v50  }
0x183: {  	v54 =	vor.u32 v51, v54;
	_ =	sdelay $0x3  }
0x184: {  	[tilespmem:v53+s17+$0x0] =	vst.idx.msk $0xffff, v52  }
0x185: {  	v52 =	vld.idx.msk [tilespmem:v54+s3+$0x0], $0xffff  }
0x186: {  	v53 =	vor.u32 s30, v28;
	v54 =	vor.u32 v61, v50  }
0x187: {  	v54 =	vor.u32 v51, v54;
	_ =	sdelay $0x3  }
0x188: {  	[tilespmem:v53+s17+$0x0] =	vst.idx.msk $0xffff, v52  }
0x189: {  	v52 =	vld.idx.msk [tilespmem:v54+s3+$0x0], $0xffff  }
0x18a: {  	v53 =	vor.u32 s30, v29;
	v54 =	vor.u32 v62, v50  }
0x18b: {  	v54 =	vor.u32 v51, v54;
	_ =	sdelay $0x3  }
0x18c: {  	[tilespmem:v53+s17+$0x0] =	vst.idx.msk $0xffff, v52  }
0x18d: {  	v52 =	vld.idx.msk [tilespmem:v54+s3+$0x0], $0xffff  }
0x18e: {  	v53 =	vor.u32 s30, v30;
	v54 =	vor.u32 v63, v50  }
0x18f: {  	v54 =	vor.u32 v51, v54;
	_ =	sdelay $0x3  }
0x190: {  	[tilespmem:v53+s17+$0x0] =	vst.idx.msk $0xffff, v52  }
0x191: {  	v52 =	vld.idx.msk [tilespmem:v54+s3+$0x0], $0xffff  }
0x192: {  	v53 =	vor.u32 s30, v31;
	v54 =	vor.u32 v41, v50  }
0x193: {  	v54 =	vor.u32 v51, v54;
	_ =	sdelay $0x3  }
0x194: {  	[tilespmem:v53+s17+$0x0] =	vst.idx.msk $0xffff, v52  }
0x195: {  	v52 =	vld.idx.msk [tilespmem:v54+s3+$0x0], $0xffff  }
0x196: {  	v53 =	vor.u32 s30, v32;
	v54 =	vor.u32 v42, v50  }
0x197: {  	v54 =	vor.u32 v51, v54;
	_ =	sdelay $0x3  }
0x198: {  	[tilespmem:v53+s17+$0x0] =	vst.idx.msk $0xffff, v52  }
0x199: {  	v52 =	vld.idx.msk [tilespmem:v54+s3+$0x0], $0xffff  }
0x19a: {  	v53 =	vor.u32 s30, v33;
	v54 =	vor.u32 v43, v50  }
0x19b: {  	v54 =	vor.u32 v51, v54;
	_ =	sdelay $0x3  }
0x19c: {  	[tilespmem:v53+s17+$0x0] =	vst.idx.msk $0xffff, v52  }
0x19d: {  	v52 =	vld.idx.msk [tilespmem:v54+s3+$0x0], $0xffff  }
0x19e: {  	v53 =	vor.u32 s30, v34;
	v54 =	vor.u32 v44, v50  }
0x19f: {  	v54 =	vor.u32 v51, v54;
	_ =	sdelay $0x3  }
0x1a0: {  	[tilespmem:v53+s17+$0x0] =	vst.idx.msk $0xffff, v52  }
0x1a1: {  	v52 =	vld.idx.msk [tilespmem:v54+s3+$0x0], $0xffff  }
0x1a2: {  	v53 =	vor.u32 s30, v35;
	v54 =	vor.u32 v45, v50  }
0x1a3: {  	v54 =	vor.u32 v51, v54;
	_ =	sdelay $0x3  }
0x1a4: {  	[tilespmem:v53+s17+$0x0] =	vst.idx.msk $0xffff, v52  }
0x1a5: {  	v52 =	vld.idx.msk [tilespmem:v54+s3+$0x0], $0xffff  }
0x1a6: {  	v53 =	vor.u32 s30, v36;
	v54 =	vor.u32 v46, v50  }
0x1a7: {  	v54 =	vor.u32 v51, v54;
	_ =	sdelay $0x3  }
0x1a8: {  	[tilespmem:v53+s17+$0x0] =	vst.idx.msk $0xffff, v52  }
0x1a9: {  	v52 =	vld.idx.msk [tilespmem:v54+s3+$0x0], $0xffff  }
0x1aa: {  	v53 =	vor.u32 s30, v37;
	v54 =	vor.u32 v47, v50  }
0x1ab: {  	v54 =	vor.u32 v51, v54;
	_ =	sdelay $0x3  }
0x1ac: {  	[tilespmem:v53+s17+$0x0] =	vst.idx.msk $0xffff, v52  }
0x1ad: {  	v52 =	vld.idx.msk [tilespmem:v54+s3+$0x0], $0xffff  }
0x1ae: {  	v53 =	vor.u32 s30, v38;
	v54 =	vor.u32 v48, v50  }
0x1af: {  	v54 =	vor.u32 v51, v54;
	_ =	sdelay $0x3  }
0x1b0: {  	[tilespmem:v53+s17+$0x0] =	vst.idx.msk $0xffff, v52  }
0x1b1: {  	v52 =	vld.idx.msk [tilespmem:v54+s3+$0x0], $0xffff  }
.Ltmp5:
0x1b2: {  	v50 =	vor.u32 v49, v50;
	v53 =	vor.u32 s30, v39;
	(pc) =	sbr.rel @p2 .LBB2_5-.Ltmp5, $2  }
0x1b3: {  	v51 =	vor.u32 v51, v50;
	_ =	sdelay $0x2  }
0x1b4: {  	s2 =	sadd.s32 $0x10, s2;
	v50 =	vmov s31  }
0x1b5: {  	_ =	sdelay $0x2  }
0x1b6: {  	v50 =	vshll.u32 v50, $0x3  }
0x1b7: {  	[tilespmem:v53+s17+$0x0] =	vst.idx.msk $0xffff, v52;
	v52 =	vor.u32 s31, v15;
	v50 =	vand.u32 $0x400, v50  }
0x1b8: {  	v54 =	vor.u32 s30, v40;
	v51 =	vld.idx.msk [tilespmem:v51+s3+$0x0], $0xffff;
	v52 =	vand.u32 $0x7F, v52;
	v57 =	vor.u32 v57, v50  }
0x1b9: {  	v53 =	vor.u32 v52, v57;
	_ =	sdelay $0x3  }
0x1ba: {  	s1 =	sadd.s32 $0x400, s30;
	[tilespmem:v54+s17+$0x0] =	vst.idx.msk $0xffff, v51  }
0x1bb: {  	v58 =	vor.u32 v58, v50;
	v57 =	vor.u32 s1, v25;
	v51 =	vld.idx.msk [tilespmem:v53+s3+$0x0], $0xffff  }
0x1bc: {  	v54 =	vor.u32 v52, v58;
	_ =	sdelay $0x3  }
0x1bd: {  	[tilespmem:v57+s17+$0x0] =	vst.idx.msk $0xffff, v51  }
0x1be: {  	v58 =	vor.u32 v59, v50;
	v57 =	vor.u32 s1, v26;
	v51 =	vld.idx.msk [tilespmem:v54+s3+$0x0], $0xffff  }
0x1bf: {  	v54 =	vor.u32 v52, v58;
	_ =	sdelay $0x3  }
0x1c0: {  	[tilespmem:v57+s17+$0x0] =	vst.idx.msk $0xffff, v51  }
0x1c1: {  	v59 =	vor.u32 s1, v27;
	v57 =	vor.u32 v60, v50;
	v51 =	vld.idx.msk [tilespmem:v54+s3+$0x0], $0xffff  }
0x1c2: {  	v54 =	vor.u32 v52, v57;
	_ =	sdelay $0x3  }
0x1c3: {  	[tilespmem:v59+s17+$0x0] =	vst.idx.msk $0xffff, v51  }
0x1c4: {  	v58 =	vor.u32 s1, v28;
	v59 =	vor.u32 v61, v50;
	v51 =	vld.idx.msk [tilespmem:v54+s3+$0x0], $0xffff  }
0x1c5: {  	v54 =	vor.u32 v52, v59;
	_ =	sdelay $0x3  }
0x1c6: {  	[tilespmem:v58+s17+$0x0] =	vst.idx.msk $0xffff, v51  }
0x1c7: {  	v60 =	vor.u32 s1, v29;
	v61 =	vor.u32 v62, v50;
	v51 =	vld.idx.msk [tilespmem:v54+s3+$0x0], $0xffff  }
0x1c8: {  	v54 =	vor.u32 v52, v61;
	_ =	sdelay $0x3  }
0x1c9: {  	[tilespmem:v60+s17+$0x0] =	vst.idx.msk $0xffff, v51  }
0x1ca: {  	v57 =	vor.u32 v63, v50;
	v62 =	vor.u32 s1, v30;
	v51 =	vld.idx.msk [tilespmem:v54+s3+$0x0], $0xffff  }
0x1cb: {  	v54 =	vor.u32 v52, v57;
	_ =	sdelay $0x3  }
0x1cc: {  	[tilespmem:v62+s17+$0x0] =	vst.idx.msk $0xffff, v51  }
0x1cd: {  	v41 =	vor.u32 v41, v50;
	v58 =	vor.u32 s1, v31;
	v51 =	vld.idx.msk [tilespmem:v54+s3+$0x0], $0xffff  }
0x1ce: {  	v41 =	vor.u32 v52, v41;
	_ =	sdelay $0x3  }
0x1cf: {  	[tilespmem:v58+s17+$0x0] =	vst.idx.msk $0xffff, v51  }
0x1d0: {  	v42 =	vor.u32 v42, v50;
	v59 =	vor.u32 s1, v32;
	v41 =	vld.idx.msk [tilespmem:v41+s3+$0x0], $0xffff  }
0x1d1: {  	v42 =	vor.u32 v52, v42;
	_ =	sdelay $0x3  }
0x1d2: {  	[tilespmem:v59+s17+$0x0] =	vst.idx.msk $0xffff, v41  }
0x1d3: {  	v43 =	vor.u32 v43, v50;
	v60 =	vor.u32 s1, v33;
	v41 =	vld.idx.msk [tilespmem:v42+s3+$0x0], $0xffff  }
0x1d4: {  	v43 =	vor.u32 v52, v43;
	_ =	sdelay $0x3  }
0x1d5: {  	[tilespmem:v60+s17+$0x0] =	vst.idx.msk $0xffff, v41  }
0x1d6: {  	v61 =	vor.u32 s1, v34;
	v62 =	vor.u32 v44, v50;
	v41 =	vld.idx.msk [tilespmem:v43+s3+$0x0], $0xffff  }
0x1d7: {  	v43 =	vor.u32 v52, v62;
	_ =	sdelay $0x3  }
0x1d8: {  	[tilespmem:v61+s17+$0x0] =	vst.idx.msk $0xffff, v41  }
0x1d9: {  	v63 =	vor.u32 s1, v35;
	v51 =	vor.u32 v45, v50;
	v41 =	vld.idx.msk [tilespmem:v43+s3+$0x0], $0xffff  }
0x1da: {  	v43 =	vor.u32 v52, v51;
	_ =	sdelay $0x3  }
0x1db: {  	[tilespmem:v63+s17+$0x0] =	vst.idx.msk $0xffff, v41  }
0x1dc: {  	v53 =	vor.u32 s1, v36;
	v54 =	vor.u32 v46, v50;
	v41 =	vld.idx.msk [tilespmem:v43+s3+$0x0], $0xffff  }
0x1dd: {  	v43 =	vor.u32 v52, v54;
	_ =	sdelay $0x3  }
0x1de: {  	[tilespmem:v53+s17+$0x0] =	vst.idx.msk $0xffff, v41  }
0x1df: {  	v57 =	vor.u32 s1, v37;
	v58 =	vor.u32 v47, v50;
	v41 =	vld.idx.msk [tilespmem:v43+s3+$0x0], $0xffff  }
0x1e0: {  	v43 =	vor.u32 v52, v58;
	_ =	sdelay $0x3  }
0x1e1: {  	[tilespmem:v57+s17+$0x0] =	vst.idx.msk $0xffff, v41  }
0x1e2: {  	v59 =	vor.u32 s1, v38;
	v60 =	vor.u32 v48, v50;
	v41 =	vld.idx.msk [tilespmem:v43+s3+$0x0], $0xffff  }
0x1e3: {  	v43 =	vor.u32 v52, v60;
	_ =	sdelay $0x3  }
0x1e4: {  	[tilespmem:v59+s17+$0x0] =	vst.idx.msk $0xffff, v41  }
0x1e5: {  	v62 =	vor.u32 v49, v50;
	v61 =	vor.u32 s1, v39;
	v41 =	vld.idx.msk [tilespmem:v43+s3+$0x0], $0xffff  }
0x1e6: {  	v43 =	vor.u32 v52, v62;
	_ =	sdelay $0x3  }
0x1e7: {  	s29 =	sadd.s32 $0x1, s29;
	[tilespmem:v61+s17+$0x0] =	vst.idx.msk $0xffff, v41  }
0x1e8: {  	p2 =	sne.s32 s29, $0x4;
	v63 =	vor.u32 s1, v40;
	v41 =	vld.idx.msk [tilespmem:v43+s3+$0x0], $0xffff  }
.Ltmp6:
0x1e9: {  	_ = 	snop;
	(pc) =	sbr.rel @p2 .LBB2_4-.Ltmp6, $2  }
0x1ea: {  	_ =	sdelay $0x2  }
0x1eb: {  	s28 =	sadd.s32 $0x10, s28;
	[tilespmem:v63+s17+$0x0] =	vst.idx.msk $0xffff, v41  }
0x1ec: {  	s1 =	sadd.s32 s5, s25  }
0x1ed: {  	s1 =	sshll.u32 s1, $0xB  }
0x1ee: {  	s1 =	sand.u32 $0x1FFFF800, s1  }
0x1ef: {  	s1 =	sadd.s32 s4, s1  }
0x1f0: {  	[hbm4b:s1+s3] =	stream.linear.scatter [tilespmem:s17], [sflag:$0x3], $0x4000, $0x38;
	[tilespmem:$0x12000] =	vst v63  }
0x1f1: {  	s1 =	sadd.s32 $0x2, s25  }
0x1f2: {  	p2 =	sge.u32 s1, s6  }
0x1f3: {  	s1 =	sadd.s32 @!p2 s5, s1  }
0x1f4: {  	s1 =	sshll.u32 @!p2 s1, $0x8  }
0x1f5: {  	s2 =	simm.s32 @!p2 $0x800;
	s1 =	sand.u32 @!p2 $0x1FFFFF00, s1  }
0x1f6: {  	s26 =	simm.s32 @!p2 $0x7A1400;
	s28 =	simm.s32 @!p2 $0x0;
	s1 =	sadd.s32 @!p2 s0, s1  }
0x1f7: {  	[tilespmem:s28], [sflag:$0x1] =	stream.strided.gather @!p2 [hbm4b:s1+s2], $0x4000, s26, s2, $0x38;
	[tilespmem:$0x12000] =	vst v63  }
.LBB2_8:
0x1f8: {  	p2 =	sgt.u32 @!p1 s25, s6;
	s26 =	sor.u32 $0x1, s25  }
0x1f9: {  	p1 =	por p2, p1;
	p2 =	sge.u32 s26, s6  }
.Ltmp7:
0x1fa: {  	_ = 	snop;
	(pc) =	sbr.rel @p2 .LBB2_14-.Ltmp7, $4  }
0x1fb: {  	s1 =	simm.s32 @!p1 $0x4  }
0x1fc: {  	_ =	swait.ge @!p1 [sflag:s1], $0x4000  }
0x1fd: {  	[sflag:s1] =	ssyncset.done @!p1 $0x0  }
0x1fe: {  	[sflag:s1] =	ssyncadd.s32 @!p1 $0xFFFFC000  }
0x1ff: {  	_ =	swait.ge [sflag:s18], $0x4000  }
0x200: {  	s28 =	simm.s32 $0x0;
	[sflag:s18] =	ssyncset.done $0x0  }
0x201: {  	s29 =	simm.s32 $0x0;
	s30 =	simm.s32 $0x0;
	[sflag:s18] =	ssyncadd.s32 $0xFFFFC000  }
.LBB2_10:
0x202: {  	s1 =	sshll.u32 s30, $0x4  }
0x203: {  	v41 =	vmov s1  }
0x204: {  	v49 =	vshll.u32 v41, $0x8  }
0x205: {  	v42 =	vmov s28;
	v41 =	vor.u32 v16, v49  }
0x206: {  	v42 =	vshll.u32 v42, $0x3;
	v41 =	vand.u32 $0x3800, v41  }
0x207: {  	v60 =	vor.u32 s28, v15;
	v50 =	vand.u32 $0x400, v42;
	v57 =	vor.u32 v17, v41  }
0x208: {  	v51 =	vand.u32 $0x7F, v60;
	v61 =	vor.u32 v57, v50  }
0x209: {  	v41 =	vor.u32 v51, v61;
	_ =	sdelay $0x1  }
0x20a: {  	v62 =	vor.u32 v14, v49  }
0x20b: {  	v42 =	vand.u32 $0x3800, v62  }
0x20c: {  	v58 =	vor.u32 v18, v42  }
0x20d: {  	v63 =	vor.u32 s29, v25;
	v43 =	vor.u32 v58, v50;
	v41 =	vld.idx.msk [tilespmem:v41+s15+$0x0], $0xffff  }
0x20e: {  	v43 =	vor.u32 v51, v43;
	_ =	sdelay $0x1  }
0x20f: {  	v44 =	vor.u32 v13, v49  }
0x210: {  	v44 =	vand.u32 $0x3800, v44  }
0x211: {  	v59 =	vor.u32 v19, v44;
	[tilespmem:v63+s19+$0x0] =	vst.idx.msk $0xffff, v41  }
0x212: {  	v48 =	vor.u32 s29, v26;
	v52 =	vor.u32 v59, v50;
	v41 =	vld.idx.msk [tilespmem:v43+s15+$0x0], $0xffff  }
0x213: {  	v43 =	vor.u32 v51, v52;
	_ =	sdelay $0x1  }
0x214: {  	v53 =	vor.u32 v12, v49  }
0x215: {  	v44 =	vand.u32 $0x3800, v53  }
0x216: {  	v60 =	vor.u32 v20, v44;
	[tilespmem:v48+s19+$0x0] =	vst.idx.msk $0xffff, v41  }
0x217: {  	v54 =	vor.u32 s29, v27;
	v62 =	vor.u32 v60, v50;
	v41 =	vld.idx.msk [tilespmem:v43+s15+$0x0], $0xffff  }
0x218: {  	v43 =	vor.u32 v51, v62;
	_ =	sdelay $0x1  }
0x219: {  	v63 =	vor.u32 v11, v49  }
0x21a: {  	v44 =	vand.u32 $0x3800, v63  }
0x21b: {  	v61 =	vor.u32 v21, v44;
	[tilespmem:v54+s19+$0x0] =	vst.idx.msk $0xffff, v41  }
0x21c: {  	v52 =	vor.u32 v61, v50;
	v48 =	vor.u32 s29, v28;
	v41 =	vld.idx.msk [tilespmem:v43+s15+$0x0], $0xffff  }
0x21d: {  	v43 =	vor.u32 v51, v52;
	_ =	sdelay $0x1  }
0x21e: {  	v53 =	vor.u32 v10, v49  }
0x21f: {  	v44 =	vand.u32 $0x3800, v53  }
0x220: {  	v62 =	vor.u32 v22, v44;
	[tilespmem:v48+s19+$0x0] =	vst.idx.msk $0xffff, v41  }
0x221: {  	v47 =	vor.u32 v62, v50;
	v54 =	vor.u32 s29, v29;
	v41 =	vld.idx.msk [tilespmem:v43+s15+$0x0], $0xffff  }
0x222: {  	v43 =	vor.u32 v51, v47;
	_ =	sdelay $0x1  }
0x223: {  	v48 =	vor.u32 v9, v49  }
0x224: {  	v44 =	vand.u32 $0x3800, v48  }
0x225: {  	v63 =	vor.u32 v23, v44;
	[tilespmem:v54+s19+$0x0] =	vst.idx.msk $0xffff, v41  }
0x226: {  	v52 =	vor.u32 s29, v30;
	v53 =	vor.u32 v63, v50;
	v42 =	vld.idx.msk [tilespmem:v43+s15+$0x0], $0xffff  }
0x227: {  	v54 =	vor.u32 v51, v53;
	_ =	sdelay $0x1  }
0x228: {  	v47 =	vor.u32 v8, v49  }
0x229: {  	v41 =	vand.u32 $0x3800, v47  }
0x22a: {  	v41 =	vor.u32 v24, v41;
	[tilespmem:v52+s19+$0x0] =	vst.idx.msk $0xffff, v42  }
0x22b: {  	v48 =	vor.u32 s29, v31;
	v52 =	vor.u32 v41, v50;
	v43 =	vld.idx.msk [tilespmem:v54+s15+$0x0], $0xffff  }
0x22c: {  	v45 =	vor.u32 v51, v52;
	_ =	sdelay $0x1  }
0x22d: {  	v53 =	vor.u32 v7, v49  }
0x22e: {  	v42 =	vand.u32 $0x3800, v53  }
0x22f: {  	v42 =	vor.u32 v17, v42;
	[tilespmem:v48+s19+$0x0] =	vst.idx.msk $0xffff, v43  }
0x230: {  	v54 =	vor.u32 s29, v32;
	v46 =	vor.u32 v42, v50;
	v44 =	vld.idx.msk [tilespmem:v45+s15+$0x0], $0xffff  }
0x231: {  	v46 =	vor.u32 v51, v46;
	_ =	sdelay $0x1  }
0x232: {  	v47 =	vor.u32 v6, v49  }
0x233: {  	v43 =	vand.u32 $0x3800, v47  }
0x234: {  	v43 =	vor.u32 v18, v43;
	[tilespmem:v54+s19+$0x0] =	vst.idx.msk $0xffff, v44  }
0x235: {  	v48 =	vor.u32 s29, v33;
	v52 =	vor.u32 v43, v50;
	v45 =	vld.idx.msk [tilespmem:v46+s15+$0x0], $0xffff  }
0x236: {  	v47 =	vor.u32 v51, v52;
	_ =	sdelay $0x1  }
0x237: {  	v53 =	vor.u32 v5, v49  }
0x238: {  	v44 =	vand.u32 $0x3800, v53  }
0x239: {  	v44 =	vor.u32 v19, v44;
	[tilespmem:v48+s19+$0x0] =	vst.idx.msk $0xffff, v45  }
0x23a: {  	v54 =	vor.u32 s29, v34;
	v48 =	vor.u32 v44, v50;
	v46 =	vld.idx.msk [tilespmem:v47+s15+$0x0], $0xffff  }
0x23b: {  	v48 =	vor.u32 v51, v48;
	_ =	sdelay $0x1  }
0x23c: {  	v52 =	vor.u32 v4, v49  }
0x23d: {  	v45 =	vand.u32 $0x3800, v52  }
0x23e: {  	v45 =	vor.u32 v20, v45;
	[tilespmem:v54+s19+$0x0] =	vst.idx.msk $0xffff, v46  }
0x23f: {  	v53 =	vor.u32 v45, v50;
	v47 =	vld.idx.msk [tilespmem:v48+s15+$0x0], $0xffff;
	v48 =	vor.u32 s29, v35  }
0x240: {  	v52 =	vor.u32 v51, v53;
	_ =	sdelay $0x1  }
0x241: {  	v54 =	vor.u32 v3, v49  }
0x242: {  	v46 =	vand.u32 $0x3800, v54  }
0x243: {  	v46 =	vor.u32 v21, v46;
	[tilespmem:v48+s19+$0x0] =	vst.idx.msk $0xffff, v47  }
0x244: {  	v53 =	vor.u32 v46, v50;
	v48 =	vld.idx.msk [tilespmem:v52+s15+$0x0], $0xffff;
	v52 =	vor.u32 s29, v36  }
0x245: {  	v53 =	vor.u32 v51, v53;
	_ =	sdelay $0x1  }
0x246: {  	v54 =	vor.u32 v2, v49  }
0x247: {  	v47 =	vand.u32 $0x3800, v54  }
0x248: {  	v47 =	vor.u32 v22, v47;
	[tilespmem:v52+s19+$0x0] =	vst.idx.msk $0xffff, v48  }
0x249: {  	v54 =	vor.u32 v47, v50;
	v52 =	vld.idx.msk [tilespmem:v53+s15+$0x0], $0xffff;
	v53 =	vor.u32 s29, v37  }
0x24a: {  	v54 =	vor.u32 v51, v54;
	_ =	sdelay $0x1  }
0x24b: {  	v48 =	vor.u32 v1, v49  }
0x24c: {  	v48 =	vand.u32 $0x3800, v48  }
0x24d: {  	v48 =	vor.u32 v23, v48;
	[tilespmem:v53+s19+$0x0] =	vst.idx.msk $0xffff, v52  }
0x24e: {  	v53 =	vor.u32 s29, v38;
	v52 =	vld.idx.msk [tilespmem:v54+s15+$0x0], $0xffff;
	v54 =	vor.u32 v48, v50  }
0x24f: {  	v54 =	vor.u32 v51, v54;
	_ =	sdelay $0x1  }
0x250: {  	v49 =	vor.u32 v0, v49  }
0x251: {  	v49 =	vand.u32 $0x3800, v49  }
0x252: {  	v49 =	vor.u32 v24, v49;
	[tilespmem:v53+s19+$0x0] =	vst.idx.msk $0xffff, v52  }
0x253: {  	v50 =	vor.u32 v49, v50;
	v53 =	vor.u32 s29, v39;
	v52 =	vld.idx.msk [tilespmem:v54+s15+$0x0], $0xffff  }
0x254: {  	v51 =	vor.u32 v51, v50;
	_ =	sdelay $0x1  }
0x255: {  	s2 =	simm.s32 $0x10  }
0x256: {  	s31 =	smov.u32 s29;
	s1 =	simm.s32 $0x20;
	v50 =	vmov s2  }
.LBB2_11:
0x257: {  	p1 =	sne.s32 s1, $0xF0;
	v50 =	vshll.u32 v50, $0x3;
	[tilespmem:v53+s19+$0x0] =	vst.idx.msk $0xffff, v52  }
0x258: {  	v52 =	vor.u32 s2, v15;
	s2 =	smov.u32 s1;
	v50 =	vand.u32 $0x400, v50;
	v53 =	vld.idx.msk [tilespmem:v51+s15+$0x0], $0xffff  }
0x259: {  	v54 =	vor.u32 s31, v40;
	v51 =	vand.u32 $0x7F, v52;
	v52 =	vor.u32 v57, v50  }
0x25a: {  	v52 =	vor.u32 v51, v52;
	_ =	sdelay $0x3  }
0x25b: {  	[tilespmem:v54+s19+$0x0] =	vst.idx.msk $0xffff, v53  }
0x25c: {  	s31 =	sadd.s32 $0x400, s31;
	v52 =	vld.idx.msk [tilespmem:v52+s15+$0x0], $0xffff  }
0x25d: {  	v53 =	vor.u32 s31, v25;
	v54 =	vor.u32 v58, v50  }
0x25e: {  	v54 =	vor.u32 v51, v54;
	_ =	sdelay $0x3  }
0x25f: {  	[tilespmem:v53+s19+$0x0] =	vst.idx.msk $0xffff, v52  }
0x260: {  	v52 =	vld.idx.msk [tilespmem:v54+s15+$0x0], $0xffff  }
0x261: {  	v53 =	vor.u32 s31, v26;
	v54 =	vor.u32 v59, v50  }
0x262: {  	v54 =	vor.u32 v51, v54;
	_ =	sdelay $0x3  }
0x263: {  	[tilespmem:v53+s19+$0x0] =	vst.idx.msk $0xffff, v52  }
0x264: {  	v52 =	vld.idx.msk [tilespmem:v54+s15+$0x0], $0xffff  }
0x265: {  	v53 =	vor.u32 s31, v27;
	v54 =	vor.u32 v60, v50  }
0x266: {  	v54 =	vor.u32 v51, v54;
	_ =	sdelay $0x3  }
0x267: {  	[tilespmem:v53+s19+$0x0] =	vst.idx.msk $0xffff, v52  }
0x268: {  	v52 =	vld.idx.msk [tilespmem:v54+s15+$0x0], $0xffff  }
0x269: {  	v53 =	vor.u32 s31, v28;
	v54 =	vor.u32 v61, v50  }
0x26a: {  	v54 =	vor.u32 v51, v54;
	_ =	sdelay $0x3  }
0x26b: {  	[tilespmem:v53+s19+$0x0] =	vst.idx.msk $0xffff, v52  }
0x26c: {  	v52 =	vld.idx.msk [tilespmem:v54+s15+$0x0], $0xffff  }
0x26d: {  	v53 =	vor.u32 s31, v29;
	v54 =	vor.u32 v62, v50  }
0x26e: {  	v54 =	vor.u32 v51, v54;
	_ =	sdelay $0x3  }
0x26f: {  	[tilespmem:v53+s19+$0x0] =	vst.idx.msk $0xffff, v52  }
0x270: {  	v52 =	vld.idx.msk [tilespmem:v54+s15+$0x0], $0xffff  }
0x271: {  	v53 =	vor.u32 s31, v30;
	v54 =	vor.u32 v63, v50  }
0x272: {  	v54 =	vor.u32 v51, v54;
	_ =	sdelay $0x3  }
0x273: {  	[tilespmem:v53+s19+$0x0] =	vst.idx.msk $0xffff, v52  }
0x274: {  	v52 =	vld.idx.msk [tilespmem:v54+s15+$0x0], $0xffff  }
0x275: {  	v53 =	vor.u32 s31, v31;
	v54 =	vor.u32 v41, v50  }
0x276: {  	v54 =	vor.u32 v51, v54;
	_ =	sdelay $0x3  }
0x277: {  	[tilespmem:v53+s19+$0x0] =	vst.idx.msk $0xffff, v52  }
0x278: {  	v52 =	vld.idx.msk [tilespmem:v54+s15+$0x0], $0xffff  }
0x279: {  	v53 =	vor.u32 s31, v32;
	v54 =	vor.u32 v42, v50  }
0x27a: {  	v54 =	vor.u32 v51, v54;
	_ =	sdelay $0x3  }
0x27b: {  	[tilespmem:v53+s19+$0x0] =	vst.idx.msk $0xffff, v52  }
0x27c: {  	v52 =	vld.idx.msk [tilespmem:v54+s15+$0x0], $0xffff  }
0x27d: {  	v53 =	vor.u32 s31, v33;
	v54 =	vor.u32 v43, v50  }
0x27e: {  	v54 =	vor.u32 v51, v54;
	_ =	sdelay $0x3  }
0x27f: {  	[tilespmem:v53+s19+$0x0] =	vst.idx.msk $0xffff, v52  }
0x280: {  	v52 =	vld.idx.msk [tilespmem:v54+s15+$0x0], $0xffff  }
0x281: {  	v53 =	vor.u32 s31, v34;
	v54 =	vor.u32 v44, v50  }
0x282: {  	v54 =	vor.u32 v51, v54;
	_ =	sdelay $0x3  }
0x283: {  	[tilespmem:v53+s19+$0x0] =	vst.idx.msk $0xffff, v52  }
0x284: {  	v52 =	vld.idx.msk [tilespmem:v54+s15+$0x0], $0xffff  }
0x285: {  	v53 =	vor.u32 s31, v35;
	v54 =	vor.u32 v45, v50  }
0x286: {  	v54 =	vor.u32 v51, v54;
	_ =	sdelay $0x3  }
0x287: {  	[tilespmem:v53+s19+$0x0] =	vst.idx.msk $0xffff, v52  }
0x288: {  	v52 =	vld.idx.msk [tilespmem:v54+s15+$0x0], $0xffff  }
0x289: {  	v53 =	vor.u32 s31, v36;
	v54 =	vor.u32 v46, v50  }
0x28a: {  	v54 =	vor.u32 v51, v54;
	_ =	sdelay $0x3  }
0x28b: {  	[tilespmem:v53+s19+$0x0] =	vst.idx.msk $0xffff, v52  }
0x28c: {  	v52 =	vld.idx.msk [tilespmem:v54+s15+$0x0], $0xffff  }
0x28d: {  	v53 =	vor.u32 s31, v37;
	v54 =	vor.u32 v47, v50  }
0x28e: {  	v54 =	vor.u32 v51, v54;
	_ =	sdelay $0x3  }
0x28f: {  	[tilespmem:v53+s19+$0x0] =	vst.idx.msk $0xffff, v52  }
0x290: {  	v52 =	vld.idx.msk [tilespmem:v54+s15+$0x0], $0xffff  }
0x291: {  	v53 =	vor.u32 s31, v38;
	v54 =	vor.u32 v48, v50  }
0x292: {  	v54 =	vor.u32 v51, v54;
	_ =	sdelay $0x3  }
0x293: {  	[tilespmem:v53+s19+$0x0] =	vst.idx.msk $0xffff, v52  }
0x294: {  	v52 =	vld.idx.msk [tilespmem:v54+s15+$0x0], $0xffff  }
.Ltmp8:
0x295: {  	v50 =	vor.u32 v49, v50;
	v53 =	vor.u32 s31, v39;
	(pc) =	sbr.rel @p1 .LBB2_11-.Ltmp8, $2  }
0x296: {  	v51 =	vor.u32 v51, v50;
	_ =	sdelay $0x2  }
0x297: {  	s1 =	sadd.s32 $0x10, s1;
	v50 =	vmov s2  }
0x298: {  	_ =	sdelay $0x2  }
0x299: {  	v50 =	vshll.u32 v50, $0x3  }
0x29a: {  	[tilespmem:v53+s19+$0x0] =	vst.idx.msk $0xffff, v52;
	v52 =	vor.u32 s2, v15;
	v50 =	vand.u32 $0x400, v50  }
0x29b: {  	v54 =	vor.u32 s31, v40;
	v51 =	vld.idx.msk [tilespmem:v51+s15+$0x0], $0xffff;
	v52 =	vand.u32 $0x7F, v52;
	v57 =	vor.u32 v57, v50  }
0x29c: {  	v53 =	vor.u32 v52, v57;
	_ =	sdelay $0x3  }
0x29d: {  	s1 =	sadd.s32 $0x400, s31;
	[tilespmem:v54+s19+$0x0] =	vst.idx.msk $0xffff, v51  }
0x29e: {  	v58 =	vor.u32 v58, v50;
	v57 =	vor.u32 s1, v25;
	v51 =	vld.idx.msk [tilespmem:v53+s15+$0x0], $0xffff  }
0x29f: {  	v54 =	vor.u32 v52, v58;
	_ =	sdelay $0x3  }
0x2a0: {  	[tilespmem:v57+s19+$0x0] =	vst.idx.msk $0xffff, v51  }
0x2a1: {  	v58 =	vor.u32 v59, v50;
	v57 =	vor.u32 s1, v26;
	v51 =	vld.idx.msk [tilespmem:v54+s15+$0x0], $0xffff  }
0x2a2: {  	v54 =	vor.u32 v52, v58;
	_ =	sdelay $0x3  }
0x2a3: {  	[tilespmem:v57+s19+$0x0] =	vst.idx.msk $0xffff, v51  }
0x2a4: {  	v59 =	vor.u32 s1, v27;
	v57 =	vor.u32 v60, v50;
	v51 =	vld.idx.msk [tilespmem:v54+s15+$0x0], $0xffff  }
0x2a5: {  	v54 =	vor.u32 v52, v57;
	_ =	sdelay $0x3  }
0x2a6: {  	[tilespmem:v59+s19+$0x0] =	vst.idx.msk $0xffff, v51  }
0x2a7: {  	v58 =	vor.u32 s1, v28;
	v59 =	vor.u32 v61, v50;
	v51 =	vld.idx.msk [tilespmem:v54+s15+$0x0], $0xffff  }
0x2a8: {  	v54 =	vor.u32 v52, v59;
	_ =	sdelay $0x3  }
0x2a9: {  	[tilespmem:v58+s19+$0x0] =	vst.idx.msk $0xffff, v51  }
0x2aa: {  	v60 =	vor.u32 s1, v29;
	v61 =	vor.u32 v62, v50;
	v51 =	vld.idx.msk [tilespmem:v54+s15+$0x0], $0xffff  }
0x2ab: {  	v54 =	vor.u32 v52, v61;
	_ =	sdelay $0x3  }
0x2ac: {  	[tilespmem:v60+s19+$0x0] =	vst.idx.msk $0xffff, v51  }
0x2ad: {  	v57 =	vor.u32 v63, v50;
	v62 =	vor.u32 s1, v30;
	v51 =	vld.idx.msk [tilespmem:v54+s15+$0x0], $0xffff  }
0x2ae: {  	v54 =	vor.u32 v52, v57;
	_ =	sdelay $0x3  }
0x2af: {  	[tilespmem:v62+s19+$0x0] =	vst.idx.msk $0xffff, v51  }
0x2b0: {  	v41 =	vor.u32 v41, v50;
	v58 =	vor.u32 s1, v31;
	v51 =	vld.idx.msk [tilespmem:v54+s15+$0x0], $0xffff  }
0x2b1: {  	v41 =	vor.u32 v52, v41;
	_ =	sdelay $0x3  }
0x2b2: {  	[tilespmem:v58+s19+$0x0] =	vst.idx.msk $0xffff, v51  }
0x2b3: {  	v42 =	vor.u32 v42, v50;
	v59 =	vor.u32 s1, v32;
	v41 =	vld.idx.msk [tilespmem:v41+s15+$0x0], $0xffff  }
0x2b4: {  	v42 =	vor.u32 v52, v42;
	_ =	sdelay $0x3  }
0x2b5: {  	[tilespmem:v59+s19+$0x0] =	vst.idx.msk $0xffff, v41  }
0x2b6: {  	v43 =	vor.u32 v43, v50;
	v60 =	vor.u32 s1, v33;
	v41 =	vld.idx.msk [tilespmem:v42+s15+$0x0], $0xffff  }
0x2b7: {  	v43 =	vor.u32 v52, v43;
	_ =	sdelay $0x3  }
0x2b8: {  	[tilespmem:v60+s19+$0x0] =	vst.idx.msk $0xffff, v41  }
0x2b9: {  	v61 =	vor.u32 s1, v34;
	v62 =	vor.u32 v44, v50;
	v41 =	vld.idx.msk [tilespmem:v43+s15+$0x0], $0xffff  }
0x2ba: {  	v43 =	vor.u32 v52, v62;
	_ =	sdelay $0x3  }
0x2bb: {  	[tilespmem:v61+s19+$0x0] =	vst.idx.msk $0xffff, v41  }
0x2bc: {  	v63 =	vor.u32 s1, v35;
	v51 =	vor.u32 v45, v50;
	v41 =	vld.idx.msk [tilespmem:v43+s15+$0x0], $0xffff  }
0x2bd: {  	v43 =	vor.u32 v52, v51;
	_ =	sdelay $0x3  }
0x2be: {  	[tilespmem:v63+s19+$0x0] =	vst.idx.msk $0xffff, v41  }
0x2bf: {  	v53 =	vor.u32 s1, v36;
	v54 =	vor.u32 v46, v50;
	v41 =	vld.idx.msk [tilespmem:v43+s15+$0x0], $0xffff  }
0x2c0: {  	v43 =	vor.u32 v52, v54;
	_ =	sdelay $0x3  }
0x2c1: {  	[tilespmem:v53+s19+$0x0] =	vst.idx.msk $0xffff, v41  }
0x2c2: {  	v57 =	vor.u32 s1, v37;
	v58 =	vor.u32 v47, v50;
	v41 =	vld.idx.msk [tilespmem:v43+s15+$0x0], $0xffff  }
0x2c3: {  	v43 =	vor.u32 v52, v58;
	_ =	sdelay $0x3  }
0x2c4: {  	[tilespmem:v57+s19+$0x0] =	vst.idx.msk $0xffff, v41  }
0x2c5: {  	v59 =	vor.u32 s1, v38;
	v60 =	vor.u32 v48, v50;
	v41 =	vld.idx.msk [tilespmem:v43+s15+$0x0], $0xffff  }
0x2c6: {  	v43 =	vor.u32 v52, v60;
	_ =	sdelay $0x3  }
0x2c7: {  	[tilespmem:v59+s19+$0x0] =	vst.idx.msk $0xffff, v41  }
0x2c8: {  	v62 =	vor.u32 v49, v50;
	v61 =	vor.u32 s1, v39;
	v41 =	vld.idx.msk [tilespmem:v43+s15+$0x0], $0xffff  }
0x2c9: {  	v43 =	vor.u32 v52, v62;
	_ =	sdelay $0x3  }
0x2ca: {  	s30 =	sadd.s32 $0x1, s30;
	[tilespmem:v61+s19+$0x0] =	vst.idx.msk $0xffff, v41  }
0x2cb: {  	p1 =	sne.s32 s30, $0x4;
	v63 =	vor.u32 s1, v40;
	v41 =	vld.idx.msk [tilespmem:v43+s15+$0x0], $0xffff  }
.Ltmp9:
0x2cc: {  	_ = 	snop;
	(pc) =	sbr.rel @p1 .LBB2_10-.Ltmp9, $2  }
0x2cd: {  	_ =	sdelay $0x2  }
0x2ce: {  	s29 =	sadd.s32 $0x10, s29;
	[tilespmem:v63+s19+$0x0] =	vst.idx.msk $0xffff, v41  }
0x2cf: {  	s1 =	sadd.s32 s5, s26  }
0x2d0: {  	s1 =	sshll.u32 s1, $0xB  }
0x2d1: {  	s1 =	sand.u32 $0x1FFFF800, s1  }
0x2d2: {  	s1 =	sadd.s32 s4, s1  }
0x2d3: {  	[hbm4b:s1+s3] =	stream.linear.scatter [tilespmem:s19], [sflag:$0x4], $0x4000, $0x38;
	[tilespmem:$0x12000] =	vst v63  }
0x2d4: {  	s1 =	sadd.s32 $0x3, s25  }
0x2d5: {  	p1 =	sge.u32 s1, s6  }
.Ltmp10:
0x2d6: {  	s1 =	sadd.s32 @!p1 s5, s1;
	(pc) =	sbr.rel .LBB2_14-.Ltmp10, $4  }
0x2d7: {  	s1 =	sshll.u32 @!p1 s1, $0x8  }
0x2d8: {  	s2 =	simm.s32 @!p1 $0x800;
	s1 =	sand.u32 @!p1 $0x1FFFFF00, s1  }
0x2d9: {  	s25 =	simm.s32 @!p1 $0x7A1400;
	s26 =	simm.s32 @!p1 $0x4000;
	s1 =	sadd.s32 @!p1 s0, s1  }
0x2da: {  	[tilespmem:s26], [sflag:$0x2] =	stream.strided.gather @!p1 [hbm4b:s1+s2], $0x4000, s25, s2, $0x38;
	[tilespmem:$0x12000] =	vst v63  }
.LBB2_15:
.Ltmp11:
0x2db: {  	(pc) =	sbr.rel @p0 .LBB2_21-.Ltmp11, $1  }
0x2dc: {  	_ =	sdelay $0x3  }
0x2dd: {  	[tilespmem:s21], [sflag:$0x1] =	stream.strided.gather [hbm4b:s10+s20], $0x2000, s14, s20, $0x38;
	[tilespmem:$0x12000] =	vst v63  }
0x2de: {  	_ =	swait.ge [sflag:s16], $0x2000  }
0x2df: {  	s24 =	simm.s32 $0x0;
	[sflag:s16] =	ssyncset.done $0x0  }
0x2e0: {  	s25 =	simm.s32 $0x0;
	s26 =	simm.s32 $0x0;
	[sflag:s16] =	ssyncadd.s32 $0xFFFFE000  }
.LBB2_17:
0x2e1: {  	v52 =	vld [tilespmem:$0x1FF20];
	_ =	sdelay $0x1  }
0x2e2: {  	s1 =	sshll.u32 s26, $0x4  }
0x2e3: {  	v41 =	vmov s1  }
0x2e4: {  	v50 =	vshll.u32 v41, $0x7  }
0x2e5: {  	v51 =	vor.u32 s24, v15;
	v43 =	vor.u32 v52, v50  }
0x2e6: {  	v42 =	vadd.s32 v43, v51;
	_ =	sdelay $0x4  }
0x2e7: {  	v44 =	vor.u32 s25, v25;
	v41 =	vor.u32 v56, v50;
	v42 =	vld.idx.msk [tilespmem:v42+s21+$0x0], $0xffff  }
0x2e8: {  	v45 =	vadd.s32 v41, v51;
	_ =	sdelay $0x3  }
0x2e9: {  	[tilespmem:v44+s17+$0x0] =	vst.idx.msk $0xffff, v42  }
0x2ea: {  	v53 =	vor.u32 s25, v26;
	v42 =	vor.u32 v55, v50;
	v44 =	vld.idx.msk [tilespmem:v45+s21+$0x0], $0xffff  }
0x2eb: {  	v54 =	vld [tilespmem:$0x1FFF0];
	v46 =	vadd.s32 v42, v51;
	_ =	sdelay $0x3  }
0x2ec: {  	[tilespmem:v53+s17+$0x0] =	vst.idx.msk $0xffff, v44  }
0x2ed: {  	v57 =	vor.u32 s25, v27;
	v44 =	vor.u32 v54, v50;
	v45 =	vld.idx.msk [tilespmem:v46+s21+$0x0], $0xffff  }
0x2ee: {  	v58 =	vld [tilespmem:$0x1FFE0];
	v47 =	vadd.s32 v44, v51;
	_ =	sdelay $0x3  }
0x2ef: {  	[tilespmem:v57+s17+$0x0] =	vst.idx.msk $0xffff, v45  }
0x2f0: {  	v59 =	vor.u32 s25, v28;
	v45 =	vor.u32 v58, v50;
	v46 =	vld.idx.msk [tilespmem:v47+s21+$0x0], $0xffff  }
0x2f1: {  	v60 =	vld [tilespmem:$0x1FFD0];
	v48 =	vadd.s32 v45, v51;
	_ =	sdelay $0x3  }
0x2f2: {  	[tilespmem:v59+s17+$0x0] =	vst.idx.msk $0xffff, v46  }
0x2f3: {  	v61 =	vor.u32 s25, v29;
	v46 =	vor.u32 v60, v50;
	v47 =	vld.idx.msk [tilespmem:v48+s21+$0x0], $0xffff  }
0x2f4: {  	v62 =	vld [tilespmem:$0x1FFC0];
	v49 =	vadd.s32 v46, v51;
	_ =	sdelay $0x3  }
0x2f5: {  	[tilespmem:v61+s17+$0x0] =	vst.idx.msk $0xffff, v47  }
0x2f6: {  	v63 =	vor.u32 s25, v30;
	v47 =	vor.u32 v62, v50;
	v48 =	vld.idx.msk [tilespmem:v49+s21+$0x0], $0xffff  }
0x2f7: {  	v54 =	vld [tilespmem:$0x1FFB0];
	v52 =	vadd.s32 v47, v51;
	_ =	sdelay $0x3  }
0x2f8: {  	[tilespmem:v63+s17+$0x0] =	vst.idx.msk $0xffff, v48  }
0x2f9: {  	v57 =	vor.u32 s25, v31;
	v48 =	vor.u32 v54, v50;
	v49 =	vld.idx.msk [tilespmem:v52+s21+$0x0], $0xffff  }
0x2fa: {  	v58 =	vld [tilespmem:$0x1FFA0];
	v53 =	vadd.s32 v48, v51;
	_ =	sdelay $0x3  }
0x2fb: {  	[tilespmem:v57+s17+$0x0] =	vst.idx.msk $0xffff, v49  }
0x2fc: {  	v59 =	vor.u32 s25, v32;
	v49 =	vor.u32 v58, v50;
	v52 =	vld.idx.msk [tilespmem:v53+s21+$0x0], $0xffff  }
0x2fd: {  	v60 =	vld [tilespmem:$0x1FF90];
	v54 =	vadd.s32 v49, v51;
	_ =	sdelay $0x3  }
0x2fe: {  	[tilespmem:v59+s17+$0x0] =	vst.idx.msk $0xffff, v52  }
0x2ff: {  	v62 =	vor.u32 s25, v33;
	v57 =	vor.u32 v60, v50;
	v61 =	vld.idx.msk [tilespmem:v54+s21+$0x0], $0xffff  }
0x300: {  	v58 =	vld [tilespmem:$0x1FF80];
	v63 =	vadd.s32 v57, v51;
	_ =	sdelay $0x3  }
0x301: {  	[tilespmem:v62+s17+$0x0] =	vst.idx.msk $0xffff, v61  }
0x302: {  	v60 =	vor.u32 s25, v34;
	v58 =	vor.u32 v58, v50;
	v59 =	vld.idx.msk [tilespmem:v63+s21+$0x0], $0xffff  }
0x303: {  	v61 =	vadd.s32 v58, v51;
	v62 =	vld [tilespmem:$0x1FF70];
	_ =	sdelay $0x3  }
0x304: {  	[tilespmem:v60+s17+$0x0] =	vst.idx.msk $0xffff, v59  }
0x305: {  	v59 =	vor.u32 v62, v50;
	v60 =	vor.u32 s25, v35;
	v63 =	vld.idx.msk [tilespmem:v61+s21+$0x0], $0xffff  }
0x306: {  	v54 =	vadd.s32 v59, v51;
	v61 =	vld [tilespmem:$0x1FF60];
	_ =	sdelay $0x3  }
0x307: {  	[tilespmem:v60+s17+$0x0] =	vst.idx.msk $0xffff, v63  }
0x308: {  	v60 =	vor.u32 v61, v50;
	v63 =	vor.u32 s25, v36;
	v62 =	vld.idx.msk [tilespmem:v54+s21+$0x0], $0xffff  }
0x309: {  	v61 =	vld [tilespmem:$0x1FF50];
	v54 =	vadd.s32 v60, v51;
	_ =	sdelay $0x3  }
0x30a: {  	[tilespmem:v63+s17+$0x0] =	vst.idx.msk $0xffff, v62  }
0x30b: {  	v61 =	vor.u32 v61, v50;
	v63 =	vor.u32 s25, v37;
	v62 =	vld.idx.msk [tilespmem:v54+s21+$0x0], $0xffff  }
0x30c: {  	v54 =	vadd.s32 v61, v51;
	_ =	sdelay $0x3  }
0x30d: {  	[tilespmem:v63+s17+$0x0] =	vst.idx.msk $0xffff, v62;
	v62 =	vld [tilespmem:$0x1FF40]  }
0x30e: {  	v63 =	vor.u32 s25, v38;
	v52 =	vld.idx.msk [tilespmem:v54+s21+$0x0], $0xffff;
	_ =	sdelay $0x3  }
0x30f: {  	v62 =	vor.u32 v62, v50  }
0x310: {  	v54 =	vadd.s32 v62, v51;
	[tilespmem:v63+s17+$0x0] =	vst.idx.msk $0xffff, v52;
	v63 =	vld [tilespmem:$0x1FF30];
	_ =	sdelay $0x4  }
0x311: {  	v52 =	vor.u32 s25, v39;
	v63 =	vor.u32 v63, v50;
	v50 =	vld.idx.msk [tilespmem:v54+s21+$0x0], $0xffff  }
0x312: {  	v51 =	vadd.s32 v63, v51;
	_ =	sdelay $0x3  }
0x313: {  	s31 =	simm.s32 $0x10;
	[tilespmem:v52+s17+$0x0] =	vst.idx.msk $0xffff, v50  }
0x314: {  	s2 =	simm.s32 $0x20;
	s1 =	smov.u32 s25;
	v50 =	vor.u32 s31, v15;
	v52 =	vor.u32 s25, v40;
	v51 =	vld.idx.msk [tilespmem:v51+s21+$0x0], $0xffff  }
.LBB2_18:
0x315: {  	p1 =	sne.s32 s2, $0x30;
	v53 =	vadd.s32 v43, v50;
	_ =	sdelay $0x3  }
0x316: {  	[tilespmem:v52+s17+$0x0] =	vst.idx.msk $0xffff, v51  }
0x317: {  	s1 =	sadd.s32 $0x400, s1;
	v51 =	vld.idx.msk [tilespmem:v53+s21+$0x0], $0xffff  }
0x318: {  	v52 =	vor.u32 s1, v25  }
0x319: {  	v53 =	vadd.s32 v41, v50;
	_ =	sdelay $0x3  }
0x31a: {  	[tilespmem:v52+s17+$0x0] =	vst.idx.msk $0xffff, v51  }
0x31b: {  	v51 =	vld.idx.msk [tilespmem:v53+s21+$0x0], $0xffff  }
0x31c: {  	v52 =	vor.u32 s1, v26  }
0x31d: {  	v53 =	vadd.s32 v42, v50;
	_ =	sdelay $0x3  }
0x31e: {  	[tilespmem:v52+s17+$0x0] =	vst.idx.msk $0xffff, v51  }
0x31f: {  	v51 =	vld.idx.msk [tilespmem:v53+s21+$0x0], $0xffff  }
0x320: {  	v52 =	vor.u32 s1, v27  }
0x321: {  	v53 =	vadd.s32 v44, v50;
	_ =	sdelay $0x3  }
0x322: {  	[tilespmem:v52+s17+$0x0] =	vst.idx.msk $0xffff, v51  }
0x323: {  	v51 =	vld.idx.msk [tilespmem:v53+s21+$0x0], $0xffff  }
0x324: {  	v52 =	vor.u32 s1, v28  }
0x325: {  	v53 =	vadd.s32 v45, v50;
	_ =	sdelay $0x3  }
0x326: {  	[tilespmem:v52+s17+$0x0] =	vst.idx.msk $0xffff, v51  }
0x327: {  	v51 =	vld.idx.msk [tilespmem:v53+s21+$0x0], $0xffff  }
0x328: {  	v52 =	vor.u32 s1, v29  }
0x329: {  	v53 =	vadd.s32 v46, v50;
	_ =	sdelay $0x3  }
0x32a: {  	[tilespmem:v52+s17+$0x0] =	vst.idx.msk $0xffff, v51  }
0x32b: {  	v51 =	vld.idx.msk [tilespmem:v53+s21+$0x0], $0xffff  }
0x32c: {  	v52 =	vor.u32 s1, v30  }
0x32d: {  	v53 =	vadd.s32 v47, v50;
	_ =	sdelay $0x3  }
0x32e: {  	[tilespmem:v52+s17+$0x0] =	vst.idx.msk $0xffff, v51  }
0x32f: {  	v51 =	vld.idx.msk [tilespmem:v53+s21+$0x0], $0xffff  }
0x330: {  	v52 =	vor.u32 s1, v31  }
0x331: {  	v53 =	vadd.s32 v48, v50;
	_ =	sdelay $0x3  }
0x332: {  	[tilespmem:v52+s17+$0x0] =	vst.idx.msk $0xffff, v51  }
0x333: {  	v51 =	vld.idx.msk [tilespmem:v53+s21+$0x0], $0xffff  }
0x334: {  	v52 =	vor.u32 s1, v32  }
0x335: {  	v53 =	vadd.s32 v49, v50;
	_ =	sdelay $0x3  }
0x336: {  	[tilespmem:v52+s17+$0x0] =	vst.idx.msk $0xffff, v51  }
0x337: {  	v51 =	vld.idx.msk [tilespmem:v53+s21+$0x0], $0xffff  }
0x338: {  	v52 =	vor.u32 s1, v33  }
0x339: {  	v53 =	vadd.s32 v57, v50;
	_ =	sdelay $0x3  }
0x33a: {  	[tilespmem:v52+s17+$0x0] =	vst.idx.msk $0xffff, v51  }
0x33b: {  	v51 =	vld.idx.msk [tilespmem:v53+s21+$0x0], $0xffff  }
0x33c: {  	v52 =	vor.u32 s1, v34  }
0x33d: {  	v53 =	vadd.s32 v58, v50;
	_ =	sdelay $0x3  }
0x33e: {  	[tilespmem:v52+s17+$0x0] =	vst.idx.msk $0xffff, v51  }
0x33f: {  	v51 =	vld.idx.msk [tilespmem:v53+s21+$0x0], $0xffff  }
0x340: {  	v52 =	vor.u32 s1, v35  }
0x341: {  	v53 =	vadd.s32 v59, v50;
	_ =	sdelay $0x3  }
0x342: {  	[tilespmem:v52+s17+$0x0] =	vst.idx.msk $0xffff, v51  }
0x343: {  	v51 =	vld.idx.msk [tilespmem:v53+s21+$0x0], $0xffff  }
0x344: {  	v52 =	vor.u32 s1, v36  }
0x345: {  	v53 =	vadd.s32 v60, v50;
	_ =	sdelay $0x3  }
0x346: {  	[tilespmem:v52+s17+$0x0] =	vst.idx.msk $0xffff, v51  }
0x347: {  	v51 =	vld.idx.msk [tilespmem:v53+s21+$0x0], $0xffff  }
0x348: {  	v52 =	vor.u32 s1, v37  }
0x349: {  	v53 =	vadd.s32 v61, v50;
	_ =	sdelay $0x3  }
0x34a: {  	[tilespmem:v52+s17+$0x0] =	vst.idx.msk $0xffff, v51  }
0x34b: {  	v51 =	vld.idx.msk [tilespmem:v53+s21+$0x0], $0xffff  }
0x34c: {  	v52 =	vor.u32 s1, v38  }
0x34d: {  	v53 =	vadd.s32 v62, v50;
	_ =	sdelay $0x3  }
0x34e: {  	[tilespmem:v52+s17+$0x0] =	vst.idx.msk $0xffff, v51  }
0x34f: {  	v51 =	vld.idx.msk [tilespmem:v53+s21+$0x0], $0xffff  }
0x350: {  	v52 =	vor.u32 s1, v39  }
0x351: {  	v50 =	vadd.s32 v63, v50;
	_ =	sdelay $0x1  }
.Ltmp12:
0x352: {  	(pc) =	sbr.rel @p1 .LBB2_18-.Ltmp12, $4  }
0x353: {  	_ = 	snop  }
0x354: {  	[tilespmem:v52+s17+$0x0] =	vst.idx.msk $0xffff, v51  }
0x355: {  	v51 =	vld.idx.msk [tilespmem:v50+s21+$0x0], $0xffff  }
0x356: {  	v52 =	vor.u32 s1, v40;
	v50 =	vor.u32 s2, v15;
	s2 =	sadd.s32 $0x10, s2  }
0x357: {  	v43 =	vadd.s32 v43, v50;
	_ =	sdelay $0x3  }
0x358: {  	s1 =	sadd.s32 $0x400, s1;
	[tilespmem:v52+s17+$0x0] =	vst.idx.msk $0xffff, v51  }
0x359: {  	v54 =	vor.u32 s1, v25;
	v43 =	vld.idx.msk [tilespmem:v43+s21+$0x0], $0xffff  }
0x35a: {  	v41 =	vadd.s32 v41, v50;
	_ =	sdelay $0x3  }
0x35b: {  	[tilespmem:v54+s17+$0x0] =	vst.idx.msk $0xffff, v43  }
0x35c: {  	v53 =	vor.u32 s1, v26;
	v41 =	vld.idx.msk [tilespmem:v41+s21+$0x0], $0xffff  }
0x35d: {  	v42 =	vadd.s32 v42, v50;
	_ =	sdelay $0x3  }
0x35e: {  	[tilespmem:v53+s17+$0x0] =	vst.idx.msk $0xffff, v41  }
0x35f: {  	v54 =	vor.u32 s1, v27;
	v41 =	vld.idx.msk [tilespmem:v42+s21+$0x0], $0xffff  }
0x360: {  	v51 =	vadd.s32 v44, v50;
	_ =	sdelay $0x3  }
0x361: {  	[tilespmem:v54+s17+$0x0] =	vst.idx.msk $0xffff, v41  }
0x362: {  	v52 =	vor.u32 s1, v28;
	v41 =	vld.idx.msk [tilespmem:v51+s21+$0x0], $0xffff  }
0x363: {  	v53 =	vadd.s32 v45, v50;
	_ =	sdelay $0x3  }
0x364: {  	[tilespmem:v52+s17+$0x0] =	vst.idx.msk $0xffff, v41  }
0x365: {  	v54 =	vor.u32 s1, v29;
	v41 =	vld.idx.msk [tilespmem:v53+s21+$0x0], $0xffff  }
0x366: {  	v45 =	vadd.s32 v46, v50;
	_ =	sdelay $0x3  }
0x367: {  	[tilespmem:v54+s17+$0x0] =	vst.idx.msk $0xffff, v41  }
0x368: {  	v46 =	vor.u32 s1, v30;
	v41 =	vld.idx.msk [tilespmem:v45+s21+$0x0], $0xffff  }
0x369: {  	v51 =	vadd.s32 v47, v50;
	_ =	sdelay $0x3  }
0x36a: {  	[tilespmem:v46+s17+$0x0] =	vst.idx.msk $0xffff, v41  }
0x36b: {  	v52 =	vor.u32 s1, v31;
	v41 =	vld.idx.msk [tilespmem:v51+s21+$0x0], $0xffff  }
0x36c: {  	v53 =	vadd.s32 v48, v50;
	_ =	sdelay $0x3  }
0x36d: {  	[tilespmem:v52+s17+$0x0] =	vst.idx.msk $0xffff, v41  }
0x36e: {  	v54 =	vor.u32 s1, v32;
	v41 =	vld.idx.msk [tilespmem:v53+s21+$0x0], $0xffff  }
0x36f: {  	v45 =	vadd.s32 v49, v50;
	_ =	sdelay $0x3  }
0x370: {  	[tilespmem:v54+s17+$0x0] =	vst.idx.msk $0xffff, v41  }
0x371: {  	v46 =	vor.u32 s1, v33;
	v41 =	vld.idx.msk [tilespmem:v45+s21+$0x0], $0xffff  }
0x372: {  	v47 =	vadd.s32 v57, v50;
	_ =	sdelay $0x3  }
0x373: {  	[tilespmem:v46+s17+$0x0] =	vst.idx.msk $0xffff, v41  }
0x374: {  	v48 =	vor.u32 s1, v34;
	v41 =	vld.idx.msk [tilespmem:v47+s21+$0x0], $0xffff  }
0x375: {  	v49 =	vadd.s32 v58, v50;
	_ =	sdelay $0x3  }
0x376: {  	[tilespmem:v48+s17+$0x0] =	vst.idx.msk $0xffff, v41  }
0x377: {  	v51 =	vor.u32 s1, v35;
	v41 =	vld.idx.msk [tilespmem:v49+s21+$0x0], $0xffff  }
0x378: {  	v52 =	vadd.s32 v59, v50;
	_ =	sdelay $0x3  }
0x379: {  	[tilespmem:v51+s17+$0x0] =	vst.idx.msk $0xffff, v41  }
0x37a: {  	v53 =	vor.u32 s1, v36;
	v41 =	vld.idx.msk [tilespmem:v52+s21+$0x0], $0xffff  }
0x37b: {  	v54 =	vadd.s32 v60, v50;
	_ =	sdelay $0x3  }
0x37c: {  	[tilespmem:v53+s17+$0x0] =	vst.idx.msk $0xffff, v41  }
0x37d: {  	v57 =	vor.u32 s1, v37;
	v41 =	vld.idx.msk [tilespmem:v54+s21+$0x0], $0xffff  }
0x37e: {  	v58 =	vadd.s32 v61, v50;
	_ =	sdelay $0x3  }
0x37f: {  	[tilespmem:v57+s17+$0x0] =	vst.idx.msk $0xffff, v41  }
0x380: {  	v59 =	vor.u32 s1, v38;
	v41 =	vld.idx.msk [tilespmem:v58+s21+$0x0], $0xffff  }
0x381: {  	v60 =	vadd.s32 v62, v50;
	_ =	sdelay $0x3  }
0x382: {  	[tilespmem:v59+s17+$0x0] =	vst.idx.msk $0xffff, v41  }
0x383: {  	v61 =	vor.u32 s1, v39;
	v41 =	vld.idx.msk [tilespmem:v60+s21+$0x0], $0xffff  }
0x384: {  	v62 =	vadd.s32 v63, v50;
	_ =	sdelay $0x3  }
0x385: {  	s26 =	sadd.s32 $0x1, s26;
	[tilespmem:v61+s17+$0x0] =	vst.idx.msk $0xffff, v41  }
0x386: {  	p1 =	sne.s32 s26, $0x4;
	v63 =	vor.u32 s1, v40;
	v41 =	vld.idx.msk [tilespmem:v62+s21+$0x0], $0xffff  }
.Ltmp13:
0x387: {  	_ = 	snop;
	(pc) =	sbr.rel @p1 .LBB2_17-.Ltmp13, $2  }
0x388: {  	_ =	sdelay $0x2  }
0x389: {  	s25 =	sadd.s32 $0x10, s25;
	[tilespmem:v63+s17+$0x0] =	vst.idx.msk $0xffff, v41  }
.Ltmp14:
0x38a: {  	(pc) =	sbr.rel .LBB2_21-.Ltmp14, $4  }
0x38b: {  	[hbm4b:s11+s3] =	stream.linear.scatter [tilespmem:s17], [sflag:$0x3], $0x1000, $0x38;
	[tilespmem:$0x12000] =	vst v63  }
0x38c: {  	_ =	swait.ge [sflag:s22], $0x1000  }
0x38d: {  	[sflag:s22] =	ssyncset.done $0x0  }
0x38e: {  	[sflag:s22] =	ssyncadd.s32 $0xFFFFF000  }
.LBB2_22:
0x38f: {  	_ =	sfence.sel $0x180000  }
0x390: {  	[bflag:$0x0] =	sbarrier.arrive $0xFFFF  }
0x391: {  	_ =	strace $0x90000047  }
0x392: {  	s0 =	stileid.u32;
	[bflag:$0x2] =	sbarrier.arrive $0xFFFF  }
0x393: {  	p0 =	sne.s32 s0, $0x0;
	s0 =	rddreg [dreg:$0x2]  }
0x394: {  	s0 =	sadd.s32 @!p0 $0x100000, s0  }
0x395: {  	[sflag:s0] =	ssyncadd.tile.s32 @!p0 $0x1;
	_ =	shalt  }
.Lfunc_end2:
_tile_overlayer_lowered:
.L_overlay_start_2:
0x396: {  	(tag) =	ssettag $0x2  }
0x397: {  	s0 =	rddreg [dreg:$0x0];
	s2 =	stileid.u32  }
0x398: {  	s1 =	rddreg [dreg:$0x1];
	p0 =	sne.s32 s2, $0x0  }
0x399: {  	s3 =	rddreg [dreg:$0x2];
	[bflag:$0x3] =	sbarrier.arrive $0xFFFF;
	s2 =	simm.s32 @!p0 $0x1C05  }
0x39a: {  	[timem:s3], [sflag:s2] =	dma.local @!p0 [hbm:s0], s1  }
0x39b: {  	s0 =	simm.s32 @!p0 $0x5  }
0x39c: {  	_ =	swait.ge @!p0 [sflag:s0], s1  }
0x39d: {  	s1 =	ssub.s32 @!p0 $0x0, s1;
	[sflag:s0] =	ssyncset.done @!p0 $0x0  }
0x39e: {  	[sflag:s0] =	ssyncadd.s32 @!p0 s1  }
0x39f: {  	[bflag:$0x3] =	sbarrier.arrive $0xFFFF  }
0x3a0: {  	_ =	shalt  }

// kernel: kernel.8.cloned.1.call-start
scs
__scs_entry_jumppad:
0x0: {  	(pc) =	sbr.rel $0x88, $3  }
0x1: {  	(tag) =	ssettag $0x0;
	lr =	simm.s32 $0x1  }
0x2: {  	[smem:$0x3F9D] =	sst lr;
	_ =	strace $0xD0000000  }
0x3: {  	_ = 	snop  }
0x4: {  	_ = 	snop  }
0x5: {  	_ = 	snop  }
0x6: {  	_ = 	snop  }
0x7: {  	_ = 	snop  }
__scs_overlays_trampoline_lowered:
0x8: {  	[smem:$0x3FAC] =	sst s0  }
0x9: {  	[smem:$0x3FAD] =	sst s1  }
0xa: {  	[smem:$0x3FAE] =	sst s2  }
0xb: {  	[smem:$0x3FAF] =	sst s3  }
0xc: {  	[smem:$0x3FB0] =	sst s4  }
0xd: {  	[smem:$0x3FB1] =	sst s5  }
0xe: {  	[smem:$0x3FB2] =	sst s6  }
0xf: {  	[smem:$0x3FB3] =	sst s7  }
0x10: {  	[smem:$0x3FB4] =	sst s8  }
0x11: {  	[smem:$0x3FB5] =	sst s9;
	s0 =	simm.s32 @!p0 $0x0  }
0x12: {  	s1 =	sld [smem:$0x3F9B];
	s0 =	simm.s32 @p0 $0x1  }
0x13: {  	[smem:$0x3FB6] =	sst s0;
	s0 =	simm.s32 @!p1 $0x0  }
0x14: {  	s2 =	sld [smem:$0x3F9A];
	s0 =	simm.s32 @p1 $0x1  }
0x15: {  	[smem:$0x3FB7] =	sst s0;
	s0 =	simm.s32 @!p2 $0x0  }
0x16: {  	s3 =	sld [smem:$0x3FDB];
	s0 =	simm.s32 @p2 $0x1  }
0x17: {  	s4 =	simm.s32 $0x1BF5;
	[smem:$0x3FB9] =	sst s0  }
0x18: {  	s0 =	sld [smem:$0x3F9C];
	_ =	swait.ge [sflag:s4], $0x0  }
0x19: {  	s7 =	sld [smem:$0x3F9D]  }
0x1a: {  	s8 =	sadd.s32 $0xFFFFE003, lr  }
0x1b: {  	s9 =	sadd.s32 $0xFFFFFEF7, lr;
	s5 =	simm.s32 $0xFFFFFFFF;
	p2 =	slt.u32 s8, $0xFFFFF086  }
0x1c: {  	p1 =	slt.u32 s9, $0xF7A;
	s5 =	simm.s32 @!p2 $0x0  }
0x1d: {  	s5 =	simm.s32 @p1 $0x1;
	p0 =	seq.s32 s7, s2  }
0x1e: {  	s7 =	smul.u32 @!p0 $0xF7A, s2;
	p2 =	seq.s32 @!p0 s5, $0x0  }
0x1f: {  	s9 =	smul.u32 $0xF7A, s1;
	s8 =	simm.s32 @!p0 $0x1BF5;
	p2 =	por !p2, p0  }
0x20: {  	[sflag:s8] =	ssyncset.s32 @!p0 $0xFFFFF086;
	s6 =	sadd.s32 @!p0 s3, s7;
	s7 =	simm.s32 @!p0 $0x108  }
0x21: {  	s3 =	sadd.s32 s3, s9;
	s6 =	sadd.s32 @!p0 $0x88, s6;
	s7 =	simm.s32 @p2 $0x1082  }
0x22: {  	[simem:s7], [sflag:s8] =	dma.local @!p0 [hbm:s6], $0xF7A  }
0x23: {  	s9 =	sor.u32 $0xD0000000, s2;
	s6 =	simm.s32 $0x108;
	_ =	swait.ge @!p0 [sflag:s8], $0x0  }
0x24: {  	s3 =	sadd.s32 $0x88, s3;
	s6 =	simm.s32 @!p1 $0x1082;
	[sflag:s4] =	ssyncset.s32 $0xFFFFF086  }
0x25: {  	[simem:s6], [sflag:s4] =	dma.local [hbm:s3], $0xF7A  }
0x26: {  	[smem:$0x3F9D] =	sst s1;
	(tag) =	ssettag s2;
	_ =	strace s9  }
0x27: {  	s1 =	sld [smem:$0x3FAD]  }
0x28: {  	s2 =	sld [smem:$0x3FAE]  }
0x29: {  	s4 =	sld [smem:$0x3FB0]  }
0x2a: {  	p0 =	seq.s32 s5, $0x0;
	s5 =	sld [smem:$0x3FB1]  }
0x2b: {  	s6 =	sld [smem:$0x3FB2]  }
0x2c: {  	s7 =	sld [smem:$0x3FB3]  }
0x2d: {  	s3 =	simm.s32 $0x108;
	s8 =	sld [smem:$0x3FB4]  }
0x2e: {  	s3 =	simm.s32 @!p0 $0x1082;
	s9 =	sld [smem:$0x3FB5]  }
0x2f: {  	lr =	sadd.s32 s0, s3;
	s0 =	sld [smem:$0x3FAC]  }
0x30: {  	s3 =	sld [smem:$0x3FAF]  }
0x31: {  	[smem:$0x3FB8] =	sst s10  }
0x32: {  	s10 =	sld [smem:$0x3FB6];
	_ =	sdelay $0x3  }
0x33: {  	p0 =	seq.s32 s10, $0x1;
	s10 =	sld [smem:$0x3FB8];
	_ =	sdelay $0x3  }
0x34: {  	[smem:$0x3FB8] =	sst s10  }
0x35: {  	s10 =	sld [smem:$0x3FB7];
	_ =	sdelay $0x3  }
0x36: {  	p1 =	seq.s32 s10, $0x1;
	s10 =	sld [smem:$0x3FB8];
	_ =	sdelay $0x3  }
0x37: {  	[smem:$0x3FB8] =	sst s10  }
0x38: {  	s10 =	sld [smem:$0x3FB9]  }
0x39: {  	_ = 	snop;
	(pc) =	sbr.ind lr, $3  }
0x3a: {  	_ = 	snop  }
0x3b: {  	_ = 	snop  }
0x3c: {  	p2 =	seq.s32 s10, $0x1;
	s10 =	sld [smem:$0x3FB8]  }
0x3d: {  	_ =	shalt  }
0x3e: {  	_ =	shalt  }
0x3f: {  	_ =	shalt  }
0x40: {  	_ =	shalt  }
0x41: {  	_ =	shalt  }
0x42: {  	_ =	shalt  }
0x43: {  	_ =	shalt  }
0x44: {  	_ =	shalt  }
0x45: {  	_ =	shalt  }
0x46: {  	_ =	shalt  }
0x47: {  	_ =	shalt  }
0x48: {  	_ =	shalt  }
0x49: {  	_ =	shalt  }
0x4a: {  	_ =	shalt  }
0x4b: {  	_ =	shalt  }
0x4c: {  	_ =	shalt  }
0x4d: {  	_ =	shalt  }
0x4e: {  	_ =	shalt  }
0x4f: {  	_ =	shalt  }
0x50: {  	_ =	shalt  }
0x51: {  	_ =	shalt  }
0x52: {  	_ =	shalt  }
0x53: {  	_ =	shalt  }
0x54: {  	_ =	shalt  }
0x55: {  	_ =	shalt  }
0x56: {  	_ =	shalt  }
0x57: {  	_ =	shalt  }
0x58: {  	_ =	shalt  }
0x59: {  	_ =	shalt  }
0x5a: {  	_ =	shalt  }
0x5b: {  	_ =	shalt  }
0x5c: {  	_ =	shalt  }
0x5d: {  	_ =	shalt  }
0x5e: {  	_ =	shalt  }
0x5f: {  	_ =	shalt  }
0x60: {  	_ =	shalt  }
0x61: {  	_ =	shalt  }
0x62: {  	_ =	shalt  }
0x63: {  	_ =	shalt  }
0x64: {  	_ =	shalt  }
0x65: {  	_ =	shalt  }
0x66: {  	_ =	shalt  }
0x67: {  	_ =	shalt  }
0x68: {  	_ =	shalt  }
0x69: {  	_ =	shalt  }
0x6a: {  	_ =	shalt  }
0x6b: {  	_ =	shalt  }
0x6c: {  	_ =	shalt  }
0x6d: {  	_ =	shalt  }
0x6e: {  	_ =	shalt  }
0x6f: {  	_ =	shalt  }
0x70: {  	_ =	shalt  }
0x71: {  	_ =	shalt  }
0x72: {  	_ =	shalt  }
0x73: {  	_ =	shalt  }
0x74: {  	_ =	shalt  }
0x75: {  	_ =	shalt  }
0x76: {  	_ =	shalt  }
0x77: {  	_ =	shalt  }
0x78: {  	_ =	shalt  }
0x79: {  	_ =	shalt  }
0x7a: {  	_ =	shalt  }
0x7b: {  	_ =	shalt  }
0x7c: {  	_ =	shalt  }
0x7d: {  	_ =	shalt  }
0x7e: {  	_ =	shalt  }
0x7f: {  	_ =	shalt  }
0x80: {  	_ =	shalt  }
0x81: {  	_ =	shalt  }
0x82: {  	_ =	shalt  }
0x83: {  	_ =	shalt  }
0x84: {  	_ =	shalt  }
0x85: {  	_ =	shalt  }
0x86: {  	_ =	shalt  }
0x87: {  	_ =	shalt  }
.Lfunc_end0:
.L_simem_size_0:
called_computation.1_lowered:
.L_overlay_start_0:
0x88: {  	s2 =	sld [smem:$0x3FD9]  }
0x89: {  	s3 =	sld [smem:$0x3FFE];
	_ =	sdelay $0x1  }
0x8a: {  	s1 =	srdreg.scid  }
0x8b: {  	s0 =	sand.u32 $0x1, s1  }
0x8c: {  	s17 =	sshll.u32 s0, $0xA;
	s2 =	sadd.s32 s3, s2  }
0x8d: {  	s2 =	sadd.s32 s2, s17  }
0x8e: {  	[smem:$0x3FC4] =	sst s2  }
0x8f: {  	_ = 	snop  }
0x90: {  	s2 =	sld [smem:$0x3FD0];
	(tm) =	ssettm $0x1  }
0x91: {  	s18 =	sld [smem:$0x3FFB];
	_ =	sdelay $0x3  }
0x92: {  	_ =	strace s18  }
0x93: {  	s3 =	sld [smem:$0x3FFC];
	_ =	sdelay $0x3  }
0x94: {  	_ =	strace s3  }
0x95: {  	s3 =	sld [smem:$0x3FFD];
	_ =	sdelay $0x3  }
0x96: {  	_ =	strace s3  }
0x97: {  	_ =	strace $0x8FFFFFFF  }
0x98: {  	s19 =	sld [smem:$0x3FDB];
	_ =	sdelay $0x1  }
0x99: {  	s4 =	simm.s32 $_scs_section_size  }
0x9a: {  	s5 =	simm.s32 $_size__tile_overlayer_lowered;
	s6 =	simm.s32 $_tile_overlayer_lowered  }
0x9b: {  	s22 =	simm.s32 $0x1BFF;
	s21 =	sshll.u32 s6, $0x1;
	s3 =	sadd.s32 s4, s19  }
0x9c: {  	s7 =	simm.s32 $0x0;
	s20 =	sshll.u32 s5, $0x1;
	s5 =	sadd.s32 s21, s3  }
0x9d: {  	[timem:s7], [sflag:s22] =	dma.local [hbm:s5], s20  }
0x9e: {  	_ =	swait.ge [sflag:s22], s20  }
0x9f: {  	s4 =	ssub.s32 $0x0, s20;
	[sflag:s22] =	ssyncset.done $0x0  }
0xa0: {  	[sflag:s22] =	ssyncadd.s32 s4;
	_ =	sdelay $0x1  }
0xa1: {  	s23 =	simm.s32 $0x1B8B  }
0xa2: {  	_ =	swait.ge [sflag:s23], $0x1  }
0xa3: {  	[sflag:s23] =	ssyncset.done $0x0  }
0xa4: {  	s25 =	simm.s32 $0x1B8E;
	s24 =	sld [smem:$0x3FFE];
	[sflag:s23] =	ssyncadd.s32 $0xFFFFFFFF  }
0xa5: {  	s26 =	simm.s32 $execute0_lowered;
	[smem:$0x3FD2] =	sst s25  }
0xa6: {  	s5 =	sshll.u32 s26, $0x1;
	_ =	strace $0x80000049;
	[dreg:$0x1] =	wrdreg $0xFFFFFFFF  }
0xa7: {  	s28 =	simm.s32 $_size_execute0_lowered;
	s3 =	sadd.s32 s3, s5;
	[dreg:$0x0] =	wrdreg $0x0  }
0xa8: {  	s5 =	sshll.u32 s28, $0x1;
	[dreg:$0x2] =	wrdreg s3  }
0xa9: {  	[dreg:$0x3] =	wrdreg s5  }
0xaa: {  	[dreg:$0x4] =	wrdreg $0xC0  }
0xab: {  	_ =	task [dreg:s7], $0x5FFFF  }
0xac: {  	[dreg:$0x1] =	wrdreg $0xFFFFFFFF  }
0xad: {  	[dreg:$0x0] =	wrdreg $0x60  }
0xae: {  	[dreg:$0x2] =	wrdreg s24  }
0xaf: {  	[dreg:$0x3] =	wrdreg s2  }
0xb0: {  	[dreg:$0x4] =	wrdreg $0x9  }
0xb1: {  	_ =	task.clear_ibuf [dreg:s7], $0x5FFFF;
	_ =	strace $0x90000049  }
0xb2: {  	s29 =	simm.s32 $0x9;
	_ =	strace $0x8000004B  }
0xb3: {  	_ =	swait.ge [sflag:s29], $0x1  }
0xb4: {  	[sflag:s29] =	ssyncadd.s32 $0xFFFFFFFF  }
0xb5: {  	_ =	strace $0x9000004B  }
0xb6: {  	_ =	sfence  }
0xb7: {  	s30 =	sld [smem:$0x0];
	_ =	sdelay $0x2  }
0xb8: {  	s31 =	sshll.u32 s1, $0xD;
	s1 =	sshrl.u32 s1, $0x2  }
0xb9: {  	s3 =	sand.u32 $0x4000, s31;
	s1 =	sadd.s32 s1, s30  }
0xba: {  	s0 =	sor.u32 s3, s0;
	s1 =	sshll.u32 s1, $0x11  }
0xbb: {  	s0 =	sor.u32 s1, s0  }
0xbc: {  	s0 =	sadd.s32 $0x8F2B, s0  }
0xbd: {  	[sflag:s0] =	ssyncadd.remote.s32 $0x1  }
0xbe: {  	_ =	sfence.sel $0xFFFF  }
0xbf: {  	[dreg:$0x0] =	wrdreg $0xFFFFFFFF;
	(pc) =	sbr.abs _section_cstart, $3  }
0xc0: {  	[dreg:$0x1] =	wrdreg $0xFFFFFFFF  }
0xc1: {  	_ =	task.clear_ibuf [dreg:s7], $0x2FFFF;
	_ =	strace $0x9FFFFFFF  }
0xc2: {  	(tm) =	ssettm $0x7FFFFFFF  }
0xc3: {  	_ =	shalt  }
tec
execute0_lowered:
.L_overlay_start_1:
0x0: {  	(tag) =	ssettag $0x1  }
0x1: {  	s4 =	rddreg [dreg:$0x0];
	s1 =	srdreg.scid  }
0x2: {  	s0 =	stileid.u32;
	s8 =	rddreg [dreg:$0x1];
	s2 =	simm.s32 $0x0  }
0x3: {  	s12 =	simm.s32 $0x1;
	s13 =	simm.s32 $0x640;
	s14 =	simm.s32 $0x2  }
0x4: {  	s15 =	simm.s32 $0xCE40;
	s16 =	simm.s32 $0x3;
	s17 =	simm.s32 $0x19640  }
0x5: {  	s18 =	simm.s32 $0x4;
	s19 =	simm.s32 $0x6;
	s20 =	simm.s32 $0x19840  }
0x6: {  	s21 =	simm.s32 $0x5;
	s3 =	sand.u32 $0x1, s1;
	s5 =	sshll.u32 s0, $0x1  }
0x7: {  	s22 =	simm.s32 $0x0;
	[smem:$0x7FF] =	sst s2;
	s6 =	sor.u32 s3, s5  }
0x8: {  	s1 =	rddreg [dreg:$0x2];
	_ =	strace $0x8000004A;
	s9 =	smul.u32 $0x6400, s6  }
.Ltmp0:
0x9: {  	s30 =	ssub.s32 $0x2, s3;
	s3 =	sadd.s32 $0x7A2200, s4;
	(pc) =	sbr.rel .LBB2_1-.Ltmp0, $4  }
0xa: {  	s4 =	sadd.s32 $0x1000, s4;
	s7 =	sshrl.u32 s30, $0x1;
	s31 =	sshll.u32 s6, $0xB  }
0xb: {  	s11 =	ssub.s32 s30, s7;
	s8 =	sadd.s32 s8, s31;
	s10 =	sshrl.u32 s9, $0x3  }
0xc: {  	s7 =	sadd.s32 $0x640, s9;
	s9 =	sadd.s32 $0x960, s9;
	s5 =	sadd.s32 s3, s10  }
0xd: {  	vm0 =	vcmask $0x3F20;
	s10 =	smax.u32 s11, $0x1;
	s11 =	simm.s32 $0x320;
	s6 =	sadd.s32 $0x64, s5  }
.LBB2_24:
0xe: {  	s22 =	sadd.s32 $0x1, s22  }
0xf: {  	_ =	swait.ge [sflag:s21], $0x200;
	p0 =	sne.s32 s22, s10  }
.Ltmp1:
0x10: {  	[sflag:s21] =	ssyncset.done $0x0;
	(pc) =	sbr.rel @!p0 .LBB2_25-.Ltmp1, $4  }
0x11: {  	[sflag:s21] =	ssyncadd.s32 $0xFFFFFE00  }
0x12: {  	_ =	swait.ge [sflag:s19], $0x200  }
0x13: {  	[sflag:s19] =	ssyncset.done $0x0  }
0x14: {  	[sflag:s19] =	ssyncadd.s32 $0xFFFFFE00  }
.LBB2_1:
0x15: {  	[tilespmem:s2], [sflag:$0x1] =	stream.linear.gather [hbm4b:s5+s2], $0x320, $0x38;
	[tilespmem:$0x19A40] =	vst v63  }
0x16: {  	_ = 	snop  }
0x17: {  	[tilespmem:s11], [sflag:$0x2] =	stream.linear.gather [hbm4b:s6+s2], $0x320, $0x38;
	[tilespmem:$0x19A40] =	vst v63  }
0x18: {  	_ =	swait.ge [sflag:s12], $0x320  }
0x19: {  	[sflag:s12] =	ssyncset.done $0x0  }
0x1a: {  	[sflag:s12] =	ssyncadd.s32 $0xFFFFFCE0  }
0x1b: {  	[tilespmem:s13], [sflag:$0x3] =	stream.indirect.gather [hbm4b:s4+s11], $0x40, s2, s11, $0xb8;
	[tilespmem:$0x19A40] =	vst v63  }
0x1c: {  	_ =	swait.ge [sflag:s14], $0x320  }
0x1d: {  	[sflag:s14] =	ssyncset.done $0x0  }
0x1e: {  	s23 =	simm.s32 $0x0;
	[sflag:s14] =	ssyncadd.s32 $0xFFFFFCE0  }
0x1f: {  	[tilespmem:s15], [sflag:$0x4] =	stream.indirect.gather [hbm4b:s4+s11], $0x40, s11, s11, $0xb8;
	[tilespmem:$0x19A40] =	vst v63  }
.LBB2_2:
0x20: {  	_ =	swait.ge [sflag:s16], $0xC800  }
0x21: {  	p1 =	seq.s32 s23, $0x0;
	[sflag:s16] =	ssyncset.done $0x0  }
0x22: {  	s24 =	simm.s32 @!p1 $0x5;
	[sflag:s16] =	ssyncadd.s32 $0xFFFF3800  }
0x23: {  	_ =	swait.ge @!p1 [sflag:s24], $0x200  }
0x24: {  	[sflag:s24] =	ssyncset.done @!p1 $0x0  }
0x25: {  	[sflag:s24] =	ssyncadd.s32 @!p1 $0xFFFFFE00  }
0x26: {  	v0 =	vld [tilespmem:$0x0]  }
0x27: {  	v1 =	vld [tilespmem:$0x10]  }
0x28: {  	v2 =	vld [tilespmem:$0x20]  }
0x29: {  	v3 =	vld [tilespmem:$0x30]  }
0x2a: {  	v4 =	vld [tilespmem:$0x40]  }
0x2b: {  	v5 =	vld [tilespmem:$0x50]  }
0x2c: {  	v6 =	vld [tilespmem:$0x60]  }
0x2d: {  	v7 =	vld [tilespmem:$0x70]  }
0x2e: {  	v8 =	vld [tilespmem:$0x80]  }
0x2f: {  	vm1 =	vne.s32 v0, $0x0;
	v0 =	vld [tilespmem:$0x90]  }
0x30: {  	vm2 =	vne.s32 v2, $0x0;
	v9 =	vmpcnt.ones.xlane vm1;
	vm1 =	vne.s32 v1, $0x0;
	v1 =	vld [tilespmem:$0xA0]  }
0x31: {  	v10 =	vmpcnt.ones.xlane vm2;
	v2 =	vmpcnt.ones.xlane vm1;
	vm1 =	vne.s32 v3, $0x0;
	v3 =	vld [tilespmem:$0xB8]  }
0x32: {  	vm2 =	vne.s32 v5, $0x0;
	v11 =	vmpcnt.ones.xlane vm1;
	vm1 =	vne.s32 v4, $0x0;
	v4 =	vld [tilespmem:$0xB0]  }
0x33: {  	v12 =	vmpcnt.ones.xlane vm2;
	v5 =	vmpcnt.ones.xlane vm1;
	vm1 =	vne.s32 v6, $0x0;
	v6 =	vld [tilespmem:$0xC8]  }
0x34: {  	vm2 =	vne.s32 v8, $0x0;
	v13 =	vmpcnt.ones.xlane vm1;
	vm1 =	vne.s32 v7, $0x0;
	v7 =	vld [tilespmem:$0xD8]  }
0x35: {  	v14 =	vmpcnt.ones.xlane vm2;
	v8 =	vmpcnt.ones.xlane vm1;
	vm1 =	vne.s32 v0, $0x0;
	v0 =	vld [tilespmem:$0xE8]  }
0x36: {  	v2 =	vadd.s32 v9, v2;
	v15 =	vmpcnt.ones.xlane vm1;
	vm1 =	vne.s32 v1, $0x0;
	v1 =	vld [tilespmem:$0xF8]  }
0x37: {  	vm2 =	vne.s32 v3, $0x0;
	v3 =	vmpcnt.ones.xlane vm1;
	vm1 =	vne.s32 v4, $0x0;
	v4 =	vld [tilespmem:$0x108]  }
0x38: {  	v2 =	vadd.s32 v10, v2;
	v16 =	vmpcnt.ones.xlane vm1;
	vm1 =	vne.s32 v6, $0x0;
	v6 =	vld [tilespmem:$0x118]  }
0x39: {  	v2 =	vadd.s32 v11, v2;
	v9 =	vmpcnt.ones.xlane vm1;
	vm1 =	vne.s32 v7, $0x0;
	v7 =	vld [tilespmem:$0x128]  }
0x3a: {  	v2 =	vadd.s32 v5, v2;
	v10 =	vmpcnt.ones.xlane vm1;
	vm1 =	vne.s32 v0, $0x0;
	v0 =	vld [tilespmem:$0x138]  }
0x3b: {  	vm2 =	vmand vm2, vm0;
	v11 =	vmpcnt.ones.xlane vm1;
	vm1 =	vne.s32 v1, $0x0;
	v1 =	vld [tilespmem:$0x148]  }
0x3c: {  	v2 =	vadd.s32 v12, v2;
	v5 =	vmpcnt.ones.xlane vm1;
	vm1 =	vne.s32 v4, $0x0;
	v4 =	vld [tilespmem:$0x158]  }
0x3d: {  	v2 =	vadd.s32 v13, v2;
	v12 =	vmpcnt.ones.xlane vm1;
	vm1 =	vne.s32 v6, $0x0;
	v6 =	vld [tilespmem:$0x168]  }
0x3e: {  	v2 =	vadd.s32 v8, v2;
	v13 =	vmpcnt.ones.xlane vm1;
	vm1 =	vne.s32 v7, $0x0;
	v7 =	vld [tilespmem:$0x178]  }
0x3f: {  	v2 =	vadd.s32 v14, v2;
	v8 =	vmpcnt.ones.xlane vm1;
	vm1 =	vne.s32 v0, $0x0;
	v0 =	vld [tilespmem:$0x180]  }
0x40: {  	v9 =	vadd.s32 v9, v10;
	v14 =	vmpcnt.ones.xlane vm1;
	vm1 =	vne.s32 v1, $0x0  }
0x41: {  	v1 =	vadd.s32 v15, v2;
	v2 =	vmpcnt.ones.xlane vm1;
	vm1 =	vne.s32 v4, $0x0;
	v4 =	vld [tilespmem:$0x190]  }
0x42: {  	v1 =	vadd.s32 v3, v1;
	v3 =	vmpcnt.ones.xlane vm1;
	vm1 =	vne.s32 v6, $0x0;
	v6 =	vld [tilespmem:$0x1A0]  }
0x43: {  	v9 =	vadd.s32 v11, v9;
	v15 =	vmpcnt.ones.xlane vm1;
	vm1 =	vne.s32 v7, $0x0;
	v7 =	vld [tilespmem:$0x1B0]  }
0x44: {  	v5 =	vadd.s32 v5, v9;
	v10 =	vmpcnt.ones.xlane vm1;
	vm1 =	vne.s32 v0, $0x0;
	v0 =	vld [tilespmem:$0x1C0]  }
0x45: {  	v17 =	vmpcnt.ones.xlane vm2;
	v11 =	vld [tilespmem:$0x1D0];
	v5 =	vadd.s32 v12, v5;
	vm1 =	vmand vm1, vm0  }
0x46: {  	v5 =	vadd.s32 v13, v5;
	v9 =	vmpcnt.ones.xlane vm1;
	vm1 =	vne.s32 v4, $0x0;
	v4 =	vld [tilespmem:$0x1E0]  }
0x47: {  	v5 =	vadd.s32 v8, v5;
	v12 =	vmpcnt.ones.xlane vm1;
	vm1 =	vne.s32 v6, $0x0;
	v6 =	vld [tilespmem:$0x1F0]  }
0x48: {  	v1 =	vadd.s32 v16, v1;
	v13 =	vmpcnt.ones.xlane vm1;
	vm1 =	vne.s32 v7, $0x0;
	v7 =	vld [tilespmem:$0x200]  }
0x49: {  	v5 =	vadd.s32 v14, v5;
	v8 =	vmpcnt.ones.xlane vm1;
	vm1 =	vne.s32 v0, $0x0;
	v0 =	vld [tilespmem:$0x210]  }
0x4a: {  	v1 =	vadd.s32 v17, v1;
	v14 =	vmpcnt.ones.xlane vm1;
	vm1 =	vne.s32 v11, $0x0;
	v11 =	vld [tilespmem:$0x220]  }
0x4b: {  	v2 =	vadd.s32 v2, v5;
	v5 =	vmpcnt.ones.xlane vm1;
	vm1 =	vne.s32 v4, $0x0;
	v4 =	vld [tilespmem:$0x230]  }
0x4c: {  	v2 =	vadd.s32 v3, v2;
	v3 =	vmpcnt.ones.xlane vm1;
	vm1 =	vne.s32 v6, $0x0;
	v6 =	vld [tilespmem:$0x240]  }
0x4d: {  	v2 =	vadd.s32 v15, v2;
	v15 =	vmpcnt.ones.xlane vm1;
	vm1 =	vne.s32 v7, $0x0;
	v7 =	vld [tilespmem:$0x248]  }
0x4e: {  	v2 =	vadd.s32 v10, v2;
	v10 =	vmpcnt.ones.xlane vm1;
	vm1 =	vne.s32 v0, $0x0  }
0x4f: {  	v0 =	vadd.s32 v12, v13;
	v12 =	vmpcnt.ones.xlane vm1;
	vm1 =	vne.s32 v11, $0x0;
	v11 =	vld [tilespmem:$0x258]  }
0x50: {  	v0 =	vadd.s32 v8, v0;
	v8 =	vmpcnt.ones.xlane vm1;
	vm1 =	vne.s32 v4, $0x0;
	v4 =	vld [tilespmem:$0x268]  }
0x51: {  	v0 =	vadd.s32 v14, v0;
	v13 =	vmpcnt.ones.xlane vm1;
	vm1 =	vne.s32 v6, $0x0;
	v6 =	vld [tilespmem:$0x278]  }
0x52: {  	v0 =	vadd.s32 v5, v0;
	v5 =	vmpcnt.ones.xlane vm1;
	vm1 =	vne.s32 v7, $0x0;
	v7 =	vld [tilespmem:$0x288]  }
0x53: {  	v2 =	vadd.s32 v9, v2;
	v0 =	vadd.s32 v3, v0;
	v3 =	vld [tilespmem:$0x298];
	vm1 =	vmand vm1, vm0  }
0x54: {  	v0 =	vadd.s32 v15, v0;
	v9 =	vmpcnt.ones.xlane vm1;
	vm1 =	vne.s32 v11, $0x0;
	v11 =	vld [tilespmem:$0x2A8]  }
0x55: {  	v0 =	vadd.s32 v10, v0;
	v10 =	vmpcnt.ones.xlane vm1;
	vm1 =	vne.s32 v4, $0x0;
	v4 =	vld [tilespmem:$0x2B8]  }
0x56: {  	v0 =	vadd.s32 v12, v0;
	v12 =	vmpcnt.ones.xlane vm1;
	vm1 =	vne.s32 v6, $0x0;
	v6 =	vld [tilespmem:$0x2C8]  }
0x57: {  	v0 =	vadd.s32 v8, v0;
	v8 =	vmpcnt.ones.xlane vm1;
	vm1 =	vne.s32 v7, $0x0;
	v7 =	vld [tilespmem:$0x2D8]  }
0x58: {  	v10 =	vadd.s32 v10, v12;
	v12 =	vmpcnt.ones.xlane vm1;
	vm1 =	vne.s32 v3, $0x0;
	v3 =	vld [tilespmem:$0x2E8]  }
0x59: {  	v8 =	vadd.s32 v8, v10;
	v10 =	vmpcnt.ones.xlane vm1;
	vm1 =	vne.s32 v11, $0x0;
	v11 =	vld [tilespmem:$0x2F8]  }
0x5a: {  	v8 =	vadd.s32 v12, v8;
	v12 =	vmpcnt.ones.xlane vm1;
	vm1 =	vne.s32 v4, $0x0;
	v4 =	vld [tilespmem:$0x308]  }
0x5b: {  	v8 =	vadd.s32 v10, v8;
	v10 =	vmpcnt.ones.xlane vm1;
	vm1 =	vne.s32 v6, $0x0;
	v6 =	vld [tilespmem:$0x310]  }
0x5c: {  	v8 =	vadd.s32 v12, v8;
	v12 =	vmpcnt.ones.xlane vm1;
	vm1 =	vne.s32 v7, $0x0  }
0x5d: {  	v7 =	vadd.s32 v10, v8;
	v8 =	vmpcnt.ones.xlane vm1;
	vm1 =	vne.s32 v3, $0x0  }
0x5e: {  	v1 =	vcvt.s32.f32 v1;
	v3 =	vmpcnt.ones.xlane vm1;
	vm1 =	vne.s32 v11, $0x0  }
0x5f: {  	v7 =	vadd.s32 v12, v7;
	v10 =	vmpcnt.ones.xlane vm1;
	vm1 =	vne.s32 v4, $0x0  }
0x60: {  	v4 =	vadd.s32 v8, v7;
	v7 =	vmpcnt.ones.xlane vm1;
	vm1 =	vne.s32 v6, $0x0  }
0x61: {  	v0 =	vadd.s32 v13, v0;
	v3 =	vadd.s32 v3, v4;
	vm1 =	vmand vm1, vm0  }
0x62: {  	p0 =	seq.s32 s23, $0xF;
	v0 =	vadd.s32 v5, v0;
	v3 =	vadd.s32 v10, v3;
	v4 =	vmpcnt.ones.xlane vm1  }
0x63: {  	s24 =	smul.u32 @!p0 $0x640, s23;
	v2 =	vcvt.s32.f32 v2;
	v0 =	vadd.s32 v9, v0;
	v3 =	vadd.s32 v7, v3  }
0x64: {  	[tilespmem:$0x19680] =	vst v1;
	v0 =	vcvt.s32.f32 v0;
	v1 =	vadd.s32 v4, v3  }
0x65: {  	s25 =	sadd.s32 @!p0 s24, s7;
	[tilespmem:$0x19700] =	vst v2;
	v1 =	vcvt.s32.f32 v1  }
0x66: {  	s25 =	sshrl.u32 @!p0 s25, $0x3;
	[tilespmem:$0x19780] =	vst v0  }
0x67: {  	s26 =	simm.s32 @!p0 $0x0;
	s25 =	sadd.s32 @!p0 s3, s25;
	[tilespmem:$0x19800] =	vst v1  }
0x68: {  	[tilespmem:s26], [sflag:$0x1] =	stream.linear.gather @!p0 [hbm4b:s25+s26], $0x320, $0x38;
	[tilespmem:$0x19A40] =	vst v63  }
0x69: {  	s25 =	simm.s32 $0x0  }
0x6a: {  	v0 =	vld [tilespmem:s25+$0x700]  }
0x6b: {  	v1 =	vld [tilespmem:s25+$0x710]  }
0x6c: {  	v2 =	vld [tilespmem:s25+$0x6C0]  }
0x6d: {  	v3 =	vld [tilespmem:s25+$0x6D0]  }
0x6e: {  	v4 =	vld [tilespmem:s25+$0x680]  }
0x6f: {  	v5 =	vld [tilespmem:s25+$0x690]  }
0x70: {  	v10 =	vld [tilespmem:s25+$0x640]  }
0x71: {  	v9 =	vimm.f32 $0.0e+00;
	v12 =	vld [tilespmem:s25+$0x650]  }
0x72: {  	v8 =	vimm.f32 $0.0e+00;
	v6 =	vimm.f32 $0.0e+00;
	v7 =	vimm.f32 $0.0e+00;
	s26 =	simm.s32 $0x400;
	v11 =	vld [tilespmem:s25+$0x660]  }
.LBB2_3:
0x73: {  	p2 =	sne.s32 s26, $0xC400;
	v13 =	vld [tilespmem:s25+$0x670]  }
0x74: {  	v14 =	vld [tilespmem:s25+$0x6A0]  }
0x75: {  	v15 =	vld [tilespmem:s25+$0x6B0]  }
0x76: {  	v16 =	vld [tilespmem:s25+$0x6E0]  }
0x77: {  	v6 =	vadd.f32 v10, v6;
	v9 =	vadd.f32 v12, v9;
	v10 =	vld [tilespmem:s25+$0x6F0]  }
0x78: {  	v8 =	vadd.f32 v11, v8;
	v7 =	vadd.f32 v13, v7;
	v11 =	vld [tilespmem:s25+$0x720]  }
0x79: {  	v4 =	vadd.f32 v4, v6;
	v5 =	vadd.f32 v5, v9;
	v12 =	vld [tilespmem:s25+$0x730];
	s25 =	sshra.s32 s26, $0x2  }
0x7a: {  	v6 =	vadd.f32 v14, v8;
	v13 =	vld [tilespmem:s25+$0x700];
	v7 =	vadd.f32 v15, v7  }
0x7b: {  	v4 =	vadd.f32 v2, v4;
	v5 =	vadd.f32 v3, v5;
	v14 =	vld [tilespmem:s25+$0x710]  }
0x7c: {  	v8 =	vadd.f32 v16, v6;
	v2 =	vld [tilespmem:s25+$0x6C0];
	v7 =	vadd.f32 v10, v7  }
0x7d: {  	v6 =	vadd.f32 v0, v4;
	v9 =	vadd.f32 v1, v5;
	v3 =	vld [tilespmem:s25+$0x6D0]  }
.Ltmp2:
0x7e: {  	v8 =	vadd.f32 v11, v8;
	v4 =	vld [tilespmem:s25+$0x680];
	v7 =	vadd.f32 v12, v7;
	(pc) =	sbr.rel @p2 .LBB2_3-.Ltmp2, $4  }
0x7f: {  	v5 =	vld [tilespmem:s25+$0x690];
	v0 =	vmov v13  }
0x80: {  	v10 =	vld [tilespmem:s25+$0x640];
	v1 =	vmov v14  }
0x81: {  	v12 =	vld [tilespmem:s25+$0x650]  }
0x82: {  	s26 =	sadd.s32 $0x400, s26;
	v11 =	vld [tilespmem:s25+$0x660]  }
0x83: {  	v13 =	vld [tilespmem:s25+$0x670]  }
0x84: {  	v14 =	vld [tilespmem:s25+$0x6A0]  }
0x85: {  	v15 =	vld [tilespmem:s25+$0x6B0];
	v6 =	vadd.f32 v10, v6  }
0x86: {  	v10 =	vld [tilespmem:s25+$0x6E0];
	v9 =	vadd.f32 v12, v9  }
0x87: {  	v12 =	vld [tilespmem:s25+$0x6F0];
	v8 =	vadd.f32 v11, v8;
	v4 =	vadd.f32 v4, v6  }
0x88: {  	v6 =	vadd.f32 v13, v7;
	v7 =	vld [tilespmem:s25+$0x720];
	v5 =	vadd.f32 v5, v9  }
0x89: {  	v9 =	vld [tilespmem:s25+$0x730];
	v8 =	vadd.f32 v14, v8;
	v2 =	vadd.f32 v2, v4  }
0x8a: {  	v4 =	vadd.f32 v15, v6;
	v3 =	vadd.f32 v3, v5  }
0x8b: {  	v5 =	vadd.f32 v10, v8;
	v0 =	vadd.f32 v0, v2  }
0x8c: {  	v2 =	vadd.f32 v12, v4;
	v1 =	vadd.f32 v1, v3  }
0x8d: {  	v3 =	vadd.f32 v7, v5;
	[tilespmem:$0x19640] =	vst v0  }
0x8e: {  	v0 =	vadd.f32 v9, v2;
	[tilespmem:$0x19650] =	vst v1  }
0x8f: {  	[tilespmem:$0x19660] =	vst v3  }
0x90: {  	s25 =	simm.s32 $0x0;
	[tilespmem:$0x19670] =	vst v0  }
0x91: {  	v0 =	vld [tilespmem:s25+$0x3900]  }
0x92: {  	v1 =	vld [tilespmem:s25+$0x3910]  }
0x93: {  	v2 =	vld [tilespmem:s25+$0x38C0]  }
0x94: {  	v3 =	vld [tilespmem:s25+$0x38D0]  }
0x95: {  	v4 =	vld [tilespmem:s25+$0x3880]  }
0x96: {  	v5 =	vld [tilespmem:s25+$0x3890]  }
0x97: {  	v10 =	vld [tilespmem:s25+$0x3840]  }
0x98: {  	v6 =	vimm.f32 $0.0e+00;
	v12 =	vld [tilespmem:s25+$0x3850]  }
0x99: {  	s26 =	simm.s32 $0x400;
	v8 =	vimm.f32 $0.0e+00;
	v7 =	vimm.f32 $0.0e+00;
	v9 =	vimm.f32 $0.0e+00;
	v11 =	vld [tilespmem:s25+$0x3860]  }
.LBB2_5:
0x9a: {  	p2 =	sne.s32 s26, $0xC400;
	v13 =	vld [tilespmem:s25+$0x3870]  }
0x9b: {  	v14 =	vld [tilespmem:s25+$0x38A0]  }
0x9c: {  	v15 =	vld [tilespmem:s25+$0x38B0]  }
0x9d: {  	v16 =	vld [tilespmem:s25+$0x38E0]  }
0x9e: {  	v6 =	vadd.f32 v10, v6;
	v9 =	vadd.f32 v12, v9;
	v10 =	vld [tilespmem:s25+$0x38F0]  }
0x9f: {  	v8 =	vadd.f32 v11, v8;
	v7 =	vadd.f32 v13, v7;
	v11 =	vld [tilespmem:s25+$0x3920]  }
0xa0: {  	v4 =	vadd.f32 v4, v6;
	v5 =	vadd.f32 v5, v9;
	v12 =	vld [tilespmem:s25+$0x3930];
	s25 =	sshra.s32 s26, $0x2  }
0xa1: {  	v6 =	vadd.f32 v14, v8;
	v13 =	vld [tilespmem:s25+$0x3900];
	v7 =	vadd.f32 v15, v7  }
0xa2: {  	v4 =	vadd.f32 v2, v4;
	v5 =	vadd.f32 v3, v5;
	v14 =	vld [tilespmem:s25+$0x3910]  }
0xa3: {  	v8 =	vadd.f32 v16, v6;
	v2 =	vld [tilespmem:s25+$0x38C0];
	v7 =	vadd.f32 v10, v7  }
0xa4: {  	v6 =	vadd.f32 v0, v4;
	v9 =	vadd.f32 v1, v5;
	v3 =	vld [tilespmem:s25+$0x38D0]  }
.Ltmp3:
0xa5: {  	v8 =	vadd.f32 v11, v8;
	v4 =	vld [tilespmem:s25+$0x3880];
	v7 =	vadd.f32 v12, v7;
	(pc) =	sbr.rel @p2 .LBB2_5-.Ltmp3, $4  }
0xa6: {  	v5 =	vld [tilespmem:s25+$0x3890];
	v0 =	vmov v13  }
0xa7: {  	v10 =	vld [tilespmem:s25+$0x3840];
	v1 =	vmov v14  }
0xa8: {  	v12 =	vld [tilespmem:s25+$0x3850]  }
0xa9: {  	s26 =	sadd.s32 $0x400, s26;
	v11 =	vld [tilespmem:s25+$0x3860]  }
0xaa: {  	v13 =	vld [tilespmem:s25+$0x3870]  }
0xab: {  	v14 =	vld [tilespmem:s25+$0x38A0]  }
0xac: {  	v15 =	vld [tilespmem:s25+$0x38B0];
	v6 =	vadd.f32 v10, v6  }
0xad: {  	v10 =	vld [tilespmem:s25+$0x38E0];
	v9 =	vadd.f32 v12, v9  }
0xae: {  	v12 =	vld [tilespmem:s25+$0x38F0];
	v8 =	vadd.f32 v11, v8;
	v4 =	vadd.f32 v4, v6  }
0xaf: {  	v6 =	vadd.f32 v13, v7;
	v7 =	vld [tilespmem:s25+$0x3920];
	v5 =	vadd.f32 v5, v9  }
0xb0: {  	v9 =	vld [tilespmem:s25+$0x3930];
	v8 =	vadd.f32 v14, v8;
	v2 =	vadd.f32 v2, v4  }
0xb1: {  	v4 =	vadd.f32 v15, v6;
	v3 =	vadd.f32 v3, v5  }
0xb2: {  	v5 =	vadd.f32 v10, v8;
	v0 =	vadd.f32 v0, v2  }
0xb3: {  	v2 =	vadd.f32 v12, v4;
	v1 =	vadd.f32 v1, v3  }
0xb4: {  	v3 =	vadd.f32 v7, v5;
	[tilespmem:$0x196C0] =	vst v0  }
0xb5: {  	v0 =	vadd.f32 v9, v2;
	[tilespmem:$0x196D0] =	vst v1  }
0xb6: {  	[tilespmem:$0x196E0] =	vst v3  }
0xb7: {  	s25 =	simm.s32 $0x0;
	[tilespmem:$0x196F0] =	vst v0  }
0xb8: {  	v0 =	vld [tilespmem:s25+$0x6B00]  }
0xb9: {  	v1 =	vld [tilespmem:s25+$0x6B10]  }
0xba: {  	v2 =	vld [tilespmem:s25+$0x6AC0]  }
0xbb: {  	v3 =	vld [tilespmem:s25+$0x6AD0]  }
0xbc: {  	v4 =	vld [tilespmem:s25+$0x6A80]  }
0xbd: {  	v5 =	vld [tilespmem:s25+$0x6A90]  }
0xbe: {  	v10 =	vld [tilespmem:s25+$0x6A40]  }
0xbf: {  	v6 =	vimm.f32 $0.0e+00;
	v12 =	vld [tilespmem:s25+$0x6A50]  }
0xc0: {  	s26 =	simm.s32 $0x400;
	v8 =	vimm.f32 $0.0e+00;
	v7 =	vimm.f32 $0.0e+00;
	v9 =	vimm.f32 $0.0e+00;
	v11 =	vld [tilespmem:s25+$0x6A60]  }
.LBB2_7:
0xc1: {  	p2 =	sne.s32 s26, $0xC400;
	v13 =	vld [tilespmem:s25+$0x6A70]  }
0xc2: {  	v14 =	vld [tilespmem:s25+$0x6AA0]  }
0xc3: {  	v15 =	vld [tilespmem:s25+$0x6AB0]  }
0xc4: {  	v16 =	vld [tilespmem:s25+$0x6AE0]  }
0xc5: {  	v6 =	vadd.f32 v10, v6;
	v9 =	vadd.f32 v12, v9;
	v10 =	vld [tilespmem:s25+$0x6AF0]  }
0xc6: {  	v8 =	vadd.f32 v11, v8;
	v7 =	vadd.f32 v13, v7;
	v11 =	vld [tilespmem:s25+$0x6B20]  }
0xc7: {  	v4 =	vadd.f32 v4, v6;
	v5 =	vadd.f32 v5, v9;
	v12 =	vld [tilespmem:s25+$0x6B30];
	s25 =	sshra.s32 s26, $0x2  }
0xc8: {  	v6 =	vadd.f32 v14, v8;
	v13 =	vld [tilespmem:s25+$0x6B00];
	v7 =	vadd.f32 v15, v7  }
0xc9: {  	v4 =	vadd.f32 v2, v4;
	v5 =	vadd.f32 v3, v5;
	v14 =	vld [tilespmem:s25+$0x6B10]  }
0xca: {  	v8 =	vadd.f32 v16, v6;
	v2 =	vld [tilespmem:s25+$0x6AC0];
	v7 =	vadd.f32 v10, v7  }
0xcb: {  	v6 =	vadd.f32 v0, v4;
	v9 =	vadd.f32 v1, v5;
	v3 =	vld [tilespmem:s25+$0x6AD0]  }
.Ltmp4:
0xcc: {  	v8 =	vadd.f32 v11, v8;
	v4 =	vld [tilespmem:s25+$0x6A80];
	v7 =	vadd.f32 v12, v7;
	(pc) =	sbr.rel @p2 .LBB2_7-.Ltmp4, $4  }
0xcd: {  	v5 =	vld [tilespmem:s25+$0x6A90];
	v0 =	vmov v13  }
0xce: {  	v10 =	vld [tilespmem:s25+$0x6A40];
	v1 =	vmov v14  }
0xcf: {  	v12 =	vld [tilespmem:s25+$0x6A50]  }
0xd0: {  	s26 =	sadd.s32 $0x400, s26;
	v11 =	vld [tilespmem:s25+$0x6A60]  }
0xd1: {  	v13 =	vld [tilespmem:s25+$0x6A70]  }
0xd2: {  	v14 =	vld [tilespmem:s25+$0x6AA0]  }
0xd3: {  	v15 =	vld [tilespmem:s25+$0x6AB0];
	v6 =	vadd.f32 v10, v6  }
0xd4: {  	v10 =	vld [tilespmem:s25+$0x6AE0];
	v9 =	vadd.f32 v12, v9  }
0xd5: {  	v12 =	vld [tilespmem:s25+$0x6AF0];
	v8 =	vadd.f32 v11, v8;
	v4 =	vadd.f32 v4, v6  }
0xd6: {  	v6 =	vadd.f32 v13, v7;
	v7 =	vld [tilespmem:s25+$0x6B20];
	v5 =	vadd.f32 v5, v9  }
0xd7: {  	v9 =	vld [tilespmem:s25+$0x6B30];
	v8 =	vadd.f32 v14, v8;
	v2 =	vadd.f32 v2, v4  }
0xd8: {  	v4 =	vadd.f32 v15, v6;
	v3 =	vadd.f32 v3, v5  }
0xd9: {  	v5 =	vadd.f32 v10, v8;
	v0 =	vadd.f32 v0, v2  }
0xda: {  	v2 =	vadd.f32 v12, v4;
	v1 =	vadd.f32 v1, v3  }
0xdb: {  	v3 =	vadd.f32 v7, v5;
	[tilespmem:$0x19740] =	vst v0  }
0xdc: {  	v0 =	vadd.f32 v9, v2;
	[tilespmem:$0x19750] =	vst v1  }
0xdd: {  	[tilespmem:$0x19760] =	vst v3  }
0xde: {  	s25 =	simm.s32 $0x0;
	[tilespmem:$0x19770] =	vst v0  }
0xdf: {  	v0 =	vld [tilespmem:s25+$0x9D00]  }
0xe0: {  	v1 =	vld [tilespmem:s25+$0x9D10]  }
0xe1: {  	v2 =	vld [tilespmem:s25+$0x9CC0]  }
0xe2: {  	v3 =	vld [tilespmem:s25+$0x9CD0]  }
0xe3: {  	v4 =	vld [tilespmem:s25+$0x9C80]  }
0xe4: {  	v5 =	vld [tilespmem:s25+$0x9C90]  }
0xe5: {  	v10 =	vld [tilespmem:s25+$0x9C40]  }
0xe6: {  	v6 =	vimm.f32 $0.0e+00;
	v12 =	vld [tilespmem:s25+$0x9C50]  }
0xe7: {  	s26 =	simm.s32 $0x400;
	v8 =	vimm.f32 $0.0e+00;
	v7 =	vimm.f32 $0.0e+00;
	v9 =	vimm.f32 $0.0e+00;
	v11 =	vld [tilespmem:s25+$0x9C60]  }
.LBB2_9:
0xe8: {  	p2 =	sne.s32 s26, $0xC400;
	v13 =	vld [tilespmem:s25+$0x9C70]  }
0xe9: {  	v14 =	vld [tilespmem:s25+$0x9CA0]  }
0xea: {  	v15 =	vld [tilespmem:s25+$0x9CB0]  }
0xeb: {  	v16 =	vld [tilespmem:s25+$0x9CE0]  }
0xec: {  	v6 =	vadd.f32 v10, v6;
	v9 =	vadd.f32 v12, v9;
	v10 =	vld [tilespmem:s25+$0x9CF0]  }
0xed: {  	v8 =	vadd.f32 v11, v8;
	v7 =	vadd.f32 v13, v7;
	v11 =	vld [tilespmem:s25+$0x9D20]  }
0xee: {  	v4 =	vadd.f32 v4, v6;
	v5 =	vadd.f32 v5, v9;
	v12 =	vld [tilespmem:s25+$0x9D30];
	s25 =	sshra.s32 s26, $0x2  }
0xef: {  	v6 =	vadd.f32 v14, v8;
	v13 =	vld [tilespmem:s25+$0x9D00];
	v7 =	vadd.f32 v15, v7  }
0xf0: {  	v4 =	vadd.f32 v2, v4;
	v5 =	vadd.f32 v3, v5;
	v14 =	vld [tilespmem:s25+$0x9D10]  }
0xf1: {  	v8 =	vadd.f32 v16, v6;
	v2 =	vld [tilespmem:s25+$0x9CC0];
	v7 =	vadd.f32 v10, v7  }
0xf2: {  	v6 =	vadd.f32 v0, v4;
	v9 =	vadd.f32 v1, v5;
	v3 =	vld [tilespmem:s25+$0x9CD0]  }
.Ltmp5:
0xf3: {  	v8 =	vadd.f32 v11, v8;
	v4 =	vld [tilespmem:s25+$0x9C80];
	v7 =	vadd.f32 v12, v7;
	(pc) =	sbr.rel @p2 .LBB2_9-.Ltmp5, $4  }
0xf4: {  	v5 =	vld [tilespmem:s25+$0x9C90];
	v0 =	vmov v13  }
0xf5: {  	v10 =	vld [tilespmem:s25+$0x9C40];
	v1 =	vmov v14  }
0xf6: {  	v12 =	vld [tilespmem:s25+$0x9C50]  }
0xf7: {  	s26 =	sadd.s32 $0x400, s26;
	v11 =	vld [tilespmem:s25+$0x9C60]  }
0xf8: {  	v13 =	vld [tilespmem:s25+$0x9C70]  }
0xf9: {  	v14 =	vld [tilespmem:s25+$0x9CA0]  }
0xfa: {  	v15 =	vld [tilespmem:s25+$0x9CB0];
	v6 =	vadd.f32 v10, v6  }
0xfb: {  	v54 =	vld [tilespmem:s25+$0x9CE0];
	v9 =	vadd.f32 v12, v9  }
0xfc: {  	v55 =	vld [tilespmem:s25+$0x9CF0];
	v8 =	vadd.f32 v11, v8;
	v4 =	vadd.f32 v4, v6  }
0xfd: {  	v57 =	vld [tilespmem:s25+$0x9D20];
	v56 =	vadd.f32 v13, v7;
	v5 =	vadd.f32 v5, v9  }
0xfe: {  	v58 =	vld [tilespmem:s25+$0x9D30];
	v8 =	vadd.f32 v14, v8;
	v2 =	vadd.f32 v2, v4  }
0xff: {  	v59 =	vadd.f32 v15, v56;
	v3 =	vadd.f32 v3, v5  }
0x100: {  	v60 =	vadd.f32 v54, v8;
	v0 =	vadd.f32 v0, v2  }
0x101: {  	p2 =	sne.s32 s23, $0xF;
	v61 =	vadd.f32 v55, v59;
	v1 =	vadd.f32 v1, v3  }
.Ltmp6:
0x102: {  	v62 =	vadd.f32 v57, v60;
	[tilespmem:$0x197C0] =	vst v0;
	(pc) =	sbr.rel @p2 .LBB2_12-.Ltmp6, $4  }
0x103: {  	v63 =	vadd.f32 v58, v61;
	[tilespmem:$0x197D0] =	vst v1  }
0x104: {  	s31 =	sshll.u32 s23, $0x7;
	[tilespmem:$0x197E0] =	vst v62  }
0x105: {  	s25 =	sadd.s32 s31, s8;
	[tilespmem:$0x197F0] =	vst v63  }
0x106: {  	[hbm4b:s25+s2] =	stream.linear.scatter [tilespmem:s17], [sflag:$0x5], $0x200, $0x38;
	[tilespmem:$0x19A40] =	vst v63  }
.Ltmp7:
0x107: {  	(pc) =	sbr.rel .LBB2_13-.Ltmp7, $4  }
0x108: {  	_ = 	snop  }
0x109: {  	_ =	swait.ge [sflag:s18], $0xC800  }
0x10a: {  	[sflag:s18] =	ssyncset.done $0x0  }
0x10b: {  	[sflag:s18] =	ssyncadd.s32 $0xFFFF3800  }
.LBB2_12:
0x10c: {  	_ =	swait.ge [sflag:s12], $0x320  }
0x10d: {  	[sflag:s12] =	ssyncset.done $0x0  }
.Ltmp8:
0x10e: {  	[sflag:s12] =	ssyncadd.s32 $0xFFFFFCE0;
	(pc) =	sbr.rel @p1 .LBB2_14-.Ltmp8, $4  }
0x10f: {  	[tilespmem:s13], [sflag:$0x3] =	stream.indirect.gather [hbm4b:s4+s11], $0x40, s2, s11, $0xb8;
	[tilespmem:$0x19A40] =	vst v63  }
0x110: {  	_ =	swait.ge [sflag:s18], $0xC800  }
0x111: {  	[sflag:s18] =	ssyncset.done $0x0  }
0x112: {  	[sflag:s18] =	ssyncadd.s32 $0xFFFF3800  }
.LBB2_13:
0x113: {  	_ =	swait.ge [sflag:s19], $0x200  }
0x114: {  	[sflag:s19] =	ssyncset.done $0x0  }
0x115: {  	[sflag:s19] =	ssyncadd.s32 $0xFFFFFE00  }
.LBB2_14:
0x116: {  	v0 =	vld [tilespmem:$0x320]  }
0x117: {  	v1 =	vld [tilespmem:$0x330]  }
0x118: {  	v2 =	vld [tilespmem:$0x340]  }
0x119: {  	v3 =	vld [tilespmem:$0x350]  }
0x11a: {  	v4 =	vld [tilespmem:$0x360]  }
0x11b: {  	v5 =	vld [tilespmem:$0x370]  }
0x11c: {  	v6 =	vld [tilespmem:$0x380]  }
0x11d: {  	v7 =	vld [tilespmem:$0x390]  }
0x11e: {  	v8 =	vld [tilespmem:$0x3A0]  }
0x11f: {  	vm1 =	vne.s32 v0, $0x0;
	v0 =	vld [tilespmem:$0x3B0]  }
0x120: {  	vm2 =	vne.s32 v2, $0x0;
	v9 =	vmpcnt.ones.xlane vm1;
	vm1 =	vne.s32 v1, $0x0;
	v1 =	vld [tilespmem:$0x3C0]  }
0x121: {  	v10 =	vmpcnt.ones.xlane vm2;
	v2 =	vmpcnt.ones.xlane vm1;
	vm1 =	vne.s32 v3, $0x0;
	v3 =	vld [tilespmem:$0x3D8]  }
0x122: {  	vm2 =	vne.s32 v5, $0x0;
	v11 =	vmpcnt.ones.xlane vm1;
	vm1 =	vne.s32 v4, $0x0;
	v4 =	vld [tilespmem:$0x3D0]  }
0x123: {  	v12 =	vmpcnt.ones.xlane vm2;
	v5 =	vmpcnt.ones.xlane vm1;
	vm1 =	vne.s32 v6, $0x0;
	v6 =	vld [tilespmem:$0x3E8]  }
0x124: {  	vm2 =	vne.s32 v8, $0x0;
	v13 =	vmpcnt.ones.xlane vm1;
	vm1 =	vne.s32 v7, $0x0;
	v7 =	vld [tilespmem:$0x3F8]  }
0x125: {  	v14 =	vmpcnt.ones.xlane vm2;
	v8 =	vmpcnt.ones.xlane vm1;
	vm1 =	vne.s32 v0, $0x0;
	v0 =	vld [tilespmem:$0x408]  }
0x126: {  	v2 =	vadd.s32 v9, v2;
	v15 =	vmpcnt.ones.xlane vm1;
	vm1 =	vne.s32 v1, $0x0;
	v1 =	vld [tilespmem:$0x418]  }
0x127: {  	vm2 =	vne.s32 v3, $0x0;
	v3 =	vmpcnt.ones.xlane vm1;
	vm1 =	vne.s32 v4, $0x0;
	v4 =	vld [tilespmem:$0x428]  }
0x128: {  	v2 =	vadd.s32 v10, v2;
	v16 =	vmpcnt.ones.xlane vm1;
	vm1 =	vne.s32 v6, $0x0;
	v6 =	vld [tilespmem:$0x438]  }
0x129: {  	v2 =	vadd.s32 v11, v2;
	v9 =	vmpcnt.ones.xlane vm1;
	vm1 =	vne.s32 v7, $0x0;
	v7 =	vld [tilespmem:$0x448]  }
0x12a: {  	v2 =	vadd.s32 v5, v2;
	v10 =	vmpcnt.ones.xlane vm1;
	vm1 =	vne.s32 v0, $0x0;
	v0 =	vld [tilespmem:$0x458]  }
0x12b: {  	vm2 =	vmand vm2, vm0;
	v11 =	vmpcnt.ones.xlane vm1;
	vm1 =	vne.s32 v1, $0x0;
	v1 =	vld [tilespmem:$0x468]  }
0x12c: {  	v2 =	vadd.s32 v12, v2;
	v5 =	vmpcnt.ones.xlane vm1;
	vm1 =	vne.s32 v4, $0x0;
	v4 =	vld [tilespmem:$0x478]  }
0x12d: {  	v2 =	vadd.s32 v13, v2;
	v12 =	vmpcnt.ones.xlane vm1;
	vm1 =	vne.s32 v6, $0x0;
	v6 =	vld [tilespmem:$0x488]  }
0x12e: {  	v2 =	vadd.s32 v8, v2;
	v13 =	vmpcnt.ones.xlane vm1;
	vm1 =	vne.s32 v7, $0x0;
	v7 =	vld [tilespmem:$0x498]  }
0x12f: {  	v2 =	vadd.s32 v14, v2;
	v8 =	vmpcnt.ones.xlane vm1;
	vm1 =	vne.s32 v0, $0x0;
	v0 =	vld [tilespmem:$0x4A0]  }
0x130: {  	v9 =	vadd.s32 v9, v10;
	v14 =	vmpcnt.ones.xlane vm1;
	vm1 =	vne.s32 v1, $0x0  }
0x131: {  	v1 =	vadd.s32 v15, v2;
	v2 =	vmpcnt.ones.xlane vm1;
	vm1 =	vne.s32 v4, $0x0;
	v4 =	vld [tilespmem:$0x4B0]  }
0x132: {  	v1 =	vadd.s32 v3, v1;
	v3 =	vmpcnt.ones.xlane vm1;
	vm1 =	vne.s32 v6, $0x0;
	v6 =	vld [tilespmem:$0x4C0]  }
0x133: {  	v9 =	vadd.s32 v11, v9;
	v15 =	vmpcnt.ones.xlane vm1;
	vm1 =	vne.s32 v7, $0x0;
	v7 =	vld [tilespmem:$0x4D0]  }
0x134: {  	v5 =	vadd.s32 v5, v9;
	v10 =	vmpcnt.ones.xlane vm1;
	vm1 =	vne.s32 v0, $0x0;
	v0 =	vld [tilespmem:$0x4E0]  }
0x135: {  	v17 =	vmpcnt.ones.xlane vm2;
	v11 =	vld [tilespmem:$0x4F0];
	v5 =	vadd.s32 v12, v5;
	vm1 =	vmand vm1, vm0  }
0x136: {  	v5 =	vadd.s32 v13, v5;
	v9 =	vmpcnt.ones.xlane vm1;
	vm1 =	vne.s32 v4, $0x0;
	v4 =	vld [tilespmem:$0x500]  }
0x137: {  	v5 =	vadd.s32 v8, v5;
	v12 =	vmpcnt.ones.xlane vm1;
	vm1 =	vne.s32 v6, $0x0;
	v6 =	vld [tilespmem:$0x510]  }
0x138: {  	v1 =	vadd.s32 v16, v1;
	v13 =	vmpcnt.ones.xlane vm1;
	vm1 =	vne.s32 v7, $0x0;
	v7 =	vld [tilespmem:$0x520]  }
0x139: {  	v5 =	vadd.s32 v14, v5;
	v8 =	vmpcnt.ones.xlane vm1;
	vm1 =	vne.s32 v0, $0x0;
	v0 =	vld [tilespmem:$0x530]  }
0x13a: {  	v1 =	vadd.s32 v17, v1;
	v14 =	vmpcnt.ones.xlane vm1;
	vm1 =	vne.s32 v11, $0x0;
	v11 =	vld [tilespmem:$0x540]  }
0x13b: {  	v2 =	vadd.s32 v2, v5;
	v5 =	vmpcnt.ones.xlane vm1;
	vm1 =	vne.s32 v4, $0x0;
	v4 =	vld [tilespmem:$0x550]  }
0x13c: {  	v2 =	vadd.s32 v3, v2;
	v3 =	vmpcnt.ones.xlane vm1;
	vm1 =	vne.s32 v6, $0x0;
	v6 =	vld [tilespmem:$0x560]  }
0x13d: {  	v2 =	vadd.s32 v15, v2;
	v15 =	vmpcnt.ones.xlane vm1;
	vm1 =	vne.s32 v7, $0x0;
	v7 =	vld [tilespmem:$0x568]  }
0x13e: {  	v2 =	vadd.s32 v10, v2;
	v10 =	vmpcnt.ones.xlane vm1;
	vm1 =	vne.s32 v0, $0x0  }
0x13f: {  	v0 =	vadd.s32 v12, v13;
	v12 =	vmpcnt.ones.xlane vm1;
	vm1 =	vne.s32 v11, $0x0;
	v11 =	vld [tilespmem:$0x578]  }
0x140: {  	v0 =	vadd.s32 v8, v0;
	v8 =	vmpcnt.ones.xlane vm1;
	vm1 =	vne.s32 v4, $0x0;
	v4 =	vld [tilespmem:$0x588]  }
0x141: {  	v0 =	vadd.s32 v14, v0;
	v13 =	vmpcnt.ones.xlane vm1;
	vm1 =	vne.s32 v6, $0x0;
	v6 =	vld [tilespmem:$0x598]  }
0x142: {  	v0 =	vadd.s32 v5, v0;
	v5 =	vmpcnt.ones.xlane vm1;
	vm1 =	vne.s32 v7, $0x0;
	v7 =	vld [tilespmem:$0x5A8]  }
0x143: {  	v2 =	vadd.s32 v9, v2;
	v0 =	vadd.s32 v3, v0;
	v3 =	vld [tilespmem:$0x5B8];
	vm1 =	vmand vm1, vm0  }
0x144: {  	v0 =	vadd.s32 v15, v0;
	v9 =	vmpcnt.ones.xlane vm1;
	vm1 =	vne.s32 v11, $0x0;
	v11 =	vld [tilespmem:$0x5C8]  }
0x145: {  	v0 =	vadd.s32 v10, v0;
	v10 =	vmpcnt.ones.xlane vm1;
	vm1 =	vne.s32 v4, $0x0;
	v4 =	vld [tilespmem:$0x5D8]  }
0x146: {  	v0 =	vadd.s32 v12, v0;
	v12 =	vmpcnt.ones.xlane vm1;
	vm1 =	vne.s32 v6, $0x0;
	v6 =	vld [tilespmem:$0x5E8]  }
0x147: {  	v0 =	vadd.s32 v8, v0;
	v8 =	vmpcnt.ones.xlane vm1;
	vm1 =	vne.s32 v7, $0x0;
	v7 =	vld [tilespmem:$0x5F8]  }
0x148: {  	v10 =	vadd.s32 v10, v12;
	v12 =	vmpcnt.ones.xlane vm1;
	vm1 =	vne.s32 v3, $0x0;
	v3 =	vld [tilespmem:$0x608]  }
0x149: {  	v8 =	vadd.s32 v8, v10;
	v10 =	vmpcnt.ones.xlane vm1;
	vm1 =	vne.s32 v11, $0x0;
	v11 =	vld [tilespmem:$0x618]  }
0x14a: {  	v8 =	vadd.s32 v12, v8;
	v12 =	vmpcnt.ones.xlane vm1;
	vm1 =	vne.s32 v4, $0x0;
	v4 =	vld [tilespmem:$0x628]  }
0x14b: {  	v8 =	vadd.s32 v10, v8;
	v10 =	vmpcnt.ones.xlane vm1;
	vm1 =	vne.s32 v6, $0x0;
	v6 =	vld [tilespmem:$0x630]  }
0x14c: {  	v8 =	vadd.s32 v12, v8;
	v12 =	vmpcnt.ones.xlane vm1;
	vm1 =	vne.s32 v7, $0x0  }
0x14d: {  	v7 =	vadd.s32 v10, v8;
	v8 =	vmpcnt.ones.xlane vm1;
	vm1 =	vne.s32 v3, $0x0  }
0x14e: {  	v1 =	vcvt.s32.f32 v1;
	v3 =	vmpcnt.ones.xlane vm1;
	vm1 =	vne.s32 v11, $0x0  }
0x14f: {  	v7 =	vadd.s32 v12, v7;
	v10 =	vmpcnt.ones.xlane vm1;
	vm1 =	vne.s32 v4, $0x0  }
0x150: {  	v4 =	vadd.s32 v8, v7;
	v7 =	vmpcnt.ones.xlane vm1;
	vm1 =	vne.s32 v6, $0x0  }
0x151: {  	v0 =	vadd.s32 v13, v0;
	v3 =	vadd.s32 v3, v4;
	vm1 =	vmand vm1, vm0  }
0x152: {  	v0 =	vadd.s32 v5, v0;
	v3 =	vadd.s32 v10, v3;
	v4 =	vmpcnt.ones.xlane vm1  }
0x153: {  	v2 =	vcvt.s32.f32 v2;
	v0 =	vadd.s32 v9, v0;
	v3 =	vadd.s32 v7, v3  }
0x154: {  	[tilespmem:$0x19880] =	vst v1;
	v0 =	vcvt.s32.f32 v0;
	v1 =	vadd.s32 v4, v3  }
0x155: {  	s24 =	sadd.s32 @!p0 s24, s9;
	[tilespmem:$0x19900] =	vst v2;
	v1 =	vcvt.s32.f32 v1  }
0x156: {  	s24 =	sshrl.u32 @!p0 s24, $0x3;
	[tilespmem:$0x19980] =	vst v0  }
0x157: {  	s26 =	simm.s32 @!p0 $0x0;
	s28 =	simm.s32 @!p0 $0x320;
	s24 =	sadd.s32 @!p0 s3, s24;
	[tilespmem:$0x19A00] =	vst v1  }
0x158: {  	[tilespmem:s28], [sflag:$0x2] =	stream.linear.gather @!p0 [hbm4b:s24+s26], $0x320, $0x38;
	[tilespmem:$0x19A40] =	vst v63  }
0x159: {  	s24 =	simm.s32 $0x0  }
0x15a: {  	v0 =	vld [tilespmem:s24+$0xCF00]  }
0x15b: {  	v1 =	vld [tilespmem:s24+$0xCF10]  }
0x15c: {  	v2 =	vld [tilespmem:s24+$0xCEC0]  }
0x15d: {  	v3 =	vld [tilespmem:s24+$0xCED0]  }
0x15e: {  	v4 =	vld [tilespmem:s24+$0xCE80]  }
0x15f: {  	v5 =	vld [tilespmem:s24+$0xCE90]  }
0x160: {  	v10 =	vld [tilespmem:s24+$0xCE40]  }
0x161: {  	v9 =	vimm.f32 $0.0e+00;
	v12 =	vld [tilespmem:s24+$0xCE50]  }
0x162: {  	v8 =	vimm.f32 $0.0e+00;
	v6 =	vimm.f32 $0.0e+00;
	v7 =	vimm.f32 $0.0e+00;
	s26 =	simm.s32 $0x400;
	v11 =	vld [tilespmem:s24+$0xCE60]  }
.LBB2_15:
0x163: {  	p1 =	sne.s32 s26, $0xC400;
	v13 =	vld [tilespmem:s24+$0xCE70]  }
0x164: {  	v14 =	vld [tilespmem:s24+$0xCEA0]  }
0x165: {  	v15 =	vld [tilespmem:s24+$0xCEB0]  }
0x166: {  	v16 =	vld [tilespmem:s24+$0xCEE0]  }
0x167: {  	v6 =	vadd.f32 v10, v6;
	v9 =	vadd.f32 v12, v9;
	v10 =	vld [tilespmem:s24+$0xCEF0]  }
0x168: {  	v8 =	vadd.f32 v11, v8;
	v7 =	vadd.f32 v13, v7;
	v11 =	vld [tilespmem:s24+$0xCF20]  }
0x169: {  	v4 =	vadd.f32 v4, v6;
	v5 =	vadd.f32 v5, v9;
	v12 =	vld [tilespmem:s24+$0xCF30];
	s24 =	sshra.s32 s26, $0x2  }
0x16a: {  	v6 =	vadd.f32 v14, v8;
	v13 =	vld [tilespmem:s24+$0xCF00];
	v7 =	vadd.f32 v15, v7  }
0x16b: {  	v4 =	vadd.f32 v2, v4;
	v5 =	vadd.f32 v3, v5;
	v14 =	vld [tilespmem:s24+$0xCF10]  }
0x16c: {  	v8 =	vadd.f32 v16, v6;
	v2 =	vld [tilespmem:s24+$0xCEC0];
	v7 =	vadd.f32 v10, v7  }
0x16d: {  	v6 =	vadd.f32 v0, v4;
	v9 =	vadd.f32 v1, v5;
	v3 =	vld [tilespmem:s24+$0xCED0]  }
.Ltmp9:
0x16e: {  	v8 =	vadd.f32 v11, v8;
	v4 =	vld [tilespmem:s24+$0xCE80];
	v7 =	vadd.f32 v12, v7;
	(pc) =	sbr.rel @p1 .LBB2_15-.Ltmp9, $4  }
0x16f: {  	v5 =	vld [tilespmem:s24+$0xCE90];
	v0 =	vmov v13  }
0x170: {  	v10 =	vld [tilespmem:s24+$0xCE40];
	v1 =	vmov v14  }
0x171: {  	v12 =	vld [tilespmem:s24+$0xCE50]  }
0x172: {  	s26 =	sadd.s32 $0x400, s26;
	v11 =	vld [tilespmem:s24+$0xCE60]  }
0x173: {  	v13 =	vld [tilespmem:s24+$0xCE70]  }
0x174: {  	v14 =	vld [tilespmem:s24+$0xCEA0]  }
0x175: {  	v15 =	vld [tilespmem:s24+$0xCEB0];
	v6 =	vadd.f32 v10, v6  }
0x176: {  	v10 =	vld [tilespmem:s24+$0xCEE0];
	v9 =	vadd.f32 v12, v9  }
0x177: {  	v12 =	vld [tilespmem:s24+$0xCEF0];
	v8 =	vadd.f32 v11, v8;
	v4 =	vadd.f32 v4, v6  }
0x178: {  	v6 =	vadd.f32 v13, v7;
	v7 =	vld [tilespmem:s24+$0xCF20];
	v5 =	vadd.f32 v5, v9  }
0x179: {  	v9 =	vld [tilespmem:s24+$0xCF30];
	v8 =	vadd.f32 v14, v8;
	v2 =	vadd.f32 v2, v4  }
0x17a: {  	v4 =	vadd.f32 v15, v6;
	v3 =	vadd.f32 v3, v5  }
0x17b: {  	v5 =	vadd.f32 v10, v8;
	v0 =	vadd.f32 v0, v2  }
0x17c: {  	v2 =	vadd.f32 v12, v4;
	v1 =	vadd.f32 v1, v3  }
0x17d: {  	v3 =	vadd.f32 v7, v5;
	[tilespmem:$0x19840] =	vst v0  }
0x17e: {  	v0 =	vadd.f32 v9, v2;
	[tilespmem:$0x19850] =	vst v1  }
0x17f: {  	[tilespmem:$0x19860] =	vst v3  }
0x180: {  	s24 =	simm.s32 $0x0;
	[tilespmem:$0x19870] =	vst v0  }
0x181: {  	v0 =	vld [tilespmem:s24+$0x10100]  }
0x182: {  	v1 =	vld [tilespmem:s24+$0x10110]  }
0x183: {  	v2 =	vld [tilespmem:s24+$0x100C0]  }
0x184: {  	v3 =	vld [tilespmem:s24+$0x100D0]  }
0x185: {  	v4 =	vld [tilespmem:s24+$0x10080]  }
0x186: {  	v5 =	vld [tilespmem:s24+$0x10090]  }
0x187: {  	v10 =	vld [tilespmem:s24+$0x10040]  }
0x188: {  	v6 =	vimm.f32 $0.0e+00;
	v12 =	vld [tilespmem:s24+$0x10050]  }
0x189: {  	s26 =	simm.s32 $0x400;
	v8 =	vimm.f32 $0.0e+00;
	v7 =	vimm.f32 $0.0e+00;
	v9 =	vimm.f32 $0.0e+00;
	v11 =	vld [tilespmem:s24+$0x10060]  }
.LBB2_17:
0x18a: {  	p1 =	sne.s32 s26, $0xC400;
	v13 =	vld [tilespmem:s24+$0x10070]  }
0x18b: {  	v14 =	vld [tilespmem:s24+$0x100A0]  }
0x18c: {  	v15 =	vld [tilespmem:s24+$0x100B0]  }
0x18d: {  	v16 =	vld [tilespmem:s24+$0x100E0]  }
0x18e: {  	v6 =	vadd.f32 v10, v6;
	v9 =	vadd.f32 v12, v9;
	v10 =	vld [tilespmem:s24+$0x100F0]  }
0x18f: {  	v8 =	vadd.f32 v11, v8;
	v7 =	vadd.f32 v13, v7;
	v11 =	vld [tilespmem:s24+$0x10120]  }
0x190: {  	v4 =	vadd.f32 v4, v6;
	v5 =	vadd.f32 v5, v9;
	v12 =	vld [tilespmem:s24+$0x10130];
	s24 =	sshra.s32 s26, $0x2  }
0x191: {  	v6 =	vadd.f32 v14, v8;
	v13 =	vld [tilespmem:s24+$0x10100];
	v7 =	vadd.f32 v15, v7  }
0x192: {  	v4 =	vadd.f32 v2, v4;
	v5 =	vadd.f32 v3, v5;
	v14 =	vld [tilespmem:s24+$0x10110]  }
0x193: {  	v8 =	vadd.f32 v16, v6;
	v2 =	vld [tilespmem:s24+$0x100C0];
	v7 =	vadd.f32 v10, v7  }
0x194: {  	v6 =	vadd.f32 v0, v4;
	v9 =	vadd.f32 v1, v5;
	v3 =	vld [tilespmem:s24+$0x100D0]  }
.Ltmp10:
0x195: {  	v8 =	vadd.f32 v11, v8;
	v4 =	vld [tilespmem:s24+$0x10080];
	v7 =	vadd.f32 v12, v7;
	(pc) =	sbr.rel @p1 .LBB2_17-.Ltmp10, $4  }
0x196: {  	v5 =	vld [tilespmem:s24+$0x10090];
	v0 =	vmov v13  }
0x197: {  	v10 =	vld [tilespmem:s24+$0x10040];
	v1 =	vmov v14  }
0x198: {  	v12 =	vld [tilespmem:s24+$0x10050]  }
0x199: {  	s26 =	sadd.s32 $0x400, s26;
	v11 =	vld [tilespmem:s24+$0x10060]  }
0x19a: {  	v13 =	vld [tilespmem:s24+$0x10070]  }
0x19b: {  	v14 =	vld [tilespmem:s24+$0x100A0]  }
0x19c: {  	v15 =	vld [tilespmem:s24+$0x100B0];
	v6 =	vadd.f32 v10, v6  }
0x19d: {  	v10 =	vld [tilespmem:s24+$0x100E0];
	v9 =	vadd.f32 v12, v9  }
0x19e: {  	v12 =	vld [tilespmem:s24+$0x100F0];
	v8 =	vadd.f32 v11, v8;
	v4 =	vadd.f32 v4, v6  }
0x19f: {  	v6 =	vadd.f32 v13, v7;
	v7 =	vld [tilespmem:s24+$0x10120];
	v5 =	vadd.f32 v5, v9  }
0x1a0: {  	v9 =	vld [tilespmem:s24+$0x10130];
	v8 =	vadd.f32 v14, v8;
	v2 =	vadd.f32 v2, v4  }
0x1a1: {  	v4 =	vadd.f32 v15, v6;
	v3 =	vadd.f32 v3, v5  }
0x1a2: {  	v5 =	vadd.f32 v10, v8;
	v0 =	vadd.f32 v0, v2  }
0x1a3: {  	v2 =	vadd.f32 v12, v4;
	v1 =	vadd.f32 v1, v3  }
0x1a4: {  	v3 =	vadd.f32 v7, v5;
	[tilespmem:$0x198C0] =	vst v0  }
0x1a5: {  	v0 =	vadd.f32 v9, v2;
	[tilespmem:$0x198D0] =	vst v1  }
0x1a6: {  	[tilespmem:$0x198E0] =	vst v3  }
0x1a7: {  	s24 =	simm.s32 $0x0;
	[tilespmem:$0x198F0] =	vst v0  }
0x1a8: {  	v0 =	vld [tilespmem:s24+$0x13300]  }
0x1a9: {  	v1 =	vld [tilespmem:s24+$0x13310]  }
0x1aa: {  	v2 =	vld [tilespmem:s24+$0x132C0]  }
0x1ab: {  	v3 =	vld [tilespmem:s24+$0x132D0]  }
0x1ac: {  	v4 =	vld [tilespmem:s24+$0x13280]  }
0x1ad: {  	v5 =	vld [tilespmem:s24+$0x13290]  }
0x1ae: {  	v10 =	vld [tilespmem:s24+$0x13240]  }
0x1af: {  	v6 =	vimm.f32 $0.0e+00;
	v12 =	vld [tilespmem:s24+$0x13250]  }
0x1b0: {  	s26 =	simm.s32 $0x400;
	v8 =	vimm.f32 $0.0e+00;
	v7 =	vimm.f32 $0.0e+00;
	v9 =	vimm.f32 $0.0e+00;
	v11 =	vld [tilespmem:s24+$0x13260]  }
.LBB2_19:
0x1b1: {  	p1 =	sne.s32 s26, $0xC400;
	v13 =	vld [tilespmem:s24+$0x13270]  }
0x1b2: {  	v14 =	vld [tilespmem:s24+$0x132A0]  }
0x1b3: {  	v15 =	vld [tilespmem:s24+$0x132B0]  }
0x1b4: {  	v16 =	vld [tilespmem:s24+$0x132E0]  }
0x1b5: {  	v6 =	vadd.f32 v10, v6;
	v9 =	vadd.f32 v12, v9;
	v10 =	vld [tilespmem:s24+$0x132F0]  }
0x1b6: {  	v8 =	vadd.f32 v11, v8;
	v7 =	vadd.f32 v13, v7;
	v11 =	vld [tilespmem:s24+$0x13320]  }
0x1b7: {  	v4 =	vadd.f32 v4, v6;
	v5 =	vadd.f32 v5, v9;
	v12 =	vld [tilespmem:s24+$0x13330];
	s24 =	sshra.s32 s26, $0x2  }
0x1b8: {  	v6 =	vadd.f32 v14, v8;
	v13 =	vld [tilespmem:s24+$0x13300];
	v7 =	vadd.f32 v15, v7  }
0x1b9: {  	v4 =	vadd.f32 v2, v4;
	v5 =	vadd.f32 v3, v5;
	v14 =	vld [tilespmem:s24+$0x13310]  }
0x1ba: {  	v8 =	vadd.f32 v16, v6;
	v2 =	vld [tilespmem:s24+$0x132C0];
	v7 =	vadd.f32 v10, v7  }
0x1bb: {  	v6 =	vadd.f32 v0, v4;
	v9 =	vadd.f32 v1, v5;
	v3 =	vld [tilespmem:s24+$0x132D0]  }
.Ltmp11:
0x1bc: {  	v8 =	vadd.f32 v11, v8;
	v4 =	vld [tilespmem:s24+$0x13280];
	v7 =	vadd.f32 v12, v7;
	(pc) =	sbr.rel @p1 .LBB2_19-.Ltmp11, $4  }
0x1bd: {  	v5 =	vld [tilespmem:s24+$0x13290];
	v0 =	vmov v13  }
0x1be: {  	v10 =	vld [tilespmem:s24+$0x13240];
	v1 =	vmov v14  }
0x1bf: {  	v12 =	vld [tilespmem:s24+$0x13250]  }
0x1c0: {  	s26 =	sadd.s32 $0x400, s26;
	v11 =	vld [tilespmem:s24+$0x13260]  }
0x1c1: {  	v13 =	vld [tilespmem:s24+$0x13270]  }
0x1c2: {  	v14 =	vld [tilespmem:s24+$0x132A0]  }
0x1c3: {  	v15 =	vld [tilespmem:s24+$0x132B0];
	v6 =	vadd.f32 v10, v6  }
0x1c4: {  	v10 =	vld [tilespmem:s24+$0x132E0];
	v9 =	vadd.f32 v12, v9  }
0x1c5: {  	v12 =	vld [tilespmem:s24+$0x132F0];
	v8 =	vadd.f32 v11, v8;
	v4 =	vadd.f32 v4, v6  }
0x1c6: {  	v6 =	vadd.f32 v13, v7;
	v7 =	vld [tilespmem:s24+$0x13320];
	v5 =	vadd.f32 v5, v9  }
0x1c7: {  	v9 =	vld [tilespmem:s24+$0x13330];
	v8 =	vadd.f32 v14, v8;
	v2 =	vadd.f32 v2, v4  }
0x1c8: {  	v4 =	vadd.f32 v15, v6;
	v3 =	vadd.f32 v3, v5  }
0x1c9: {  	v5 =	vadd.f32 v10, v8;
	v0 =	vadd.f32 v0, v2  }
0x1ca: {  	v2 =	vadd.f32 v12, v4;
	v1 =	vadd.f32 v1, v3  }
0x1cb: {  	v3 =	vadd.f32 v7, v5;
	[tilespmem:$0x19940] =	vst v0  }
0x1cc: {  	v0 =	vadd.f32 v9, v2;
	[tilespmem:$0x19950] =	vst v1  }
0x1cd: {  	[tilespmem:$0x19960] =	vst v3  }
0x1ce: {  	s24 =	simm.s32 $0x0;
	[tilespmem:$0x19970] =	vst v0  }
0x1cf: {  	v0 =	vld [tilespmem:s24+$0x16500]  }
0x1d0: {  	v1 =	vld [tilespmem:s24+$0x16510]  }
0x1d1: {  	v2 =	vld [tilespmem:s24+$0x164C0]  }
0x1d2: {  	v3 =	vld [tilespmem:s24+$0x164D0]  }
0x1d3: {  	v4 =	vld [tilespmem:s24+$0x16480]  }
0x1d4: {  	v5 =	vld [tilespmem:s24+$0x16490]  }
0x1d5: {  	v10 =	vld [tilespmem:s24+$0x16440]  }
0x1d6: {  	v6 =	vimm.f32 $0.0e+00;
	v12 =	vld [tilespmem:s24+$0x16450]  }
0x1d7: {  	s26 =	simm.s32 $0x400;
	v8 =	vimm.f32 $0.0e+00;
	v7 =	vimm.f32 $0.0e+00;
	v9 =	vimm.f32 $0.0e+00;
	v11 =	vld [tilespmem:s24+$0x16460]  }
.LBB2_21:
0x1d8: {  	p1 =	sne.s32 s26, $0xC400;
	v13 =	vld [tilespmem:s24+$0x16470]  }
0x1d9: {  	v14 =	vld [tilespmem:s24+$0x164A0]  }
0x1da: {  	v15 =	vld [tilespmem:s24+$0x164B0]  }
0x1db: {  	v16 =	vld [tilespmem:s24+$0x164E0]  }
0x1dc: {  	v6 =	vadd.f32 v10, v6;
	v9 =	vadd.f32 v12, v9;
	v10 =	vld [tilespmem:s24+$0x164F0]  }
0x1dd: {  	v8 =	vadd.f32 v11, v8;
	v7 =	vadd.f32 v13, v7;
	v11 =	vld [tilespmem:s24+$0x16520]  }
0x1de: {  	v4 =	vadd.f32 v4, v6;
	v5 =	vadd.f32 v5, v9;
	v12 =	vld [tilespmem:s24+$0x16530];
	s24 =	sshra.s32 s26, $0x2  }
0x1df: {  	v6 =	vadd.f32 v14, v8;
	v13 =	vld [tilespmem:s24+$0x16500];
	v7 =	vadd.f32 v15, v7  }
0x1e0: {  	v4 =	vadd.f32 v2, v4;
	v5 =	vadd.f32 v3, v5;
	v14 =	vld [tilespmem:s24+$0x16510]  }
0x1e1: {  	v8 =	vadd.f32 v16, v6;
	v2 =	vld [tilespmem:s24+$0x164C0];
	v7 =	vadd.f32 v10, v7  }
0x1e2: {  	v6 =	vadd.f32 v0, v4;
	v9 =	vadd.f32 v1, v5;
	v3 =	vld [tilespmem:s24+$0x164D0]  }
.Ltmp12:
0x1e3: {  	v8 =	vadd.f32 v11, v8;
	v4 =	vld [tilespmem:s24+$0x16480];
	v7 =	vadd.f32 v12, v7;
	(pc) =	sbr.rel @p1 .LBB2_21-.Ltmp12, $4  }
0x1e4: {  	v5 =	vld [tilespmem:s24+$0x16490];
	v0 =	vmov v13  }
0x1e5: {  	v10 =	vld [tilespmem:s24+$0x16440];
	v1 =	vmov v14  }
0x1e6: {  	v12 =	vld [tilespmem:s24+$0x16450]  }
0x1e7: {  	s26 =	sadd.s32 $0x400, s26;
	v11 =	vld [tilespmem:s24+$0x16460]  }
0x1e8: {  	v13 =	vld [tilespmem:s24+$0x16470]  }
0x1e9: {  	v14 =	vld [tilespmem:s24+$0x164A0]  }
0x1ea: {  	v15 =	vld [tilespmem:s24+$0x164B0];
	v6 =	vadd.f32 v10, v6  }
0x1eb: {  	v54 =	vld [tilespmem:s24+$0x164E0];
	v9 =	vadd.f32 v12, v9  }
0x1ec: {  	v55 =	vld [tilespmem:s24+$0x164F0];
	v8 =	vadd.f32 v11, v8;
	v4 =	vadd.f32 v4, v6  }
0x1ed: {  	v57 =	vld [tilespmem:s24+$0x16520];
	v56 =	vadd.f32 v13, v7;
	v5 =	vadd.f32 v5, v9  }
0x1ee: {  	v58 =	vld [tilespmem:s24+$0x16530];
	v8 =	vadd.f32 v14, v8;
	v2 =	vadd.f32 v2, v4  }
0x1ef: {  	v59 =	vadd.f32 v15, v56;
	v3 =	vadd.f32 v3, v5  }
0x1f0: {  	v60 =	vadd.f32 v54, v8;
	v0 =	vadd.f32 v0, v2  }
0x1f1: {  	v61 =	vadd.f32 v55, v59;
	v1 =	vadd.f32 v1, v3  }
.Ltmp13:
0x1f2: {  	v62 =	vadd.f32 v57, v60;
	[tilespmem:$0x199C0] =	vst v0;
	(pc) =	sbr.rel @p0 .LBB2_24-.Ltmp13, $4  }
0x1f3: {  	v63 =	vadd.f32 v58, v61;
	[tilespmem:$0x199D0] =	vst v1  }
0x1f4: {  	[tilespmem:$0x199E0] =	vst v62  }
0x1f5: {  	s31 =	sadd.s32 $0x40, s25;
	[tilespmem:$0x199F0] =	vst v63  }
0x1f6: {  	[hbm4b:s31+s2] =	stream.linear.scatter [tilespmem:s20], [sflag:$0x6], $0x200, $0x38;
	[tilespmem:$0x19A40] =	vst v63  }
.Ltmp14:
0x1f7: {  	(pc) =	sbr.rel .LBB2_2-.Ltmp14, $4  }
0x1f8: {  	_ =	swait.ge [sflag:s14], $0x320  }
0x1f9: {  	[sflag:s14] =	ssyncset.done $0x0  }
0x1fa: {  	s23 =	sadd.s32 $0x1, s23;
	[sflag:s14] =	ssyncadd.s32 $0xFFFFFCE0  }
0x1fb: {  	[tilespmem:s15], [sflag:$0x4] =	stream.indirect.gather [hbm4b:s4+s11], $0x40, s11, s11, $0xb8;
	[tilespmem:$0x19A40] =	vst v63  }
.LBB2_25:
0x1fc: {  	_ =	sfence.sel $0x180000  }
0x1fd: {  	[bflag:$0x0] =	sbarrier.arrive $0xFFFF  }
0x1fe: {  	p0 =	sne.s32 s0, $0x0;
	_ =	strace $0x9000004A  }
0x1ff: {  	s0 =	sadd.s32 @!p0 $0x100000, s1;
	[bflag:$0x2] =	sbarrier.arrive $0xFFFF  }
0x200: {  	[sflag:s0] =	ssyncadd.tile.s32 @!p0 $0x1;
	_ =	shalt  }
.Lfunc_end2:
_tile_overlayer_lowered:
.L_overlay_start_2:
0x201: {  	(tag) =	ssettag $0x2  }
0x202: {  	s0 =	rddreg [dreg:$0x0];
	s2 =	stileid.u32  }
0x203: {  	s1 =	rddreg [dreg:$0x1];
	p0 =	sne.s32 s2, $0x0  }
0x204: {  	s3 =	rddreg [dreg:$0x2];
	[bflag:$0x3] =	sbarrier.arrive $0xFFFF;
	s2 =	simm.s32 @!p0 $0x1C07  }
0x205: {  	[timem:s3], [sflag:s2] =	dma.local @!p0 [hbm:s0], s1  }
0x206: {  	s0 =	simm.s32 @!p0 $0x7  }
0x207: {  	_ =	swait.ge @!p0 [sflag:s0], s1  }
0x208: {  	s1 =	ssub.s32 @!p0 $0x0, s1;
	[sflag:s0] =	ssyncset.done @!p0 $0x0  }
0x209: {  	[sflag:s0] =	ssyncadd.s32 @!p0 s1  }
0x20a: {  	[bflag:$0x3] =	sbarrier.arrive $0xFFFF  }
0x20b: {  	_ =	shalt  }

</sc_bundles>
